<compile_context>
chip_gen: v7x
topology: tpu7x:2x2x1
jax: 0.10.2.dev20260603
libtpu: 0.0.44.dev20260713+nightly
codegen_flags: <defaults>
</compile_context>

<pallas_src>
import functools

import jax
import jax.numpy as jnp
from jax import lax
from jax.experimental import pallas as pl
from jax.experimental.pallas import tpu as pltpu
from jax.experimental.pallas import tpu_sc as plsc

N = 50000
E = 800000
M = 12500
D = 64

E_BLK = 2000
M_BLK = 2048


def _lrelu(v):
    return jnp.where(v > 0, v, 0.01 * v)


def _edge_mlp_body(xg_ref, dp_ref, w1x_ref, w1p_ref, b1_ref, w2_ref, b2_ref,
                   w3_ref, b3_ref, h_ref):
    z = jnp.dot(xg_ref[...], w1x_ref[...], preferred_element_type=jnp.float32)
    z = z + jnp.dot(dp_ref[...], w1p_ref[...], preferred_element_type=jnp.float32)
    h1 = _lrelu(z + b1_ref[...])
    h2 = _lrelu(jnp.dot(h1, w2_ref[...], preferred_element_type=jnp.float32)
                + b2_ref[...])
    h_ref[...] = _lrelu(jnp.dot(h2, w3_ref[...], preferred_element_type=jnp.float32)
                        + b3_ref[...]).astype(jnp.bfloat16)


def _edge_mlp(xg, dp, W1, b1, W2, b2, W3, b3):
    w1x = W1[:D]
    w1p = jnp.pad(W1[D:], ((0, 1), (0, 0)))
    grid = (E // E_BLK,)
    return pl.pallas_call(
        _edge_mlp_body,
        grid=grid,
        in_specs=[
            pl.BlockSpec((E_BLK, D), lambda i: (i, 0)),
            pl.BlockSpec((E_BLK, 4), lambda i: (i, 0)),
            pl.BlockSpec((D, 64), lambda i: (0, 0)),
            pl.BlockSpec((4, 64), lambda i: (0, 0)),
            pl.BlockSpec((1, 64), lambda i: (0, 0)),
            pl.BlockSpec((64, 128), lambda i: (0, 0)),
            pl.BlockSpec((1, 128), lambda i: (0, 0)),
            pl.BlockSpec((128, 512), lambda i: (0, 0)),
            pl.BlockSpec((1, 512), lambda i: (0, 0)),
        ],
        out_specs=pl.BlockSpec((E_BLK, 512), lambda i: (i, 0)),
        out_shape=jax.ShapeDtypeStruct((E, 512), jnp.bfloat16),
    )(xg, dp, w1x, w1p, b1.reshape(1, 64), W2, b2.reshape(1, 128),
      W3, b3.reshape(1, 512))


def _head_body(agg_ref, ps_ref, w4a_ref, w4p_ref, b4_ref, w5_ref, b5_ref,
               out_ref):
    agg = agg_ref[...]
    agg = jnp.where(jnp.isfinite(agg), agg, 0.0)
    z = jnp.dot(agg, w4a_ref[...], preferred_element_type=jnp.float32)
    z = z + jnp.dot(ps_ref[...], w4p_ref[...], preferred_element_type=jnp.float32)
    y1 = _lrelu(z + b4_ref[...])
    y = jnp.dot(y1, w5_ref[...], preferred_element_type=jnp.float32) + b5_ref[...]
    mean = y[:, :512]
    std = jnp.exp(0.5 * y[:, 512:])
    out_ref[...] = jnp.concatenate([mean, std], axis=-1)


def _head(agg, ps, W4, b4, W5, b5):
    w4a = W4[:512]
    w4p = jnp.pad(W4[512:], ((0, 1), (0, 0)))
    ps_pad = jnp.pad(ps, ((0, 0), (0, 1)))
    grid = (pl.cdiv(M, M_BLK),)
    return pl.pallas_call(
        _head_body,
        grid=grid,
        in_specs=[
            pl.BlockSpec((M_BLK, 512), lambda i: (i, 0)),
            pl.BlockSpec((M_BLK, 4), lambda i: (i, 0)),
            pl.BlockSpec((512, 512), lambda i: (0, 0)),
            pl.BlockSpec((4, 512), lambda i: (0, 0)),
            pl.BlockSpec((1, 512), lambda i: (0, 0)),
            pl.BlockSpec((512, 1024), lambda i: (0, 0)),
            pl.BlockSpec((1, 1024), lambda i: (0, 0)),
        ],
        out_specs=pl.BlockSpec((M_BLK, 1024), lambda i: (i, 0)),
        out_shape=jax.ShapeDtypeStruct((M, 1024), jnp.float32),
    )(agg, ps_pad, w4a, w4p, b4.reshape(1, 512), W5, b5.reshape(1, 1024))


@jax.jit
def kernel(x, pos, edge_index, idx, W1, b1, W2, b2, W3, b3, W4, b4, W5, b5):
    src = edge_index[0]
    dst = edge_index[1]
    ps = pos[idx]
    xg = x[src]
    dp = pos[src] - ps[dst]
    dp = jnp.pad(dp, ((0, 0), (0, 1)))
    h = _edge_mlp(xg, dp, W1, b1, W2, b2, W3, b3)
    agg = jax.ops.segment_max(h, dst, num_segments=M).astype(jnp.float32)
    return _head(agg, ps, W4, b4, W5, b5)

# --- scband reference (transcript-rebuilt; emitter-appended) ---
"""Pipeline reference for scband-model-30253749633669 (READ-ONLY COPY).

The authoritative reference and input builder live on the scoring server;
editing this copy changes nothing except your own understanding.
"""

import jax, jax.numpy as jnp
import numpy as np

N = 50000
E = 800000
M = 12500
D = 64
BOTTLENECK = 512


def _lrelu(v):
    return jnp.where(v > 0, v, 0.01 * v)


def setup_inputs(seed: int = 0) -> dict:
    key = jax.random.key(seed)
    ks = jax.random.split(key, 16)
    x = jax.random.normal(ks[0], (N, D), dtype=jnp.float32)
    pos = jax.random.normal(ks[1], (N, 3), dtype=jnp.float32)
    edge_index = jax.random.randint(ks[2], (2, E), 0, M, dtype=jnp.int32)
    idx = jax.random.randint(ks[3], (M,), 0, N, dtype=jnp.int32)
    # PointConv local nn: mlp([64+3, 64, 128, 512]) with LeakyReLU
    W1 = jax.random.normal(ks[4], (D + 3, 64), dtype=jnp.float32) * 0.05
    b1 = jnp.zeros((64,), dtype=jnp.float32)
    W2 = jax.random.normal(ks[5], (64, 128), dtype=jnp.float32) * 0.05
    b2 = jnp.zeros((128,), dtype=jnp.float32)
    W3 = jax.random.normal(ks[6], (128, 512), dtype=jnp.float32) * 0.05
    b3 = jnp.zeros((512,), dtype=jnp.float32)
    # Encoder head: mlp([512+3, 512, bottleneck*2], last=True)
    W4 = jax.random.normal(ks[7], (512 + 3, 512), dtype=jnp.float32) * 0.05
    b4 = jnp.zeros((512,), dtype=jnp.float32)
    W5 = jax.random.normal(ks[8], (512, BOTTLENECK * 2), dtype=jnp.float32) * 0.05
    b5 = jnp.zeros((BOTTLENECK * 2,), dtype=jnp.float32)
    return {"x": x, "pos": pos, "edge_index": edge_index, "idx": idx,
            "W1": W1, "b1": b1, "W2": W2, "b2": b2, "W3": W3, "b3": b3,
            "W4": W4, "b4": b4, "W5": W5, "b5": b5}


def reference(x, pos, edge_index, idx, W1, b1, W2, b2, W3, b3, W4, b4, W5, b5):
    # SAModule / PointConv message passing on precomputed radius graph.
    # edge_index = stack([x_idx (neighbor in full cloud), y_idx (sampled centroid)])
    src = edge_index[0]
    dst = edge_index[1]
    pos_sampled = pos[idx]                                  # gather centroids [M,3]
    # message = nn(cat([x_j, pos_j - pos_i]))
    msg = jnp.concatenate([x[src], pos[src] - pos_sampled[dst]], axis=-1)  # [E, 67]
    h = _lrelu(msg @ W1 + b1)
    h = _lrelu(h @ W2 + b2)
    h = _lrelu(h @ W3 + b3)                                  # [E, 512]
    # max aggregation per sampled centroid (PointConv default aggr='max')
    agg = jax.ops.segment_max(h, dst, num_segments=M)        # [M, 512]
    agg = jnp.where(jnp.isfinite(agg), agg, 0.0)
    # Encoder.mlp(cat([x, new_pos])) -> mean, logvar -> std
    y = jnp.concatenate([agg, pos_sampled], axis=-1)         # [M, 515]
    y = _lrelu(y @ W4 + b4)
    y = y @ W5 + b5                                          # [M, 2*bottleneck]
    mean, logvar = jnp.split(y, 2, axis=-1)
    std = jnp.exp(0.5 * logvar)
    return jnp.concatenate([mean, std], axis=-1)             # [M, 2*bottleneck]

if __name__ == "__main__":
    import jax
    _d = setup_inputs()
    print(jax.jit(kernel)(*tuple(_d.values())))

</pallas_src>

<mosaic_0001>
module attributes {stable_mosaic.version = 14 : i64} {
  func.func @_edge_mlp_body(%arg0: i32, %arg1: memref<2000x64xf32, #tpu.memory_space<vmem>>, %arg2: memref<2000x4xf32, #tpu.memory_space<vmem>>, %arg3: memref<64x64xf32, #tpu.memory_space<vmem>>, %arg4: memref<4x64xf32, #tpu.memory_space<vmem>>, %arg5: memref<1x64xf32, #tpu.memory_space<vmem>>, %arg6: memref<64x128xf32, #tpu.memory_space<vmem>>, %arg7: memref<1x128xf32, #tpu.memory_space<vmem>>, %arg8: memref<128x512xf32, #tpu.memory_space<vmem>>, %arg9: memref<1x512xf32, #tpu.memory_space<vmem>>, %arg10: memref<2000x512xbf16, #tpu.memory_space<vmem>>) attributes {dimension_semantics = [#tpu.dimension_semantics<arbitrary>], iteration_bounds = array<i64: 400>, scalar_prefetch = 0 : i64, scratch_operands = 0 : i64, tpu.core_type = #tpu.core_type<tc>, window_params = [{transform_indices = @transform_0, window_bounds = array<i64: 2000, 64>}, {transform_indices = @transform_1, window_bounds = array<i64: 2000, 4>}, {pipeline_mode = #tpu.pipeline_mode<synchronous>, transform_indices = @transform_2, window_bounds = array<i64: 64, 64>}, {pipeline_mode = #tpu.pipeline_mode<synchronous>, transform_indices = @transform_3, window_bounds = array<i64: 4, 64>}, {pipeline_mode = #tpu.pipeline_mode<synchronous>, transform_indices = @transform_4, window_bounds = array<i64: 1, 64>}, {pipeline_mode = #tpu.pipeline_mode<synchronous>, transform_indices = @transform_5, window_bounds = array<i64: 64, 128>}, {pipeline_mode = #tpu.pipeline_mode<synchronous>, transform_indices = @transform_6, window_bounds = array<i64: 1, 128>}, {pipeline_mode = #tpu.pipeline_mode<synchronous>, transform_indices = @transform_7, window_bounds = array<i64: 128, 512>}, {pipeline_mode = #tpu.pipeline_mode<synchronous>, transform_indices = @transform_8, window_bounds = array<i64: 1, 512>}, {transform_indices = @transform_9, window_bounds = array<i64: 2000, 512>}]} {
    %get3A = arith.constant 0 : index
    %get3A_0 = arith.constant 0 : index
    %get3A_1 = vector.load %arg1[%get3A, %get3A_0] : memref<2000x64xf32, #tpu.memory_space<vmem>>, vector<2000x64xf32>
    %get3A_2 = arith.constant 0 : index
    %get3A_3 = arith.constant 0 : index
    %get3A_4 = vector.load %arg3[%get3A_2, %get3A_3] : memref<64x64xf32, #tpu.memory_space<vmem>>, vector<64x64xf32>
    %dot_general3A = arith.constant dense<0.000000e+00> : vector<2000x64xf32>
    %dot_general3A_5 = tpu.matmul %get3A_1, %get3A_4, %dot_general3A {dimension_numbers = #tpu.dot_dimension_numbers<[1], [0], [0], [1], [0, 0, 1, 1], [], []>, transpose_lhs_hint = false} : vector<2000x64xf32>, vector<64x64xf32>, vector<2000x64xf32> -> vector<2000x64xf32>
    %get3A_6 = arith.constant 0 : index
    %get3A_7 = arith.constant 0 : index
    %get3A_8 = vector.load %arg2[%get3A_6, %get3A_7] : memref<2000x4xf32, #tpu.memory_space<vmem>>, vector<2000x4xf32>
    %get3A_9 = arith.constant 0 : index
    %get3A_10 = arith.constant 0 : index
    %get3A_11 = vector.load %arg4[%get3A_9, %get3A_10] : memref<4x64xf32, #tpu.memory_space<vmem>>, vector<4x64xf32>
    %dot_general3A_12 = arith.constant dense<0.000000e+00> : vector<2000x64xf32>
    %dot_general3A_13 = tpu.matmul %get3A_8, %get3A_11, %dot_general3A_12 {dimension_numbers = #tpu.dot_dimension_numbers<[1], [0], [0], [1], [0, 0, 1, 1], [], []>, transpose_lhs_hint = false} : vector<2000x4xf32>, vector<4x64xf32>, vector<2000x64xf32> -> vector<2000x64xf32>
    %add3A = arith.addf %dot_general3A_5, %dot_general3A_13 : vector<2000x64xf32>
    %get3A_14 = arith.constant 0 : index
    %get3A_15 = arith.constant 0 : index
    %get3A_16 = vector.load %arg5[%get3A_14, %get3A_15] : memref<1x64xf32, #tpu.memory_space<vmem>>, vector<1x64xf32>
    %add3A_17 = vector.broadcast %get3A_16 : vector<1x64xf32> to vector<2000x64xf32>
    %add3A_18 = arith.addf %add3A, %add3A_17 : vector<2000x64xf32>
    %gt3A = arith.constant 0.000000e+00 : f32
    %gt3A_19 = vector.broadcast %gt3A : f32 to vector<2000x64xf32>
    %gt3A_20 = arith.cmpf ogt, %add3A_18, %gt3A_19 : vector<2000x64xf32>
    %mul3A = arith.constant 0.00999999977 : f32
    %mul3A_21 = vector.broadcast %mul3A : f32 to vector<2000x64xf32>
    %mul3A_22 = arith.mulf %mul3A_21, %add3A_18 : vector<2000x64xf32>
    %select_n3A = arith.select %gt3A_20, %add3A_18, %mul3A_22 : vector<2000x64xi1>, vector<2000x64xf32>
    %get3A_23 = arith.constant 0 : index
    %get3A_24 = arith.constant 0 : index
    %get3A_25 = vector.load %arg6[%get3A_23, %get3A_24] : memref<64x128xf32, #tpu.memory_space<vmem>>, vector<64x128xf32>
    %dot_general3A_26 = arith.constant dense<0.000000e+00> : vector<2000x128xf32>
    %dot_general3A_27 = tpu.matmul %select_n3A, %get3A_25, %dot_general3A_26 {dimension_numbers = #tpu.dot_dimension_numbers<[1], [0], [0], [1], [0, 0, 1, 1], [], []>, transpose_lhs_hint = false} : vector<2000x64xf32>, vector<64x128xf32>, vector<2000x128xf32> -> vector<2000x128xf32>
    %get3A_28 = arith.constant 0 : index
    %get3A_29 = arith.constant 0 : index
    %get3A_30 = vector.load %arg7[%get3A_28, %get3A_29] : memref<1x128xf32, #tpu.memory_space<vmem>>, vector<1x128xf32>
    %add3A_31 = vector.broadcast %get3A_30 : vector<1x128xf32> to vector<2000x128xf32>
    %add3A_32 = arith.addf %dot_general3A_27, %add3A_31 : vector<2000x128xf32>
    %gt3A_33 = arith.constant 0.000000e+00 : f32
    %gt3A_34 = vector.broadcast %gt3A_33 : f32 to vector<2000x128xf32>
    %gt3A_35 = arith.cmpf ogt, %add3A_32, %gt3A_34 : vector<2000x128xf32>
    %mul3A_36 = arith.constant 0.00999999977 : f32
    %mul3A_37 = vector.broadcast %mul3A_36 : f32 to vector<2000x128xf32>
    %mul3A_38 = arith.mulf %mul3A_37, %add3A_32 : vector<2000x128xf32>
    %select_n3A_39 = arith.select %gt3A_35, %add3A_32, %mul3A_38 : vector<2000x128xi1>, vector<2000x128xf32>
    %get3A_40 = arith.constant 0 : index
    %get3A_41 = arith.constant 0 : index
    %get3A_42 = vector.load %arg8[%get3A_40, %get3A_41] : memref<128x512xf32, #tpu.memory_space<vmem>>, vector<128x512xf32>
    %dot_general3A_43 = arith.constant dense<0.000000e+00> : vector<2000x512xf32>
    %dot_general3A_44 = tpu.matmul %select_n3A_39, %get3A_42, %dot_general3A_43 {dimension_numbers = #tpu.dot_dimension_numbers<[1], [0], [0], [1], [0, 0, 1, 1], [], []>, transpose_lhs_hint = false} : vector<2000x128xf32>, vector<128x512xf32>, vector<2000x512xf32> -> vector<2000x512xf32>
    %get3A_45 = arith.constant 0 : index
    %get3A_46 = arith.constant 0 : index
    %get3A_47 = vector.load %arg9[%get3A_45, %get3A_46] : memref<1x512xf32, #tpu.memory_space<vmem>>, vector<1x512xf32>
    %add3A_48 = vector.broadcast %get3A_47 : vector<1x512xf32> to vector<2000x512xf32>
    %add3A_49 = arith.addf %dot_general3A_44, %add3A_48 : vector<2000x512xf32>
    %gt3A_50 = arith.constant 0.000000e+00 : f32
    %gt3A_51 = vector.broadcast %gt3A_50 : f32 to vector<2000x512xf32>
    %gt3A_52 = arith.cmpf ogt, %add3A_49, %gt3A_51 : vector<2000x512xf32>
    %mul3A_53 = arith.constant 0.00999999977 : f32
    %mul3A_54 = vector.broadcast %mul3A_53 : f32 to vector<2000x512xf32>
    %mul3A_55 = arith.mulf %mul3A_54, %add3A_49 : vector<2000x512xf32>
    %select_n3A_56 = arith.select %gt3A_52, %add3A_49, %mul3A_55 : vector<2000x512xi1>, vector<2000x512xf32>
    %convert_element_type3A = arith.truncf %select_n3A_56 : vector<2000x512xf32> to vector<2000x512xbf16>
    %swap3A = arith.constant 0 : index
    %swap3A_57 = arith.constant 0 : index
    %swap3A_58 = vector.load %arg10[%swap3A, %swap3A_57] : memref<2000x512xbf16, #tpu.memory_space<vmem>>, vector<2000x512xbf16>
    tpu.vector_store %arg10[%swap3A, %swap3A_57], %convert_element_type3A {strides = array<i32>} : memref<2000x512xbf16, #tpu.memory_space<vmem>>, vector<2000x512xbf16>,
    return
  }
  func.func @transform_0(%arg0: i32) -> (i32, i32) {
    %c0_i32 = arith.constant 0 : i32
    %c0_i32_0 = arith.constant 0 : i32
    return %arg0, %c0_i32 : i32, i32
  }
  func.func @transform_1(%arg0: i32) -> (i32, i32) {
    %c0_i32 = arith.constant 0 : i32
    %c0_i32_0 = arith.constant 0 : i32
    return %arg0, %c0_i32 : i32, i32
  }
  func.func @transform_2(%arg0: i32) -> (i32, i32) {
    %c0_i32 = arith.constant 0 : i32
    %c0_i32_0 = arith.constant 0 : i32
    %c0_i32_1 = arith.constant 0 : i32
    return %c0_i32, %c0_i32_0 : i32, i32
  }
  func.func @transform_3(%arg0: i32) -> (i32, i32) {
    %c0_i32 = arith.constant 0 : i32
    %c0_i32_0 = arith.constant 0 : i32
    %c0_i32_1 = arith.constant 0 : i32
    return %c0_i32, %c0_i32_0 : i32, i32
  }
  func.func @transform_4(%arg0: i32) -> (i32, i32) {
    %c0_i32 = arith.constant 0 : i32
    %c0_i32_0 = arith.constant 0 : i32
    %c0_i32_1 = arith.constant 0 : i32
    return %c0_i32, %c0_i32_0 : i32, i32
  }
  func.func @transform_5(%arg0: i32) -> (i32, i32) {
    %c0_i32 = arith.constant 0 : i32
    %c0_i32_0 = arith.constant 0 : i32
    %c0_i32_1 = arith.constant 0 : i32
    return %c0_i32, %c0_i32_0 : i32, i32
  }
  func.func @transform_6(%arg0: i32) -> (i32, i32) {
    %c0_i32 = arith.constant 0 : i32
    %c0_i32_0 = arith.constant 0 : i32
    %c0_i32_1 = arith.constant 0 : i32
    return %c0_i32, %c0_i32_0 : i32, i32
  }
  func.func @transform_7(%arg0: i32) -> (i32, i32) {
    %c0_i32 = arith.constant 0 : i32
    %c0_i32_0 = arith.constant 0 : i32
    %c0_i32_1 = arith.constant 0 : i32
    return %c0_i32, %c0_i32_0 : i32, i32
  }
  func.func @transform_8(%arg0: i32) -> (i32, i32) {
    %c0_i32 = arith.constant 0 : i32
    %c0_i32_0 = arith.constant 0 : i32
    %c0_i32_1 = arith.constant 0 : i32
    return %c0_i32, %c0_i32_0 : i32, i32
  }
  func.func @transform_9(%arg0: i32) -> (i32, i32) {
    %c0_i32 = arith.constant 0 : i32
    %c0_i32_0 = arith.constant 0 : i32
    return %arg0, %c0_i32 : i32, i32
  }
}

module attributes {stable_mosaic.version = 14 : i64} {
  func.func @_head_body(%arg0: i32, %arg1: memref<2048x512xf32, #tpu.memory_space<vmem>>, %arg2: memref<2048x4xf32, #tpu.memory_space<vmem>>, %arg3: memref<512x512xf32, #tpu.memory_space<vmem>>, %arg4: memref<4x512xf32, #tpu.memory_space<vmem>>, %arg5: memref<1x512xf32, #tpu.memory_space<vmem>>, %arg6: memref<512x1024xf32, #tpu.memory_space<vmem>>, %arg7: memref<1x1024xf32, #tpu.memory_space<vmem>>, %arg8: memref<2048x1024xf32, #tpu.memory_space<vmem>>) attributes {dimension_semantics = [#tpu.dimension_semantics<arbitrary>], iteration_bounds = array<i64: 7>, scalar_prefetch = 0 : i64, scratch_operands = 0 : i64, tpu.core_type = #tpu.core_type<tc>, window_params = [{transform_indices = @transform_0, window_bounds = array<i64: 2048, 512>}, {transform_indices = @transform_1, window_bounds = array<i64: 2048, 4>}, {pipeline_mode = #tpu.pipeline_mode<synchronous>, transform_indices = @transform_2, window_bounds = array<i64: 512, 512>}, {pipeline_mode = #tpu.pipeline_mode<synchronous>, transform_indices = @transform_3, window_bounds = array<i64: 4, 512>}, {pipeline_mode = #tpu.pipeline_mode<synchronous>, transform_indices = @transform_4, window_bounds = array<i64: 1, 512>}, {pipeline_mode = #tpu.pipeline_mode<synchronous>, transform_indices = @transform_5, window_bounds = array<i64: 512, 1024>}, {pipeline_mode = #tpu.pipeline_mode<synchronous>, transform_indices = @transform_6, window_bounds = array<i64: 1, 1024>}, {transform_indices = @transform_7, window_bounds = array<i64: 2048, 1024>}]} {
    %get3A = arith.constant 0 : index
    %get3A_0 = arith.constant 0 : index
    %get3A_1 = vector.load %arg1[%get3A, %get3A_0] : memref<2048x512xf32, #tpu.memory_space<vmem>>, vector<2048x512xf32>
    %is_finite3A = tpu.weird %get3A_1 : vector<2048x512xf32> -> vector<2048x512xi1>
    %is_finite3A_2 = arith.constant dense<true> : vector<2048x512xi1>
    %is_finite3A_3 = arith.xori %is_finite3A, %is_finite3A_2 : vector<2048x512xi1>
    %jit3A = arith.constant 0.000000e+00 : f32
    %broadcast_in_dim3A = vector.broadcast %jit3A : f32 to vector<2048x512xf32>
    %select_n3A = arith.select %is_finite3A_3, %get3A_1, %broadcast_in_dim3A : vector<2048x512xi1>, vector<2048x512xf32>
    %get3A_4 = arith.constant 0 : index
    %get3A_5 = arith.constant 0 : index
    %get3A_6 = vector.load %arg3[%get3A_4, %get3A_5] : memref<512x512xf32, #tpu.memory_space<vmem>>, vector<512x512xf32>
    %dot_general3A = arith.constant dense<0.000000e+00> : vector<2048x512xf32>
    %dot_general3A_7 = tpu.matmul %select_n3A, %get3A_6, %dot_general3A {dimension_numbers = #tpu.dot_dimension_numbers<[1], [0], [0], [1], [0, 0, 1, 1], [], []>, transpose_lhs_hint = false} : vector<2048x512xf32>, vector<512x512xf32>, vector<2048x512xf32> -> vector<2048x512xf32>
    %get3A_8 = arith.constant 0 : index
    %get3A_9 = arith.constant 0 : index
    %get3A_10 = vector.load %arg2[%get3A_8, %get3A_9] : memref<2048x4xf32, #tpu.memory_space<vmem>>, vector<2048x4xf32>
    %get3A_11 = arith.constant 0 : index
    %get3A_12 = arith.constant 0 : index
    %get3A_13 = vector.load %arg4[%get3A_11, %get3A_12] : memref<4x512xf32, #tpu.memory_space<vmem>>, vector<4x512xf32>
    %dot_general3A_14 = arith.constant dense<0.000000e+00> : vector<2048x512xf32>
    %dot_general3A_15 = tpu.matmul %get3A_10, %get3A_13, %dot_general3A_14 {dimension_numbers = #tpu.dot_dimension_numbers<[1], [0], [0], [1], [0, 0, 1, 1], [], []>, transpose_lhs_hint = false} : vector<2048x4xf32>, vector<4x512xf32>, vector<2048x512xf32> -> vector<2048x512xf32>
    %add3A = arith.addf %dot_general3A_7, %dot_general3A_15 : vector<2048x512xf32>
    %get3A_16 = arith.constant 0 : index
    %get3A_17 = arith.constant 0 : index
    %get3A_18 = vector.load %arg5[%get3A_16, %get3A_17] : memref<1x512xf32, #tpu.memory_space<vmem>>, vector<1x512xf32>
    %add3A_19 = vector.broadcast %get3A_18 : vector<1x512xf32> to vector<2048x512xf32>
    %add3A_20 = arith.addf %add3A, %add3A_19 : vector<2048x512xf32>
    %gt3A = arith.constant 0.000000e+00 : f32
    %gt3A_21 = vector.broadcast %gt3A : f32 to vector<2048x512xf32>
    %gt3A_22 = arith.cmpf ogt, %add3A_20, %gt3A_21 : vector<2048x512xf32>
    %mul3A = arith.constant 0.00999999977 : f32
    %mul3A_23 = vector.broadcast %mul3A : f32 to vector<2048x512xf32>
    %mul3A_24 = arith.mulf %mul3A_23, %add3A_20 : vector<2048x512xf32>
    %select_n3A_25 = arith.select %gt3A_22, %add3A_20, %mul3A_24 : vector<2048x512xi1>, vector<2048x512xf32>
    %get3A_26 = arith.constant 0 : index
    %get3A_27 = arith.constant 0 : index
    %get3A_28 = vector.load %arg6[%get3A_26, %get3A_27] : memref<512x1024xf32, #tpu.memory_space<vmem>>, vector<512x1024xf32>
    %dot_general3A_29 = arith.constant dense<0.000000e+00> : vector<2048x1024xf32>
    %dot_general3A_30 = tpu.matmul %select_n3A_25, %get3A_28, %dot_general3A_29 {dimension_numbers = #tpu.dot_dimension_numbers<[1], [0], [0], [1], [0, 0, 1, 1], [], []>, transpose_lhs_hint = false} : vector<2048x512xf32>, vector<512x1024xf32>, vector<2048x1024xf32> -> vector<2048x1024xf32>
    %get3A_31 = arith.constant 0 : index
    %get3A_32 = arith.constant 0 : index
    %get3A_33 = vector.load %arg7[%get3A_31, %get3A_32] : memref<1x1024xf32, #tpu.memory_space<vmem>>, vector<1x1024xf32>
    %add3A_34 = vector.broadcast %get3A_33 : vector<1x1024xf32> to vector<2048x1024xf32>
    %add3A_35 = arith.addf %dot_general3A_30, %add3A_34 : vector<2048x1024xf32>
    %slice3A = vector.extract_strided_slice %add3A_35 {offsets = [0, 0], sizes = [2048, 512], strides = [1, 1]} : vector<2048x1024xf32> to vector<2048x512xf32>
    %slice3A_36 = vector.extract_strided_slice %add3A_35 {offsets = [0, 512], sizes = [2048, 512], strides = [1, 1]} : vector<2048x1024xf32> to vector<2048x512xf32>
    %mul3A_37 = arith.constant 5.000000e-01 : f32
    %mul3A_38 = vector.broadcast %mul3A_37 : f32 to vector<2048x512xf32>
    %mul3A_39 = arith.mulf %mul3A_38, %slice3A_36 : vector<2048x512xf32>
    %exp3A = math.exp %mul3A_39 : vector<2048x512xf32>
    %concatenate3A = tpu.concatenate %slice3A, %exp3A in 1 : vector<2048x512xf32>, vector<2048x512xf32> -> vector<2048x1024xf32>
    %swap3A = arith.constant 0 : index
    %swap3A_40 = arith.constant 0 : index
    %swap3A_41 = vector.load %arg8[%swap3A, %swap3A_40] : memref<2048x1024xf32, #tpu.memory_space<vmem>>, vector<2048x1024xf32>
    tpu.vector_store %arg8[%swap3A, %swap3A_40], %concatenate3A {strides = array<i32>} : memref<2048x1024xf32, #tpu.memory_space<vmem>>, vector<2048x1024xf32>,
    return
  }
  func.func @transform_0(%arg0: i32) -> (i32, i32) {
    %c0_i32 = arith.constant 0 : i32
    %c0_i32_0 = arith.constant 0 : i32
    return %arg0, %c0_i32 : i32, i32
  }
  func.func @transform_1(%arg0: i32) -> (i32, i32) {
    %c0_i32 = arith.constant 0 : i32
    %c0_i32_0 = arith.constant 0 : i32
    return %arg0, %c0_i32 : i32, i32
  }
  func.func @transform_2(%arg0: i32) -> (i32, i32) {
    %c0_i32 = arith.constant 0 : i32
    %c0_i32_0 = arith.constant 0 : i32
    %c0_i32_1 = arith.constant 0 : i32
    return %c0_i32, %c0_i32_0 : i32, i32
  }
  func.func @transform_3(%arg0: i32) -> (i32, i32) {
    %c0_i32 = arith.constant 0 : i32
    %c0_i32_0 = arith.constant 0 : i32
    %c0_i32_1 = arith.constant 0 : i32
    return %c0_i32, %c0_i32_0 : i32, i32
  }
  func.func @transform_4(%arg0: i32) -> (i32, i32) {
    %c0_i32 = arith.constant 0 : i32
    %c0_i32_0 = arith.constant 0 : i32
    %c0_i32_1 = arith.constant 0 : i32
    return %c0_i32, %c0_i32_0 : i32, i32
  }
  func.func @transform_5(%arg0: i32) -> (i32, i32) {
    %c0_i32 = arith.constant 0 : i32
    %c0_i32_0 = arith.constant 0 : i32
    %c0_i32_1 = arith.constant 0 : i32
    return %c0_i32, %c0_i32_0 : i32, i32
  }
  func.func @transform_6(%arg0: i32) -> (i32, i32) {
    %c0_i32 = arith.constant 0 : i32
    %c0_i32_0 = arith.constant 0 : i32
    %c0_i32_1 = arith.constant 0 : i32
    return %c0_i32, %c0_i32_0 : i32, i32
  }
  func.func @transform_7(%arg0: i32) -> (i32, i32) {
    %c0_i32 = arith.constant 0 : i32
    %c0_i32_0 = arith.constant 0 : i32
    return %arg0, %c0_i32 : i32, i32
  }
}

</mosaic_0001>

<sc_bundles>
// kernel: gather_offload_async_start
scs
__scs_entry_jumppad:
0x0: {  	(pc) =	sbr.rel $0x88, $3  }
0x1: {  	(tag) =	ssettag $0x0;
	lr =	simm.s32 $0x1  }
0x2: {  	[smem:$0x3F93] =	sst lr;
	_ =	strace $0xD0000000  }
0x3: {  	_ = 	snop  }
0x4: {  	_ = 	snop  }
0x5: {  	_ = 	snop  }
0x6: {  	_ = 	snop  }
0x7: {  	_ = 	snop  }
__scs_overlays_trampoline_lowered:
0x8: {  	[smem:$0x3FA2] =	sst s0  }
0x9: {  	[smem:$0x3FA3] =	sst s1  }
0xa: {  	[smem:$0x3FA4] =	sst s2  }
0xb: {  	[smem:$0x3FA5] =	sst s3  }
0xc: {  	[smem:$0x3FA6] =	sst s4  }
0xd: {  	[smem:$0x3FA7] =	sst s5  }
0xe: {  	[smem:$0x3FA8] =	sst s6  }
0xf: {  	[smem:$0x3FA9] =	sst s7  }
0x10: {  	[smem:$0x3FAA] =	sst s8  }
0x11: {  	[smem:$0x3FAB] =	sst s9;
	s0 =	simm.s32 @!p0 $0x0  }
0x12: {  	s1 =	sld [smem:$0x3F91];
	s0 =	simm.s32 @p0 $0x1  }
0x13: {  	[smem:$0x3FAC] =	sst s0;
	s0 =	simm.s32 @!p1 $0x0  }
0x14: {  	s2 =	sld [smem:$0x3F90];
	s0 =	simm.s32 @p1 $0x1  }
0x15: {  	[smem:$0x3FAD] =	sst s0;
	s0 =	simm.s32 @!p2 $0x0  }
0x16: {  	s3 =	sld [smem:$0x3FDB];
	s0 =	simm.s32 @p2 $0x1  }
0x17: {  	s4 =	simm.s32 $0x1BF5;
	[smem:$0x3FAF] =	sst s0  }
0x18: {  	s0 =	sld [smem:$0x3F92];
	_ =	swait.ge [sflag:s4], $0x0  }
0x19: {  	s7 =	sld [smem:$0x3F93]  }
0x1a: {  	s8 =	sadd.s32 $0xFFFFE003, lr  }
0x1b: {  	s9 =	sadd.s32 $0xFFFFFEF7, lr;
	s5 =	simm.s32 $0xFFFFFFFF;
	p2 =	slt.u32 s8, $0xFFFFF086  }
0x1c: {  	p1 =	slt.u32 s9, $0xF7A;
	s5 =	simm.s32 @!p2 $0x0  }
0x1d: {  	s5 =	simm.s32 @p1 $0x1;
	p0 =	seq.s32 s7, s2  }
0x1e: {  	s7 =	smul.u32 @!p0 $0xF7A, s2;
	p2 =	seq.s32 @!p0 s5, $0x0  }
0x1f: {  	s9 =	smul.u32 $0xF7A, s1;
	s8 =	simm.s32 @!p0 $0x1BF5;
	p2 =	por !p2, p0  }
0x20: {  	[sflag:s8] =	ssyncset.s32 @!p0 $0xFFFFF086;
	s6 =	sadd.s32 @!p0 s3, s7;
	s7 =	simm.s32 @!p0 $0x108  }
0x21: {  	s3 =	sadd.s32 s3, s9;
	s6 =	sadd.s32 @!p0 $0x88, s6;
	s7 =	simm.s32 @p2 $0x1082  }
0x22: {  	[simem:s7], [sflag:s8] =	dma.local @!p0 [hbm:s6], $0xF7A  }
0x23: {  	s9 =	sor.u32 $0xD0000000, s2;
	s6 =	simm.s32 $0x108;
	_ =	swait.ge @!p0 [sflag:s8], $0x0  }
0x24: {  	s3 =	sadd.s32 $0x88, s3;
	s6 =	simm.s32 @!p1 $0x1082;
	[sflag:s4] =	ssyncset.s32 $0xFFFFF086  }
0x25: {  	[simem:s6], [sflag:s4] =	dma.local [hbm:s3], $0xF7A  }
0x26: {  	[smem:$0x3F93] =	sst s1;
	(tag) =	ssettag s2;
	_ =	strace s9  }
0x27: {  	s1 =	sld [smem:$0x3FA3]  }
0x28: {  	s2 =	sld [smem:$0x3FA4]  }
0x29: {  	s4 =	sld [smem:$0x3FA6]  }
0x2a: {  	p0 =	seq.s32 s5, $0x0;
	s5 =	sld [smem:$0x3FA7]  }
0x2b: {  	s6 =	sld [smem:$0x3FA8]  }
0x2c: {  	s7 =	sld [smem:$0x3FA9]  }
0x2d: {  	s3 =	simm.s32 $0x108;
	s8 =	sld [smem:$0x3FAA]  }
0x2e: {  	s3 =	simm.s32 @!p0 $0x1082;
	s9 =	sld [smem:$0x3FAB]  }
0x2f: {  	lr =	sadd.s32 s0, s3;
	s0 =	sld [smem:$0x3FA2]  }
0x30: {  	s3 =	sld [smem:$0x3FA5]  }
0x31: {  	[smem:$0x3FAE] =	sst s10  }
0x32: {  	s10 =	sld [smem:$0x3FAC];
	_ =	sdelay $0x3  }
0x33: {  	p0 =	seq.s32 s10, $0x1;
	s10 =	sld [smem:$0x3FAE];
	_ =	sdelay $0x3  }
0x34: {  	[smem:$0x3FAE] =	sst s10  }
0x35: {  	s10 =	sld [smem:$0x3FAD];
	_ =	sdelay $0x3  }
0x36: {  	p1 =	seq.s32 s10, $0x1;
	s10 =	sld [smem:$0x3FAE];
	_ =	sdelay $0x3  }
0x37: {  	[smem:$0x3FAE] =	sst s10  }
0x38: {  	s10 =	sld [smem:$0x3FAF]  }
0x39: {  	_ = 	snop;
	(pc) =	sbr.ind lr, $3  }
0x3a: {  	_ = 	snop  }
0x3b: {  	_ = 	snop  }
0x3c: {  	p2 =	seq.s32 s10, $0x1;
	s10 =	sld [smem:$0x3FAE]  }
0x3d: {  	_ =	shalt  }
0x3e: {  	_ =	shalt  }
0x3f: {  	_ =	shalt  }
0x40: {  	_ =	shalt  }
0x41: {  	_ =	shalt  }
0x42: {  	_ =	shalt  }
0x43: {  	_ =	shalt  }
0x44: {  	_ =	shalt  }
0x45: {  	_ =	shalt  }
0x46: {  	_ =	shalt  }
0x47: {  	_ =	shalt  }
0x48: {  	_ =	shalt  }
0x49: {  	_ =	shalt  }
0x4a: {  	_ =	shalt  }
0x4b: {  	_ =	shalt  }
0x4c: {  	_ =	shalt  }
0x4d: {  	_ =	shalt  }
0x4e: {  	_ =	shalt  }
0x4f: {  	_ =	shalt  }
0x50: {  	_ =	shalt  }
0x51: {  	_ =	shalt  }
0x52: {  	_ =	shalt  }
0x53: {  	_ =	shalt  }
0x54: {  	_ =	shalt  }
0x55: {  	_ =	shalt  }
0x56: {  	_ =	shalt  }
0x57: {  	_ =	shalt  }
0x58: {  	_ =	shalt  }
0x59: {  	_ =	shalt  }
0x5a: {  	_ =	shalt  }
0x5b: {  	_ =	shalt  }
0x5c: {  	_ =	shalt  }
0x5d: {  	_ =	shalt  }
0x5e: {  	_ =	shalt  }
0x5f: {  	_ =	shalt  }
0x60: {  	_ =	shalt  }
0x61: {  	_ =	shalt  }
0x62: {  	_ =	shalt  }
0x63: {  	_ =	shalt  }
0x64: {  	_ =	shalt  }
0x65: {  	_ =	shalt  }
0x66: {  	_ =	shalt  }
0x67: {  	_ =	shalt  }
0x68: {  	_ =	shalt  }
0x69: {  	_ =	shalt  }
0x6a: {  	_ =	shalt  }
0x6b: {  	_ =	shalt  }
0x6c: {  	_ =	shalt  }
0x6d: {  	_ =	shalt  }
0x6e: {  	_ =	shalt  }
0x6f: {  	_ =	shalt  }
0x70: {  	_ =	shalt  }
0x71: {  	_ =	shalt  }
0x72: {  	_ =	shalt  }
0x73: {  	_ =	shalt  }
0x74: {  	_ =	shalt  }
0x75: {  	_ =	shalt  }
0x76: {  	_ =	shalt  }
0x77: {  	_ =	shalt  }
0x78: {  	_ =	shalt  }
0x79: {  	_ =	shalt  }
0x7a: {  	_ =	shalt  }
0x7b: {  	_ =	shalt  }
0x7c: {  	_ =	shalt  }
0x7d: {  	_ =	shalt  }
0x7e: {  	_ =	shalt  }
0x7f: {  	_ =	shalt  }
0x80: {  	_ =	shalt  }
0x81: {  	_ =	shalt  }
0x82: {  	_ =	shalt  }
0x83: {  	_ =	shalt  }
0x84: {  	_ =	shalt  }
0x85: {  	_ =	shalt  }
0x86: {  	_ =	shalt  }
0x87: {  	_ =	shalt  }
.Lfunc_end0:
.L_simem_size_0:
called_computation.1_lowered:
.L_overlay_start_0:
0x88: {  	s2 =	sld [smem:$0x3FD9]  }
0x89: {  	s3 =	sld [smem:$0x3FFE];
	_ =	sdelay $0x1  }
0x8a: {  	s1 =	srdreg.scid  }
0x8b: {  	s0 =	sand.u32 $0x1, s1  }
0x8c: {  	s17 =	sshll.u32 s0, $0xA;
	s2 =	sadd.s32 s3, s2  }
0x8d: {  	s2 =	sadd.s32 s2, s17  }
0x8e: {  	[smem:$0x3FBA] =	sst s2  }
0x8f: {  	_ = 	snop  }
0x90: {  	s2 =	sld [smem:$0x3FD0];
	(tm) =	ssettm $0x1  }
0x91: {  	s18 =	sld [smem:$0x3FFB];
	_ =	sdelay $0x3  }
0x92: {  	_ =	strace s18  }
0x93: {  	s3 =	sld [smem:$0x3FFC];
	_ =	sdelay $0x3  }
0x94: {  	_ =	strace s3  }
0x95: {  	s3 =	sld [smem:$0x3FFD];
	_ =	sdelay $0x3  }
0x96: {  	_ =	strace s3  }
0x97: {  	_ =	strace $0x8FFFFFFF  }
0x98: {  	s19 =	sld [smem:$0x3FDB];
	_ =	sdelay $0x1  }
0x99: {  	s4 =	simm.s32 $_scs_section_size  }
0x9a: {  	s5 =	simm.s32 $_size__tile_overlayer_lowered;
	s6 =	simm.s32 $_tile_overlayer_lowered  }
0x9b: {  	s22 =	simm.s32 $0x1BFF;
	s21 =	sshll.u32 s6, $0x1;
	s3 =	sadd.s32 s4, s19  }
0x9c: {  	s7 =	simm.s32 $0x0;
	s20 =	sshll.u32 s5, $0x1;
	s5 =	sadd.s32 s21, s3  }
0x9d: {  	[timem:s7], [sflag:s22] =	dma.local [hbm:s5], s20  }
0x9e: {  	_ =	swait.ge [sflag:s22], s20  }
0x9f: {  	s4 =	ssub.s32 $0x0, s20;
	[sflag:s22] =	ssyncset.done $0x0  }
0xa0: {  	[sflag:s22] =	ssyncadd.s32 s4;
	_ =	sdelay $0x1  }
0xa1: {  	s23 =	simm.s32 $0x1B8B  }
0xa2: {  	_ =	swait.ge [sflag:s23], $0x1  }
0xa3: {  	[sflag:s23] =	ssyncset.done $0x0  }
0xa4: {  	s25 =	simm.s32 $0x1B8E;
	s24 =	sld [smem:$0x3FFE];
	[sflag:s23] =	ssyncadd.s32 $0xFFFFFFFF  }
0xa5: {  	s26 =	simm.s32 $execute0_lowered;
	[smem:$0x3FD2] =	sst s25  }
0xa6: {  	s5 =	sshll.u32 s26, $0x1;
	_ =	strace $0x80000046;
	[dreg:$0x1] =	wrdreg $0xFFFFFFFF  }
0xa7: {  	s28 =	simm.s32 $_size_execute0_lowered;
	s3 =	sadd.s32 s3, s5;
	[dreg:$0x0] =	wrdreg $0x0  }
0xa8: {  	s5 =	sshll.u32 s28, $0x1;
	[dreg:$0x2] =	wrdreg s3  }
0xa9: {  	[dreg:$0x3] =	wrdreg s5  }
0xaa: {  	[dreg:$0x4] =	wrdreg $0xC0  }
0xab: {  	_ =	task [dreg:s7], $0x5FFFF  }
0xac: {  	[dreg:$0x1] =	wrdreg $0xFFFFFFFF  }
0xad: {  	[dreg:$0x0] =	wrdreg $0x60  }
0xae: {  	[dreg:$0x2] =	wrdreg s24  }
0xaf: {  	[dreg:$0x3] =	wrdreg s2  }
0xb0: {  	[dreg:$0x4] =	wrdreg $0x9  }
0xb1: {  	_ =	task.clear_ibuf [dreg:s7], $0x5FFFF;
	_ =	strace $0x90000046  }
0xb2: {  	s29 =	simm.s32 $0x9;
	_ =	strace $0x80000048  }
0xb3: {  	_ =	swait.ge [sflag:s29], $0x1  }
0xb4: {  	[sflag:s29] =	ssyncadd.s32 $0xFFFFFFFF  }
0xb5: {  	_ =	strace $0x90000048  }
0xb6: {  	_ =	sfence  }
0xb7: {  	s30 =	sld [smem:$0x0];
	_ =	sdelay $0x2  }
0xb8: {  	s31 =	sshll.u32 s1, $0xD;
	s1 =	sshrl.u32 s1, $0x2  }
0xb9: {  	s3 =	sand.u32 $0x4000, s31;
	s1 =	sadd.s32 s1, s30  }
0xba: {  	s0 =	sor.u32 s3, s0;
	s1 =	sshll.u32 s1, $0x11  }
0xbb: {  	s0 =	sor.u32 s1, s0  }
0xbc: {  	s0 =	sadd.s32 $0x8F2B, s0  }
0xbd: {  	[sflag:s0] =	ssyncadd.remote.s32 $0x1  }
0xbe: {  	_ =	sfence.sel $0xFFFF  }
0xbf: {  	[dreg:$0x0] =	wrdreg $0xFFFFFFFF;
	(pc) =	sbr.abs _section_cstart, $3  }
0xc0: {  	[dreg:$0x1] =	wrdreg $0xFFFFFFFF  }
0xc1: {  	_ =	task.clear_ibuf [dreg:s7], $0x2FFFF;
	_ =	strace $0x9FFFFFFF  }
0xc2: {  	(tm) =	ssettm $0x7FFFFFFF  }
0xc3: {  	_ =	shalt  }
tec
execute0_lowered:
.L_overlay_start_1:
0x0: {  	(tag) =	ssettag $0x1  }
0x1: {  	s0 =	srdreg.scid  }
0x2: {  	s1 =	sshll.u32 s0, $0x4  }
0x3: {  	s0 =	stileid.u32;
	s1 =	sand.u32 $0x10, s1  }
0x4: {  	s1 =	sor.u32 s0, s1  }
0x5: {  	s8 =	rddreg [dreg:$0x0];
	s4 =	simm.s32 $0x61C0;
	s2 =	smul.u32 $0x186, s1  }
0x6: {  	s6 =	simm.s32 $0x1;
	s7 =	simm.s32 $0x2;
	s3 =	smin.u32 s1, $0x14  }
0x7: {  	s10 =	simm.s32 $0x3;
	p0 =	slt.u32 s1, $0x14;
	s3 =	sadd.s32 s3, s2  }
0x8: {  	s15 =	simm.s32 $0x0;
	s4 =	simm.s32 @!p0 $0x6180;
	s3 =	sshll.u32 s3, $0x6  }
0x9: {  	s11 =	simm.s32 $0xFFFF0000;
	s12 =	simm.s32 $0x0;
	s4 =	sadd.s32 s4, s3  }
0xa: {  	s14 =	simm.s32 $0x0;
	s5 =	sadd.s32 $0x2501C00, s8;
	s4 =	smin.u32 s4, $0xC3500  }
.Ltmp0:
0xb: {  	s1 =	rddreg [dreg:$0x2];
	s9 =	ssub.s32 s4, s3;
	(pc) =	sbr.rel .LBB2_1-.Ltmp0, $4  }
0xc: {  	vm0 =	vmmov $0xff;
	s2 =	rddreg [dreg:$0x1];
	_ =	strace $0x80000047;
	p0 =	sgt.s32 s9, $0x0  }
0xd: {  	vm1 =	vcmask $0x3F20;
	v0 =	vimm.s32 $0x4;
	v1 =	vimm.s32 $0x0;
	s8 =	sadd.s32 $0x62C00, s8;
	[sflag:s6] =	ssyncpa.u1 $0x0;
	s9 =	simm.s32 @!p0 $0x0  }
0xe: {  	v2 =	vimm.s32 $0x1;
	v3 =	vimm.s32 $0x2;
	v4 =	vimm.s32 $0x3;
	[sflag:s7] =	ssyncpa.u1 $0x0;
	s13 =	smov.u32 s3;
	s9 =	sshrl.u32 s9, $0x6  }
0xf: {  	v5 =	vimm.s32 $0x5;
	v6 =	vimm.s32 $0x6;
	v7 =	vimm.s32 $0x7;
	[sflag:s10] =	ssyncpa.u1 $0x0;
	p0 =	por $0x0, $0x0;
	s10 =	sadd.s32 $0x2, s9  }
.LBB2_12:
0x10: {  	s15 =	sadd.s32 $0x40, s13  }
0x11: {  	s17 =	smov.u32 s3;
	p2 =	slt.s32 s15, s4  }
0x12: {  	s17 =	smov.u32 @p2 s15;
	p2 =	sne.s32 s14, s10  }
.Ltmp1:
0x13: {  	p1 =	slt.u32 s14, $0x3;
	(pc) =	sbr.rel @!p2 .LBB2_13-.Ltmp1, $4  }
0x14: {  	s16 =	simm.s32 @!p1 $0x3  }
0x15: {  	s11 =	sadd.s32 $0x10000, s11;
	p0 =	por !p0, !p0;
	_ =	swait.ge @!p1 [sflag:s16], $0x4000  }
0x16: {  	s15 =	smov.u32 s12;
	s14 =	sadd.s32 $0x1, s14;
	[sflag:s16] =	ssyncset.done @!p1 $0x0  }
0x17: {  	s12 =	smov.u32 s13;
	s13 =	smov.u32 s17;
	[sflag:s16] =	ssyncadd.s32 @!p1 $0xFFFFC000  }
.LBB2_1:
0x18: {  	p1 =	sge.u32 s14, s9  }
0x19: {  	s16 =	smulhi.u32 @!p1 $0xAAAAAAAB, s14;
	_ =	sdelay $0x1  }
0x1a: {  	s16 =	sshrl.u32 @!p1 s16, $0x1  }
0x1b: {  	s16 =	smul.u32 @!p1 $0x3, s16;
	_ =	sdelay $0x1  }
0x1c: {  	s17 =	sshrl.u32 @!p1 s13, $0x3;
	s16 =	ssub.s32 @!p1 s14, s16  }
0x1d: {  	s18 =	sand.u32 @!p1 $0x7, s13;
	s17 =	sadd.s32 @!p1 s2, s17;
	s16 =	sshll.u32 @!p1 s16, $0x6  }
0x1e: {  	[tilespmem:s16], [sflag:$0x1] =	stream.linear.gather @!p1 [hbm4b:s17+s18], $0x40, $0x38;
	[tilespmem:$0x180C0] =	vst v63  }
0x1f: {  	s16 =	sadd.s32 $0xFFFFFFFF, s14  }
0x20: {  	p1 =	sge.u32 s16, s9  }
.Ltmp2:
0x21: {  	_ = 	snop;
	(pc) =	sbr.rel @p1 .LBB2_6-.Ltmp2, $1  }
0x22: {  	_ =	sdelay $0x3  }
0x23: {  	s17 =	smulhi.u32 $0xAAAAAAAB, s16;
	_ =	sdelay $0x1  }
0x24: {  	s17 =	sshrl.u32 s17, $0x1  }
0x25: {  	s17 =	smul.u32 $0x3, s17;
	_ =	sdelay $0x1  }
0x26: {  	s18 =	sshrl.u32 s11, $0x1;
	_ =	swait.ge [sflag:s6], $0x40;
	s30 =	ssub.s32 s16, s17  }
0x27: {  	s31 =	sand.u32 $0x8000, s18;
	[sflag:s6] =	ssyncset.done $0x0;
	s16 =	sshll.u32 s30, $0x6  }
0x28: {  	s18 =	simm.s32 $0x0;
	[sflag:s6] =	ssyncadd.s32 $0xFFFFFFC0;
	s17 =	sor.u32 $0xC0, s31;
	v8 =	vmov s16  }
.LBB2_3:
0x29: {  	s19 =	sshll.u32 s18, $0x4  }
0x2a: {  	s19 =	sand.u32 $0x3FFFFFF0, s19  }
0x2b: {  	s20 =	sadd.s32 s19, s16  }
0x2c: {  	v9 =	vld.msk [tilespmem:s20+$0x0 ss:$0x1], $0xffff;
	_ =	sdelay $0x4  }
0x2d: {  	vm2 =	vgt.s32 v9, $0x0  }
0x2e: {  	v9 =	vnsel vm2, $0x0, v9  }
0x2f: {  	v10 =	vmin.u32 v9, $0xC34FF  }
0x30: {  	v9 =	vshll.u32 v10, $0x5;
	v11 =	vshll.u32 v10, $0x3  }
0x31: {  	v9 =	vand.u32 $0x1FFFF00, v9;
	v11 =	vand.u32 $0x30, v11  }
0x32: {  	v9 =	vor.u32 v11, v9;
	_ =	sdelay $0x2  }
0x33: {  	s31 =	sadd.s32 $0x0, s17;
	v10 =	vand.u32 $0x1, v10  }
0x34: {  	s20 =	sadd.s32 $0x1000, s31;
	[tilespmem:v8+s19+$0x0 ss:$0x1] =	vst.idx.msk $0xffff, v10;
	s19 =	simm.s32 $0x1000  }
0x35: {  	v10 =	vadd.s32 $0x40, v9;
	[tilespmem:s31], [sflag:$0x2] =	stream.indirect_vreg.gather [hbm:s5], $0x80, v9, vm0, $0x38;
	[tilespmem:$0x180C0] =	vst v63  }
.LBB2_4:
0x36: {  	[tilespmem:s20], [sflag:$0x2] =	stream.indirect_vreg.gather [hbm:s5], $0x80, v9, vm1, $0x38;
	[tilespmem:$0x180C0] =	vst v63  }
0x37: {  	v9 =	vmov v10;
	s20 =	smov.u32 s19;
	p1 =	sne.s32 s19, $0x3000  }
.Ltmp3:
0x38: {  	s19 =	sadd.s32 $0x1000, s19;
	(pc) =	sbr.rel @p1 .LBB2_4-.Ltmp3, $4  }
0x39: {  	s20 =	sshra.s32 s20, $0x2  }
0x3a: {  	s20 =	sadd.s32 s20, s17  }
0x3b: {  	[tilespmem:s20], [sflag:$0x2] =	stream.indirect_vreg.gather [hbm:s5], $0x80, v10, vm0, $0x38;
	[tilespmem:$0x180C0] =	vst v63  }
0x3c: {  	s20 =	sadd.s32 $0x1000, s20;
	v10 =	vadd.s32 $0x40, v10  }
0x3d: {  	s18 =	sadd.s32 $0x1, s18  }
0x3e: {  	p1 =	sne.s32 s18, $0x4  }
.Ltmp4:
0x3f: {  	_ = 	snop;
	(pc) =	sbr.rel @p1 .LBB2_3-.Ltmp4, $3  }
0x40: {  	_ =	sdelay $0x1  }
0x41: {  	[tilespmem:s20], [sflag:$0x2] =	stream.indirect_vreg.gather [hbm:s5], $0x80, v9, vm1, $0x38;
	[tilespmem:$0x180C0] =	vst v63  }
0x42: {  	s17 =	sadd.s32 $0x2000, s17  }
.LBB2_6:
0x43: {  	p1 =	slt.u32 s14, $0x2  }
0x44: {  	p2 =	sge.u32 @!p1 s14, s10  }
0x45: {  	p1 =	por p1, p2  }
.Ltmp5:
0x46: {  	_ = 	snop;
	(pc) =	sbr.rel @p1 .LBB2_12-.Ltmp5, $1  }
0x47: {  	_ =	sdelay $0x3  }
0x48: {  	s17 =	sadd.s32 $0xFFFFFFFE, s14  }
0x49: {  	s16 =	smulhi.u32 $0xAAAAAAAB, s17  }
0x4a: {  	s18 =	simm.s32 $0x1;
	s30 =	sand.u32 $0x1, s14;
	_ =	swait.ge [sflag:s7], $0x8000  }
0x4b: {  	p1 =	por $0x1, $0x1;
	s18 =	simm.s32 @!p0 $0x0;
	s16 =	sshrl.u32 s16, $0x1  }
0x4c: {  	[sflag:s7] =	ssyncset.done $0x0;
	s18 =	sshll.u32 s18, $0xE;
	s19 =	smul.u32 $0x3, s16  }
0x4d: {  	s31 =	sshll.u32 s30, $0xF;
	s16 =	sor.u32 $0x100C0, s18;
	s18 =	sshll.u32 s30, $0xE  }
0x4e: {  	s20 =	sor.u32 $0x100C0, s18;
	s17 =	ssub.s32 s17, s19;
	s19 =	sor.u32 $0xC0, s31  }
0x4f: {  	[sflag:s7] =	ssyncadd.s32 $0xFFFF8000;
	s18 =	simm.s32 $0x0;
	v9 =	vmov s20;
	s17 =	sshll.u32 s17, $0x6;
	v8 =	vmov s19  }
.LBB2_8:
0x50: {  	s19 =	sshll.u32 s18, $0x3  }
0x51: {  	s19 =	sand.u32 $0x3FFFFFF8, s19  }
0x52: {  	s19 =	sadd.s32 s19, s17  }
0x53: {  	v10 =	vld.msk [tilespmem:s19+$0x0 ss:$0x1], $0xff  }
0x54: {  	s20 =	sshll.u32 s18, $0xC  }
0x55: {  	s21 =	sand.u32 $0x3FFFF000, s20  }
0x56: {  	v11 =	vld.idx.msk [tilespmem:v8+s21+$0x0 ss:$0x1], $0xffff  }
0x57: {  	v12 =	vld.idx.msk [tilespmem:v8+s21+$0x80 ss:$0x1], $0xffff  }
0x58: {  	v14 =	vld.idx.msk [tilespmem:v8+s21+$0x10 ss:$0x1], $0xffff;
	v10 =	vshll.u32 v10, $0x4  }
0x59: {  	v17 =	vld.idx.msk [tilespmem:v8+s21+$0x90 ss:$0x1], $0xffff;
	v15 =	vperm.xlane v10, v2  }
0x5a: {  	v18 =	vld.idx.msk [tilespmem:v8+s21+$0x20 ss:$0x1], $0xffff;
	v13 =	vperm.xlane v10, v1  }
0x5b: {  	v59 =	vld.idx.msk [tilespmem:v8+s21+$0xA0 ss:$0x1], $0xffff;
	v16 =	vsub.s32 $0x10, v15  }
0x5c: {  	v11 =	vshrl.u32 v11, v13;
	v12 =	vshll.u32 v12, v16  }
0x5d: {  	v11 =	vand.u32 $0xFFFF, v11;
	v12 =	vand.u32 $0xFFFF0000, v12  }
0x5e: {  	s19 =	sshrl.u32 s20, $0x1;
	v60 =	vshrl.u32 v14, v13;
	v61 =	vshll.u32 v17, v16;
	v11 =	vor.u32 v11, v12  }
0x5f: {  	v62 =	vand.u32 $0xFFFF0000, v61;
	[tilespmem:v9+s19+$0x0 ss:$0x1] =	vst.idx.msk $0xffff, v11;
	v11 =	vand.u32 $0xFFFF, v60  }
0x60: {  	v23 =	vshrl.u32 v18, v13;
	v15 =	vshll.u32 v59, v16;
	v63 =	vld.idx.msk [tilespmem:v8+s21+$0x100 ss:$0x1], $0xffff;
	v11 =	vor.u32 v11, v62  }
0x61: {  	v25 =	vand.u32 $0xFFFF0000, v15;
	v24 =	vld.idx.msk [tilespmem:v8+s21+$0x180 ss:$0x1], $0xffff;
	[tilespmem:v9+s19+$0x10 ss:$0x1] =	vst.idx.msk $0xffff, v11;
	v11 =	vand.u32 $0xFFFF, v23  }
0x62: {  	v26 =	vld.idx.msk [tilespmem:v8+s21+$0x110 ss:$0x1], $0xffff;
	v11 =	vor.u32 v11, v25  }
0x63: {  	v27 =	vperm.xlane v10, v4;
	v19 =	vld.idx.msk [tilespmem:v8+s21+$0x190 ss:$0x1], $0xffff;
	[tilespmem:v9+s19+$0x20 ss:$0x1] =	vst.idx.msk $0xffff, v11  }
0x64: {  	v12 =	vperm.xlane v10, v3;
	v11 =	vld.idx.msk [tilespmem:v8+s21+$0x120 ss:$0x1], $0xffff  }
0x65: {  	v15 =	vsub.s32 $0x10, v27;
	v20 =	vld.idx.msk [tilespmem:v8+s21+$0x1A0 ss:$0x1], $0xffff  }
0x66: {  	v14 =	vshrl.u32 v63, v12;
	v17 =	vshll.u32 v24, v15  }
0x67: {  	v14 =	vand.u32 $0xFFFF, v14;
	v17 =	vand.u32 $0xFFFF0000, v17  }
0x68: {  	v14 =	vor.u32 v14, v17;
	v28 =	vshrl.u32 v26, v12;
	v29 =	vshll.u32 v19, v15  }
0x69: {  	[tilespmem:v9+s19+$0x80 ss:$0x1] =	vst.idx.msk $0xffff, v14;
	v30 =	vand.u32 $0xFFFF, v28;
	v31 =	vand.u32 $0xFFFF0000, v29  }
0x6a: {  	v32 =	vld.idx.msk [tilespmem:v8+s21+$0x200 ss:$0x1], $0xffff;
	v14 =	vor.u32 v30, v31;
	v11 =	vshrl.u32 v11, v12;
	v33 =	vshll.u32 v20, v15  }
0x6b: {  	v34 =	vld.idx.msk [tilespmem:v8+s21+$0x280 ss:$0x1], $0xffff;
	[tilespmem:v9+s19+$0x90 ss:$0x1] =	vst.idx.msk $0xffff, v14;
	v11 =	vand.u32 $0xFFFF, v11;
	v35 =	vand.u32 $0xFFFF0000, v33  }
0x6c: {  	v36 =	vld.idx.msk [tilespmem:v8+s21+$0x210 ss:$0x1], $0xffff;
	v11 =	vor.u32 v11, v35  }
0x6d: {  	v37 =	vperm.xlane v10, v5;
	v21 =	vld.idx.msk [tilespmem:v8+s21+$0x290 ss:$0x1], $0xffff;
	[tilespmem:v9+s19+$0xA0 ss:$0x1] =	vst.idx.msk $0xffff, v11  }
0x6e: {  	v14 =	vperm.xlane v10, v0;
	v11 =	vld.idx.msk [tilespmem:v8+s21+$0x220 ss:$0x1], $0xffff  }
0x6f: {  	v17 =	vsub.s32 $0x10, v37;
	v22 =	vld.idx.msk [tilespmem:v8+s21+$0x2A0 ss:$0x1], $0xffff  }
0x70: {  	v18 =	vshrl.u32 v32, v14;
	v19 =	vshll.u32 v34, v17  }
0x71: {  	v18 =	vand.u32 $0xFFFF, v18;
	v19 =	vand.u32 $0xFFFF0000, v19  }
0x72: {  	v49 =	vld.idx.msk [tilespmem:v8+s21+$0x30 ss:$0x1], $0xffff;
	v18 =	vor.u32 v18, v19;
	v38 =	vshrl.u32 v36, v14;
	v39 =	vshll.u32 v21, v17  }
0x73: {  	v25 =	vld.idx.msk [tilespmem:v8+s21+$0xB0 ss:$0x1], $0xffff;
	[tilespmem:v9+s19+$0x100 ss:$0x1] =	vst.idx.msk $0xffff, v18;
	v40 =	vand.u32 $0xFFFF, v38;
	v41 =	vand.u32 $0xFFFF0000, v39  }
0x74: {  	v42 =	vld.idx.msk [tilespmem:v8+s21+$0x300 ss:$0x1], $0xffff;
	v18 =	vor.u32 v40, v41;
	v11 =	vshrl.u32 v11, v14;
	v43 =	vshll.u32 v22, v17  }
0x75: {  	v44 =	vld.idx.msk [tilespmem:v8+s21+$0x380 ss:$0x1], $0xffff;
	[tilespmem:v9+s19+$0x110 ss:$0x1] =	vst.idx.msk $0xffff, v18;
	v11 =	vand.u32 $0xFFFF, v11;
	v45 =	vand.u32 $0xFFFF0000, v43  }
0x76: {  	v46 =	vld.idx.msk [tilespmem:v8+s21+$0x310 ss:$0x1], $0xffff;
	v11 =	vor.u32 v11, v45  }
0x77: {  	v47 =	vld.idx.msk [tilespmem:v8+s21+$0x390 ss:$0x1], $0xffff;
	[tilespmem:v9+s19+$0x120 ss:$0x1] =	vst.idx.msk $0xffff, v11  }
0x78: {  	v48 =	vperm.xlane v10, v7;
	v23 =	vld.idx.msk [tilespmem:v8+s21+$0x320 ss:$0x1], $0xffff  }
0x79: {  	v54 =	vshrl.u32 v49, v13;
	v55 =	vshll.u32 v25, v16;
	v11 =	vperm.xlane v10, v6;
	v24 =	vld.idx.msk [tilespmem:v8+s21+$0x3A0 ss:$0x1], $0xffff  }
0x7a: {  	v57 =	vand.u32 $0xFFFF, v54;
	v58 =	vand.u32 $0xFFFF0000, v55;
	v10 =	vsub.s32 $0x10, v48  }
0x7b: {  	v59 =	vor.u32 v57, v58;
	v20 =	vshrl.u32 v42, v11;
	v21 =	vshll.u32 v44, v10  }
0x7c: {  	v20 =	vand.u32 $0xFFFF, v20;
	v21 =	vand.u32 $0xFFFF0000, v21;
	v19 =	vshrl.u32 v46, v11  }
0x7d: {  	v20 =	vor.u32 v20, v21;
	v18 =	vshll.u32 v47, v10;
	v19 =	vand.u32 $0xFFFF, v19  }
0x7e: {  	[tilespmem:v9+s19+$0x30 ss:$0x1] =	vst.idx.msk $0xffff, v59;
	v18 =	vand.u32 $0xFFFF0000, v18;
	v50 =	vshrl.u32 v23, v11;
	v52 =	vshll.u32 v24, v10  }
0x7f: {  	[tilespmem:v9+s19+$0x180 ss:$0x1] =	vst.idx.msk $0xffff, v20;
	v18 =	vor.u32 v19, v18;
	v51 =	vand.u32 $0xFFFF, v50;
	v53 =	vand.u32 $0xFFFF0000, v52  }
0x80: {  	[tilespmem:v9+s19+$0x190 ss:$0x1] =	vst.idx.msk $0xffff, v18;
	v56 =	vor.u32 v51, v53  }
0x81: {  	[tilespmem:v9+s19+$0x1A0 ss:$0x1] =	vst.idx.msk $0xffff, v56  }
0x82: {  	v18 =	vld.idx.msk [tilespmem:v8+s21+$0x130 ss:$0x1], $0xffff  }
0x83: {  	v60 =	vld.idx.msk [tilespmem:v8+s21+$0x40 ss:$0x1], $0xffff  }
0x84: {  	v61 =	vld.idx.msk [tilespmem:v8+s21+$0xC0 ss:$0x1], $0xffff;
	_ =	sdelay $0x4  }
0x85: {  	v19 =	vshrl.u32 v60, v13;
	v20 =	vshll.u32 v61, v16  }
0x86: {  	v19 =	vand.u32 $0xFFFF, v19;
	v20 =	vand.u32 $0xFFFF0000, v20  }
0x87: {  	v62 =	vld.idx.msk [tilespmem:v8+s21+$0x1B0 ss:$0x1], $0xffff;
	v19 =	vor.u32 v19, v20  }
0x88: {  	v24 =	vld.idx.msk [tilespmem:v8+s21+$0x50 ss:$0x1], $0xffff;
	[tilespmem:v9+s19+$0x40 ss:$0x1] =	vst.idx.msk $0xffff, v19  }
0x89: {  	v19 =	vld.idx.msk [tilespmem:v8+s21+$0x140 ss:$0x1], $0xffff  }
0x8a: {  	v63 =	vld.idx.msk [tilespmem:v8+s21+$0x1C0 ss:$0x1], $0xffff  }
0x8b: {  	v25 =	vld.idx.msk [tilespmem:v8+s21+$0xD0 ss:$0x1], $0xffff;
	_ =	sdelay $0x1  }
0x8c: {  	v38 =	vld.idx.msk [tilespmem:v8+s21+$0x60 ss:$0x1], $0xffff;
	v18 =	vshrl.u32 v18, v12;
	v20 =	vshll.u32 v62, v15  }
0x8d: {  	v39 =	vld.idx.msk [tilespmem:v8+s21+$0x70 ss:$0x1], $0xffff;
	v30 =	vshrl.u32 v24, v13;
	v18 =	vand.u32 $0xFFFF, v18;
	v20 =	vand.u32 $0xFFFF0000, v20  }
0x8e: {  	s22 =	sor.u32 $0x400, s20;
	v41 =	vld.idx.msk [tilespmem:v8+s21+$0xF0 ss:$0x1], $0xffff;
	v18 =	vor.u32 v18, v20;
	v19 =	vshrl.u32 v19, v12;
	v26 =	vshll.u32 v63, v15  }
0x8f: {  	v53 =	vld.idx.msk [tilespmem:v8+s22+$0x10 ss:$0x1], $0xffff;
	v31 =	vshll.u32 v25, v16;
	[tilespmem:v9+s19+$0xB0 ss:$0x1] =	vst.idx.msk $0xffff, v18;
	v27 =	vand.u32 $0xFFFF, v19;
	v28 =	vand.u32 $0xFFFF0000, v26  }
0x90: {  	v33 =	vand.u32 $0xFFFF, v30;
	v34 =	vand.u32 $0xFFFF0000, v31;
	v29 =	vld.idx.msk [tilespmem:v8+s21+$0x230 ss:$0x1], $0xffff;
	v18 =	vor.u32 v27, v28  }
0x91: {  	v32 =	vld.idx.msk [tilespmem:v8+s21+$0x2B0 ss:$0x1], $0xffff;
	[tilespmem:v9+s19+$0xC0 ss:$0x1] =	vst.idx.msk $0xffff, v18;
	v18 =	vor.u32 v33, v34  }
0x92: {  	v54 =	vld.idx.msk [tilespmem:v8+s22+$0x90 ss:$0x1], $0xffff;
	[tilespmem:v9+s19+$0x50 ss:$0x1] =	vst.idx.msk $0xffff, v18  }
0x93: {  	v18 =	vld.idx.msk [tilespmem:v8+s21+$0x150 ss:$0x1], $0xffff  }
0x94: {  	v37 =	vld.idx.msk [tilespmem:v8+s21+$0x1D0 ss:$0x1], $0xffff  }
0x95: {  	v27 =	vld.idx.msk [tilespmem:v8+s21+$0xE0 ss:$0x1], $0xffff  }
0x96: {  	v20 =	vshrl.u32 v29, v14;
	v22 =	vshll.u32 v32, v17;
	v35 =	vld.idx.msk [tilespmem:v8+s21+$0x240 ss:$0x1], $0xffff  }
0x97: {  	v44 =	vshrl.u32 v38, v13;
	v30 =	vld.idx.msk [tilespmem:v8+s22+$0x80 ss:$0x1], $0xffff;
	v20 =	vand.u32 $0xFFFF, v20;
	v22 =	vand.u32 $0xFFFF0000, v22  }
0x98: {  	v46 =	vand.u32 $0xFFFF, v44;
	v29 =	vld.idx.msk [tilespmem:v8+s22+$0x0 ss:$0x1], $0xffff;
	v20 =	vor.u32 v20, v22;
	v22 =	vshrl.u32 v39, v13  }
0x99: {  	v36 =	vld.idx.msk [tilespmem:v8+s21+$0x2C0 ss:$0x1], $0xffff;
	[tilespmem:v9+s19+$0x130 ss:$0x1] =	vst.idx.msk $0xffff, v20;
	v18 =	vshrl.u32 v18, v12;
	v42 =	vshll.u32 v37, v15  }
0x9a: {  	v23 =	vld.idx.msk [tilespmem:v8+s21+$0x330 ss:$0x1], $0xffff;
	v45 =	vshll.u32 v27, v16;
	v43 =	vand.u32 $0xFFFF, v18;
	v20 =	vand.u32 $0xFFFF0000, v42  }
0x9b: {  	v26 =	vld.idx.msk [tilespmem:v8+s21+$0x3B0 ss:$0x1], $0xffff;
	v47 =	vand.u32 $0xFFFF0000, v45;
	v21 =	vshrl.u32 v35, v14;
	v20 =	vor.u32 v43, v20  }
0x9c: {  	v40 =	vand.u32 $0xFFFF, v21;
	v21 =	vshll.u32 v41, v16;
	[tilespmem:v9+s19+$0xD0 ss:$0x1] =	vst.idx.msk $0xffff, v20;
	v20 =	vor.u32 v46, v47  }
0x9d: {  	v50 =	vand.u32 $0xFFFF, v22;
	v21 =	vand.u32 $0xFFFF0000, v21;
	v48 =	vld.idx.msk [tilespmem:v8+s21+$0x250 ss:$0x1], $0xffff;
	[tilespmem:v9+s19+$0x60 ss:$0x1] =	vst.idx.msk $0xffff, v20  }
0x9e: {  	v20 =	vor.u32 v50, v21;
	v51 =	vld.idx.msk [tilespmem:v8+s21+$0x160 ss:$0x1], $0xffff  }
0x9f: {  	v52 =	vld.idx.msk [tilespmem:v8+s21+$0x1E0 ss:$0x1], $0xffff;
	[tilespmem:v9+s19+$0x70 ss:$0x1] =	vst.idx.msk $0xffff, v20  }
0xa0: {  	v20 =	vld.idx.msk [tilespmem:v8+s21+$0x170 ss:$0x1], $0xffff  }
0xa1: {  	v19 =	vshll.u32 v36, v17;
	v28 =	vld.idx.msk [tilespmem:v8+s21+$0x1F0 ss:$0x1], $0xffff  }
0xa2: {  	v59 =	vshll.u32 v30, v16;
	v33 =	vshrl.u32 v53, v13;
	v19 =	vand.u32 $0xFFFF0000, v19;
	v49 =	vld.idx.msk [tilespmem:v8+s21+$0x2D0 ss:$0x1], $0xffff  }
0xa3: {  	v58 =	vshrl.u32 v29, v13;
	v45 =	vld.idx.msk [tilespmem:v8+s22+$0x20 ss:$0x1], $0xffff;
	v36 =	vand.u32 $0xFFFF, v33;
	v19 =	vor.u32 v40, v19  }
0xa4: {  	v33 =	vld.idx.msk [tilespmem:v8+s22+$0xB0 ss:$0x1], $0xffff;
	[tilespmem:v9+s19+$0x140 ss:$0x1] =	vst.idx.msk $0xffff, v19;
	v22 =	vshrl.u32 v51, v12;
	v21 =	vshll.u32 v52, v15  }
0xa5: {  	v18 =	vld.idx.msk [tilespmem:v8+s21+$0x340 ss:$0x1], $0xffff;
	v25 =	vshrl.u32 v48, v14;
	v22 =	vand.u32 $0xFFFF, v22;
	v21 =	vand.u32 $0xFFFF0000, v21  }
0xa6: {  	v19 =	vld.idx.msk [tilespmem:v8+s21+$0x3C0 ss:$0x1], $0xffff;
	v20 =	vshrl.u32 v20, v12;
	v55 =	vshll.u32 v28, v15;
	v21 =	vor.u32 v22, v21  }
0xa7: {  	v24 =	vshll.u32 v49, v17;
	v48 =	vld.idx.msk [tilespmem:v8+s22+$0xA0 ss:$0x1], $0xffff;
	v20 =	vand.u32 $0xFFFF, v20;
	v56 =	vand.u32 $0xFFFF0000, v55;
	[tilespmem:v9+s19+$0xE0 ss:$0x1] =	vst.idx.msk $0xffff, v21  }
0xa8: {  	v25 =	vand.u32 $0xFFFF, v25;
	v24 =	vand.u32 $0xFFFF0000, v24;
	v20 =	vor.u32 v20, v56;
	v57 =	vld.idx.msk [tilespmem:v8+s21+$0x260 ss:$0x1], $0xffff  }
0xa9: {  	v62 =	vand.u32 $0xFFFF0000, v59;
	v61 =	vand.u32 $0xFFFF, v58;
	v24 =	vor.u32 v25, v24;
	v60 =	vld.idx.msk [tilespmem:v8+s21+$0x2E0 ss:$0x1], $0xffff;
	[tilespmem:v9+s19+$0xF0 ss:$0x1] =	vst.idx.msk $0xffff, v20  }
0xaa: {  	s23 =	sshrl.u32 s22, $0x1;
	[tilespmem:v9+s19+$0x150 ss:$0x1] =	vst.idx.msk $0xffff, v24;
	v24 =	vshll.u32 v54, v16;
	v20 =	vor.u32 v61, v62;
	v63 =	vld.idx.msk [tilespmem:v8+s21+$0x270 ss:$0x1], $0xffff  }
0xab: {  	v37 =	vand.u32 $0xFFFF0000, v24;
	v35 =	vld.idx.msk [tilespmem:v8+s21+$0x2F0 ss:$0x1], $0xffff;
	[tilespmem:v9+s23+$0x0 ss:$0x1] =	vst.idx.msk $0xffff, v20  }
0xac: {  	v20 =	vor.u32 v36, v37;
	v38 =	vld.idx.msk [tilespmem:v8+s22+$0x100 ss:$0x1], $0xffff  }
0xad: {  	v39 =	vld.idx.msk [tilespmem:v8+s22+$0x180 ss:$0x1], $0xffff;
	[tilespmem:v9+s19+$0x210 ss:$0x1] =	vst.idx.msk $0xffff, v20  }
0xae: {  	v56 =	vshrl.u32 v45, v13;
	v42 =	vld.idx.msk [tilespmem:v8+s22+$0x110 ss:$0x1], $0xffff  }
0xaf: {  	v58 =	vand.u32 $0xFFFF, v56;
	v43 =	vld.idx.msk [tilespmem:v8+s22+$0x190 ss:$0x1], $0xffff;
	v40 =	vshrl.u32 v57, v14;
	v41 =	vshll.u32 v60, v17  }
0xb0: {  	v27 =	vld.idx.msk [tilespmem:v8+s21+$0x350 ss:$0x1], $0xffff;
	v20 =	vand.u32 $0xFFFF, v40;
	v22 =	vand.u32 $0xFFFF0000, v41;
	v44 =	vshrl.u32 v63, v14  }
0xb1: {  	v34 =	vld.idx.msk [tilespmem:v8+s21+$0x3D0 ss:$0x1], $0xffff;
	v25 =	vshll.u32 v35, v17;
	v20 =	vor.u32 v20, v22;
	v46 =	vand.u32 $0xFFFF, v44  }
0xb2: {  	v56 =	vld.idx.msk [tilespmem:v8+s22+$0x50 ss:$0x1], $0xffff;
	v47 =	vand.u32 $0xFFFF0000, v25;
	v49 =	vshrl.u32 v38, v12;
	v21 =	vshll.u32 v39, v15  }
0xb3: {  	v25 =	vshll.u32 v48, v16;
	[tilespmem:v9+s19+$0x160 ss:$0x1] =	vst.idx.msk $0xffff, v20;
	v20 =	vor.u32 v46, v47;
	v50 =	vand.u32 $0xFFFF, v49  }
0xb4: {  	v36 =	vld.idx.msk [tilespmem:v8+s22+$0x40 ss:$0x1], $0xffff;
	v21 =	vand.u32 $0xFFFF0000, v21;
	v51 =	vshrl.u32 v42, v12;
	v52 =	vshll.u32 v43, v15  }
0xb5: {  	v37 =	vld.idx.msk [tilespmem:v8+s22+$0xC0 ss:$0x1], $0xffff;
	[tilespmem:v9+s19+$0x170 ss:$0x1] =	vst.idx.msk $0xffff, v20;
	v20 =	vor.u32 v50, v21;
	v53 =	vand.u32 $0xFFFF, v51;
	v54 =	vand.u32 $0xFFFF0000, v52  }
0xb6: {  	v63 =	vld.idx.msk [tilespmem:v8+s22+$0x30 ss:$0x1], $0xffff;
	v59 =	vand.u32 $0xFFFF0000, v25;
	[tilespmem:v9+s19+$0x280 ss:$0x1] =	vst.idx.msk $0xffff, v20;
	v20 =	vor.u32 v53, v54  }
0xb7: {  	v55 =	vld.idx.msk [tilespmem:v8+s22+$0x200 ss:$0x1], $0xffff;
	[tilespmem:v9+s19+$0x290 ss:$0x1] =	vst.idx.msk $0xffff, v20;
	v20 =	vor.u32 v58, v59  }
0xb8: {  	v57 =	vld.idx.msk [tilespmem:v8+s22+$0x280 ss:$0x1], $0xffff;
	[tilespmem:v9+s19+$0x220 ss:$0x1] =	vst.idx.msk $0xffff, v20  }
0xb9: {  	v20 =	vld.idx.msk [tilespmem:v8+s22+$0x120 ss:$0x1], $0xffff  }
0xba: {  	v62 =	vld.idx.msk [tilespmem:v8+s22+$0x1A0 ss:$0x1], $0xffff  }
0xbb: {  	v31 =	vld.idx.msk [tilespmem:v8+s21+$0x360 ss:$0x1], $0xffff  }
0xbc: {  	v35 =	vld.idx.msk [tilespmem:v8+s21+$0x3E0 ss:$0x1], $0xffff  }
0xbd: {  	v24 =	vld.idx.msk [tilespmem:v8+s21+$0x370 ss:$0x1], $0xffff;
	v22 =	vshrl.u32 v55, v14;
	v28 =	vshll.u32 v57, v17  }
0xbe: {  	v32 =	vld.idx.msk [tilespmem:v8+s21+$0x3F0 ss:$0x1], $0xffff;
	v22 =	vand.u32 $0xFFFF, v22;
	v28 =	vand.u32 $0xFFFF0000, v28  }
0xbf: {  	v58 =	vld.idx.msk [tilespmem:v8+s22+$0x60 ss:$0x1], $0xffff;
	v22 =	vor.u32 v22, v28;
	v20 =	vshrl.u32 v20, v12;
	v39 =	vshll.u32 v62, v15  }
0xc0: {  	v60 =	vld.idx.msk [tilespmem:v8+s22+$0x210 ss:$0x1], $0xffff;
	[tilespmem:v9+s19+$0x300 ss:$0x1] =	vst.idx.msk $0xffff, v22;
	v40 =	vand.u32 $0xFFFF, v20;
	v22 =	vand.u32 $0xFFFF0000, v39  }
0xc1: {  	v42 =	vshll.u32 v33, v16;
	v41 =	vshrl.u32 v63, v13;
	v61 =	vld.idx.msk [tilespmem:v8+s22+$0x290 ss:$0x1], $0xffff;
	v22 =	vor.u32 v40, v22  }
0xc2: {  	v44 =	vand.u32 $0xFFFF0000, v42;
	v43 =	vand.u32 $0xFFFF, v41;
	v39 =	vld.idx.msk [tilespmem:v8+s22+$0xD0 ss:$0x1], $0xffff;
	[tilespmem:v9+s19+$0x2A0 ss:$0x1] =	vst.idx.msk $0xffff, v22  }
0xc3: {  	v46 =	vshrl.u32 v36, v13;
	v47 =	vshll.u32 v37, v16;
	v22 =	vor.u32 v43, v44;
	v45 =	vld.idx.msk [tilespmem:v8+s22+$0x220 ss:$0x1], $0xffff  }
0xc4: {  	v49 =	vand.u32 $0xFFFF, v46;
	v50 =	vand.u32 $0xFFFF0000, v47;
	v48 =	vld.idx.msk [tilespmem:v8+s22+$0x2A0 ss:$0x1], $0xffff;
	[tilespmem:v9+s19+$0x230 ss:$0x1] =	vst.idx.msk $0xffff, v22  }
0xc5: {  	v22 =	vor.u32 v49, v50;
	v51 =	vld.idx.msk [tilespmem:v8+s22+$0x130 ss:$0x1], $0xffff  }
0xc6: {  	v52 =	vld.idx.msk [tilespmem:v8+s22+$0x1B0 ss:$0x1], $0xffff;
	[tilespmem:v9+s19+$0x240 ss:$0x1] =	vst.idx.msk $0xffff, v22  }
0xc7: {  	v25 =	vshrl.u32 v60, v14;
	v21 =	vshll.u32 v61, v17;
	v53 =	vld.idx.msk [tilespmem:v8+s22+$0x140 ss:$0x1], $0xffff  }
0xc8: {  	v28 =	vand.u32 $0xFFFF, v25;
	v21 =	vand.u32 $0xFFFF0000, v21;
	v38 =	vld.idx.msk [tilespmem:v8+s22+$0x1C0 ss:$0x1], $0xffff  }
0xc9: {  	v21 =	vor.u32 v28, v21;
	v25 =	vld.idx.msk [tilespmem:v8+s22+$0x300 ss:$0x1], $0xffff;
	v62 =	vshll.u32 v39, v16  }
0xca: {  	v28 =	vld.idx.msk [tilespmem:v8+s22+$0x380 ss:$0x1], $0xffff;
	v44 =	vand.u32 $0xFFFF0000, v62;
	v54 =	vshrl.u32 v45, v14;
	v55 =	vshll.u32 v48, v17  }
0xcb: {  	[tilespmem:v9+s19+$0x310 ss:$0x1] =	vst.idx.msk $0xffff, v21;
	v40 =	vld.idx.msk [tilespmem:v8+s22+$0xE0 ss:$0x1], $0xffff;
	v22 =	vand.u32 $0xFFFF, v54;
	v30 =	vand.u32 $0xFFFF0000, v55;
	v57 =	vshrl.u32 v51, v12  }
0xcc: {  	v20 =	vld.idx.msk [tilespmem:v8+s22+$0x310 ss:$0x1], $0xffff;
	v29 =	vshll.u32 v52, v15;
	v22 =	vor.u32 v22, v30;
	v30 =	vand.u32 $0xFFFF, v57  }
0xcd: {  	v21 =	vld.idx.msk [tilespmem:v8+s22+$0x390 ss:$0x1], $0xffff;
	v29 =	vand.u32 $0xFFFF0000, v29;
	v37 =	vshrl.u32 v53, v12;
	v38 =	vshll.u32 v38, v15  }
0xce: {  	v62 =	vld.idx.msk [tilespmem:v8+s22+$0xF0 ss:$0x1], $0xffff;
	v30 =	vor.u32 v30, v29;
	v59 =	vand.u32 $0xFFFF, v37;
	v60 =	vand.u32 $0xFFFF0000, v38  }
0xcf: {  	[tilespmem:v9+s19+$0x2B0 ss:$0x1] =	vst.idx.msk $0xffff, v30;
	v30 =	vor.u32 v59, v60;
	v60 =	vld.idx.msk [tilespmem:v8+s22+$0x70 ss:$0x1], $0xffff  }
0xd0: {  	v36 =	vshrl.u32 v56, v13;
	v61 =	vld.idx.msk [tilespmem:v8+s22+$0x230 ss:$0x1], $0xffff  }
0xd1: {  	v23 =	vshrl.u32 v23, v11;
	v43 =	vand.u32 $0xFFFF, v36;
	v63 =	vld.idx.msk [tilespmem:v8+s22+$0x2B0 ss:$0x1], $0xffff;
	[tilespmem:v9+s19+$0x2C0 ss:$0x1] =	vst.idx.msk $0xffff, v30  }
0xd2: {  	v33 =	vshrl.u32 v58, v13;
	v46 =	vshll.u32 v40, v16;
	v30 =	vor.u32 v43, v44;
	v45 =	vld.idx.msk [tilespmem:v8+s22+$0x240 ss:$0x1], $0xffff  }
0xd3: {  	v26 =	vshll.u32 v26, v10;
	v49 =	vand.u32 $0xFFFF0000, v46;
	v48 =	vand.u32 $0xFFFF, v33;
	v47 =	vld.idx.msk [tilespmem:v8+s22+$0x2C0 ss:$0x1], $0xffff;
	[tilespmem:v9+s19+$0x250 ss:$0x1] =	vst.idx.msk $0xffff, v30  }
0xd4: {  	v23 =	vand.u32 $0xFFFF, v23;
	v26 =	vand.u32 $0xFFFF0000, v26;
	v30 =	vor.u32 v48, v49;
	v50 =	vld.idx.msk [tilespmem:v8+s22+$0x150 ss:$0x1], $0xffff  }
0xd5: {  	v23 =	vor.u32 v23, v26;
	v51 =	vld.idx.msk [tilespmem:v8+s22+$0x1D0 ss:$0x1], $0xffff;
	[tilespmem:v9+s19+$0x260 ss:$0x1] =	vst.idx.msk $0xffff, v30  }
0xd6: {  	[tilespmem:v9+s19+$0x1B0 ss:$0x1] =	vst.idx.msk $0xffff, v23;
	v54 =	vld.idx.msk [tilespmem:v8+s22+$0x160 ss:$0x1], $0xffff;
	v52 =	vshrl.u32 v61, v14  }
0xd7: {  	v57 =	vld.idx.msk [tilespmem:v8+s22+$0x1E0 ss:$0x1], $0xffff;
	v46 =	vshrl.u32 v60, v13;
	v53 =	vshll.u32 v63, v17;
	v55 =	vand.u32 $0xFFFF, v52  }
0xd8: {  	[tilespmem:v9+s19+$0x320 ss:$0x1] =	vst.idx.msk $0xffff, v22;
	v56 =	vand.u32 $0xFFFF0000, v53;
	v58 =	vshrl.u32 v45, v14;
	v59 =	vshll.u32 v47, v17  }
0xd9: {  	v22 =	vld.idx.msk [tilespmem:v8+s22+$0x320 ss:$0x1], $0xffff;
	v47 =	vshll.u32 v62, v16;
	v23 =	vor.u32 v55, v56;
	v61 =	vand.u32 $0xFFFF, v58  }
0xda: {  	s25 =	sor.u32 $0x800, s20;
	v29 =	vld.idx.msk [tilespmem:v8+s22+$0x3A0 ss:$0x1], $0xffff;
	v37 =	vand.u32 $0xFFFF0000, v59;
	v36 =	vshrl.u32 v50, v12;
	v63 =	vshll.u32 v51, v15  }
0xdb: {  	v60 =	vld.idx.msk [tilespmem:v8+s25+$0x0 ss:$0x1], $0xffff;
	v50 =	vand.u32 $0xFFFF0000, v47;
	[tilespmem:v9+s19+$0x330 ss:$0x1] =	vst.idx.msk $0xffff, v23;
	v23 =	vor.u32 v61, v37;
	v36 =	vand.u32 $0xFFFF, v36  }
0xdc: {  	v47 =	vld.idx.msk [tilespmem:v8+s25+$0x90 ss:$0x1], $0xffff;
	v37 =	vand.u32 $0xFFFF0000, v63;
	v41 =	vshrl.u32 v54, v12;
	v42 =	vshll.u32 v57, v15  }
0xdd: {  	v63 =	vld.idx.msk [tilespmem:v8+s25+$0x80 ss:$0x1], $0xffff;
	v36 =	vor.u32 v36, v37;
	v43 =	vand.u32 $0xFFFF, v41;
	v44 =	vand.u32 $0xFFFF0000, v42  }
0xde: {  	[tilespmem:v9+s19+$0x2D0 ss:$0x1] =	vst.idx.msk $0xffff, v36;
	v36 =	vor.u32 v43, v44;
	v44 =	vld.idx.msk [tilespmem:v8+s25+$0x10 ss:$0x1], $0xffff  }
0xdf: {  	v45 =	vld.idx.msk [tilespmem:v8+s22+$0x250 ss:$0x1], $0xffff  }
0xe0: {  	v49 =	vand.u32 $0xFFFF, v46;
	v48 =	vld.idx.msk [tilespmem:v8+s22+$0x2D0 ss:$0x1], $0xffff;
	[tilespmem:v9+s19+$0x2E0 ss:$0x1] =	vst.idx.msk $0xffff, v36  }
0xe1: {  	v18 =	vshrl.u32 v18, v11;
	v19 =	vshll.u32 v19, v10;
	v36 =	vor.u32 v49, v50;
	v51 =	vld.idx.msk [tilespmem:v8+s22+$0x260 ss:$0x1], $0xffff  }
0xe2: {  	v18 =	vand.u32 $0xFFFF, v18;
	v19 =	vand.u32 $0xFFFF0000, v19;
	v52 =	vld.idx.msk [tilespmem:v8+s22+$0x2E0 ss:$0x1], $0xffff;
	[tilespmem:v9+s19+$0x270 ss:$0x1] =	vst.idx.msk $0xffff, v36  }
0xe3: {  	v18 =	vor.u32 v18, v19;
	v53 =	vshrl.u32 v27, v11;
	v54 =	vshll.u32 v34, v10;
	v55 =	vld.idx.msk [tilespmem:v8+s22+$0x170 ss:$0x1], $0xffff  }
0xe4: {  	[tilespmem:v9+s19+$0x1C0 ss:$0x1] =	vst.idx.msk $0xffff, v18;
	v56 =	vand.u32 $0xFFFF, v53;
	v57 =	vand.u32 $0xFFFF0000, v54;
	v36 =	vld.idx.msk [tilespmem:v8+s22+$0x1F0 ss:$0x1], $0xffff  }
0xe5: {  	v26 =	vld.idx.msk [tilespmem:v8+s22+$0x330 ss:$0x1], $0xffff;
	v38 =	vshrl.u32 v60, v13;
	v18 =	vor.u32 v56, v57;
	v40 =	vshll.u32 v63, v16  }
0xe6: {  	v33 =	vld.idx.msk [tilespmem:v8+s22+$0x3B0 ss:$0x1], $0xffff;
	v49 =	vand.u32 $0xFFFF, v38;
	v50 =	vand.u32 $0xFFFF0000, v40;
	v58 =	vshrl.u32 v45, v14  }
0xe7: {  	[tilespmem:v9+s19+$0x340 ss:$0x1] =	vst.idx.msk $0xffff, v23;
	v37 =	vshrl.u32 v44, v13;
	v59 =	vshll.u32 v48, v17;
	v61 =	vand.u32 $0xFFFF, v58  }
0xe8: {  	v23 =	vld.idx.msk [tilespmem:v8+s22+$0x340 ss:$0x1], $0xffff;
	v62 =	vand.u32 $0xFFFF0000, v59;
	v42 =	vshrl.u32 v51, v14;
	v43 =	vshll.u32 v52, v17  }
0xe9: {  	v30 =	vld.idx.msk [tilespmem:v8+s22+$0x3C0 ss:$0x1], $0xffff;
	v52 =	vshll.u32 v47, v16;
	v48 =	vshrl.u32 v55, v12;
	v36 =	vshll.u32 v36, v15  }
0xea: {  	[tilespmem:v9+s19+$0x1D0 ss:$0x1] =	vst.idx.msk $0xffff, v18;
	v63 =	vld.idx.msk [tilespmem:v8+s25+$0x20 ss:$0x1], $0xffff;
	v18 =	vor.u32 v61, v62;
	v19 =	vand.u32 $0xFFFF, v48;
	v36 =	vand.u32 $0xFFFF0000, v36  }
0xeb: {  	v47 =	vld.idx.msk [tilespmem:v8+s25+$0x30 ss:$0x1], $0xffff;
	v45 =	vand.u32 $0xFFFF, v42;
	v46 =	vand.u32 $0xFFFF0000, v43;
	[tilespmem:v9+s19+$0x350 ss:$0x1] =	vst.idx.msk $0xffff, v18;
	v36 =	vor.u32 v19, v36  }
0xec: {  	s26 =	sshrl.u32 s25, $0x1;
	v18 =	vor.u32 v45, v46;
	v45 =	vld.idx.msk [tilespmem:v8+s25+$0xA0 ss:$0x1], $0xffff;
	[tilespmem:v9+s19+$0x2F0 ss:$0x1] =	vst.idx.msk $0xffff, v36;
	v36 =	vor.u32 v49, v50  }
0xed: {  	v54 =	vand.u32 $0xFFFF, v37;
	v55 =	vand.u32 $0xFFFF0000, v52;
	v48 =	vld.idx.msk [tilespmem:v8+s25+$0xB0 ss:$0x1], $0xffff;
	[tilespmem:v9+s26+$0x0 ss:$0x1] =	vst.idx.msk $0xffff, v36  }
0xee: {  	v36 =	vor.u32 v54, v55;
	v56 =	vld.idx.msk [tilespmem:v8+s25+$0x100 ss:$0x1], $0xffff  }
0xef: {  	v57 =	vld.idx.msk [tilespmem:v8+s25+$0x180 ss:$0x1], $0xffff;
	[tilespmem:v9+s19+$0x410 ss:$0x1] =	vst.idx.msk $0xffff, v36  }
0xf0: {  	v31 =	vshrl.u32 v31, v11;
	v35 =	vshll.u32 v35, v10;
	v58 =	vld.idx.msk [tilespmem:v8+s25+$0x110 ss:$0x1], $0xffff  }
0xf1: {  	v31 =	vand.u32 $0xFFFF, v31;
	v35 =	vand.u32 $0xFFFF0000, v35;
	v24 =	vshrl.u32 v24, v11;
	v60 =	vld.idx.msk [tilespmem:v8+s25+$0x190 ss:$0x1], $0xffff  }
0xf2: {  	v32 =	vshll.u32 v32, v10;
	v31 =	vor.u32 v31, v35;
	v25 =	vshrl.u32 v25, v11;
	v27 =	vld.idx.msk [tilespmem:v8+s22+$0x350 ss:$0x1], $0xffff  }
0xf3: {  	v24 =	vand.u32 $0xFFFF, v24;
	[tilespmem:v9+s19+$0x1E0 ss:$0x1] =	vst.idx.msk $0xffff, v31;
	v28 =	vshll.u32 v28, v10;
	v25 =	vand.u32 $0xFFFF, v25;
	v34 =	vld.idx.msk [tilespmem:v8+s22+$0x3D0 ss:$0x1], $0xffff  }
0xf4: {  	v28 =	vand.u32 $0xFFFF0000, v28;
	v51 =	vld.idx.msk [tilespmem:v8+s22+$0x270 ss:$0x1], $0xffff;
	v46 =	vshrl.u32 v56, v12;
	v37 =	vshll.u32 v57, v15  }
0xf5: {  	v59 =	vand.u32 $0xFFFF0000, v32;
	[tilespmem:v9+s19+$0x360 ss:$0x1] =	vst.idx.msk $0xffff, v18;
	v53 =	vld.idx.msk [tilespmem:v8+s22+$0x2F0 ss:$0x1], $0xffff;
	v31 =	vand.u32 $0xFFFF, v46;
	v37 =	vand.u32 $0xFFFF0000, v37  }
0xf6: {  	v18 =	vld.idx.msk [tilespmem:v8+s22+$0x360 ss:$0x1], $0xffff;
	v35 =	vshrl.u32 v58, v12;
	v32 =	vshll.u32 v60, v15;
	v37 =	vor.u32 v31, v37  }
0xf7: {  	v55 =	vshll.u32 v48, v16;
	v48 =	vld.idx.msk [tilespmem:v8+s25+$0x40 ss:$0x1], $0xffff;
	v35 =	vand.u32 $0xFFFF, v35;
	v32 =	vand.u32 $0xFFFF0000, v32;
	[tilespmem:v9+s19+$0x480 ss:$0x1] =	vst.idx.msk $0xffff, v37  }
0xf8: {  	v49 =	vshrl.u32 v63, v13;
	v36 =	vshll.u32 v45, v16;
	v32 =	vor.u32 v35, v32;
	v37 =	vld.idx.msk [tilespmem:v8+s25+$0x200 ss:$0x1], $0xffff  }
0xf9: {  	v52 =	vand.u32 $0xFFFF0000, v36;
	v61 =	vshrl.u32 v51, v14;
	v51 =	vand.u32 $0xFFFF, v49;
	v50 =	vld.idx.msk [tilespmem:v8+s25+$0x280 ss:$0x1], $0xffff;
	[tilespmem:v9+s19+$0x490 ss:$0x1] =	vst.idx.msk $0xffff, v32  }
0xfa: {  	v54 =	vshrl.u32 v47, v13;
	v62 =	vshll.u32 v53, v17;
	v32 =	vor.u32 v51, v52;
	v53 =	vld.idx.msk [tilespmem:v8+s25+$0x210 ss:$0x1], $0xffff  }
0xfb: {  	v25 =	vor.u32 v25, v28;
	v57 =	vand.u32 $0xFFFF, v54;
	v58 =	vand.u32 $0xFFFF0000, v55;
	v56 =	vld.idx.msk [tilespmem:v8+s25+$0x290 ss:$0x1], $0xffff;
	[tilespmem:v9+s19+$0x420 ss:$0x1] =	vst.idx.msk $0xffff, v32  }
0xfc: {  	[tilespmem:v9+s19+$0x380 ss:$0x1] =	vst.idx.msk $0xffff, v25;
	v24 =	vor.u32 v24, v59;
	v32 =	vor.u32 v57, v58;
	v59 =	vld.idx.msk [tilespmem:v8+s25+$0x120 ss:$0x1], $0xffff  }
0xfd: {  	v43 =	vand.u32 $0xFFFF, v61;
	v44 =	vand.u32 $0xFFFF0000, v62;
	v60 =	vld.idx.msk [tilespmem:v8+s25+$0x1A0 ss:$0x1], $0xffff;
	[tilespmem:v9+s19+$0x430 ss:$0x1] =	vst.idx.msk $0xffff, v32  }
0xfe: {  	[tilespmem:v9+s19+$0x1F0 ss:$0x1] =	vst.idx.msk $0xffff, v24;
	v24 =	vor.u32 v43, v44;
	v63 =	vld.idx.msk [tilespmem:v8+s25+$0x130 ss:$0x1], $0xffff  }
0xff: {  	v57 =	vshrl.u32 v48, v13;
	v45 =	vld.idx.msk [tilespmem:v8+s25+$0x1B0 ss:$0x1], $0xffff;
	v61 =	vshrl.u32 v37, v14;
	v62 =	vshll.u32 v50, v17  }
0x100: {  	v19 =	vld.idx.msk [tilespmem:v8+s22+$0x3E0 ss:$0x1], $0xffff;
	[tilespmem:v9+s19+$0x370 ss:$0x1] =	vst.idx.msk $0xffff, v24;
	v43 =	vand.u32 $0xFFFF, v61;
	v44 =	vand.u32 $0xFFFF0000, v62;
	v46 =	vshrl.u32 v53, v14  }
0x101: {  	v50 =	vld.idx.msk [tilespmem:v8+s25+$0xC0 ss:$0x1], $0xffff;
	v47 =	vshll.u32 v56, v17;
	v25 =	vor.u32 v43, v44;
	v49 =	vand.u32 $0xFFFF, v46  }
0x102: {  	v24 =	vld.idx.msk [tilespmem:v8+s22+$0x370 ss:$0x1], $0xffff;
	v36 =	vand.u32 $0xFFFF0000, v47;
	v51 =	vshrl.u32 v59, v12;
	v52 =	vshll.u32 v60, v15  }
0x103: {  	v31 =	vld.idx.msk [tilespmem:v8+s22+$0x3F0 ss:$0x1], $0xffff;
	v60 =	vand.u32 $0xFFFF, v57;
	[tilespmem:v9+s19+$0x500 ss:$0x1] =	vst.idx.msk $0xffff, v25;
	v25 =	vor.u32 v49, v36;
	v36 =	vand.u32 $0xFFFF, v51  }
0x104: {  	v57 =	vld.idx.msk [tilespmem:v8+s25+$0x60 ss:$0x1], $0xffff;
	v38 =	vand.u32 $0xFFFF0000, v52;
	v37 =	vshrl.u32 v63, v12;
	v53 =	vshll.u32 v45, v15  }
0x105: {  	v51 =	vld.idx.msk [tilespmem:v8+s25+$0x50 ss:$0x1], $0xffff;
	v36 =	vor.u32 v36, v38;
	v54 =	vand.u32 $0xFFFF, v37;
	v55 =	vand.u32 $0xFFFF0000, v53  }
0x106: {  	[tilespmem:v9+s19+$0x4A0 ss:$0x1] =	vst.idx.msk $0xffff, v36;
	v36 =	vor.u32 v54, v55;
	v58 =	vshll.u32 v50, v16;
	v54 =	vld.idx.msk [tilespmem:v8+s25+$0xD0 ss:$0x1], $0xffff  }
0x107: {  	v56 =	vld.idx.msk [tilespmem:v8+s25+$0x220 ss:$0x1], $0xffff;
	v61 =	vand.u32 $0xFFFF0000, v58  }
0x108: {  	v59 =	vld.idx.msk [tilespmem:v8+s25+$0x2A0 ss:$0x1], $0xffff;
	[tilespmem:v9+s19+$0x4B0 ss:$0x1] =	vst.idx.msk $0xffff, v36;
	v36 =	vor.u32 v60, v61  }
0x109: {  	v20 =	vshrl.u32 v20, v11;
	v62 =	vld.idx.msk [tilespmem:v8+s25+$0x230 ss:$0x1], $0xffff;
	[tilespmem:v9+s19+$0x440 ss:$0x1] =	vst.idx.msk $0xffff, v36  }
0x10a: {  	v21 =	vshll.u32 v21, v10;
	v20 =	vand.u32 $0xFFFF, v20;
	v36 =	vld.idx.msk [tilespmem:v8+s25+$0x140 ss:$0x1], $0xffff  }
0x10b: {  	v21 =	vand.u32 $0xFFFF0000, v21;
	v44 =	vshrl.u32 v22, v11;
	v45 =	vshll.u32 v29, v10;
	v48 =	vld.idx.msk [tilespmem:v8+s25+$0x1C0 ss:$0x1], $0xffff  }
0x10c: {  	v20 =	vor.u32 v20, v21;
	v46 =	vand.u32 $0xFFFF, v44;
	v28 =	vld.idx.msk [tilespmem:v8+s25+$0x300 ss:$0x1], $0xffff;
	v47 =	vand.u32 $0xFFFF0000, v45  }
0x10d: {  	[tilespmem:v9+s19+$0x390 ss:$0x1] =	vst.idx.msk $0xffff, v20;
	v20 =	vor.u32 v46, v47;
	v60 =	vld.idx.msk [tilespmem:v8+s25+$0xE0 ss:$0x1], $0xffff  }
0x10e: {  	v63 =	vld.idx.msk [tilespmem:v8+s25+$0x2B0 ss:$0x1], $0xffff;
	v38 =	vshrl.u32 v51, v13;
	v49 =	vshrl.u32 v56, v14;
	v50 =	vshll.u32 v59, v17  }
0x10f: {  	v35 =	vld.idx.msk [tilespmem:v8+s25+$0x380 ss:$0x1], $0xffff;
	[tilespmem:v9+s19+$0x510 ss:$0x1] =	vst.idx.msk $0xffff, v25;
	v40 =	vshll.u32 v54, v16;
	v52 =	vand.u32 $0xFFFF, v49;
	v53 =	vand.u32 $0xFFFF0000, v50  }
0x110: {  	v25 =	vld.idx.msk [tilespmem:v8+s25+$0x310 ss:$0x1], $0xffff;
	v55 =	vshrl.u32 v62, v14;
	v61 =	vshrl.u32 v36, v12;
	v22 =	vshll.u32 v48, v15  }
0x111: {  	v32 =	vld.idx.msk [tilespmem:v8+s25+$0x390 ss:$0x1], $0xffff;
	[tilespmem:v9+s19+$0x3A0 ss:$0x1] =	vst.idx.msk $0xffff, v20;
	v20 =	vor.u32 v52, v53;
	v62 =	vand.u32 $0xFFFF, v61;
	v22 =	vand.u32 $0xFFFF0000, v22  }
0x112: {  	v46 =	vshll.u32 v60, v16;
	v60 =	vld.idx.msk [tilespmem:v8+s25+$0x70 ss:$0x1], $0xffff;
	[tilespmem:v9+s19+$0x520 ss:$0x1] =	vst.idx.msk $0xffff, v20;
	v22 =	vor.u32 v62, v22  }
0x113: {  	v44 =	vand.u32 $0xFFFF0000, v40;
	v56 =	vshll.u32 v63, v17;
	v63 =	vand.u32 $0xFFFF, v38;
	v29 =	vld.idx.msk [tilespmem:v8+s25+$0x320 ss:$0x1], $0xffff;
	[tilespmem:v9+s19+$0x4C0 ss:$0x1] =	vst.idx.msk $0xffff, v22  }
0x114: {  	v37 =	vshrl.u32 v57, v13;
	v22 =	vor.u32 v63, v44;
	v45 =	vld.idx.msk [tilespmem:v8+s25+$0x240 ss:$0x1], $0xffff  }
0x115: {  	v49 =	vand.u32 $0xFFFF0000, v46;
	v48 =	vand.u32 $0xFFFF, v37;
	v47 =	vld.idx.msk [tilespmem:v8+s25+$0x2C0 ss:$0x1], $0xffff;
	[tilespmem:v9+s19+$0x450 ss:$0x1] =	vst.idx.msk $0xffff, v22  }
0x116: {  	v26 =	vshrl.u32 v26, v11;
	v22 =	vor.u32 v48, v49;
	v50 =	vld.idx.msk [tilespmem:v8+s25+$0x150 ss:$0x1], $0xffff  }
0x117: {  	v33 =	vshll.u32 v33, v10;
	v26 =	vand.u32 $0xFFFF, v26;
	v51 =	vld.idx.msk [tilespmem:v8+s25+$0x1D0 ss:$0x1], $0xffff;
	[tilespmem:v9+s19+$0x460 ss:$0x1] =	vst.idx.msk $0xffff, v22  }
0x118: {  	v33 =	vand.u32 $0xFFFF0000, v33;
	v58 =	vand.u32 $0xFFFF, v55;
	v59 =	vand.u32 $0xFFFF0000, v56;
	v54 =	vld.idx.msk [tilespmem:v8+s25+$0x160 ss:$0x1], $0xffff  }
0x119: {  	v23 =	vshrl.u32 v23, v11;
	v53 =	vshll.u32 v30, v10;
	v20 =	vor.u32 v58, v59;
	v57 =	vld.idx.msk [tilespmem:v8+s25+$0x1E0 ss:$0x1], $0xffff  }
0x11a: {  	v52 =	vor.u32 v26, v33;
	v55 =	vand.u32 $0xFFFF, v23;
	v56 =	vand.u32 $0xFFFF0000, v53;
	v36 =	vld.idx.msk [tilespmem:v8+s25+$0x3A0 ss:$0x1], $0xffff;
	[tilespmem:v9+s19+$0x530 ss:$0x1] =	vst.idx.msk $0xffff, v20  }
0x11b: {  	v21 =	vld.idx.msk [tilespmem:v8+s25+$0x330 ss:$0x1], $0xffff;
	v22 =	vor.u32 v55, v56;
	v58 =	vshrl.u32 v45, v14;
	v59 =	vshll.u32 v47, v17  }
0x11c: {  	[tilespmem:v9+s19+$0x3B0 ss:$0x1] =	vst.idx.msk $0xffff, v52;
	v63 =	vld.idx.msk [tilespmem:v8+s25+$0xF0 ss:$0x1], $0xffff;
	v61 =	vand.u32 $0xFFFF, v58;
	v62 =	vand.u32 $0xFFFF0000, v59;
	v43 =	vshrl.u32 v50, v12  }
0x11d: {  	s28 =	sor.u32 $0xC00, s20;
	[tilespmem:v9+s19+$0x3C0 ss:$0x1] =	vst.idx.msk $0xffff, v22;
	v44 =	vshll.u32 v51, v15;
	v22 =	vor.u32 v61, v62;
	v46 =	vand.u32 $0xFFFF, v43  }
0x11e: {  	v48 =	vld.idx.msk [tilespmem:v8+s28+$0x80 ss:$0x1], $0xffff;
	v47 =	vand.u32 $0xFFFF0000, v44;
	v49 =	vshrl.u32 v54, v12;
	v50 =	vshll.u32 v57, v15  }
0x11f: {  	v45 =	vld.idx.msk [tilespmem:v8+s28+$0x0 ss:$0x1], $0xffff;
	v54 =	vshrl.u32 v60, v13;
	[tilespmem:v9+s19+$0x540 ss:$0x1] =	vst.idx.msk $0xffff, v22;
	v22 =	vor.u32 v46, v47  }
0x120: {  	v51 =	vand.u32 $0xFFFF, v49;
	v52 =	vand.u32 $0xFFFF0000, v50;
	v57 =	vand.u32 $0xFFFF, v54;
	v54 =	vld.idx.msk [tilespmem:v8+s28+$0x10 ss:$0x1], $0xffff;
	[tilespmem:v9+s19+$0x4D0 ss:$0x1] =	vst.idx.msk $0xffff, v22  }
0x121: {  	v55 =	vshll.u32 v63, v16;
	v22 =	vor.u32 v51, v52;
	v53 =	vld.idx.msk [tilespmem:v8+s25+$0x250 ss:$0x1], $0xffff  }
0x122: {  	v58 =	vand.u32 $0xFFFF0000, v55;
	v56 =	vld.idx.msk [tilespmem:v8+s25+$0x2D0 ss:$0x1], $0xffff;
	[tilespmem:v9+s19+$0x4E0 ss:$0x1] =	vst.idx.msk $0xffff, v22  }
0x123: {  	v27 =	vshrl.u32 v27, v11;
	v22 =	vor.u32 v57, v58;
	v59 =	vld.idx.msk [tilespmem:v8+s25+$0x260 ss:$0x1], $0xffff  }
0x124: {  	v61 =	vshll.u32 v48, v16;
	v60 =	vshrl.u32 v45, v13;
	v62 =	vld.idx.msk [tilespmem:v8+s25+$0x2E0 ss:$0x1], $0xffff;
	[tilespmem:v9+s19+$0x470 ss:$0x1] =	vst.idx.msk $0xffff, v22  }
0x125: {  	v34 =	vshll.u32 v34, v10;
	v37 =	vand.u32 $0xFFFF0000, v61;
	v63 =	vand.u32 $0xFFFF, v60;
	v41 =	vld.idx.msk [tilespmem:v8+s25+$0x170 ss:$0x1], $0xffff  }
0x126: {  	s20 =	sshrl.u32 s28, $0x1;
	v42 =	vand.u32 $0xFFFF, v27;
	v43 =	vand.u32 $0xFFFF0000, v34;
	v22 =	vor.u32 v63, v37;
	v44 =	vld.idx.msk [tilespmem:v8+s25+$0x1F0 ss:$0x1], $0xffff  }
0x127: {  	v20 =	vld.idx.msk [tilespmem:v8+s25+$0x3B0 ss:$0x1], $0xffff;
	v45 =	vor.u32 v42, v43;
	[tilespmem:v9+s20+$0x0 ss:$0x1] =	vst.idx.msk $0xffff, v22  }
0x128: {  	v63 =	vshrl.u32 v54, v13;
	v48 =	vld.idx.msk [tilespmem:v8+s28+$0x100 ss:$0x1], $0xffff;
	v46 =	vshrl.u32 v53, v14;
	v47 =	vshll.u32 v56, v17  }
0x129: {  	v51 =	vld.idx.msk [tilespmem:v8+s28+$0x180 ss:$0x1], $0xffff;
	v49 =	vand.u32 $0xFFFF, v46;
	v50 =	vand.u32 $0xFFFF0000, v47;
	v52 =	vshrl.u32 v59, v14  }
0x12a: {  	v57 =	vld.idx.msk [tilespmem:v8+s28+$0x90 ss:$0x1], $0xffff;
	v53 =	vshll.u32 v62, v17;
	v22 =	vor.u32 v49, v50;
	v55 =	vand.u32 $0xFFFF, v52  }
0x12b: {  	v30 =	vld.idx.msk [tilespmem:v8+s25+$0x340 ss:$0x1], $0xffff;
	v56 =	vand.u32 $0xFFFF0000, v53;
	v58 =	vshrl.u32 v41, v12;
	v34 =	vshll.u32 v44, v15  }
0x12c: {  	v26 =	vld.idx.msk [tilespmem:v8+s25+$0x3C0 ss:$0x1], $0xffff;
	[tilespmem:v9+s19+$0x550 ss:$0x1] =	vst.idx.msk $0xffff, v22;
	v22 =	vor.u32 v55, v56;
	v59 =	vand.u32 $0xFFFF, v58;
	v60 =	vand.u32 $0xFFFF0000, v34  }
0x12d: {  	v46 =	vand.u32 $0xFFFF, v63;
	v63 =	vld.idx.msk [tilespmem:v8+s28+$0x30 ss:$0x1], $0xffff;
	[tilespmem:v9+s19+$0x560 ss:$0x1] =	vst.idx.msk $0xffff, v22;
	v22 =	vor.u32 v59, v60  }
0x12e: {  	v58 =	vld.idx.msk [tilespmem:v8+s28+$0x20 ss:$0x1], $0xffff;
	v33 =	vshrl.u32 v48, v12;
	v27 =	vshll.u32 v51, v15;
	[tilespmem:v9+s19+$0x4F0 ss:$0x1] =	vst.idx.msk $0xffff, v22  }
0x12f: {  	v44 =	vshll.u32 v57, v16;
	v61 =	vand.u32 $0xFFFF, v33;
	v27 =	vand.u32 $0xFFFF0000, v27;
	v62 =	vld.idx.msk [tilespmem:v8+s25+$0x270 ss:$0x1], $0xffff  }
0x130: {  	[tilespmem:v9+s19+$0x3D0 ss:$0x1] =	vst.idx.msk $0xffff, v45;
	v47 =	vand.u32 $0xFFFF0000, v44;
	v22 =	vor.u32 v61, v27;
	v45 =	vld.idx.msk [tilespmem:v8+s25+$0x2F0 ss:$0x1], $0xffff  }
0x131: {  	[tilespmem:v9+s19+$0x680 ss:$0x1] =	vst.idx.msk $0xffff, v22;
	v22 =	vor.u32 v46, v47;
	v46 =	vld.idx.msk [tilespmem:v8+s28+$0xB0 ss:$0x1], $0xffff  }
0x132: {  	v18 =	vshrl.u32 v18, v11;
	v19 =	vshll.u32 v19, v10;
	v48 =	vld.idx.msk [tilespmem:v8+s28+$0x200 ss:$0x1], $0xffff  }
0x133: {  	v18 =	vand.u32 $0xFFFF, v18;
	v19 =	vand.u32 $0xFFFF0000, v19;
	v49 =	vld.idx.msk [tilespmem:v8+s28+$0x280 ss:$0x1], $0xffff;
	[tilespmem:v9+s19+$0x610 ss:$0x1] =	vst.idx.msk $0xffff, v22  }
0x134: {  	v18 =	vor.u32 v18, v19;
	v50 =	vshrl.u32 v24, v11;
	v51 =	vshll.u32 v31, v10;
	v52 =	vld.idx.msk [tilespmem:v8+s28+$0x110 ss:$0x1], $0xffff  }
0x135: {  	[tilespmem:v9+s19+$0x3E0 ss:$0x1] =	vst.idx.msk $0xffff, v18;
	v53 =	vand.u32 $0xFFFF, v50;
	v54 =	vand.u32 $0xFFFF0000, v51;
	v55 =	vld.idx.msk [tilespmem:v8+s28+$0x190 ss:$0x1], $0xffff  }
0x136: {  	v37 =	vld.idx.msk [tilespmem:v8+s25+$0x350 ss:$0x1], $0xffff;
	v18 =	vor.u32 v53, v54;
	v56 =	vshrl.u32 v62, v14;
	v57 =	vshll.u32 v45, v17  }
0x137: {  	v38 =	vld.idx.msk [tilespmem:v8+s25+$0x3D0 ss:$0x1], $0xffff;
	[tilespmem:v9+s19+$0x3F0 ss:$0x1] =	vst.idx.msk $0xffff, v18;
	v50 =	vshrl.u32 v58, v13;
	v59 =	vand.u32 $0xFFFF, v56;
	v60 =	vand.u32 $0xFFFF0000, v57  }
0x138: {  	v61 =	vld.idx.msk [tilespmem:v8+s28+$0xA0 ss:$0x1], $0xffff;
	v56 =	vshll.u32 v46, v16;
	v18 =	vor.u32 v59, v60;
	v62 =	vshrl.u32 v48, v14  }
0x139: {  	v34 =	vld.idx.msk [tilespmem:v8+s25+$0x360 ss:$0x1], $0xffff;
	v27 =	vshll.u32 v49, v17;
	v59 =	vand.u32 $0xFFFF0000, v56;
	v44 =	vand.u32 $0xFFFF, v62  }
0x13a: {  	v23 =	vld.idx.msk [tilespmem:v8+s25+$0x3E0 ss:$0x1], $0xffff;
	v45 =	vand.u32 $0xFFFF0000, v27;
	v47 =	vshrl.u32 v52, v12;
	v22 =	vshll.u32 v55, v15  }
0x13b: {  	v56 =	vld.idx.msk [tilespmem:v8+s28+$0x50 ss:$0x1], $0xffff;
	[tilespmem:v9+s19+$0x570 ss:$0x1] =	vst.idx.msk $0xffff, v18;
	v18 =	vor.u32 v44, v45;
	v48 =	vand.u32 $0xFFFF, v47;
	v49 =	vand.u32 $0xFFFF0000, v22  }
0x13c: {  	v52 =	vand.u32 $0xFFFF, v50;
	v50 =	vld.idx.msk [tilespmem:v8+s28+$0x40 ss:$0x1], $0xffff;
	[tilespmem:v9+s19+$0x700 ss:$0x1] =	vst.idx.msk $0xffff, v18;
	v18 =	vor.u32 v48, v49  }
0x13d: {  	v51 =	vshll.u32 v61, v16;
	v27 =	vld.idx.msk [tilespmem:v8+s25+$0x370 ss:$0x1], $0xffff;
	[tilespmem:v9+s19+$0x690 ss:$0x1] =	vst.idx.msk $0xffff, v18  }
0x13e: {  	v53 =	vand.u32 $0xFFFF0000, v51;
	v55 =	vshrl.u32 v63, v13;
	v54 =	vld.idx.msk [tilespmem:v8+s28+$0x210 ss:$0x1], $0xffff  }
0x13f: {  	v58 =	vand.u32 $0xFFFF, v55;
	v18 =	vor.u32 v52, v53;
	v57 =	vld.idx.msk [tilespmem:v8+s28+$0x290 ss:$0x1], $0xffff  }
0x140: {  	[tilespmem:v9+s19+$0x620 ss:$0x1] =	vst.idx.msk $0xffff, v18;
	v18 =	vor.u32 v58, v59;
	v58 =	vld.idx.msk [tilespmem:v8+s28+$0xD0 ss:$0x1], $0xffff  }
0x141: {  	v60 =	vld.idx.msk [tilespmem:v8+s28+$0x120 ss:$0x1], $0xffff  }
0x142: {  	v63 =	vld.idx.msk [tilespmem:v8+s28+$0x1A0 ss:$0x1], $0xffff;
	[tilespmem:v9+s19+$0x630 ss:$0x1] =	vst.idx.msk $0xffff, v18  }
0x143: {  	v28 =	vshrl.u32 v28, v11;
	v35 =	vshll.u32 v35, v10;
	v44 =	vld.idx.msk [tilespmem:v8+s28+$0x130 ss:$0x1], $0xffff  }
0x144: {  	v42 =	vshrl.u32 v25, v11;
	v43 =	vshll.u32 v32, v10;
	v61 =	vand.u32 $0xFFFF, v28;
	v47 =	vld.idx.msk [tilespmem:v8+s28+$0x1B0 ss:$0x1], $0xffff  }
0x145: {  	v46 =	vand.u32 $0xFFFF0000, v43;
	v33 =	vld.idx.msk [tilespmem:v8+s25+$0x3F0 ss:$0x1], $0xffff;
	v45 =	vand.u32 $0xFFFF, v42;
	v48 =	vshrl.u32 v54, v14  }
0x146: {  	v24 =	vld.idx.msk [tilespmem:v8+s28+$0x300 ss:$0x1], $0xffff;
	v18 =	vor.u32 v45, v46;
	v49 =	vshll.u32 v57, v17;
	v51 =	vand.u32 $0xFFFF, v48  }
0x147: {  	v53 =	vld.idx.msk [tilespmem:v8+s28+$0xC0 ss:$0x1], $0xffff;
	v52 =	vand.u32 $0xFFFF0000, v49;
	v54 =	vshrl.u32 v60, v12;
	v55 =	vshll.u32 v63, v15  }
0x148: {  	[tilespmem:v9+s19+$0x590 ss:$0x1] =	vst.idx.msk $0xffff, v18;
	v48 =	vshll.u32 v58, v16;
	v18 =	vor.u32 v51, v52;
	v57 =	vand.u32 $0xFFFF, v54  }
0x149: {  	v31 =	vld.idx.msk [tilespmem:v8+s28+$0x380 ss:$0x1], $0xffff;
	v22 =	vand.u32 $0xFFFF0000, v55;
	v28 =	vshrl.u32 v44, v12;
	v25 =	vshll.u32 v47, v15  }
0x14a: {  	v62 =	vand.u32 $0xFFFF0000, v35;
	v51 =	vand.u32 $0xFFFF0000, v48;
	v48 =	vld.idx.msk [tilespmem:v8+s28+$0xE0 ss:$0x1], $0xffff;
	[tilespmem:v9+s19+$0x710 ss:$0x1] =	vst.idx.msk $0xffff, v18;
	v18 =	vor.u32 v57, v22  }
0x14b: {  	v41 =	vor.u32 v61, v62;
	v59 =	vand.u32 $0xFFFF, v28;
	v25 =	vand.u32 $0xFFFF0000, v25;
	v19 =	vld.idx.msk [tilespmem:v8+s28+$0x310 ss:$0x1], $0xffff;
	[tilespmem:v9+s19+$0x6A0 ss:$0x1] =	vst.idx.msk $0xffff, v18  }
0x14c: {  	v61 =	vshrl.u32 v50, v13;
	v62 =	vshll.u32 v53, v16;
	v18 =	vor.u32 v59, v25;
	v60 =	vld.idx.msk [tilespmem:v8+s28+$0x220 ss:$0x1], $0xffff  }
0x14d: {  	v45 =	vand.u32 $0xFFFF0000, v62;
	v44 =	vand.u32 $0xFFFF, v61;
	v63 =	vld.idx.msk [tilespmem:v8+s28+$0x2A0 ss:$0x1], $0xffff;
	[tilespmem:v9+s19+$0x6B0 ss:$0x1] =	vst.idx.msk $0xffff, v18  }
0x14e: {  	v18 =	vor.u32 v44, v45;
	v46 =	vld.idx.msk [tilespmem:v8+s28+$0x230 ss:$0x1], $0xffff  }
0x14f: {  	v29 =	vshrl.u32 v29, v11;
	v49 =	vld.idx.msk [tilespmem:v8+s28+$0x2B0 ss:$0x1], $0xffff;
	[tilespmem:v9+s19+$0x640 ss:$0x1] =	vst.idx.msk $0xffff, v18  }
0x150: {  	v30 =	vshrl.u32 v30, v11;
	v26 =	vshll.u32 v26, v10;
	v47 =	vshrl.u32 v56, v13;
	v53 =	vld.idx.msk [tilespmem:v8+s28+$0x140 ss:$0x1], $0xffff  }
0x151: {  	v23 =	vshll.u32 v23, v10;
	v27 =	vshrl.u32 v27, v11;
	v50 =	vand.u32 $0xFFFF, v47;
	v56 =	vld.idx.msk [tilespmem:v8+s28+$0x1C0 ss:$0x1], $0xffff  }
0x152: {  	v22 =	vld.idx.msk [tilespmem:v8+s28+$0x390 ss:$0x1], $0xffff;
	v18 =	vor.u32 v50, v51;
	v58 =	vshrl.u32 v60, v14;
	v59 =	vshll.u32 v63, v17  }
0x153: {  	v52 =	vshll.u32 v36, v10;
	v44 =	vld.idx.msk [tilespmem:v8+s28+$0x60 ss:$0x1], $0xffff;
	[tilespmem:v9+s19+$0x650 ss:$0x1] =	vst.idx.msk $0xffff, v18;
	v61 =	vand.u32 $0xFFFF, v58;
	v62 =	vand.u32 $0xFFFF0000, v59  }
0x154: {  	s29 =	sor.u32 $0x1, s18;
	v45 =	vshrl.u32 v21, v11;
	v60 =	vld.idx.msk [tilespmem:v8+s28+$0x150 ss:$0x1], $0xffff;
	v42 =	vshrl.u32 v46, v14;
	v18 =	vor.u32 v61, v62  }
0x155: {  	s30 =	sshll.u32 s29, $0x3;
	v23 =	vand.u32 $0xFFFF0000, v23;
	v63 =	vld.idx.msk [tilespmem:v8+s28+$0x1D0 ss:$0x1], $0xffff;
	v43 =	vshll.u32 v49, v17;
	v46 =	vand.u32 $0xFFFF, v42;
	[tilespmem:v9+s19+$0x720 ss:$0x1] =	vst.idx.msk $0xffff, v18  }
0x156: {  	s21 =	sand.u32 $0x3FFFFFF8, s30;
	v47 =	vand.u32 $0xFFFF0000, v43;
	v49 =	vshrl.u32 v53, v12;
	v35 =	vshll.u32 v56, v15;
	v21 =	vld.idx.msk [tilespmem:v8+s28+$0x320 ss:$0x1], $0xffff  }
0x157: {  	s21 =	sadd.s32 s21, s17;
	v18 =	vor.u32 v46, v47;
	v51 =	vand.u32 $0xFFFF, v49;
	v35 =	vand.u32 $0xFFFF0000, v35;
	v28 =	vld.idx.msk [tilespmem:v8+s28+$0x3A0 ss:$0x1], $0xffff  }
0x158: {  	v54 =	vand.u32 $0xFFFF, v29;
	v55 =	vand.u32 $0xFFFF0000, v52;
	[tilespmem:v9+s19+$0x730 ss:$0x1] =	vst.idx.msk $0xffff, v18;
	v18 =	vor.u32 v51, v35;
	v51 =	vld.msk [tilespmem:s21+$0x0 ss:$0x1], $0xff  }
0x159: {  	s31 =	sshll.u32 s29, $0xC;
	v33 =	vshll.u32 v33, v10;
	v24 =	vshrl.u32 v24, v11;
	v57 =	vor.u32 v54, v55;
	v25 =	vld.idx.msk [tilespmem:v8+s28+$0x330 ss:$0x1], $0xffff  }
0x15a: {  	s24 =	sand.u32 $0x3FFFF000, s31;
	[tilespmem:v9+s19+$0x5A0 ss:$0x1] =	vst.idx.msk $0xffff, v57;
	v57 =	vshrl.u32 v44, v13;
	v53 =	vshll.u32 v20, v10;
	v20 =	vld.idx.msk [tilespmem:v8+s28+$0x3B0 ss:$0x1], $0xffff  }
0x15b: {  	v50 =	vand.u32 $0xFFFF, v45;
	v29 =	vshrl.u32 v60, v12;
	[tilespmem:v9+s19+$0x6C0 ss:$0x1] =	vst.idx.msk $0xffff, v18;
	v60 =	vand.u32 $0xFFFF, v57;
	v57 =	vld.idx.msk [tilespmem:v8+s24+$0x0 ss:$0x1], $0xffff  }
0x15c: {  	v45 =	vshll.u32 v38, v10;
	v44 =	vshrl.u32 v37, v11;
	v52 =	vshll.u32 v63, v15;
	v56 =	vld.idx.msk [tilespmem:v8+s28+$0x240 ss:$0x1], $0xffff  }
0x15d: {  	v58 =	vshll.u32 v48, v16;
	v54 =	vand.u32 $0xFFFF, v29;
	v55 =	vand.u32 $0xFFFF0000, v52;
	v59 =	vld.idx.msk [tilespmem:v8+s28+$0x2C0 ss:$0x1], $0xffff  }
0x15e: {  	[tilespmem:v9+s19+$0x580 ss:$0x1] =	vst.idx.msk $0xffff, v41;
	v61 =	vand.u32 $0xFFFF0000, v58;
	v43 =	vand.u32 $0xFFFF0000, v26;
	v18 =	vor.u32 v54, v55;
	v54 =	vld.idx.msk [tilespmem:v8+s28+$0x70 ss:$0x1], $0xffff  }
0x15f: {  	v26 =	vand.u32 $0xFFFF, v44;
	v39 =	vand.u32 $0xFFFF0000, v53;
	v47 =	vand.u32 $0xFFFF0000, v45;
	v55 =	vld.idx.msk [tilespmem:v8+s28+$0xF0 ss:$0x1], $0xffff;
	[tilespmem:v9+s19+$0x6D0 ss:$0x1] =	vst.idx.msk $0xffff, v18  }
0x160: {  	v49 =	vshrl.u32 v34, v11;
	v62 =	vor.u32 v50, v39;
	v18 =	vor.u32 v60, v61;
	v63 =	vld.idx.msk [tilespmem:v8+s28+$0x250 ss:$0x1], $0xffff  }
0x161: {  	v41 =	vand.u32 $0xFFFF, v30;
	v26 =	vor.u32 v26, v47;
	v29 =	vand.u32 $0xFFFF, v49;
	v42 =	vld.idx.msk [tilespmem:v8+s28+$0x2D0 ss:$0x1], $0xffff;
	[tilespmem:v9+s19+$0x660 ss:$0x1] =	vst.idx.msk $0xffff, v18  }
0x162: {  	v18 =	vor.u32 v41, v43;
	v46 =	vld.idx.msk [tilespmem:v8+s28+$0x160 ss:$0x1], $0xffff;
	v50 =	vshrl.u32 v56, v14;
	v53 =	vshll.u32 v59, v17  }
0x163: {  	v23 =	vor.u32 v29, v23;
	v48 =	vld.idx.msk [tilespmem:v8+s28+$0x1E0 ss:$0x1], $0xffff;
	[tilespmem:v9+s19+$0x5C0 ss:$0x1] =	vst.idx.msk $0xffff, v18;
	v52 =	vand.u32 $0xFFFF, v50;
	v34 =	vand.u32 $0xFFFF0000, v53  }
0x164: {  	v60 =	vld.idx.msk [tilespmem:v8+s24+$0x10 ss:$0x1], $0xffff;
	v37 =	vshrl.u32 v54, v13;
	v16 =	vshll.u32 v55, v16;
	v18 =	vor.u32 v52, v34  }
0x165: {  	[tilespmem:v9+s19+$0x5B0 ss:$0x1] =	vst.idx.msk $0xffff, v62;
	v59 =	vld.idx.msk [tilespmem:v8+s24+$0x80 ss:$0x1], $0xffff;
	v37 =	vand.u32 $0xFFFF, v37;
	v39 =	vand.u32 $0xFFFF0000, v16;
	v36 =	vshrl.u32 v63, v14  }
0x166: {  	v30 =	vshll.u32 v42, v17;
	[tilespmem:v9+s19+$0x740 ss:$0x1] =	vst.idx.msk $0xffff, v18;
	v63 =	vld.idx.msk [tilespmem:v8+s24+$0x90 ss:$0x1], $0xffff;
	v41 =	vor.u32 v37, v39  }
0x167: {  	v18 =	vshll.u32 v51, $0x4;
	v56 =	vand.u32 $0xFFFF, v36;
	v30 =	vand.u32 $0xFFFF0000, v30;
	v34 =	vld.idx.msk [tilespmem:v8+s28+$0x3C0 ss:$0x1], $0xffff;
	[tilespmem:v9+s19+$0x670 ss:$0x1] =	vst.idx.msk $0xffff, v41  }
0x168: {  	v58 =	vshrl.u32 v46, v12;
	v32 =	vshll.u32 v48, v15;
	v62 =	vperm.xlane v18, v2;
	v45 =	vld.idx.msk [tilespmem:v8+s28+$0x170 ss:$0x1], $0xffff  }
0x169: {  	[tilespmem:v9+s19+$0x5D0 ss:$0x1] =	vst.idx.msk $0xffff, v26;
	v26 =	vor.u32 v56, v30;
	v30 =	vand.u32 $0xFFFF, v58;
	v32 =	vand.u32 $0xFFFF0000, v32;
	v47 =	vld.idx.msk [tilespmem:v8+s28+$0x1F0 ss:$0x1], $0xffff  }
0x16a: {  	[tilespmem:v9+s19+$0x5E0 ss:$0x1] =	vst.idx.msk $0xffff, v23;
	v13 =	vperm.xlane v18, v1;
	v61 =	vor.u32 v30, v32;
	v32 =	vld.idx.msk [tilespmem:v8+s28+$0x340 ss:$0x1], $0xffff  }
0x16b: {  	v27 =	vand.u32 $0xFFFF, v27;
	v53 =	vshll.u32 v31, v10;
	[tilespmem:v9+s19+$0x750 ss:$0x1] =	vst.idx.msk $0xffff, v26;
	v16 =	vsub.s32 $0x10, v62;
	v62 =	vld.idx.msk [tilespmem:v8+s24+$0xA0 ss:$0x1], $0xffff  }
0x16c: {  	v54 =	vand.u32 $0xFFFF, v24;
	v36 =	vshrl.u32 v57, v13;
	v26 =	vld.idx.msk [tilespmem:v8+s28+$0x350 ss:$0x1], $0xffff;
	v42 =	vshll.u32 v59, v16  }
0x16d: {  	v51 =	vand.u32 $0xFFFF0000, v33;
	[tilespmem:v9+s19+$0x6E0 ss:$0x1] =	vst.idx.msk $0xffff, v61;
	v43 =	vand.u32 $0xFFFF, v36;
	v59 =	vld.idx.msk [tilespmem:v8+s24+$0x20 ss:$0x1], $0xffff;
	v44 =	vand.u32 $0xFFFF0000, v42  }
0x16e: {  	s20 =	sshrl.u32 s31, $0x1;
	v55 =	vand.u32 $0xFFFF0000, v53;
	v27 =	vor.u32 v27, v51;
	v38 =	vld.idx.msk [tilespmem:v8+s28+$0x260 ss:$0x1], $0xffff;
	v30 =	vor.u32 v43, v44  }
0x16f: {  	v35 =	vshrl.u32 v60, v13;
	v46 =	vshll.u32 v63, v16;
	v63 =	vld.idx.msk [tilespmem:v8+s28+$0x2E0 ss:$0x1], $0xffff;
	[tilespmem:v9+s20+$0x0 ss:$0x1] =	vst.idx.msk $0xffff, v30  }
0x170: {  	v56 =	vperm.xlane v18, v4;
	[tilespmem:v9+s19+$0x5F0 ss:$0x1] =	vst.idx.msk $0xffff, v27;
	v48 =	vand.u32 $0xFFFF, v35;
	v49 =	vand.u32 $0xFFFF0000, v46;
	v50 =	vld.idx.msk [tilespmem:v8+s24+$0x100 ss:$0x1], $0xffff  }
0x171: {  	v30 =	vor.u32 v48, v49;
	v58 =	vshrl.u32 v45, v12;
	v15 =	vshll.u32 v47, v15;
	v52 =	vld.idx.msk [tilespmem:v8+s24+$0x180 ss:$0x1], $0xffff  }
0x172: {  	v23 =	vor.u32 v54, v55;
	v33 =	vld.idx.msk [tilespmem:v8+s28+$0x3D0 ss:$0x1], $0xffff;
	[tilespmem:v9+s20+$0x10 ss:$0x1] =	vst.idx.msk $0xffff, v30;
	v60 =	vand.u32 $0xFFFF, v58;
	v61 =	vand.u32 $0xFFFF0000, v15  }
0x173: {  	v12 =	vperm.xlane v18, v3;
	v15 =	vsub.s32 $0x10, v56;
	v30 =	vld.idx.msk [tilespmem:v8+s24+$0x110 ss:$0x1], $0xffff;
	v27 =	vor.u32 v60, v61  }
0x174: {  	v57 =	vld.idx.msk [tilespmem:v8+s24+$0x190 ss:$0x1], $0xffff;
	[tilespmem:v9+s19+$0x6F0 ss:$0x1] =	vst.idx.msk $0xffff, v27;
	v49 =	vshrl.u32 v38, v14;
	v55 =	vshll.u32 v63, v17  }
0x175: {  	[tilespmem:v9+s19+$0x780 ss:$0x1] =	vst.idx.msk $0xffff, v23;
	v54 =	vshrl.u32 v59, v13;
	v46 =	vld.idx.msk [tilespmem:v8+s28+$0x270 ss:$0x1], $0xffff;
	v59 =	vand.u32 $0xFFFF, v49;
	v60 =	vand.u32 $0xFFFF0000, v55  }
0x176: {  	v55 =	vld.idx.msk [tilespmem:v8+s24+$0xB0 ss:$0x1], $0xffff;
	v23 =	vor.u32 v59, v60;
	v42 =	vshrl.u32 v50, v12;
	v43 =	vshll.u32 v52, v15  }
0x177: {  	v50 =	vld.idx.msk [tilespmem:v8+s28+$0x2F0 ss:$0x1], $0xffff;
	[tilespmem:v9+s19+$0x760 ss:$0x1] =	vst.idx.msk $0xffff, v23;
	v44 =	vand.u32 $0xFFFF, v42;
	v45 =	vand.u32 $0xFFFF0000, v43  }
0x178: {  	v31 =	vld.idx.msk [tilespmem:v8+s28+$0x360 ss:$0x1], $0xffff;
	v24 =	vor.u32 v44, v45  }
0x179: {  	v47 =	vshrl.u32 v30, v12;
	v48 =	vshll.u32 v57, v15;
	v30 =	vld.idx.msk [tilespmem:v8+s28+$0x3E0 ss:$0x1], $0xffff;
	[tilespmem:v9+s20+$0x80 ss:$0x1] =	vst.idx.msk $0xffff, v24  }
0x17a: {  	v29 =	vshll.u32 v62, v16;
	v51 =	vand.u32 $0xFFFF, v47;
	v52 =	vand.u32 $0xFFFF0000, v48;
	v53 =	vld.idx.msk [tilespmem:v8+s24+$0x200 ss:$0x1], $0xffff  }
0x17b: {  	v58 =	vand.u32 $0xFFFF0000, v29;
	v57 =	vand.u32 $0xFFFF, v54;
	v24 =	vor.u32 v51, v52;
	v56 =	vld.idx.msk [tilespmem:v8+s24+$0x280 ss:$0x1], $0xffff  }
0x17c: {  	[tilespmem:v9+s20+$0x90 ss:$0x1] =	vst.idx.msk $0xffff, v24;
	v24 =	vor.u32 v57, v58;
	v58 =	vld.idx.msk [tilespmem:v8+s24+$0x40 ss:$0x1], $0xffff  }
0x17d: {  	v19 =	vshrl.u32 v19, v11;
	v61 =	vld.idx.msk [tilespmem:v8+s24+$0x210 ss:$0x1], $0xffff  }
0x17e: {  	v40 =	vshrl.u32 v46, v14;
	v63 =	vld.idx.msk [tilespmem:v8+s24+$0x290 ss:$0x1], $0xffff;
	[tilespmem:v9+s20+$0x20 ss:$0x1] =	vst.idx.msk $0xffff, v24;
	v17 =	vshll.u32 v50, v17  }
0x17f: {  	v21 =	vshrl.u32 v21, v11;
	v42 =	vand.u32 $0xFFFF, v40;
	v41 =	vld.idx.msk [tilespmem:v8+s24+$0x120 ss:$0x1], $0xffff;
	v43 =	vand.u32 $0xFFFF0000, v17  }
0x180: {  	v28 =	vshll.u32 v28, v10;
	v62 =	vperm.xlane v18, v5;
	v44 =	vld.idx.msk [tilespmem:v8+s24+$0x1A0 ss:$0x1], $0xffff;
	v23 =	vor.u32 v42, v43  }
0x181: {  	v21 =	vand.u32 $0xFFFF, v21;
	v28 =	vand.u32 $0xFFFF0000, v28;
	v14 =	vperm.xlane v18, v0;
	v43 =	vld.idx.msk [tilespmem:v8+s24+$0x60 ss:$0x1], $0xffff;
	[tilespmem:v9+s19+$0x770 ss:$0x1] =	vst.idx.msk $0xffff, v23  }
0x182: {  	v25 =	vshrl.u32 v25, v11;
	v20 =	vshll.u32 v20, v10;
	v17 =	vsub.s32 $0x10, v62;
	v24 =	vld.idx.msk [tilespmem:v8+s28+$0x3F0 ss:$0x1], $0xffff  }
0x183: {  	v21 =	vor.u32 v21, v28;
	v45 =	vshrl.u32 v53, v14;
	v27 =	vshll.u32 v56, v17;
	v53 =	vld.idx.msk [tilespmem:v8+s24+$0x30 ss:$0x1], $0xffff  }
0x184: {  	v20 =	vand.u32 $0xFFFF0000, v20;
	v49 =	vand.u32 $0xFFFF, v19;
	v47 =	vand.u32 $0xFFFF0000, v27;
	v27 =	vld.idx.msk [tilespmem:v8+s28+$0x370 ss:$0x1], $0xffff  }
0x185: {  	v54 =	vand.u32 $0xFFFF, v25;
	v48 =	vshll.u32 v22, v10;
	v37 =	vshrl.u32 v61, v14;
	v61 =	vld.idx.msk [tilespmem:v8+s24+$0xC0 ss:$0x1], $0xffff  }
0x186: {  	v20 =	vor.u32 v54, v20;
	v46 =	vand.u32 $0xFFFF, v45;
	v29 =	vshll.u32 v63, v17;
	v63 =	vld.idx.msk [tilespmem:v8+s24+$0x50 ss:$0x1], $0xffff  }
0x187: {  	v23 =	vor.u32 v46, v47;
	v35 =	vshrl.u32 v41, v12;
	v36 =	vshll.u32 v44, v15;
	v41 =	vld.idx.msk [tilespmem:v8+s24+$0xD0 ss:$0x1], $0xffff  }
0x188: {  	v25 =	vshll.u32 v55, v16;
	v44 =	vld.idx.msk [tilespmem:v8+s24+$0xE0 ss:$0x1], $0xffff;
	[tilespmem:v9+s20+$0x100 ss:$0x1] =	vst.idx.msk $0xffff, v23;
	v35 =	vand.u32 $0xFFFF, v35;
	v36 =	vand.u32 $0xFFFF0000, v36  }
0x189: {  	v37 =	vand.u32 $0xFFFF, v37;
	v29 =	vand.u32 $0xFFFF0000, v29;
	v23 =	vld.idx.msk [tilespmem:v8+s24+$0x300 ss:$0x1], $0xffff;
	v35 =	vor.u32 v35, v36  }
0x18a: {  	v57 =	vshll.u32 v34, v10;
	v37 =	vor.u32 v37, v29;
	v29 =	vld.idx.msk [tilespmem:v8+s24+$0x380 ss:$0x1], $0xffff;
	[tilespmem:v9+s20+$0xA0 ss:$0x1] =	vst.idx.msk $0xffff, v35  }
0x18b: {  	v25 =	vand.u32 $0xFFFF0000, v25;
	v56 =	vshrl.u32 v32, v11;
	v34 =	vshrl.u32 v58, v13;
	v51 =	vld.idx.msk [tilespmem:v8+s24+$0x220 ss:$0x1], $0xffff  }
0x18c: {  	v60 =	vand.u32 $0xFFFF0000, v57;
	v59 =	vand.u32 $0xFFFF, v56;
	[tilespmem:v9+s20+$0x110 ss:$0x1] =	vst.idx.msk $0xffff, v37;
	v42 =	vshrl.u32 v53, v13;
	v52 =	vld.idx.msk [tilespmem:v8+s24+$0x2A0 ss:$0x1], $0xffff  }
0x18d: {  	[tilespmem:v9+s19+$0x7A0 ss:$0x1] =	vst.idx.msk $0xffff, v21;
	v45 =	vand.u32 $0xFFFF, v34;
	v37 =	vand.u32 $0xFFFF0000, v48;
	v22 =	vld.idx.msk [tilespmem:v8+s24+$0x310 ss:$0x1], $0xffff;
	v21 =	vand.u32 $0xFFFF, v42  }
0x18e: {  	v19 =	vld.idx.msk [tilespmem:v8+s24+$0x390 ss:$0x1], $0xffff;
	v32 =	vshll.u32 v61, v16;
	v47 =	vshrl.u32 v63, v13;
	v25 =	vor.u32 v21, v25  }
0x18f: {  	v50 =	vor.u32 v49, v37;
	v32 =	vand.u32 $0xFFFF0000, v32;
	v49 =	vand.u32 $0xFFFF, v47;
	v47 =	vld.idx.msk [tilespmem:v8+s24+$0xF0 ss:$0x1], $0xffff;
	[tilespmem:v9+s20+$0x30 ss:$0x1] =	vst.idx.msk $0xffff, v25  }
0x190: {  	[tilespmem:v9+s19+$0x7B0 ss:$0x1] =	vst.idx.msk $0xffff, v20;
	v20 =	vor.u32 v59, v60;
	v25 =	vor.u32 v45, v32;
	v46 =	vld.idx.msk [tilespmem:v8+s24+$0x130 ss:$0x1], $0xffff  }
0x191: {  	v48 =	vld.idx.msk [tilespmem:v8+s24+$0x1B0 ss:$0x1], $0xffff;
	[tilespmem:v9+s20+$0x40 ss:$0x1] =	vst.idx.msk $0xffff, v25;
	v62 =	vshrl.u32 v51, v14;
	v35 =	vshll.u32 v52, v17  }
0x192: {  	v26 =	vshrl.u32 v26, v11;
	[tilespmem:v9+s19+$0x7C0 ss:$0x1] =	vst.idx.msk $0xffff, v20;
	v53 =	vld.idx.msk [tilespmem:v8+s24+$0x1C0 ss:$0x1], $0xffff;
	v39 =	vand.u32 $0xFFFF, v62;
	v40 =	vand.u32 $0xFFFF0000, v35  }
0x193: {  	[tilespmem:v9+s19+$0x790 ss:$0x1] =	vst.idx.msk $0xffff, v50;
	v51 =	vld.idx.msk [tilespmem:v8+s24+$0x140 ss:$0x1], $0xffff;
	v35 =	vshll.u32 v41, v16;
	v20 =	vor.u32 v39, v40  }
0x194: {  	v52 =	vshll.u32 v44, v16;
	v44 =	vld.idx.msk [tilespmem:v8+s24+$0x70 ss:$0x1], $0xffff;
	v50 =	vand.u32 $0xFFFF0000, v35;
	[tilespmem:v9+s20+$0x120 ss:$0x1] =	vst.idx.msk $0xffff, v20  }
0x195: {  	v26 =	vand.u32 $0xFFFF, v26;
	v28 =	vshrl.u32 v43, v13;
	v25 =	vor.u32 v49, v50;
	v20 =	vld.idx.msk [tilespmem:v8+s24+$0x320 ss:$0x1], $0xffff  }
0x196: {  	v31 =	vshrl.u32 v31, v11;
	v54 =	vand.u32 $0xFFFF, v28;
	v55 =	vand.u32 $0xFFFF0000, v52;
	v21 =	vld.idx.msk [tilespmem:v8+s24+$0x3A0 ss:$0x1], $0xffff;
	[tilespmem:v9+s20+$0x50 ss:$0x1] =	vst.idx.msk $0xffff, v25  }
0x197: {  	v61 =	vshrl.u32 v46, v12;
	v62 =	vshll.u32 v48, v15;
	v25 =	vor.u32 v54, v55;
	v57 =	vld.idx.msk [tilespmem:v8+s24+$0x150 ss:$0x1], $0xffff  }
0x198: {  	v30 =	vshll.u32 v30, v10;
	v39 =	vand.u32 $0xFFFF, v61;
	v40 =	vand.u32 $0xFFFF0000, v62;
	v59 =	vld.idx.msk [tilespmem:v8+s24+$0x1D0 ss:$0x1], $0xffff;
	[tilespmem:v9+s20+$0x60 ss:$0x1] =	vst.idx.msk $0xffff, v25  }
0x199: {  	v43 =	vshll.u32 v53, v15;
	v25 =	vor.u32 v39, v40;
	v42 =	vshrl.u32 v51, v12;
	v63 =	vld.idx.msk [tilespmem:v8+s24+$0x160 ss:$0x1], $0xffff  }
0x19a: {  	v56 =	vshll.u32 v33, v10;
	v46 =	vand.u32 $0xFFFF0000, v43;
	v41 =	vld.idx.msk [tilespmem:v8+s24+$0x1E0 ss:$0x1], $0xffff;
	[tilespmem:v9+s20+$0xB0 ss:$0x1] =	vst.idx.msk $0xffff, v25;
	v45 =	vand.u32 $0xFFFF, v42  }
0x19b: {  	v30 =	vand.u32 $0xFFFF0000, v30;
	v58 =	vand.u32 $0xFFFF0000, v56;
	v48 =	vld.idx.msk [tilespmem:v8+s24+$0x230 ss:$0x1], $0xffff;
	v25 =	vor.u32 v45, v46  }
0x19c: {  	s25 =	sor.u32 $0x400, s31;
	v60 =	vor.u32 v26, v58;
	v35 =	vshll.u32 v47, v16;
	v50 =	vld.idx.msk [tilespmem:v8+s24+$0x2B0 ss:$0x1], $0xffff;
	[tilespmem:v9+s20+$0xC0 ss:$0x1] =	vst.idx.msk $0xffff, v25  }
0x19d: {  	v39 =	vld.idx.msk [tilespmem:v8+s25+$0x0 ss:$0x1], $0xffff;
	v49 =	vshrl.u32 v57, v12;
	v32 =	vshll.u32 v59, v15;
	v59 =	vshrl.u32 v44, v13  }
0x19e: {  	v53 =	vld.idx.msk [tilespmem:v8+s24+$0x240 ss:$0x1], $0xffff;
	v51 =	vand.u32 $0xFFFF, v49;
	v52 =	vand.u32 $0xFFFF0000, v32;
	v54 =	vshrl.u32 v63, v12  }
0x19f: {  	v55 =	vld.idx.msk [tilespmem:v8+s24+$0x2C0 ss:$0x1], $0xffff;
	v28 =	vshll.u32 v41, v15;
	v41 =	vand.u32 $0xFFFF, v31;
	v25 =	vor.u32 v51, v52  }
0x1a0: {  	v56 =	vand.u32 $0xFFFF, v54;
	v26 =	vor.u32 v41, v30;
	v41 =	vld.idx.msk [tilespmem:v8+s25+$0x10 ss:$0x1], $0xffff;
	[tilespmem:v9+s20+$0xD0 ss:$0x1] =	vst.idx.msk $0xffff, v25  }
0x1a1: {  	v57 =	vand.u32 $0xFFFF0000, v28;
	v63 =	vshrl.u32 v48, v14;
	v33 =	vshll.u32 v50, v17;
	v58 =	vld.idx.msk [tilespmem:v8+s24+$0x250 ss:$0x1], $0xffff  }
0x1a2: {  	[tilespmem:v9+s19+$0x7D0 ss:$0x1] =	vst.idx.msk $0xffff, v60;
	v25 =	vor.u32 v56, v57;
	v42 =	vand.u32 $0xFFFF, v63;
	v33 =	vand.u32 $0xFFFF0000, v33;
	v60 =	vld.idx.msk [tilespmem:v8+s24+$0x2D0 ss:$0x1], $0xffff  }
0x1a3: {  	v62 =	vand.u32 $0xFFFF0000, v35;
	v61 =	vand.u32 $0xFFFF, v59;
	[tilespmem:v9+s20+$0xE0 ss:$0x1] =	vst.idx.msk $0xffff, v25;
	v44 =	vor.u32 v42, v33;
	v42 =	vld.idx.msk [tilespmem:v8+s25+$0x90 ss:$0x1], $0xffff  }
0x1a4: {  	v24 =	vshll.u32 v24, v10;
	v25 =	vor.u32 v61, v62;
	v40 =	vld.idx.msk [tilespmem:v8+s24+$0x260 ss:$0x1], $0xffff  }
0x1a5: {  	v27 =	vshrl.u32 v27, v11;
	v11 =	vperm.xlane v18, v6;
	v43 =	vld.idx.msk [tilespmem:v8+s24+$0x2E0 ss:$0x1], $0xffff;
	[tilespmem:v9+s20+$0x70 ss:$0x1] =	vst.idx.msk $0xffff, v25  }
0x1a6: {  	v24 =	vand.u32 $0xFFFF0000, v24;
	v27 =	vand.u32 $0xFFFF, v27;
	v47 =	vld.idx.msk [tilespmem:v8+s24+$0x170 ss:$0x1], $0xffff  }
0x1a7: {  	v23 =	vshrl.u32 v23, v11;
	v45 =	vshrl.u32 v53, v14;
	v46 =	vshll.u32 v55, v17;
	v50 =	vld.idx.msk [tilespmem:v8+s24+$0x1F0 ss:$0x1], $0xffff  }
0x1a8: {  	v22 =	vshrl.u32 v22, v11;
	[tilespmem:v9+s20+$0x130 ss:$0x1] =	vst.idx.msk $0xffff, v44;
	v48 =	vand.u32 $0xFFFF, v45;
	v49 =	vand.u32 $0xFFFF0000, v46;
	v45 =	vld.idx.msk [tilespmem:v8+s25+$0x20 ss:$0x1], $0xffff  }
0x1a9: {  	v51 =	vld.idx.msk [tilespmem:v8+s24+$0x330 ss:$0x1], $0xffff;
	v25 =	vor.u32 v48, v49;
	v28 =	vshrl.u32 v58, v14;
	v52 =	vshll.u32 v60, v17  }
0x1aa: {  	v53 =	vld.idx.msk [tilespmem:v8+s24+$0x3B0 ss:$0x1], $0xffff;
	v54 =	vand.u32 $0xFFFF, v28;
	v55 =	vand.u32 $0xFFFF0000, v52;
	v56 =	vshrl.u32 v40, v14  }
0x1ab: {  	[tilespmem:v9+s20+$0x140 ss:$0x1] =	vst.idx.msk $0xffff, v25;
	v35 =	vshll.u32 v43, v17;
	v25 =	vor.u32 v54, v55;
	v57 =	vand.u32 $0xFFFF, v56  }
0x1ac: {  	v48 =	vld.idx.msk [tilespmem:v8+s25+$0xA0 ss:$0x1], $0xffff;
	v58 =	vand.u32 $0xFFFF0000, v35;
	v59 =	vshrl.u32 v47, v12;
	v32 =	vshll.u32 v50, v15  }
0x1ad: {  	v31 =	vld.idx.msk [tilespmem:v8+s24+$0x340 ss:$0x1], $0xffff;
	[tilespmem:v9+s20+$0x150 ss:$0x1] =	vst.idx.msk $0xffff, v25;
	v25 =	vor.u32 v57, v58;
	v61 =	vand.u32 $0xFFFF, v59;
	v62 =	vand.u32 $0xFFFF0000, v32  }
0x1ae: {  	v30 =	vld.idx.msk [tilespmem:v8+s24+$0x3C0 ss:$0x1], $0xffff;
	v60 =	vperm.xlane v18, v7;
	[tilespmem:v9+s20+$0x160 ss:$0x1] =	vst.idx.msk $0xffff, v25;
	v25 =	vor.u32 v61, v62  }
0x1af: {  	v23 =	vand.u32 $0xFFFF, v23;
	v22 =	vand.u32 $0xFFFF, v22;
	v20 =	vshrl.u32 v20, v11;
	v40 =	vld.idx.msk [tilespmem:v8+s25+$0x80 ss:$0x1], $0xffff;
	[tilespmem:v9+s20+$0xF0 ss:$0x1] =	vst.idx.msk $0xffff, v25  }
0x1b0: {  	v20 =	vand.u32 $0xFFFF, v20;
	v49 =	vshrl.u32 v39, v13;
	v10 =	vsub.s32 $0x10, v60;
	v33 =	vld.idx.msk [tilespmem:v8+s24+$0x270 ss:$0x1], $0xffff  }
0x1b1: {  	v43 =	vshrl.u32 v51, v11;
	v56 =	vshrl.u32 v41, v13;
	v63 =	vshll.u32 v29, v10;
	v38 =	vld.idx.msk [tilespmem:v8+s24+$0x2F0 ss:$0x1], $0xffff  }
0x1b2: {  	v51 =	vld.idx.msk [tilespmem:v8+s25+$0x30 ss:$0x1], $0xffff;
	v19 =	vshll.u32 v19, v10;
	v21 =	vshll.u32 v21, v10;
	v52 =	vshll.u32 v53, v10  }
0x1b3: {  	v55 =	vld.idx.msk [tilespmem:v8+s25+$0xB0 ss:$0x1], $0xffff;
	v53 =	vand.u32 $0xFFFF, v49;
	v58 =	vand.u32 $0xFFFF, v56;
	v19 =	vand.u32 $0xFFFF0000, v19  }
0x1b4: {  	[tilespmem:v9+s19+$0x7E0 ss:$0x1] =	vst.idx.msk $0xffff, v26;
	v35 =	vld.idx.msk [tilespmem:v8+s24+$0x350 ss:$0x1], $0xffff;
	v21 =	vand.u32 $0xFFFF0000, v21;
	v25 =	vand.u32 $0xFFFF0000, v63;
	v19 =	vor.u32 v22, v19  }
0x1b5: {  	v37 =	vld.idx.msk [tilespmem:v8+s24+$0x3D0 ss:$0x1], $0xffff;
	v20 =	vor.u32 v20, v21;
	v21 =	vshll.u32 v42, v16;
	v50 =	vshll.u32 v40, v16  }
0x1b6: {  	v32 =	vld.idx.msk [tilespmem:v8+s24+$0x360 ss:$0x1], $0xffff;
	v21 =	vand.u32 $0xFFFF0000, v21;
	v44 =	vshrl.u32 v33, v14;
	v26 =	vshll.u32 v38, v17  }
0x1b7: {  	v18 =	vld.idx.msk [tilespmem:v8+s24+$0x3E0 ss:$0x1], $0xffff;
	v21 =	vor.u32 v58, v21;
	v46 =	vand.u32 $0xFFFF, v44;
	v47 =	vand.u32 $0xFFFF0000, v26  }
0x1b8: {  	v23 =	vor.u32 v23, v25;
	v54 =	vand.u32 $0xFFFF0000, v50;
	[tilespmem:v9+s20+$0x210 ss:$0x1] =	vst.idx.msk $0xffff, v21;
	v22 =	vor.u32 v46, v47  }
0x1b9: {  	s26 =	sshrl.u32 s25, $0x1;
	v25 =	vshll.u32 v55, v16;
	v55 =	vld.idx.msk [tilespmem:v8+s25+$0x40 ss:$0x1], $0xffff;
	[tilespmem:v9+s20+$0x170 ss:$0x1] =	vst.idx.msk $0xffff, v22;
	v22 =	vor.u32 v53, v54  }
0x1ba: {  	v24 =	vor.u32 v27, v24;
	v36 =	vld.idx.msk [tilespmem:v8+s25+$0x110 ss:$0x1], $0xffff;
	[tilespmem:v9+s26+$0x0 ss:$0x1] =	vst.idx.msk $0xffff, v22  }
0x1bb: {  	[tilespmem:v9+s19+$0x7F0 ss:$0x1] =	vst.idx.msk $0xffff, v24;
	v60 =	vshrl.u32 v45, v13;
	v26 =	vshll.u32 v48, v16;
	v59 =	vld.idx.msk [tilespmem:v8+s25+$0x100 ss:$0x1], $0xffff  }
0x1bc: {  	v61 =	vshrl.u32 v31, v11;
	v63 =	vand.u32 $0xFFFF, v60;
	[tilespmem:v9+s20+$0x190 ss:$0x1] =	vst.idx.msk $0xffff, v19;
	v34 =	vand.u32 $0xFFFF0000, v26;
	v62 =	vld.idx.msk [tilespmem:v8+s25+$0x180 ss:$0x1], $0xffff  }
0x1bd: {  	[tilespmem:v9+s20+$0x1A0 ss:$0x1] =	vst.idx.msk $0xffff, v20;
	v40 =	vld.idx.msk [tilespmem:v8+s25+$0x190 ss:$0x1], $0xffff;
	v38 =	vshrl.u32 v51, v13;
	v21 =	vor.u32 v63, v34  }
0x1be: {  	v39 =	vshll.u32 v30, v10;
	v42 =	vand.u32 $0xFFFF0000, v25;
	v41 =	vand.u32 $0xFFFF, v38;
	v33 =	vld.idx.msk [tilespmem:v8+s24+$0x370 ss:$0x1], $0xffff;
	[tilespmem:v9+s20+$0x220 ss:$0x1] =	vst.idx.msk $0xffff, v21  }
0x1bf: {  	v57 =	vand.u32 $0xFFFF0000, v52;
	v19 =	vand.u32 $0xFFFF, v43;
	[tilespmem:v9+s20+$0x180 ss:$0x1] =	vst.idx.msk $0xffff, v23;
	v21 =	vor.u32 v41, v42;
	v45 =	vld.idx.msk [tilespmem:v8+s25+$0x120 ss:$0x1], $0xffff  }
0x1c0: {  	v43 =	vand.u32 $0xFFFF, v61;
	v19 =	vor.u32 v19, v57;
	v46 =	vld.idx.msk [tilespmem:v8+s25+$0x1A0 ss:$0x1], $0xffff;
	[tilespmem:v9+s20+$0x230 ss:$0x1] =	vst.idx.msk $0xffff, v21  }
0x1c1: {  	v56 =	vshll.u32 v37, v10;
	v49 =	vld.idx.msk [tilespmem:v8+s25+$0x130 ss:$0x1], $0xffff;
	v23 =	vshrl.u32 v59, v12;
	v48 =	vshll.u32 v62, v15  }
0x1c2: {  	[tilespmem:v9+s20+$0x1B0 ss:$0x1] =	vst.idx.msk $0xffff, v19;
	v18 =	vshll.u32 v18, v10;
	v52 =	vld.idx.msk [tilespmem:v8+s25+$0x1B0 ss:$0x1], $0xffff;
	v50 =	vand.u32 $0xFFFF, v23;
	v51 =	vand.u32 $0xFFFF0000, v48  }
0x1c3: {  	v53 =	vshrl.u32 v36, v12;
	v54 =	vshll.u32 v40, v15;
	v29 =	vld.idx.msk [tilespmem:v8+s24+$0x3F0 ss:$0x1], $0xffff;
	v21 =	vor.u32 v50, v51  }
0x1c4: {  	v44 =	vand.u32 $0xFFFF0000, v39;
	v57 =	vand.u32 $0xFFFF, v53;
	v58 =	vand.u32 $0xFFFF0000, v54;
	v59 =	vld.idx.msk [tilespmem:v8+s25+$0xC0 ss:$0x1], $0xffff;
	[tilespmem:v9+s20+$0x280 ss:$0x1] =	vst.idx.msk $0xffff, v21  }
0x1c5: {  	v61 =	vshrl.u32 v45, v12;
	v22 =	vshll.u32 v46, v15;
	v21 =	vor.u32 v57, v58;
	v60 =	vld.idx.msk [tilespmem:v8+s25+$0x200 ss:$0x1], $0xffff  }
0x1c6: {  	v47 =	vshrl.u32 v35, v11;
	v35 =	vand.u32 $0xFFFF, v61;
	v22 =	vand.u32 $0xFFFF0000, v22;
	v63 =	vld.idx.msk [tilespmem:v8+s25+$0x280 ss:$0x1], $0xffff;
	[tilespmem:v9+s20+$0x290 ss:$0x1] =	vst.idx.msk $0xffff, v21  }
0x1c7: {  	v37 =	vshrl.u32 v49, v12;
	v24 =	vshll.u32 v52, v15;
	v21 =	vor.u32 v35, v22;
	v36 =	vld.idx.msk [tilespmem:v8+s25+$0x210 ss:$0x1], $0xffff  }
0x1c8: {  	v20 =	vor.u32 v43, v44;
	v40 =	vand.u32 $0xFFFF, v37;
	v41 =	vand.u32 $0xFFFF0000, v24;
	v39 =	vld.idx.msk [tilespmem:v8+s25+$0x290 ss:$0x1], $0xffff;
	[tilespmem:v9+s20+$0x2A0 ss:$0x1] =	vst.idx.msk $0xffff, v21  }
0x1c9: {  	v43 =	vshrl.u32 v55, v13;
	v21 =	vor.u32 v40, v41;
	v26 =	vshll.u32 v59, v16;
	v42 =	vld.idx.msk [tilespmem:v8+s25+$0x220 ss:$0x1], $0xffff  }
0x1ca: {  	v19 =	vand.u32 $0xFFFF, v47;
	v45 =	vand.u32 $0xFFFF, v43;
	v44 =	vld.idx.msk [tilespmem:v8+s25+$0x2A0 ss:$0x1], $0xffff;
	[tilespmem:v9+s20+$0x2B0 ss:$0x1] =	vst.idx.msk $0xffff, v21;
	v46 =	vand.u32 $0xFFFF0000, v26  }
0x1cb: {  	v48 =	vld.idx.msk [tilespmem:v8+s25+$0x230 ss:$0x1], $0xffff;
	v21 =	vor.u32 v45, v46;
	v47 =	vshrl.u32 v60, v14;
	v30 =	vshll.u32 v63, v17  }
0x1cc: {  	v62 =	vand.u32 $0xFFFF0000, v56;
	v51 =	vld.idx.msk [tilespmem:v8+s25+$0x2B0 ss:$0x1], $0xffff;
	[tilespmem:v9+s20+$0x240 ss:$0x1] =	vst.idx.msk $0xffff, v21;
	v49 =	vand.u32 $0xFFFF, v47;
	v50 =	vand.u32 $0xFFFF0000, v30  }
0x1cd: {  	v55 =	vld.idx.msk [tilespmem:v8+s25+$0x140 ss:$0x1], $0xffff;
	v53 =	vshrl.u32 v36, v14;
	v54 =	vshll.u32 v39, v17;
	v52 =	vor.u32 v49, v50  }
0x1ce: {  	v19 =	vor.u32 v19, v62;
	v58 =	vld.idx.msk [tilespmem:v8+s25+$0x1C0 ss:$0x1], $0xffff;
	v56 =	vand.u32 $0xFFFF, v53;
	v57 =	vand.u32 $0xFFFF0000, v54;
	[tilespmem:v9+s20+$0x300 ss:$0x1] =	vst.idx.msk $0xffff, v52  }
0x1cf: {  	v61 =	vshrl.u32 v42, v14;
	v62 =	vshll.u32 v44, v17;
	v21 =	vor.u32 v56, v57;
	v59 =	vld.idx.msk [tilespmem:v8+s25+$0x300 ss:$0x1], $0xffff  }
0x1d0: {  	v38 =	vshrl.u32 v32, v11;
	v24 =	vand.u32 $0xFFFF0000, v62;
	v60 =	vld.idx.msk [tilespmem:v8+s25+$0x380 ss:$0x1], $0xffff;
	[tilespmem:v9+s20+$0x310 ss:$0x1] =	vst.idx.msk $0xffff, v21;
	v21 =	vand.u32 $0xFFFF, v61  }
0x1d1: {  	v32 =	vshrl.u32 v48, v14;
	v36 =	vshll.u32 v51, v17;
	v63 =	vld.idx.msk [tilespmem:v8+s25+$0x310 ss:$0x1], $0xffff;
	v21 =	vor.u32 v21, v24  }
0x1d2: {  	v25 =	vand.u32 $0xFFFF, v38;
	v35 =	vand.u32 $0xFFFF, v32;
	v37 =	vand.u32 $0xFFFF0000, v36;
	v34 =	vld.idx.msk [tilespmem:v8+s25+$0x390 ss:$0x1], $0xffff;
	[tilespmem:v9+s20+$0x320 ss:$0x1] =	vst.idx.msk $0xffff, v21  }
0x1d3: {  	v26 =	vshrl.u32 v55, v12;
	v23 =	vshll.u32 v58, v15;
	v21 =	vor.u32 v35, v37;
	v38 =	vld.idx.msk [tilespmem:v8+s25+$0x320 ss:$0x1], $0xffff  }
0x1d4: {  	v18 =	vand.u32 $0xFFFF0000, v18;
	v39 =	vand.u32 $0xFFFF, v26;
	v23 =	vand.u32 $0xFFFF0000, v23;
	v41 =	vld.idx.msk [tilespmem:v8+s25+$0x3A0 ss:$0x1], $0xffff;
	[tilespmem:v9+s20+$0x330 ss:$0x1] =	vst.idx.msk $0xffff, v21  }
0x1d5: {  	v18 =	vor.u32 v25, v18;
	[tilespmem:v9+s20+$0x1C0 ss:$0x1] =	vst.idx.msk $0xffff, v20;
	v42 =	vor.u32 v39, v23;
	v45 =	vld.idx.msk [tilespmem:v8+s25+$0x330 ss:$0x1], $0xffff  }
0x1d6: {  	v40 =	vshrl.u32 v33, v11;
	v44 =	vshll.u32 v29, v10;
	[tilespmem:v9+s20+$0x2C0 ss:$0x1] =	vst.idx.msk $0xffff, v42;
	v51 =	vld.idx.msk [tilespmem:v8+s25+$0x3B0 ss:$0x1], $0xffff  }
0x1d7: {  	[tilespmem:v9+s20+$0x1E0 ss:$0x1] =	vst.idx.msk $0xffff, v18;
	v43 =	vand.u32 $0xFFFF, v40;
	v46 =	vand.u32 $0xFFFF0000, v44;
	v47 =	vshrl.u32 v59, v11;
	v48 =	vld.idx.msk [tilespmem:v8+s25+$0x240 ss:$0x1], $0xffff  }
0x1d8: {  	v21 =	vor.u32 v43, v46;
	v22 =	vshll.u32 v60, v10;
	v50 =	vld.idx.msk [tilespmem:v8+s25+$0x2C0 ss:$0x1], $0xffff;
	v49 =	vand.u32 $0xFFFF, v47  }
0x1d9: {  	[tilespmem:v9+s20+$0x1D0 ss:$0x1] =	vst.idx.msk $0xffff, v19;
	v22 =	vand.u32 $0xFFFF0000, v22;
	v20 =	vshrl.u32 v63, v11;
	v52 =	vshll.u32 v34, v10  }
0x1da: {  	[tilespmem:v9+s20+$0x1F0 ss:$0x1] =	vst.idx.msk $0xffff, v21;
	v18 =	vor.u32 v49, v22;
	v20 =	vand.u32 $0xFFFF, v20;
	v53 =	vand.u32 $0xFFFF0000, v52  }
0x1db: {  	v19 =	vshrl.u32 v38, v11;
	v27 =	vshll.u32 v41, v10;
	v55 =	vor.u32 v20, v53  }
0x1dc: {  	[tilespmem:v9+s20+$0x380 ss:$0x1] =	vst.idx.msk $0xffff, v18;
	v19 =	vand.u32 $0xFFFF, v19;
	v54 =	vand.u32 $0xFFFF0000, v27;
	v56 =	vshrl.u32 v45, v11  }
0x1dd: {  	v59 =	vshll.u32 v51, v10;
	v57 =	vshrl.u32 v48, v14;
	v58 =	vshll.u32 v50, v17  }
0x1de: {  	[tilespmem:v9+s20+$0x390 ss:$0x1] =	vst.idx.msk $0xffff, v55;
	v19 =	vor.u32 v19, v54;
	v21 =	vand.u32 $0xFFFF, v57;
	v60 =	vand.u32 $0xFFFF0000, v58  }
0x1df: {  	v61 =	vand.u32 $0xFFFF, v56;
	v18 =	vand.u32 $0xFFFF0000, v59;
	[tilespmem:v9+s20+$0x3A0 ss:$0x1] =	vst.idx.msk $0xffff, v19;
	v62 =	vor.u32 v21, v60  }
0x1e0: {  	v18 =	vor.u32 v61, v18;
	[tilespmem:v9+s20+$0x340 ss:$0x1] =	vst.idx.msk $0xffff, v62  }
0x1e1: {  	[tilespmem:v9+s20+$0x3B0 ss:$0x1] =	vst.idx.msk $0xffff, v18;
	v18 =	vld.idx.msk [tilespmem:v8+s25+$0x340 ss:$0x1], $0xffff  }
0x1e2: {  	v19 =	vld.idx.msk [tilespmem:v8+s25+$0x3C0 ss:$0x1], $0xffff  }
0x1e3: {  	v63 =	vld.idx.msk [tilespmem:v8+s25+$0x50 ss:$0x1], $0xffff  }
0x1e4: {  	v24 =	vld.idx.msk [tilespmem:v8+s25+$0xD0 ss:$0x1], $0xffff  }
0x1e5: {  	v25 =	vld.idx.msk [tilespmem:v8+s25+$0x60 ss:$0x1], $0xffff  }
0x1e6: {  	v26 =	vld.idx.msk [tilespmem:v8+s25+$0xE0 ss:$0x1], $0xffff;
	_ =	sdelay $0x3  }
0x1e7: {  	v20 =	vshrl.u32 v63, v13;
	v21 =	vshll.u32 v24, v16;
	v27 =	vshrl.u32 v25, v13  }
0x1e8: {  	v28 =	vshll.u32 v26, v16;
	v20 =	vand.u32 $0xFFFF, v20;
	v21 =	vand.u32 $0xFFFF0000, v21  }
0x1e9: {  	v29 =	vand.u32 $0xFFFF, v27;
	v30 =	vand.u32 $0xFFFF0000, v28;
	v20 =	vor.u32 v20, v21  }
0x1ea: {  	[tilespmem:v9+s20+$0x250 ss:$0x1] =	vst.idx.msk $0xffff, v20;
	v20 =	vor.u32 v29, v30  }
0x1eb: {  	[tilespmem:v9+s20+$0x260 ss:$0x1] =	vst.idx.msk $0xffff, v20  }
0x1ec: {  	v20 =	vld.idx.msk [tilespmem:v8+s25+$0x160 ss:$0x1], $0xffff  }
0x1ed: {  	v33 =	vld.idx.msk [tilespmem:v8+s25+$0x1E0 ss:$0x1], $0xffff;
	_ =	sdelay $0x1  }
0x1ee: {  	v31 =	vld.idx.msk [tilespmem:v8+s25+$0x150 ss:$0x1], $0xffff  }
0x1ef: {  	v32 =	vld.idx.msk [tilespmem:v8+s25+$0x1D0 ss:$0x1], $0xffff;
	_ =	sdelay $0x1  }
0x1f0: {  	v39 =	vld.idx.msk [tilespmem:v8+s25+$0x70 ss:$0x1], $0xffff;
	v20 =	vshrl.u32 v20, v12;
	v34 =	vshll.u32 v33, v15  }
0x1f1: {  	s28 =	sor.u32 $0x800, s31;
	v40 =	vld.idx.msk [tilespmem:v8+s25+$0xF0 ss:$0x1], $0xffff;
	v20 =	vand.u32 $0xFFFF, v20;
	v35 =	vand.u32 $0xFFFF0000, v34  }
0x1f2: {  	v41 =	vld.idx.msk [tilespmem:v8+s28+$0x0 ss:$0x1], $0xffff;
	v20 =	vor.u32 v20, v35  }
0x1f3: {  	v42 =	vld.idx.msk [tilespmem:v8+s28+$0x80 ss:$0x1], $0xffff;
	v22 =	vshrl.u32 v31, v12;
	v21 =	vshll.u32 v32, v15;
	[tilespmem:v9+s20+$0x2E0 ss:$0x1] =	vst.idx.msk $0xffff, v20  }
0x1f4: {  	v22 =	vand.u32 $0xFFFF, v22;
	v21 =	vand.u32 $0xFFFF0000, v21;
	v20 =	vld.idx.msk [tilespmem:v8+s25+$0x260 ss:$0x1], $0xffff  }
0x1f5: {  	v21 =	vor.u32 v22, v21;
	v38 =	vld.idx.msk [tilespmem:v8+s25+$0x2E0 ss:$0x1], $0xffff  }
0x1f6: {  	[tilespmem:v9+s20+$0x2D0 ss:$0x1] =	vst.idx.msk $0xffff, v21  }
0x1f7: {  	v36 =	vld.idx.msk [tilespmem:v8+s25+$0x250 ss:$0x1], $0xffff  }
0x1f8: {  	v37 =	vld.idx.msk [tilespmem:v8+s25+$0x2D0 ss:$0x1], $0xffff  }
0x1f9: {  	v44 =	vld.idx.msk [tilespmem:v8+s28+$0x10 ss:$0x1], $0xffff;
	v47 =	vshrl.u32 v39, v13;
	v48 =	vshll.u32 v40, v16;
	v51 =	vshrl.u32 v41, v13  }
0x1fa: {  	v46 =	vld.idx.msk [tilespmem:v8+s28+$0x90 ss:$0x1], $0xffff;
	v52 =	vshll.u32 v42, v16;
	v20 =	vshrl.u32 v20, v14;
	v43 =	vshll.u32 v38, v17  }
0x1fb: {  	v39 =	vld.idx.msk [tilespmem:v8+s28+$0xB0 ss:$0x1], $0xffff;
	v49 =	vand.u32 $0xFFFF, v47;
	v20 =	vand.u32 $0xFFFF, v20;
	v45 =	vand.u32 $0xFFFF0000, v43  }
0x1fc: {  	v50 =	vand.u32 $0xFFFF0000, v48;
	v22 =	vshrl.u32 v36, v14;
	v36 =	vld.idx.msk [tilespmem:v8+s28+$0x20 ss:$0x1], $0xffff;
	v20 =	vor.u32 v20, v45  }
0x1fd: {  	v21 =	vshll.u32 v37, v17;
	v37 =	vld.idx.msk [tilespmem:v8+s28+$0xA0 ss:$0x1], $0xffff;
	[tilespmem:v9+s20+$0x360 ss:$0x1] =	vst.idx.msk $0xffff, v20;
	v20 =	vor.u32 v49, v50  }
0x1fe: {  	v53 =	vand.u32 $0xFFFF, v51;
	v54 =	vand.u32 $0xFFFF0000, v52;
	v38 =	vld.idx.msk [tilespmem:v8+s28+$0x30 ss:$0x1], $0xffff;
	[tilespmem:v9+s20+$0x270 ss:$0x1] =	vst.idx.msk $0xffff, v20  }
0x1ff: {  	s29 =	sshrl.u32 s28, $0x1;
	v56 =	vshrl.u32 v44, v13;
	v57 =	vshll.u32 v46, v16;
	v20 =	vor.u32 v53, v54;
	v55 =	vld.idx.msk [tilespmem:v8+s25+$0x170 ss:$0x1], $0xffff  }
0x200: {  	v59 =	vand.u32 $0xFFFF, v56;
	v60 =	vand.u32 $0xFFFF0000, v57;
	v58 =	vld.idx.msk [tilespmem:v8+s25+$0x1F0 ss:$0x1], $0xffff;
	[tilespmem:v9+s29+$0x0 ss:$0x1] =	vst.idx.msk $0xffff, v20  }
0x201: {  	v20 =	vor.u32 v59, v60;
	v61 =	vld.idx.msk [tilespmem:v8+s28+$0x100 ss:$0x1], $0xffff  }
0x202: {  	v22 =	vand.u32 $0xFFFF, v22;
	v21 =	vand.u32 $0xFFFF0000, v21;
	v62 =	vld.idx.msk [tilespmem:v8+s28+$0x180 ss:$0x1], $0xffff;
	[tilespmem:v9+s20+$0x410 ss:$0x1] =	vst.idx.msk $0xffff, v20  }
0x203: {  	v21 =	vor.u32 v22, v21;
	v20 =	vld.idx.msk [tilespmem:v8+s28+$0x110 ss:$0x1], $0xffff  }
0x204: {  	[tilespmem:v9+s20+$0x350 ss:$0x1] =	vst.idx.msk $0xffff, v21;
	v63 =	vld.idx.msk [tilespmem:v8+s28+$0x190 ss:$0x1], $0xffff  }
0x205: {  	v29 =	vld.idx.msk [tilespmem:v8+s25+$0x350 ss:$0x1], $0xffff;
	v24 =	vshrl.u32 v55, v12;
	v26 =	vshll.u32 v58, v15  }
0x206: {  	v30 =	vld.idx.msk [tilespmem:v8+s25+$0x3D0 ss:$0x1], $0xffff;
	v24 =	vand.u32 $0xFFFF, v24;
	v26 =	vand.u32 $0xFFFF0000, v26  }
0x207: {  	v22 =	vld.idx.msk [tilespmem:v8+s25+$0x360 ss:$0x1], $0xffff;
	v23 =	vshrl.u32 v61, v12;
	v21 =	vshll.u32 v62, v15;
	v24 =	vor.u32 v24, v26  }
0x208: {  	v25 =	vld.idx.msk [tilespmem:v8+s25+$0x3E0 ss:$0x1], $0xffff;
	v23 =	vand.u32 $0xFFFF, v23;
	v21 =	vand.u32 $0xFFFF0000, v21;
	[tilespmem:v9+s20+$0x2F0 ss:$0x1] =	vst.idx.msk $0xffff, v24  }
0x209: {  	v20 =	vshrl.u32 v20, v12;
	v41 =	vshll.u32 v63, v15;
	v21 =	vor.u32 v23, v21;
	v40 =	vld.idx.msk [tilespmem:v8+s25+$0x270 ss:$0x1], $0xffff  }
0x20a: {  	v20 =	vand.u32 $0xFFFF, v20;
	v43 =	vand.u32 $0xFFFF0000, v41;
	v42 =	vld.idx.msk [tilespmem:v8+s25+$0x2F0 ss:$0x1], $0xffff;
	[tilespmem:v9+s20+$0x480 ss:$0x1] =	vst.idx.msk $0xffff, v21  }
0x20b: {  	v45 =	vshrl.u32 v36, v13;
	v46 =	vshll.u32 v37, v16;
	v20 =	vor.u32 v20, v43;
	v44 =	vld.idx.msk [tilespmem:v8+s28+$0x200 ss:$0x1], $0xffff  }
0x20c: {  	v48 =	vand.u32 $0xFFFF, v45;
	v49 =	vand.u32 $0xFFFF0000, v46;
	v47 =	vld.idx.msk [tilespmem:v8+s28+$0x280 ss:$0x1], $0xffff;
	[tilespmem:v9+s20+$0x490 ss:$0x1] =	vst.idx.msk $0xffff, v20  }
0x20d: {  	v51 =	vshrl.u32 v38, v13;
	v24 =	vshll.u32 v39, v16;
	v20 =	vor.u32 v48, v49;
	v50 =	vld.idx.msk [tilespmem:v8+s28+$0x210 ss:$0x1], $0xffff  }
0x20e: {  	v53 =	vand.u32 $0xFFFF, v51;
	v54 =	vand.u32 $0xFFFF0000, v24;
	v52 =	vld.idx.msk [tilespmem:v8+s28+$0x290 ss:$0x1], $0xffff;
	[tilespmem:v9+s20+$0x420 ss:$0x1] =	vst.idx.msk $0xffff, v20  }
0x20f: {  	v20 =	vor.u32 v53, v54;
	v56 =	vld.idx.msk [tilespmem:v8+s28+$0x120 ss:$0x1], $0xffff  }
0x210: {  	v59 =	vld.idx.msk [tilespmem:v8+s28+$0x1A0 ss:$0x1], $0xffff;
	[tilespmem:v9+s20+$0x430 ss:$0x1] =	vst.idx.msk $0xffff, v20  }
0x211: {  	v63 =	vld.idx.msk [tilespmem:v8+s28+$0x130 ss:$0x1], $0xffff  }
0x212: {  	v38 =	vld.idx.msk [tilespmem:v8+s28+$0x1B0 ss:$0x1], $0xffff;
	v55 =	vshrl.u32 v40, v14  }
0x213: {  	v18 =	vshrl.u32 v18, v11;
	v27 =	vshll.u32 v42, v17;
	v57 =	vand.u32 $0xFFFF, v55;
	v55 =	vld.idx.msk [tilespmem:v8+s28+$0xC0 ss:$0x1], $0xffff  }
0x214: {  	v19 =	vshll.u32 v19, v10;
	v58 =	vand.u32 $0xFFFF0000, v27;
	v40 =	vshll.u32 v52, v17;
	v52 =	vld.idx.msk [tilespmem:v8+s28+$0x40 ss:$0x1], $0xffff  }
0x215: {  	v18 =	vand.u32 $0xFFFF, v18;
	v19 =	vand.u32 $0xFFFF0000, v19;
	v60 =	vor.u32 v57, v58;
	v57 =	vld.idx.msk [tilespmem:v8+s28+$0x50 ss:$0x1], $0xffff  }
0x216: {  	v18 =	vor.u32 v18, v19;
	[tilespmem:v9+s20+$0x370 ss:$0x1] =	vst.idx.msk $0xffff, v60;
	v60 =	vld.idx.msk [tilespmem:v8+s28+$0xD0 ss:$0x1], $0xffff  }
0x217: {  	v51 =	vshll.u32 v30, v10;
	v61 =	vshrl.u32 v44, v14;
	v62 =	vshll.u32 v47, v17;
	v33 =	vld.idx.msk [tilespmem:v8+s25+$0x370 ss:$0x1], $0xffff  }
0x218: {  	[tilespmem:v9+s20+$0x3C0 ss:$0x1] =	vst.idx.msk $0xffff, v18;
	v54 =	vand.u32 $0xFFFF0000, v51;
	v36 =	vand.u32 $0xFFFF, v61;
	v37 =	vand.u32 $0xFFFF0000, v62;
	v26 =	vld.idx.msk [tilespmem:v8+s25+$0x3F0 ss:$0x1], $0xffff  }
0x219: {  	v39 =	vshrl.u32 v50, v14;
	v50 =	vshrl.u32 v29, v11;
	v43 =	vshrl.u32 v63, v12;
	v63 =	vld.idx.msk [tilespmem:v8+s28+$0x60 ss:$0x1], $0xffff  }
0x21a: {  	v20 =	vor.u32 v36, v37;
	v53 =	vand.u32 $0xFFFF, v50;
	v44 =	vshll.u32 v38, v15;
	v38 =	vld.idx.msk [tilespmem:v8+s28+$0xE0 ss:$0x1], $0xffff  }
0x21b: {  	v41 =	vand.u32 $0xFFFF, v39;
	v24 =	vand.u32 $0xFFFF0000, v40;
	[tilespmem:v9+s20+$0x500 ss:$0x1] =	vst.idx.msk $0xffff, v20;
	v18 =	vor.u32 v53, v54;
	v54 =	vld.idx.msk [tilespmem:v8+s28+$0x70 ss:$0x1], $0xffff  }
0x21c: {  	v42 =	vshrl.u32 v56, v12;
	v27 =	vshll.u32 v59, v15;
	v20 =	vor.u32 v41, v24;
	v21 =	vld.idx.msk [tilespmem:v8+s28+$0x300 ss:$0x1], $0xffff  }
0x21d: {  	v28 =	vand.u32 $0xFFFF, v42;
	v27 =	vand.u32 $0xFFFF0000, v27;
	v24 =	vld.idx.msk [tilespmem:v8+s28+$0x380 ss:$0x1], $0xffff;
	[tilespmem:v9+s20+$0x510 ss:$0x1] =	vst.idx.msk $0xffff, v20  }
0x21e: {  	v27 =	vor.u32 v28, v27;
	v20 =	vld.idx.msk [tilespmem:v8+s28+$0x310 ss:$0x1], $0xffff  }
0x21f: {  	v22 =	vshrl.u32 v22, v11;
	v45 =	vand.u32 $0xFFFF, v43;
	v46 =	vand.u32 $0xFFFF0000, v44;
	v23 =	vld.idx.msk [tilespmem:v8+s28+$0x390 ss:$0x1], $0xffff;
	[tilespmem:v9+s20+$0x4A0 ss:$0x1] =	vst.idx.msk $0xffff, v27  }
0x220: {  	v25 =	vshll.u32 v25, v10;
	v22 =	vand.u32 $0xFFFF, v22;
	v27 =	vor.u32 v45, v46;
	v47 =	vld.idx.msk [tilespmem:v8+s28+$0x220 ss:$0x1], $0xffff  }
0x221: {  	v40 =	vshll.u32 v55, v16;
	v48 =	vld.idx.msk [tilespmem:v8+s28+$0x2A0 ss:$0x1], $0xffff;
	[tilespmem:v9+s20+$0x4B0 ss:$0x1] =	vst.idx.msk $0xffff, v27;
	v39 =	vshrl.u32 v52, v13  }
0x222: {  	v25 =	vand.u32 $0xFFFF0000, v25;
	v30 =	vand.u32 $0xFFFF0000, v40;
	v27 =	vld.idx.msk [tilespmem:v8+s28+$0x230 ss:$0x1], $0xffff;
	v19 =	vand.u32 $0xFFFF, v39  }
0x223: {  	v31 =	vshrl.u32 v57, v13;
	v57 =	vld.idx.msk [tilespmem:v8+s28+$0xF0 ss:$0x1], $0xffff;
	v34 =	vshll.u32 v60, v16;
	v30 =	vor.u32 v19, v30  }
0x224: {  	v22 =	vor.u32 v22, v25;
	v49 =	vld.idx.msk [tilespmem:v8+s28+$0x2B0 ss:$0x1], $0xffff;
	v41 =	vand.u32 $0xFFFF, v31;
	v42 =	vand.u32 $0xFFFF0000, v34;
	[tilespmem:v9+s20+$0x440 ss:$0x1] =	vst.idx.msk $0xffff, v30  }
0x225: {  	v44 =	vshrl.u32 v63, v13;
	v26 =	vshll.u32 v26, v10;
	v30 =	vor.u32 v41, v42;
	v43 =	vld.idx.msk [tilespmem:v8+s28+$0x140 ss:$0x1], $0xffff  }
0x226: {  	v46 =	vand.u32 $0xFFFF, v44;
	v45 =	vld.idx.msk [tilespmem:v8+s28+$0x1C0 ss:$0x1], $0xffff;
	[tilespmem:v9+s20+$0x450 ss:$0x1] =	vst.idx.msk $0xffff, v30;
	v56 =	vshrl.u32 v47, v14  }
0x227: {  	v28 =	vshll.u32 v48, v17;
	v47 =	vld.idx.msk [tilespmem:v8+s28+$0x150 ss:$0x1], $0xffff;
	v61 =	vshrl.u32 v27, v14;
	v27 =	vshll.u32 v38, v16  }
0x228: {  	s30 =	sor.u32 $0xC00, s31;
	[tilespmem:v9+s20+$0x3D0 ss:$0x1] =	vst.idx.msk $0xffff, v18;
	v48 =	vld.idx.msk [tilespmem:v8+s28+$0x1D0 ss:$0x1], $0xffff;
	v58 =	vand.u32 $0xFFFF, v56;
	v59 =	vand.u32 $0xFFFF0000, v28;
	v27 =	vand.u32 $0xFFFF0000, v27  }
0x229: {  	v62 =	vshll.u32 v49, v17;
	v18 =	vor.u32 v58, v59;
	v59 =	vld.idx.msk [tilespmem:v8+s30+$0x0 ss:$0x1], $0xffff;
	v27 =	vor.u32 v46, v27  }
0x22a: {  	v49 =	vshrl.u32 v33, v11;
	v37 =	vand.u32 $0xFFFF0000, v62;
	v62 =	vld.idx.msk [tilespmem:v8+s30+$0x80 ss:$0x1], $0xffff;
	[tilespmem:v9+s20+$0x460 ss:$0x1] =	vst.idx.msk $0xffff, v27  }
0x22b: {  	[tilespmem:v9+s20+$0x3E0 ss:$0x1] =	vst.idx.msk $0xffff, v22;
	v51 =	vand.u32 $0xFFFF0000, v26;
	v36 =	vand.u32 $0xFFFF, v61;
	v50 =	vand.u32 $0xFFFF, v49;
	v27 =	vld.idx.msk [tilespmem:v8+s28+$0x160 ss:$0x1], $0xffff  }
0x22c: {  	[tilespmem:v9+s20+$0x520 ss:$0x1] =	vst.idx.msk $0xffff, v18;
	v18 =	vor.u32 v36, v37;
	v22 =	vor.u32 v50, v51;
	v52 =	vld.idx.msk [tilespmem:v8+s28+$0x1E0 ss:$0x1], $0xffff  }
0x22d: {  	v28 =	vld.idx.msk [tilespmem:v8+s28+$0x320 ss:$0x1], $0xffff;
	[tilespmem:v9+s20+$0x530 ss:$0x1] =	vst.idx.msk $0xffff, v18;
	v53 =	vshrl.u32 v43, v12;
	v32 =	vshll.u32 v45, v15  }
0x22e: {  	v29 =	vld.idx.msk [tilespmem:v8+s28+$0x3A0 ss:$0x1], $0xffff;
	[tilespmem:v9+s20+$0x3F0 ss:$0x1] =	vst.idx.msk $0xffff, v22;
	v55 =	vand.u32 $0xFFFF, v53;
	v56 =	vand.u32 $0xFFFF0000, v32  }
0x22f: {  	v18 =	vld.idx.msk [tilespmem:v8+s28+$0x330 ss:$0x1], $0xffff;
	v58 =	vshrl.u32 v47, v12;
	v30 =	vshll.u32 v48, v15;
	v22 =	vor.u32 v55, v56  }
0x230: {  	v19 =	vld.idx.msk [tilespmem:v8+s28+$0x3B0 ss:$0x1], $0xffff;
	v60 =	vand.u32 $0xFFFF, v58;
	v61 =	vand.u32 $0xFFFF0000, v30;
	[tilespmem:v9+s20+$0x4C0 ss:$0x1] =	vst.idx.msk $0xffff, v22  }
0x231: {  	v22 =	vor.u32 v60, v61;
	v63 =	vld.idx.msk [tilespmem:v8+s28+$0x240 ss:$0x1], $0xffff;
	v36 =	vshrl.u32 v27, v12;
	v26 =	vshll.u32 v52, v15  }
0x232: {  	v37 =	vld.idx.msk [tilespmem:v8+s28+$0x2C0 ss:$0x1], $0xffff;
	[tilespmem:v9+s20+$0x4D0 ss:$0x1] =	vst.idx.msk $0xffff, v22;
	v38 =	vand.u32 $0xFFFF, v36;
	v39 =	vand.u32 $0xFFFF0000, v26  }
0x233: {  	v41 =	vshrl.u32 v54, v13;
	v40 =	vld.idx.msk [tilespmem:v8+s28+$0x250 ss:$0x1], $0xffff;
	v22 =	vor.u32 v38, v39  }
0x234: {  	v43 =	vand.u32 $0xFFFF, v41;
	v32 =	vshll.u32 v57, v16;
	v42 =	vld.idx.msk [tilespmem:v8+s28+$0x2D0 ss:$0x1], $0xffff;
	[tilespmem:v9+s20+$0x4E0 ss:$0x1] =	vst.idx.msk $0xffff, v22  }
0x235: {  	v44 =	vand.u32 $0xFFFF0000, v32;
	v46 =	vshrl.u32 v59, v13;
	v30 =	vshll.u32 v62, v16;
	v45 =	vld.idx.msk [tilespmem:v8+s28+$0x260 ss:$0x1], $0xffff  }
0x236: {  	v48 =	vand.u32 $0xFFFF, v46;
	v49 =	vand.u32 $0xFFFF0000, v30;
	v22 =	vor.u32 v43, v44;
	v47 =	vld.idx.msk [tilespmem:v8+s28+$0x2E0 ss:$0x1], $0xffff  }
0x237: {  	[tilespmem:v9+s20+$0x470 ss:$0x1] =	vst.idx.msk $0xffff, v22;
	v22 =	vor.u32 v48, v49;
	v49 =	vld.idx.msk [tilespmem:v8+s30+$0x10 ss:$0x1], $0xffff  }
0x238: {  	v50 =	vshrl.u32 v63, v14;
	v27 =	vshll.u32 v37, v17;
	v51 =	vld.idx.msk [tilespmem:v8+s28+$0x170 ss:$0x1], $0xffff  }
0x239: {  	v52 =	vand.u32 $0xFFFF, v50;
	v27 =	vand.u32 $0xFFFF0000, v27;
	v53 =	vld.idx.msk [tilespmem:v8+s28+$0x1F0 ss:$0x1], $0xffff  }
0x23a: {  	s21 =	sshrl.u32 s30, $0x1;
	v55 =	vshrl.u32 v40, v14;
	v54 =	vor.u32 v52, v27;
	v52 =	vld.idx.msk [tilespmem:v8+s30+$0x90 ss:$0x1], $0xffff  }
0x23b: {  	[tilespmem:v9+s21+$0x0 ss:$0x1] =	vst.idx.msk $0xffff, v22;
	v58 =	vand.u32 $0xFFFF, v55;
	v55 =	vld.idx.msk [tilespmem:v8+s30+$0x20 ss:$0x1], $0xffff  }
0x23c: {  	v56 =	vshll.u32 v42, v17;
	v57 =	vld.idx.msk [tilespmem:v8+s30+$0x100 ss:$0x1], $0xffff  }
0x23d: {  	v21 =	vshrl.u32 v21, v11;
	v24 =	vshll.u32 v24, v10;
	v59 =	vand.u32 $0xFFFF0000, v56;
	v60 =	vld.idx.msk [tilespmem:v8+s30+$0x180 ss:$0x1], $0xffff  }
0x23e: {  	v21 =	vand.u32 $0xFFFF, v21;
	[tilespmem:v9+s20+$0x540 ss:$0x1] =	vst.idx.msk $0xffff, v54;
	v22 =	vor.u32 v58, v59;
	v58 =	vld.idx.msk [tilespmem:v8+s30+$0xA0 ss:$0x1], $0xffff  }
0x23f: {  	v24 =	vand.u32 $0xFFFF0000, v24;
	v20 =	vshrl.u32 v20, v11;
	v23 =	vshll.u32 v23, v10;
	v36 =	vld.idx.msk [tilespmem:v8+s28+$0x340 ss:$0x1], $0xffff  }
0x240: {  	v31 =	vld.idx.msk [tilespmem:v8+s28+$0x3C0 ss:$0x1], $0xffff;
	[tilespmem:v9+s20+$0x550 ss:$0x1] =	vst.idx.msk $0xffff, v22;
	v37 =	vshrl.u32 v51, v12;
	v30 =	vshll.u32 v53, v15  }
0x241: {  	v27 =	vld.idx.msk [tilespmem:v8+s28+$0x350 ss:$0x1], $0xffff;
	v61 =	vshrl.u32 v45, v14;
	v25 =	vand.u32 $0xFFFF, v37;
	v30 =	vand.u32 $0xFFFF0000, v30  }
0x242: {  	v26 =	vld.idx.msk [tilespmem:v8+s28+$0x3D0 ss:$0x1], $0xffff;
	v38 =	vshrl.u32 v57, v12;
	v39 =	vshll.u32 v60, v15;
	v30 =	vor.u32 v25, v30  }
0x243: {  	v63 =	vand.u32 $0xFFFF, v61;
	v61 =	vld.idx.msk [tilespmem:v8+s30+$0xB0 ss:$0x1], $0xffff;
	v40 =	vand.u32 $0xFFFF, v38;
	v41 =	vand.u32 $0xFFFF0000, v39;
	[tilespmem:v9+s20+$0x4F0 ss:$0x1] =	vst.idx.msk $0xffff, v30  }
0x244: {  	v21 =	vor.u32 v21, v24;
	v48 =	vshll.u32 v29, v10;
	v30 =	vor.u32 v40, v41;
	v42 =	vld.idx.msk [tilespmem:v8+s28+$0x270 ss:$0x1], $0xffff  }
0x245: {  	v20 =	vand.u32 $0xFFFF, v20;
	v62 =	vshll.u32 v47, v17;
	v45 =	vand.u32 $0xFFFF0000, v23;
	v43 =	vld.idx.msk [tilespmem:v8+s28+$0x2F0 ss:$0x1], $0xffff;
	[tilespmem:v9+s20+$0x680 ss:$0x1] =	vst.idx.msk $0xffff, v30  }
0x246: {  	v47 =	vshrl.u32 v28, v11;
	v32 =	vand.u32 $0xFFFF0000, v62;
	v20 =	vor.u32 v20, v45;
	v44 =	vld.idx.msk [tilespmem:v8+s30+$0x200 ss:$0x1], $0xffff  }
0x247: {  	[tilespmem:v9+s20+$0x580 ss:$0x1] =	vst.idx.msk $0xffff, v21;
	v50 =	vand.u32 $0xFFFF, v47;
	v51 =	vand.u32 $0xFFFF0000, v48;
	v62 =	vshrl.u32 v49, v13;
	v46 =	vld.idx.msk [tilespmem:v8+s30+$0x280 ss:$0x1], $0xffff  }
0x248: {  	v22 =	vor.u32 v63, v32;
	[tilespmem:v9+s20+$0x590 ss:$0x1] =	vst.idx.msk $0xffff, v20;
	v20 =	vor.u32 v50, v51;
	v60 =	vld.idx.msk [tilespmem:v8+s30+$0x30 ss:$0x1], $0xffff  }
0x249: {  	v63 =	vshll.u32 v52, v16;
	v29 =	vand.u32 $0xFFFF, v62;
	v37 =	vshrl.u32 v55, v13;
	[tilespmem:v9+s20+$0x560 ss:$0x1] =	vst.idx.msk $0xffff, v22  }
0x24a: {  	v35 =	vand.u32 $0xFFFF0000, v63;
	v48 =	vshrl.u32 v36, v11;
	v36 =	vld.idx.msk [tilespmem:v8+s30+$0xD0 ss:$0x1], $0xffff;
	v30 =	vshll.u32 v58, v16  }
0x24b: {  	v22 =	vld.idx.msk [tilespmem:v8+s28+$0x360 ss:$0x1], $0xffff;
	v53 =	vshrl.u32 v42, v14;
	v54 =	vshll.u32 v43, v17;
	v42 =	vshll.u32 v61, v16  }
0x24c: {  	v25 =	vld.idx.msk [tilespmem:v8+s28+$0x3E0 ss:$0x1], $0xffff;
	v56 =	vand.u32 $0xFFFF, v53;
	v59 =	vshrl.u32 v44, v14;
	v23 =	vshll.u32 v46, v17  }
0x24d: {  	[tilespmem:v9+s20+$0x5A0 ss:$0x1] =	vst.idx.msk $0xffff, v20;
	v61 =	vld.idx.msk [tilespmem:v8+s30+$0x50 ss:$0x1], $0xffff;
	v57 =	vand.u32 $0xFFFF0000, v54;
	v21 =	vand.u32 $0xFFFF, v59;
	v23 =	vand.u32 $0xFFFF0000, v23  }
0x24e: {  	v20 =	vor.u32 v56, v57;
	v56 =	vld.idx.msk [tilespmem:v8+s30+$0x40 ss:$0x1], $0xffff;
	v21 =	vor.u32 v21, v23;
	v23 =	vor.u32 v29, v35  }
0x24f: {  	v38 =	vand.u32 $0xFFFF, v37;
	v39 =	vand.u32 $0xFFFF0000, v30;
	v59 =	vld.idx.msk [tilespmem:v8+s30+$0xC0 ss:$0x1], $0xffff;
	[tilespmem:v9+s20+$0x610 ss:$0x1] =	vst.idx.msk $0xffff, v23  }
0x250: {  	v18 =	vshrl.u32 v18, v11;
	v41 =	vshrl.u32 v60, v13;
	v23 =	vor.u32 v38, v39;
	v40 =	vld.idx.msk [tilespmem:v8+s30+$0x110 ss:$0x1], $0xffff  }
0x251: {  	v19 =	vshll.u32 v19, v10;
	v44 =	vand.u32 $0xFFFF, v41;
	v45 =	vand.u32 $0xFFFF0000, v42;
	v43 =	vld.idx.msk [tilespmem:v8+s30+$0x190 ss:$0x1], $0xffff;
	[tilespmem:v9+s20+$0x620 ss:$0x1] =	vst.idx.msk $0xffff, v23  }
0x252: {  	v18 =	vand.u32 $0xFFFF, v18;
	v19 =	vand.u32 $0xFFFF0000, v19;
	v23 =	vor.u32 v44, v45;
	v46 =	vld.idx.msk [tilespmem:v8+s30+$0x120 ss:$0x1], $0xffff  }
0x253: {  	v18 =	vor.u32 v18, v19;
	v49 =	vshll.u32 v31, v10;
	v47 =	vld.idx.msk [tilespmem:v8+s30+$0x1A0 ss:$0x1], $0xffff;
	[tilespmem:v9+s20+$0x630 ss:$0x1] =	vst.idx.msk $0xffff, v23  }
0x254: {  	[tilespmem:v9+s20+$0x5B0 ss:$0x1] =	vst.idx.msk $0xffff, v18;
	v51 =	vand.u32 $0xFFFF, v48;
	v52 =	vand.u32 $0xFFFF0000, v49;
	v50 =	vld.idx.msk [tilespmem:v8+s30+$0x130 ss:$0x1], $0xffff  }
0x255: {  	v18 =	vor.u32 v51, v52;
	[tilespmem:v9+s20+$0x570 ss:$0x1] =	vst.idx.msk $0xffff, v20;
	v53 =	vld.idx.msk [tilespmem:v8+s30+$0x1B0 ss:$0x1], $0xffff  }
0x256: {  	[tilespmem:v9+s20+$0x5C0 ss:$0x1] =	vst.idx.msk $0xffff, v18;
	v20 =	vld.idx.msk [tilespmem:v8+s28+$0x370 ss:$0x1], $0xffff;
	v54 =	vshrl.u32 v40, v12;
	v55 =	vshll.u32 v43, v15  }
0x257: {  	v28 =	vld.idx.msk [tilespmem:v8+s28+$0x3F0 ss:$0x1], $0xffff;
	[tilespmem:v9+s20+$0x700 ss:$0x1] =	vst.idx.msk $0xffff, v21;
	v57 =	vand.u32 $0xFFFF, v54;
	v58 =	vand.u32 $0xFFFF0000, v55  }
0x258: {  	v24 =	vld.idx.msk [tilespmem:v8+s30+$0x300 ss:$0x1], $0xffff;
	v60 =	vshrl.u32 v46, v12;
	v29 =	vshll.u32 v47, v15;
	v18 =	vor.u32 v57, v58  }
0x259: {  	v21 =	vld.idx.msk [tilespmem:v8+s30+$0x380 ss:$0x1], $0xffff;
	v62 =	vand.u32 $0xFFFF, v60;
	v63 =	vand.u32 $0xFFFF0000, v29;
	[tilespmem:v9+s20+$0x690 ss:$0x1] =	vst.idx.msk $0xffff, v18  }
0x25a: {  	v38 =	vshrl.u32 v50, v12;
	v23 =	vshll.u32 v53, v15;
	v18 =	vor.u32 v62, v63;
	v37 =	vld.idx.msk [tilespmem:v8+s30+$0x210 ss:$0x1], $0xffff  }
0x25b: {  	v40 =	vand.u32 $0xFFFF, v38;
	v41 =	vand.u32 $0xFFFF0000, v23;
	v39 =	vld.idx.msk [tilespmem:v8+s30+$0x290 ss:$0x1], $0xffff;
	[tilespmem:v9+s20+$0x6A0 ss:$0x1] =	vst.idx.msk $0xffff, v18  }
0x25c: {  	v30 =	vshll.u32 v59, v16;
	v43 =	vshrl.u32 v56, v13;
	v18 =	vor.u32 v40, v41;
	v42 =	vld.idx.msk [tilespmem:v8+s30+$0x220 ss:$0x1], $0xffff  }
0x25d: {  	v45 =	vand.u32 $0xFFFF, v43;
	v46 =	vand.u32 $0xFFFF0000, v30;
	v44 =	vld.idx.msk [tilespmem:v8+s30+$0x2A0 ss:$0x1], $0xffff;
	[tilespmem:v9+s20+$0x6B0 ss:$0x1] =	vst.idx.msk $0xffff, v18  }
0x25e: {  	v48 =	vshrl.u32 v61, v13;
	v29 =	vshll.u32 v36, v16;
	v18 =	vor.u32 v45, v46;
	v47 =	vld.idx.msk [tilespmem:v8+s30+$0x230 ss:$0x1], $0xffff  }
0x25f: {  	v50 =	vand.u32 $0xFFFF, v48;
	v51 =	vand.u32 $0xFFFF0000, v29;
	v49 =	vld.idx.msk [tilespmem:v8+s30+$0x2B0 ss:$0x1], $0xffff;
	[tilespmem:v9+s20+$0x640 ss:$0x1] =	vst.idx.msk $0xffff, v18  }
0x260: {  	v27 =	vshrl.u32 v27, v11;
	v18 =	vor.u32 v50, v51;
	v53 =	vld.idx.msk [tilespmem:v8+s30+$0x140 ss:$0x1], $0xffff  }
0x261: {  	v43 =	vshll.u32 v26, v10;
	v56 =	vld.idx.msk [tilespmem:v8+s30+$0x1C0 ss:$0x1], $0xffff;
	[tilespmem:v9+s20+$0x650 ss:$0x1] =	vst.idx.msk $0xffff, v18;
	v52 =	vshrl.u32 v37, v14  }
0x262: {  	v60 =	vld.idx.msk [tilespmem:v8+s30+$0x150 ss:$0x1], $0xffff;
	v31 =	vshll.u32 v39, v17;
	v54 =	vand.u32 $0xFFFF, v52;
	v58 =	vshrl.u32 v42, v14  }
0x263: {  	s31 =	sor.u32 $0x2, s18;
	v63 =	vld.idx.msk [tilespmem:v8+s30+$0x1D0 ss:$0x1], $0xffff;
	v55 =	vand.u32 $0xFFFF0000, v31;
	v59 =	vshll.u32 v44, v17;
	v61 =	vand.u32 $0xFFFF, v58  }
0x264: {  	s24 =	sshll.u32 s31, $0xC;
	v62 =	vand.u32 $0xFFFF0000, v59;
	v38 =	vshll.u32 v49, v17;
	v49 =	vand.u32 $0xFFFF0000, v43;
	v43 =	vld.idx.msk [tilespmem:v8+s30+$0x70 ss:$0x1], $0xffff  }
0x265: {  	s25 =	sand.u32 $0x3FFFF000, s24;
	v27 =	vand.u32 $0xFFFF, v27;
	v57 =	vor.u32 v54, v55;
	v18 =	vor.u32 v61, v62;
	v61 =	vld.idx.msk [tilespmem:v8+s30+$0x60 ss:$0x1], $0xffff  }
0x266: {  	[tilespmem:v9+s20+$0x710 ss:$0x1] =	vst.idx.msk $0xffff, v57;
	v42 =	vshrl.u32 v53, v12;
	v53 =	vor.u32 v27, v49;
	v49 =	vld.idx.msk [tilespmem:v8+s25+$0x10 ss:$0x1], $0xffff  }
0x267: {  	s23 =	sshll.u32 s31, $0x3;
	v22 =	vshrl.u32 v22, v11;
	v25 =	vshll.u32 v25, v10;
	v36 =	vld.idx.msk [tilespmem:v8+s30+$0x310 ss:$0x1], $0xffff  }
0x268: {  	s21 =	sand.u32 $0x3FFFFFF8, s23;
	v22 =	vand.u32 $0xFFFF, v22;
	v20 =	vshrl.u32 v20, v11;
	v37 =	vshrl.u32 v47, v14;
	v39 =	vld.idx.msk [tilespmem:v8+s30+$0x390 ss:$0x1], $0xffff  }
0x269: {  	s21 =	sadd.s32 s21, s17;
	v40 =	vand.u32 $0xFFFF, v37;
	v41 =	vand.u32 $0xFFFF0000, v38;
	v48 =	vshll.u32 v63, v15;
	v63 =	vld.idx.msk [tilespmem:v8+s30+$0xE0 ss:$0x1], $0xffff  }
0x26a: {  	v25 =	vand.u32 $0xFFFF0000, v25;
	v21 =	vshll.u32 v21, v10;
	[tilespmem:v9+s20+$0x720 ss:$0x1] =	vst.idx.msk $0xffff, v18;
	v18 =	vor.u32 v40, v41;
	v41 =	vld.msk [tilespmem:s21+$0x0 ss:$0x1], $0xff  }
0x26b: {  	v55 =	vor.u32 v22, v25;
	v58 =	vand.u32 $0xFFFF, v20;
	v31 =	vshll.u32 v56, v15;
	v30 =	vld.idx.msk [tilespmem:v8+s30+$0x320 ss:$0x1], $0xffff  }
0x26c: {  	v56 =	vshll.u32 v28, v10;
	v45 =	vand.u32 $0xFFFF, v42;
	v46 =	vand.u32 $0xFFFF0000, v31;
	v44 =	vld.idx.msk [tilespmem:v8+s30+$0x3A0 ss:$0x1], $0xffff  }
0x26d: {  	v47 =	vshrl.u32 v60, v12;
	[tilespmem:v9+s20+$0x730 ss:$0x1] =	vst.idx.msk $0xffff, v18;
	v18 =	vor.u32 v45, v46;
	v45 =	vld.idx.msk [tilespmem:v8+s30+$0xF0 ss:$0x1], $0xffff  }
0x26e: {  	[tilespmem:v9+s20+$0x5D0 ss:$0x1] =	vst.idx.msk $0xffff, v53;
	v59 =	vand.u32 $0xFFFF0000, v56;
	v50 =	vand.u32 $0xFFFF, v47;
	v51 =	vand.u32 $0xFFFF0000, v48;
	v46 =	vld.idx.msk [tilespmem:v8+s25+$0x0 ss:$0x1], $0xffff  }
0x26f: {  	v60 =	vshrl.u32 v24, v11;
	v26 =	vld.idx.msk [tilespmem:v8+s30+$0x330 ss:$0x1], $0xffff;
	[tilespmem:v9+s20+$0x6C0 ss:$0x1] =	vst.idx.msk $0xffff, v18;
	v18 =	vor.u32 v50, v51  }
0x270: {  	v21 =	vand.u32 $0xFFFF0000, v21;
	v19 =	vor.u32 v58, v59;
	v62 =	vand.u32 $0xFFFF, v60;
	v23 =	vld.idx.msk [tilespmem:v8+s30+$0x3B0 ss:$0x1], $0xffff;
	[tilespmem:v9+s20+$0x6D0 ss:$0x1] =	vst.idx.msk $0xffff, v18  }
0x271: {  	v52 =	vld.idx.msk [tilespmem:v8+s30+$0x240 ss:$0x1], $0xffff;
	v18 =	vor.u32 v62, v21;
	v24 =	vshrl.u32 v61, v13;
	v36 =	vshrl.u32 v36, v11  }
0x272: {  	v54 =	vld.idx.msk [tilespmem:v8+s30+$0x2C0 ss:$0x1], $0xffff;
	v37 =	vshll.u32 v39, v10;
	v22 =	vshll.u32 v63, v16;
	v47 =	vand.u32 $0xFFFF, v24  }
0x273: {  	v48 =	vld.idx.msk [tilespmem:v8+s25+$0x80 ss:$0x1], $0xffff;
	[tilespmem:v9+s20+$0x5F0 ss:$0x1] =	vst.idx.msk $0xffff, v19;
	v19 =	vshll.u32 v41, $0x4;
	v39 =	vand.u32 $0xFFFF, v36;
	v42 =	vshrl.u32 v30, v11  }
0x274: {  	v51 =	vld.idx.msk [tilespmem:v8+s25+$0x90 ss:$0x1], $0xffff;
	v22 =	vand.u32 $0xFFFF0000, v22;
	v50 =	vperm.xlane v19, v2;
	v30 =	vshrl.u32 v43, v13  }
0x275: {  	v57 =	vld.idx.msk [tilespmem:v8+s30+$0x250 ss:$0x1], $0xffff;
	v16 =	vshll.u32 v45, v16;
	v13 =	vperm.xlane v19, v1;
	v22 =	vor.u32 v47, v22  }
0x276: {  	v38 =	vld.idx.msk [tilespmem:v8+s30+$0x2D0 ss:$0x1], $0xffff;
	v30 =	vand.u32 $0xFFFF, v30;
	v26 =	vshrl.u32 v26, v11;
	v23 =	vshll.u32 v23, v10  }
0x277: {  	v33 =	vand.u32 $0xFFFF0000, v16;
	v29 =	vshrl.u32 v52, v14;
	v27 =	vshll.u32 v54, v17;
	[tilespmem:v9+s20+$0x660 ss:$0x1] =	vst.idx.msk $0xffff, v22  }
0x278: {  	v16 =	vsub.s32 $0x10, v50;
	v30 =	vor.u32 v30, v33;
	v54 =	vshrl.u32 v46, v13;
	v52 =	vld.idx.msk [tilespmem:v8+s30+$0x160 ss:$0x1], $0xffff  }
0x279: {  	v50 =	vand.u32 $0xFFFF, v26;
	v23 =	vand.u32 $0xFFFF0000, v23;
	v29 =	vand.u32 $0xFFFF, v29;
	v53 =	vld.idx.msk [tilespmem:v8+s30+$0x1E0 ss:$0x1], $0xffff;
	[tilespmem:v9+s20+$0x670 ss:$0x1] =	vst.idx.msk $0xffff, v30  }
0x27a: {  	[tilespmem:v9+s20+$0x5E0 ss:$0x1] =	vst.idx.msk $0xffff, v55;
	v27 =	vand.u32 $0xFFFF0000, v27;
	v55 =	vand.u32 $0xFFFF, v54;
	v54 =	vor.u32 v50, v23;
	v56 =	vld.idx.msk [tilespmem:v8+s30+$0x170 ss:$0x1], $0xffff  }
0x27b: {  	v28 =	vshrl.u32 v49, v13;
	v27 =	vor.u32 v29, v27;
	v58 =	vld.idx.msk [tilespmem:v8+s30+$0x1F0 ss:$0x1], $0xffff;
	[tilespmem:v9+s20+$0x7B0 ss:$0x1] =	vst.idx.msk $0xffff, v54  }
0x27c: {  	v25 =	vshrl.u32 v57, v14;
	v24 =	vshll.u32 v48, v16;
	v54 =	vld.idx.msk [tilespmem:v8+s25+$0x30 ss:$0x1], $0xffff;
	[tilespmem:v9+s20+$0x740 ss:$0x1] =	vst.idx.msk $0xffff, v27  }
0x27d: {  	v32 =	vshll.u32 v38, v17;
	v24 =	vand.u32 $0xFFFF0000, v24;
	v29 =	vshll.u32 v51, v16;
	v22 =	vld.idx.msk [tilespmem:v8+s30+$0x340 ss:$0x1], $0xffff  }
0x27e: {  	s19 =	sshrl.u32 s24, $0x1;
	v59 =	vand.u32 $0xFFFF, v28;
	v24 =	vor.u32 v55, v24;
	v60 =	vand.u32 $0xFFFF0000, v29;
	v34 =	vld.idx.msk [tilespmem:v8+s30+$0x3C0 ss:$0x1], $0xffff  }
0x27f: {  	v25 =	vand.u32 $0xFFFF, v25;
	v57 =	vand.u32 $0xFFFF0000, v32;
	[tilespmem:v9+s19+$0x0 ss:$0x1] =	vst.idx.msk $0xffff, v24;
	v24 =	vor.u32 v59, v60;
	v60 =	vld.idx.msk [tilespmem:v8+s25+$0x20 ss:$0x1], $0xffff  }
0x280: {  	v40 =	vand.u32 $0xFFFF0000, v37;
	v44 =	vshll.u32 v44, v10;
	v25 =	vor.u32 v25, v57;
	v62 =	vld.idx.msk [tilespmem:v8+s25+$0x100 ss:$0x1], $0xffff  }
0x281: {  	v20 =	vor.u32 v39, v40;
	v21 =	vand.u32 $0xFFFF, v42;
	[tilespmem:v9+s20+$0x750 ss:$0x1] =	vst.idx.msk $0xffff, v25;
	v36 =	vld.idx.msk [tilespmem:v8+s25+$0x180 ss:$0x1], $0xffff  }
0x282: {  	[tilespmem:v9+s19+$0x10 ss:$0x1] =	vst.idx.msk $0xffff, v24;
	v28 =	vld.idx.msk [tilespmem:v8+s30+$0x350 ss:$0x1], $0xffff;
	v61 =	vshrl.u32 v52, v12;
	v27 =	vshll.u32 v53, v15  }
0x283: {  	v37 =	vand.u32 $0xFFFF0000, v44;
	v39 =	vld.idx.msk [tilespmem:v8+s25+$0x110 ss:$0x1], $0xffff;
	v63 =	vand.u32 $0xFFFF, v61;
	v27 =	vand.u32 $0xFFFF0000, v27  }
0x284: {  	v40 =	vperm.xlane v19, v4;
	v41 =	vld.idx.msk [tilespmem:v8+s25+$0x190 ss:$0x1], $0xffff;
	v42 =	vshrl.u32 v56, v12;
	v38 =	vor.u32 v63, v27  }
0x285: {  	v32 =	vld.idx.msk [tilespmem:v8+s30+$0x3D0 ss:$0x1], $0xffff;
	v15 =	vshll.u32 v58, v15;
	v12 =	vperm.xlane v19, v3;
	[tilespmem:v9+s20+$0x6E0 ss:$0x1] =	vst.idx.msk $0xffff, v38  }
0x286: {  	[tilespmem:v9+s20+$0x780 ss:$0x1] =	vst.idx.msk $0xffff, v18;
	v18 =	vsub.s32 $0x10, v40;
	v30 =	vand.u32 $0xFFFF, v42;
	v15 =	vand.u32 $0xFFFF0000, v15;
	v43 =	vld.idx.msk [tilespmem:v8+s30+$0x260 ss:$0x1], $0xffff  }
0x287: {  	v15 =	vor.u32 v30, v15;
	v44 =	vld.idx.msk [tilespmem:v8+s30+$0x2E0 ss:$0x1], $0xffff;
	v45 =	vshrl.u32 v62, v12;
	v29 =	vshll.u32 v36, v18  }
0x288: {  	[tilespmem:v9+s20+$0x6F0 ss:$0x1] =	vst.idx.msk $0xffff, v15;
	v62 =	vld.idx.msk [tilespmem:v8+s25+$0xA0 ss:$0x1], $0xffff;
	v46 =	vand.u32 $0xFFFF, v45;
	v29 =	vand.u32 $0xFFFF0000, v29  }
0x289: {  	v47 =	vld.idx.msk [tilespmem:v8+s30+$0x270 ss:$0x1], $0xffff;
	v27 =	vshrl.u32 v39, v12;
	v25 =	vshll.u32 v41, v18;
	v15 =	vor.u32 v46, v29  }
0x28a: {  	v48 =	vld.idx.msk [tilespmem:v8+s30+$0x2F0 ss:$0x1], $0xffff;
	v49 =	vand.u32 $0xFFFF, v27;
	v25 =	vand.u32 $0xFFFF0000, v25;
	[tilespmem:v9+s19+$0x80 ss:$0x1] =	vst.idx.msk $0xffff, v15  }
0x28b: {  	v15 =	vor.u32 v49, v25;
	v51 =	vld.idx.msk [tilespmem:v8+s25+$0x200 ss:$0x1], $0xffff  }
0x28c: {  	v21 =	vor.u32 v21, v37;
	v53 =	vld.idx.msk [tilespmem:v8+s25+$0x280 ss:$0x1], $0xffff;
	[tilespmem:v9+s19+$0x90 ss:$0x1] =	vst.idx.msk $0xffff, v15  }
0x28d: {  	[tilespmem:v9+s20+$0x7A0 ss:$0x1] =	vst.idx.msk $0xffff, v21;
	v58 =	vperm.xlane v19, v5;
	v57 =	vld.idx.msk [tilespmem:v8+s25+$0x210 ss:$0x1], $0xffff  }
0x28e: {  	v52 =	vshrl.u32 v43, v14;
	v24 =	vshll.u32 v44, v17;
	v59 =	vld.idx.msk [tilespmem:v8+s25+$0x290 ss:$0x1], $0xffff;
	v21 =	vshll.u32 v62, v16  }
0x28f: {  	[tilespmem:v9+s20+$0x790 ss:$0x1] =	vst.idx.msk $0xffff, v20;
	v62 =	vld.idx.msk [tilespmem:v8+s25+$0xD0 ss:$0x1], $0xffff;
	v55 =	vand.u32 $0xFFFF, v52;
	v56 =	vand.u32 $0xFFFF0000, v24;
	v14 =	vshrl.u32 v47, v14  }
0x290: {  	v17 =	vshll.u32 v48, v17;
	v48 =	vshll.u32 v32, v10;
	v32 =	vld.idx.msk [tilespmem:v8+s25+$0xE0 ss:$0x1], $0xffff;
	v20 =	vor.u32 v55, v56  }
0x291: {  	v61 =	vand.u32 $0xFFFF, v14;
	v17 =	vand.u32 $0xFFFF0000, v17;
	v14 =	vsub.s32 $0x10, v58;
	v58 =	vld.idx.msk [tilespmem:v8+s25+$0x40 ss:$0x1], $0xffff  }
0x292: {  	[tilespmem:v9+s20+$0x760 ss:$0x1] =	vst.idx.msk $0xffff, v20;
	v17 =	vor.u32 v61, v17;
	v61 =	vld.idx.msk [tilespmem:v8+s25+$0x50 ss:$0x1], $0xffff  }
0x293: {  	v22 =	vshrl.u32 v22, v11;
	v45 =	vshll.u32 v34, v10;
	v63 =	vld.idx.msk [tilespmem:v8+s30+$0x360 ss:$0x1], $0xffff  }
0x294: {  	v15 =	vperm.xlane v19, v0;
	v44 =	vshrl.u32 v60, v13;
	v35 =	vld.idx.msk [tilespmem:v8+s30+$0x3E0 ss:$0x1], $0xffff;
	[tilespmem:v9+s20+$0x770 ss:$0x1] =	vst.idx.msk $0xffff, v17  }
0x295: {  	v21 =	vand.u32 $0xFFFF0000, v21;
	v47 =	vshrl.u32 v28, v11;
	v20 =	vand.u32 $0xFFFF, v44;
	v38 =	vld.idx.msk [tilespmem:v8+s30+$0x370 ss:$0x1], $0xffff  }
0x296: {  	v50 =	vand.u32 $0xFFFF, v47;
	v31 =	vshrl.u32 v51, v15;
	v21 =	vor.u32 v20, v21;
	v41 =	vld.idx.msk [tilespmem:v8+s30+$0x3F0 ss:$0x1], $0xffff  }
0x297: {  	v33 =	vshll.u32 v53, v14;
	v39 =	vshrl.u32 v57, v15;
	[tilespmem:v9+s19+$0x20 ss:$0x1] =	vst.idx.msk $0xffff, v21;
	v57 =	vld.idx.msk [tilespmem:v8+s25+$0xB0 ss:$0x1], $0xffff  }
0x298: {  	v51 =	vand.u32 $0xFFFF0000, v48;
	v36 =	vand.u32 $0xFFFF, v31;
	v37 =	vand.u32 $0xFFFF0000, v33;
	v49 =	vld.idx.msk [tilespmem:v8+s25+$0x120 ss:$0x1], $0xffff  }
0x299: {  	v40 =	vshll.u32 v59, v14;
	v21 =	vor.u32 v50, v51;
	v17 =	vor.u32 v36, v37;
	v52 =	vld.idx.msk [tilespmem:v8+s25+$0x1A0 ss:$0x1], $0xffff  }
0x29a: {  	v59 =	vld.idx.msk [tilespmem:v8+s25+$0xC0 ss:$0x1], $0xffff;
	v42 =	vand.u32 $0xFFFF, v39;
	v43 =	vand.u32 $0xFFFF0000, v40;
	v53 =	vshrl.u32 v63, v11  }
0x29b: {  	[tilespmem:v9+s19+$0x100 ss:$0x1] =	vst.idx.msk $0xffff, v17;
	v17 =	vor.u32 v42, v43;
	v27 =	vshll.u32 v35, v10;
	v55 =	vand.u32 $0xFFFF, v53  }
0x29c: {  	[tilespmem:v9+s20+$0x7D0 ss:$0x1] =	vst.idx.msk $0xffff, v21;
	v56 =	vand.u32 $0xFFFF0000, v27;
	v11 =	vshrl.u32 v38, v11;
	v10 =	vshll.u32 v41, v10  }
0x29d: {  	v23 =	vld.idx.msk [tilespmem:v8+s25+$0x300 ss:$0x1], $0xffff;
	[tilespmem:v9+s19+$0x110 ss:$0x1] =	vst.idx.msk $0xffff, v17;
	v27 =	vshll.u32 v57, v16;
	v11 =	vand.u32 $0xFFFF, v11;
	v10 =	vand.u32 $0xFFFF0000, v10  }
0x29e: {  	v25 =	vld.idx.msk [tilespmem:v8+s25+$0x380 ss:$0x1], $0xffff;
	v60 =	vshll.u32 v52, v18;
	v10 =	vor.u32 v11, v10;
	v11 =	vshrl.u32 v49, v12  }
0x29f: {  	v17 =	vld.idx.msk [tilespmem:v8+s25+$0x310 ss:$0x1], $0xffff;
	v21 =	vor.u32 v55, v56;
	[tilespmem:v9+s20+$0x7F0 ss:$0x1] =	vst.idx.msk $0xffff, v10;
	v10 =	vand.u32 $0xFFFF, v11;
	v11 =	vand.u32 $0xFFFF0000, v60  }
0x2a0: {  	v20 =	vld.idx.msk [tilespmem:v8+s25+$0x390 ss:$0x1], $0xffff;
	[tilespmem:v9+s20+$0x7E0 ss:$0x1] =	vst.idx.msk $0xffff, v21;
	v10 =	vor.u32 v10, v11;
	v11 =	vshrl.u32 v54, v13  }
0x2a1: {  	v63 =	vld.idx.msk [tilespmem:v8+s25+$0x60 ss:$0x1], $0xffff;
	[tilespmem:v9+s19+$0xA0 ss:$0x1] =	vst.idx.msk $0xffff, v10;
	v10 =	vand.u32 $0xFFFF, v11;
	v11 =	vand.u32 $0xFFFF0000, v27  }
0x2a2: {  	v21 =	vshll.u32 v59, v16;
	v33 =	vld.idx.msk [tilespmem:v8+s25+$0x220 ss:$0x1], $0xffff;
	v10 =	vor.u32 v10, v11;
	v11 =	vshrl.u32 v58, v13  }
0x2a3: {  	v34 =	vld.idx.msk [tilespmem:v8+s25+$0x2A0 ss:$0x1], $0xffff;
	[tilespmem:v9+s19+$0x30 ss:$0x1] =	vst.idx.msk $0xffff, v10;
	v10 =	vand.u32 $0xFFFF, v11;
	v11 =	vand.u32 $0xFFFF0000, v21  }
0x2a4: {  	v22 =	vand.u32 $0xFFFF, v22;
	v35 =	vld.idx.msk [tilespmem:v8+s25+$0x130 ss:$0x1], $0xffff;
	v10 =	vor.u32 v10, v11  }
0x2a5: {  	v24 =	vshll.u32 v62, v16;
	v11 =	vshrl.u32 v61, v13;
	v36 =	vld.idx.msk [tilespmem:v8+s25+$0x1B0 ss:$0x1], $0xffff;
	[tilespmem:v9+s19+$0x40 ss:$0x1] =	vst.idx.msk $0xffff, v10  }
0x2a6: {  	v30 =	vand.u32 $0xFFFF0000, v45;
	v10 =	vand.u32 $0xFFFF, v11;
	v11 =	vand.u32 $0xFFFF0000, v24;
	v37 =	vld.idx.msk [tilespmem:v8+s25+$0x140 ss:$0x1], $0xffff  }
0x2a7: {  	v46 =	vor.u32 v22, v30;
	v27 =	vshll.u32 v32, v16;
	v10 =	vor.u32 v10, v11;
	v38 =	vld.idx.msk [tilespmem:v8+s25+$0x1C0 ss:$0x1], $0xffff  }
0x2a8: {  	v11 =	vshrl.u32 v63, v13;
	[tilespmem:v9+s19+$0x50 ss:$0x1] =	vst.idx.msk $0xffff, v10;
	v39 =	vshrl.u32 v33, v15;
	v33 =	vld.idx.msk [tilespmem:v8+s25+$0x70 ss:$0x1], $0xffff  }
0x2a9: {  	v10 =	vand.u32 $0xFFFF, v11;
	v11 =	vand.u32 $0xFFFF0000, v27;
	v22 =	vshll.u32 v34, v14;
	v40 =	vld.idx.msk [tilespmem:v8+s25+$0x150 ss:$0x1], $0xffff  }
0x2aa: {  	v10 =	vor.u32 v10, v11;
	v11 =	vand.u32 $0xFFFF, v39;
	v22 =	vand.u32 $0xFFFF0000, v22;
	v41 =	vld.idx.msk [tilespmem:v8+s25+$0x1D0 ss:$0x1], $0xffff  }
0x2ab: {  	[tilespmem:v9+s19+$0x60 ss:$0x1] =	vst.idx.msk $0xffff, v10;
	v10 =	vor.u32 v11, v22;
	v11 =	vshrl.u32 v35, v12;
	v35 =	vld.idx.msk [tilespmem:v8+s25+$0xF0 ss:$0x1], $0xffff  }
0x2ac: {  	[tilespmem:v9+s20+$0x7C0 ss:$0x1] =	vst.idx.msk $0xffff, v46;
	v42 =	vshll.u32 v36, v18;
	v43 =	vld.idx.msk [tilespmem:v8+s25+$0x160 ss:$0x1], $0xffff  }
0x2ad: {  	[tilespmem:v9+s19+$0x120 ss:$0x1] =	vst.idx.msk $0xffff, v10;
	v10 =	vand.u32 $0xFFFF, v11;
	v11 =	vand.u32 $0xFFFF0000, v42;
	v44 =	vld.idx.msk [tilespmem:v8+s25+$0x1E0 ss:$0x1], $0xffff  }
0x2ae: {  	v26 =	vld.idx.msk [tilespmem:v8+s25+$0x320 ss:$0x1], $0xffff;
	v11 =	vor.u32 v10, v11;
	v24 =	vshrl.u32 v37, v12;
	v28 =	vshll.u32 v38, v18  }
0x2af: {  	v10 =	vperm.xlane v19, v6;
	v30 =	vld.idx.msk [tilespmem:v8+s25+$0x3A0 ss:$0x1], $0xffff;
	[tilespmem:v9+s19+$0xB0 ss:$0x1] =	vst.idx.msk $0xffff, v11;
	v11 =	vand.u32 $0xFFFF, v24;
	v45 =	vand.u32 $0xFFFF0000, v28  }
0x2b0: {  	v46 =	vld.idx.msk [tilespmem:v8+s25+$0x230 ss:$0x1], $0xffff;
	v11 =	vor.u32 v11, v45;
	v47 =	vshrl.u32 v40, v12;
	v27 =	vshll.u32 v41, v18  }
0x2b1: {  	v19 =	vperm.xlane v19, v7;
	v48 =	vld.idx.msk [tilespmem:v8+s25+$0x2B0 ss:$0x1], $0xffff;
	[tilespmem:v9+s19+$0xC0 ss:$0x1] =	vst.idx.msk $0xffff, v11;
	v11 =	vand.u32 $0xFFFF, v47;
	v49 =	vand.u32 $0xFFFF0000, v27  }
0x2b2: {  	v23 =	vshrl.u32 v23, v10;
	v50 =	vld.idx.msk [tilespmem:v8+s25+$0x240 ss:$0x1], $0xffff;
	v24 =	vor.u32 v11, v49;
	v22 =	vshrl.u32 v43, v12  }
0x2b3: {  	v54 =	vand.u32 $0xFFFF, v23;
	v21 =	vshll.u32 v44, v18;
	v11 =	vsub.s32 $0x10, v19;
	v51 =	vld.idx.msk [tilespmem:v8+s25+$0x2C0 ss:$0x1], $0xffff;
	[tilespmem:v9+s19+$0xD0 ss:$0x1] =	vst.idx.msk $0xffff, v24  }
0x2b4: {  	v22 =	vand.u32 $0xFFFF, v22;
	v21 =	vand.u32 $0xFFFF0000, v21;
	v52 =	vshll.u32 v25, v11;
	v53 =	vld.idx.msk [tilespmem:v8+s25+$0x250 ss:$0x1], $0xffff  }
0x2b5: {  	s26 =	sor.u32 $0x400, s24;
	v21 =	vor.u32 v22, v21;
	v55 =	vand.u32 $0xFFFF0000, v52;
	v56 =	vld.idx.msk [tilespmem:v8+s25+$0x2D0 ss:$0x1], $0xffff;
	v22 =	vshll.u32 v35, v16  }
0x2b6: {  	v35 =	vld.idx.msk [tilespmem:v8+s26+$0x90 ss:$0x1], $0xffff;
	[tilespmem:v9+s19+$0xE0 ss:$0x1] =	vst.idx.msk $0xffff, v21;
	v58 =	vshrl.u32 v46, v15;
	v59 =	vshll.u32 v48, v14  }
0x2b7: {  	v57 =	vor.u32 v54, v55;
	v60 =	vld.idx.msk [tilespmem:v8+s25+$0x260 ss:$0x1], $0xffff;
	v61 =	vand.u32 $0xFFFF, v58;
	v62 =	vand.u32 $0xFFFF0000, v59  }
0x2b8: {  	v46 =	vshrl.u32 v33, v13;
	[tilespmem:v9+s19+$0x180 ss:$0x1] =	vst.idx.msk $0xffff, v57;
	v63 =	vld.idx.msk [tilespmem:v8+s25+$0x2E0 ss:$0x1], $0xffff;
	v21 =	vor.u32 v61, v62  }
0x2b9: {  	v48 =	vand.u32 $0xFFFF0000, v22;
	v47 =	vand.u32 $0xFFFF, v46;
	v57 =	vld.idx.msk [tilespmem:v8+s26+$0x0 ss:$0x1], $0xffff;
	[tilespmem:v9+s19+$0x130 ss:$0x1] =	vst.idx.msk $0xffff, v21  }
0x2ba: {  	v21 =	vor.u32 v47, v48;
	v36 =	vld.idx.msk [tilespmem:v8+s25+$0x330 ss:$0x1], $0xffff  }
0x2bb: {  	v32 =	vshrl.u32 v50, v15;
	v19 =	vshll.u32 v51, v14;
	v38 =	vld.idx.msk [tilespmem:v8+s25+$0x3B0 ss:$0x1], $0xffff;
	[tilespmem:v9+s19+$0x70 ss:$0x1] =	vst.idx.msk $0xffff, v21  }
0x2bc: {  	v49 =	vshrl.u32 v17, v10;
	v34 =	vand.u32 $0xFFFF, v32;
	v19 =	vand.u32 $0xFFFF0000, v19;
	v52 =	vld.idx.msk [tilespmem:v8+s25+$0x170 ss:$0x1], $0xffff  }
0x2bd: {  	v20 =	vshll.u32 v20, v11;
	v19 =	vor.u32 v34, v19;
	v37 =	vshrl.u32 v53, v15;
	v55 =	vld.idx.msk [tilespmem:v8+s25+$0x1F0 ss:$0x1], $0xffff  }
0x2be: {  	v20 =	vand.u32 $0xFFFF0000, v20;
	v22 =	vand.u32 $0xFFFF, v49;
	[tilespmem:v9+s19+$0x140 ss:$0x1] =	vst.idx.msk $0xffff, v19;
	v39 =	vand.u32 $0xFFFF, v37;
	v37 =	vld.idx.msk [tilespmem:v8+s26+$0x20 ss:$0x1], $0xffff  }
0x2bf: {  	v20 =	vor.u32 v22, v20;
	v50 =	vshrl.u32 v26, v10;
	v51 =	vshll.u32 v30, v11;
	v41 =	vld.idx.msk [tilespmem:v8+s25+$0x340 ss:$0x1], $0xffff  }
0x2c0: {  	[tilespmem:v9+s19+$0x190 ss:$0x1] =	vst.idx.msk $0xffff, v20;
	v54 =	vand.u32 $0xFFFF0000, v51;
	v24 =	vshll.u32 v56, v14;
	v53 =	vand.u32 $0xFFFF, v50;
	v43 =	vld.idx.msk [tilespmem:v8+s25+$0x3C0 ss:$0x1], $0xffff  }
0x2c1: {  	v40 =	vand.u32 $0xFFFF0000, v24;
	v20 =	vor.u32 v53, v54;
	v42 =	vshrl.u32 v60, v15;
	v60 =	vld.idx.msk [tilespmem:v8+s26+$0x80 ss:$0x1], $0xffff  }
0x2c2: {  	v19 =	vor.u32 v39, v40;
	v23 =	vshll.u32 v63, v14;
	[tilespmem:v9+s19+$0x1A0 ss:$0x1] =	vst.idx.msk $0xffff, v20;
	v63 =	vld.idx.msk [tilespmem:v8+s26+$0x10 ss:$0x1], $0xffff  }
0x2c3: {  	v40 =	vld.idx.msk [tilespmem:v8+s26+$0xA0 ss:$0x1], $0xffff;
	[tilespmem:v9+s19+$0x150 ss:$0x1] =	vst.idx.msk $0xffff, v19;
	v44 =	vand.u32 $0xFFFF, v42;
	v45 =	vand.u32 $0xFFFF0000, v23;
	v56 =	vshrl.u32 v36, v10  }
0x2c4: {  	v42 =	vld.idx.msk [tilespmem:v8+s26+$0x30 ss:$0x1], $0xffff;
	v19 =	vor.u32 v44, v45;
	v25 =	vshll.u32 v38, v11;
	v58 =	vand.u32 $0xFFFF, v56  }
0x2c5: {  	v23 =	vld.idx.msk [tilespmem:v8+s25+$0x350 ss:$0x1], $0xffff;
	v59 =	vand.u32 $0xFFFF0000, v25;
	v36 =	vshrl.u32 v52, v12;
	v22 =	vshll.u32 v55, v18  }
0x2c6: {  	v27 =	vld.idx.msk [tilespmem:v8+s25+$0x3D0 ss:$0x1], $0xffff;
	v20 =	vor.u32 v58, v59;
	v61 =	vshrl.u32 v41, v10;
	v62 =	vshll.u32 v43, v11  }
0x2c7: {  	v45 =	vld.idx.msk [tilespmem:v8+s26+$0xB0 ss:$0x1], $0xffff;
	[tilespmem:v9+s19+$0x160 ss:$0x1] =	vst.idx.msk $0xffff, v19;
	v38 =	vand.u32 $0xFFFF, v36;
	v33 =	vand.u32 $0xFFFF, v61;
	v34 =	vand.u32 $0xFFFF0000, v62  }
0x2c8: {  	v39 =	vand.u32 $0xFFFF0000, v22;
	v41 =	vshrl.u32 v57, v13;
	[tilespmem:v9+s19+$0x1B0 ss:$0x1] =	vst.idx.msk $0xffff, v20;
	v20 =	vor.u32 v33, v34  }
0x2c9: {  	v17 =	vld.idx.msk [tilespmem:v8+s25+$0x360 ss:$0x1], $0xffff;
	v25 =	vshll.u32 v60, v16;
	[tilespmem:v9+s19+$0x1C0 ss:$0x1] =	vst.idx.msk $0xffff, v20;
	v20 =	vor.u32 v38, v39  }
0x2ca: {  	v19 =	vld.idx.msk [tilespmem:v8+s25+$0x3E0 ss:$0x1], $0xffff;
	v43 =	vand.u32 $0xFFFF, v41;
	v44 =	vand.u32 $0xFFFF0000, v25;
	[tilespmem:v9+s19+$0xF0 ss:$0x1] =	vst.idx.msk $0xffff, v20  }
0x2cb: {  	s28 =	sshrl.u32 s26, $0x1;
	v24 =	vshll.u32 v35, v16;
	v47 =	vshrl.u32 v63, v13;
	v20 =	vor.u32 v43, v44;
	v46 =	vld.idx.msk [tilespmem:v8+s25+$0x270 ss:$0x1], $0xffff  }
0x2cc: {  	v50 =	vand.u32 $0xFFFF0000, v24;
	v49 =	vand.u32 $0xFFFF, v47;
	v48 =	vld.idx.msk [tilespmem:v8+s25+$0x2F0 ss:$0x1], $0xffff;
	[tilespmem:v9+s28+$0x0 ss:$0x1] =	vst.idx.msk $0xffff, v20  }
0x2cd: {  	v52 =	vshrl.u32 v37, v13;
	v22 =	vshll.u32 v40, v16;
	v20 =	vor.u32 v49, v50;
	v51 =	vld.idx.msk [tilespmem:v8+s26+$0x100 ss:$0x1], $0xffff  }
0x2ce: {  	v54 =	vand.u32 $0xFFFF, v52;
	v55 =	vand.u32 $0xFFFF0000, v22;
	v53 =	vld.idx.msk [tilespmem:v8+s26+$0x180 ss:$0x1], $0xffff;
	[tilespmem:v9+s19+$0x210 ss:$0x1] =	vst.idx.msk $0xffff, v20  }
0x2cf: {  	v57 =	vshrl.u32 v42, v13;
	v25 =	vshll.u32 v45, v16;
	v20 =	vor.u32 v54, v55;
	v56 =	vld.idx.msk [tilespmem:v8+s26+$0x110 ss:$0x1], $0xffff  }
0x2d0: {  	v59 =	vand.u32 $0xFFFF, v57;
	v60 =	vand.u32 $0xFFFF0000, v25;
	v58 =	vld.idx.msk [tilespmem:v8+s26+$0x190 ss:$0x1], $0xffff;
	[tilespmem:v9+s19+$0x220 ss:$0x1] =	vst.idx.msk $0xffff, v20  }
0x2d1: {  	v20 =	vor.u32 v59, v60;
	v62 =	vld.idx.msk [tilespmem:v8+s26+$0x120 ss:$0x1], $0xffff  }
0x2d2: {  	v33 =	vld.idx.msk [tilespmem:v8+s26+$0x1A0 ss:$0x1], $0xffff;
	[tilespmem:v9+s19+$0x230 ss:$0x1] =	vst.idx.msk $0xffff, v20;
	v61 =	vshrl.u32 v46, v15;
	v28 =	vshll.u32 v48, v14  }
0x2d3: {  	v37 =	vld.idx.msk [tilespmem:v8+s26+$0x130 ss:$0x1], $0xffff;
	v63 =	vand.u32 $0xFFFF, v61;
	v32 =	vand.u32 $0xFFFF0000, v28  }
0x2d4: {  	v40 =	vld.idx.msk [tilespmem:v8+s26+$0x1B0 ss:$0x1], $0xffff;
	v35 =	vshrl.u32 v51, v12;
	v36 =	vshll.u32 v53, v18;
	v34 =	vor.u32 v63, v32  }
0x2d5: {  	v38 =	vand.u32 $0xFFFF, v35;
	v39 =	vand.u32 $0xFFFF0000, v36;
	v41 =	vshrl.u32 v56, v12;
	v35 =	vld.idx.msk [tilespmem:v8+s26+$0x40 ss:$0x1], $0xffff  }
0x2d6: {  	v42 =	vshll.u32 v58, v18;
	[tilespmem:v9+s19+$0x170 ss:$0x1] =	vst.idx.msk $0xffff, v34;
	v20 =	vor.u32 v38, v39;
	v38 =	vld.idx.msk [tilespmem:v8+s26+$0xC0 ss:$0x1], $0xffff  }
0x2d7: {  	v43 =	vand.u32 $0xFFFF, v41;
	v44 =	vand.u32 $0xFFFF0000, v42;
	v26 =	vld.idx.msk [tilespmem:v8+s25+$0x370 ss:$0x1], $0xffff;
	[tilespmem:v9+s19+$0x280 ss:$0x1] =	vst.idx.msk $0xffff, v20  }
0x2d8: {  	v46 =	vshrl.u32 v62, v12;
	v28 =	vshll.u32 v33, v18;
	v20 =	vor.u32 v43, v44;
	v45 =	vld.idx.msk [tilespmem:v8+s26+$0x200 ss:$0x1], $0xffff  }
0x2d9: {  	v48 =	vand.u32 $0xFFFF, v46;
	v49 =	vand.u32 $0xFFFF0000, v28;
	v47 =	vld.idx.msk [tilespmem:v8+s26+$0x280 ss:$0x1], $0xffff;
	[tilespmem:v9+s19+$0x290 ss:$0x1] =	vst.idx.msk $0xffff, v20  }
0x2da: {  	v51 =	vshrl.u32 v37, v12;
	v24 =	vshll.u32 v40, v18;
	v20 =	vor.u32 v48, v49;
	v50 =	vld.idx.msk [tilespmem:v8+s26+$0x210 ss:$0x1], $0xffff  }
0x2db: {  	v53 =	vand.u32 $0xFFFF, v51;
	v54 =	vand.u32 $0xFFFF0000, v24;
	v52 =	vld.idx.msk [tilespmem:v8+s26+$0x290 ss:$0x1], $0xffff;
	[tilespmem:v9+s19+$0x2A0 ss:$0x1] =	vst.idx.msk $0xffff, v20  }
0x2dc: {  	v23 =	vshrl.u32 v23, v10;
	v20 =	vor.u32 v53, v54;
	v56 =	vld.idx.msk [tilespmem:v8+s26+$0x220 ss:$0x1], $0xffff  }
0x2dd: {  	v57 =	vand.u32 $0xFFFF, v23;
	v19 =	vshll.u32 v19, v11;
	v59 =	vld.idx.msk [tilespmem:v8+s26+$0x2A0 ss:$0x1], $0xffff;
	[tilespmem:v9+s19+$0x2B0 ss:$0x1] =	vst.idx.msk $0xffff, v20  }
0x2de: {  	v55 =	vshll.u32 v27, v11;
	v63 =	vld.idx.msk [tilespmem:v8+s26+$0x230 ss:$0x1], $0xffff;
	v61 =	vshrl.u32 v45, v15;
	v62 =	vshll.u32 v47, v14  }
0x2df: {  	v49 =	vshrl.u32 v35, v13;
	v33 =	vld.idx.msk [tilespmem:v8+s26+$0x2B0 ss:$0x1], $0xffff;
	v31 =	vand.u32 $0xFFFF, v61;
	v32 =	vand.u32 $0xFFFF0000, v62  }
0x2e0: {  	s29 =	sor.u32 $0x800, s24;
	v29 =	vld.idx.msk [tilespmem:v8+s25+$0x3F0 ss:$0x1], $0xffff;
	v34 =	vshrl.u32 v50, v15;
	v25 =	vshll.u32 v52, v14;
	v50 =	vand.u32 $0xFFFF, v49  }
0x2e1: {  	v49 =	vld.idx.msk [tilespmem:v8+s29+$0x80 ss:$0x1], $0xffff;
	v20 =	vor.u32 v31, v32;
	v36 =	vand.u32 $0xFFFF, v34;
	v37 =	vand.u32 $0xFFFF0000, v25  }
0x2e2: {  	v40 =	vshrl.u32 v56, v15;
	v24 =	vshll.u32 v59, v14;
	v25 =	vshll.u32 v38, v16;
	v34 =	vld.idx.msk [tilespmem:v8+s26+$0xD0 ss:$0x1], $0xffff  }
0x2e3: {  	[tilespmem:v9+s19+$0x300 ss:$0x1] =	vst.idx.msk $0xffff, v20;
	v20 =	vor.u32 v36, v37;
	v45 =	vshrl.u32 v63, v15;
	v63 =	vld.idx.msk [tilespmem:v8+s26+$0x50 ss:$0x1], $0xffff  }
0x2e4: {  	v42 =	vand.u32 $0xFFFF, v40;
	v43 =	vand.u32 $0xFFFF0000, v24;
	v22 =	vshll.u32 v33, v14;
	v36 =	vld.idx.msk [tilespmem:v8+s26+$0x60 ss:$0x1], $0xffff  }
0x2e5: {  	v39 =	vld.idx.msk [tilespmem:v8+s26+$0x300 ss:$0x1], $0xffff;
	[tilespmem:v9+s19+$0x310 ss:$0x1] =	vst.idx.msk $0xffff, v20;
	v20 =	vor.u32 v42, v43;
	v47 =	vand.u32 $0xFFFF, v45;
	v48 =	vand.u32 $0xFFFF0000, v22  }
0x2e6: {  	v58 =	vand.u32 $0xFFFF0000, v55;
	v51 =	vand.u32 $0xFFFF0000, v25;
	v41 =	vld.idx.msk [tilespmem:v8+s26+$0x380 ss:$0x1], $0xffff;
	[tilespmem:v9+s19+$0x320 ss:$0x1] =	vst.idx.msk $0xffff, v20;
	v20 =	vor.u32 v47, v48  }
0x2e7: {  	v60 =	vor.u32 v57, v58;
	v44 =	vld.idx.msk [tilespmem:v8+s26+$0x310 ss:$0x1], $0xffff;
	[tilespmem:v9+s19+$0x330 ss:$0x1] =	vst.idx.msk $0xffff, v20;
	v20 =	vor.u32 v50, v51  }
0x2e8: {  	v54 =	vand.u32 $0xFFFF0000, v19;
	v52 =	vshrl.u32 v17, v10;
	v46 =	vld.idx.msk [tilespmem:v8+s26+$0x390 ss:$0x1], $0xffff;
	[tilespmem:v9+s19+$0x240 ss:$0x1] =	vst.idx.msk $0xffff, v20  }
0x2e9: {  	v57 =	vshll.u32 v29, v11;
	v53 =	vand.u32 $0xFFFF, v52;
	v56 =	vshrl.u32 v26, v10;
	v58 =	vld.idx.msk [tilespmem:v8+s26+$0x140 ss:$0x1], $0xffff  }
0x2ea: {  	[tilespmem:v9+s19+$0x1D0 ss:$0x1] =	vst.idx.msk $0xffff, v60;
	v60 =	vand.u32 $0xFFFF0000, v57;
	v55 =	vor.u32 v53, v54;
	v59 =	vand.u32 $0xFFFF, v56;
	v61 =	vld.idx.msk [tilespmem:v8+s26+$0x1C0 ss:$0x1], $0xffff  }
0x2eb: {  	[tilespmem:v9+s19+$0x1E0 ss:$0x1] =	vst.idx.msk $0xffff, v55;
	v22 =	vld.idx.msk [tilespmem:v8+s26+$0x320 ss:$0x1], $0xffff;
	v20 =	vor.u32 v59, v60  }
0x2ec: {  	v28 =	vld.idx.msk [tilespmem:v8+s26+$0x3A0 ss:$0x1], $0xffff;
	v45 =	vshrl.u32 v63, v13;
	v62 =	vshrl.u32 v39, v10;
	v27 =	vshll.u32 v41, v11  }
0x2ed: {  	v17 =	vld.idx.msk [tilespmem:v8+s26+$0x330 ss:$0x1], $0xffff;
	[tilespmem:v9+s19+$0x1F0 ss:$0x1] =	vst.idx.msk $0xffff, v20;
	v32 =	vand.u32 $0xFFFF, v62;
	v33 =	vand.u32 $0xFFFF0000, v27;
	v35 =	vshrl.u32 v44, v10  }
0x2ee: {  	v39 =	vld.idx.msk [tilespmem:v8+s26+$0xE0 ss:$0x1], $0xffff;
	v23 =	vshll.u32 v46, v11;
	v20 =	vor.u32 v32, v33;
	v37 =	vand.u32 $0xFFFF, v35  }
0x2ef: {  	v41 =	vld.idx.msk [tilespmem:v8+s26+$0x70 ss:$0x1], $0xffff;
	v38 =	vand.u32 $0xFFFF0000, v23;
	v40 =	vshrl.u32 v58, v12;
	v25 =	vshll.u32 v61, v18  }
0x2f0: {  	v44 =	vld.idx.msk [tilespmem:v8+s26+$0xF0 ss:$0x1], $0xffff;
	[tilespmem:v9+s19+$0x380 ss:$0x1] =	vst.idx.msk $0xffff, v20;
	v20 =	vor.u32 v37, v38;
	v42 =	vand.u32 $0xFFFF, v40;
	v43 =	vand.u32 $0xFFFF0000, v25  }
0x2f1: {  	v19 =	vld.idx.msk [tilespmem:v8+s26+$0x3B0 ss:$0x1], $0xffff;
	v27 =	vshll.u32 v34, v16;
	[tilespmem:v9+s19+$0x390 ss:$0x1] =	vst.idx.msk $0xffff, v20;
	v20 =	vor.u32 v42, v43  }
0x2f2: {  	v47 =	vand.u32 $0xFFFF, v45;
	v46 =	vld.idx.msk [tilespmem:v8+s29+$0x0 ss:$0x1], $0xffff;
	v48 =	vand.u32 $0xFFFF0000, v27;
	[tilespmem:v9+s19+$0x2C0 ss:$0x1] =	vst.idx.msk $0xffff, v20  }
0x2f3: {  	v51 =	vshrl.u32 v36, v13;
	v23 =	vshll.u32 v39, v16;
	v20 =	vor.u32 v47, v48;
	v50 =	vld.idx.msk [tilespmem:v8+s26+$0x240 ss:$0x1], $0xffff  }
0x2f4: {  	v53 =	vand.u32 $0xFFFF, v51;
	v54 =	vand.u32 $0xFFFF0000, v23;
	v52 =	vld.idx.msk [tilespmem:v8+s26+$0x2C0 ss:$0x1], $0xffff;
	[tilespmem:v9+s19+$0x250 ss:$0x1] =	vst.idx.msk $0xffff, v20  }
0x2f5: {  	v56 =	vshrl.u32 v41, v13;
	v25 =	vshll.u32 v44, v16;
	v20 =	vor.u32 v53, v54;
	v55 =	vld.idx.msk [tilespmem:v8+s26+$0x150 ss:$0x1], $0xffff  }
0x2f6: {  	v58 =	vand.u32 $0xFFFF, v56;
	v59 =	vand.u32 $0xFFFF0000, v25;
	v57 =	vld.idx.msk [tilespmem:v8+s26+$0x1D0 ss:$0x1], $0xffff;
	[tilespmem:v9+s19+$0x260 ss:$0x1] =	vst.idx.msk $0xffff, v20  }
0x2f7: {  	v27 =	vshll.u32 v49, v16;
	v61 =	vshrl.u32 v46, v13;
	v20 =	vor.u32 v58, v59;
	v60 =	vld.idx.msk [tilespmem:v8+s26+$0x160 ss:$0x1], $0xffff  }
0x2f8: {  	v33 =	vand.u32 $0xFFFF0000, v27;
	v63 =	vand.u32 $0xFFFF, v61;
	v62 =	vld.idx.msk [tilespmem:v8+s26+$0x1E0 ss:$0x1], $0xffff;
	[tilespmem:v9+s19+$0x270 ss:$0x1] =	vst.idx.msk $0xffff, v20  }
0x2f9: {  	s30 =	sshrl.u32 s29, $0x1;
	v20 =	vor.u32 v63, v33;
	v35 =	vld.idx.msk [tilespmem:v8+s26+$0x170 ss:$0x1], $0xffff  }
0x2fa: {  	v37 =	vld.idx.msk [tilespmem:v8+s26+$0x1F0 ss:$0x1], $0xffff;
	[tilespmem:v9+s30+$0x0 ss:$0x1] =	vst.idx.msk $0xffff, v20;
	v34 =	vshrl.u32 v50, v15;
	v24 =	vshll.u32 v52, v14  }
0x2fb: {  	v41 =	vld.idx.msk [tilespmem:v8+s29+$0x100 ss:$0x1], $0xffff;
	v36 =	vand.u32 $0xFFFF, v34;
	v24 =	vand.u32 $0xFFFF0000, v24  }
0x2fc: {  	v44 =	vld.idx.msk [tilespmem:v8+s29+$0x180 ss:$0x1], $0xffff;
	v39 =	vshrl.u32 v55, v12;
	v40 =	vshll.u32 v57, v18;
	v38 =	vor.u32 v36, v24  }
0x2fd: {  	v42 =	vand.u32 $0xFFFF, v39;
	v43 =	vand.u32 $0xFFFF0000, v40;
	v45 =	vshrl.u32 v60, v12;
	v40 =	vld.idx.msk [tilespmem:v8+s29+$0x10 ss:$0x1], $0xffff  }
0x2fe: {  	v46 =	vshll.u32 v62, v18;
	[tilespmem:v9+s19+$0x340 ss:$0x1] =	vst.idx.msk $0xffff, v38;
	v20 =	vor.u32 v42, v43;
	v43 =	vld.idx.msk [tilespmem:v8+s29+$0x90 ss:$0x1], $0xffff  }
0x2ff: {  	v47 =	vand.u32 $0xFFFF, v45;
	v48 =	vand.u32 $0xFFFF0000, v46;
	v26 =	vld.idx.msk [tilespmem:v8+s26+$0x340 ss:$0x1], $0xffff;
	[tilespmem:v9+s19+$0x2D0 ss:$0x1] =	vst.idx.msk $0xffff, v20  }
0x300: {  	v50 =	vshrl.u32 v35, v12;
	v27 =	vshll.u32 v37, v18;
	v20 =	vor.u32 v47, v48;
	v49 =	vld.idx.msk [tilespmem:v8+s26+$0x250 ss:$0x1], $0xffff  }
0x301: {  	v52 =	vand.u32 $0xFFFF, v50;
	v53 =	vand.u32 $0xFFFF0000, v27;
	v51 =	vld.idx.msk [tilespmem:v8+s26+$0x2D0 ss:$0x1], $0xffff;
	[tilespmem:v9+s19+$0x2E0 ss:$0x1] =	vst.idx.msk $0xffff, v20  }
0x302: {  	v55 =	vshrl.u32 v41, v12;
	v23 =	vshll.u32 v44, v18;
	v20 =	vor.u32 v52, v53;
	v54 =	vld.idx.msk [tilespmem:v8+s26+$0x260 ss:$0x1], $0xffff  }
0x303: {  	v57 =	vand.u32 $0xFFFF, v55;
	v58 =	vand.u32 $0xFFFF0000, v23;
	v56 =	vld.idx.msk [tilespmem:v8+s26+$0x2E0 ss:$0x1], $0xffff;
	[tilespmem:v9+s19+$0x2F0 ss:$0x1] =	vst.idx.msk $0xffff, v20  }
0x304: {  	v20 =	vor.u32 v57, v58;
	v60 =	vld.idx.msk [tilespmem:v8+s26+$0x270 ss:$0x1], $0xffff  }
0x305: {  	v22 =	vshrl.u32 v22, v10;
	v17 =	vshrl.u32 v17, v10;
	v63 =	vld.idx.msk [tilespmem:v8+s26+$0x2F0 ss:$0x1], $0xffff;
	[tilespmem:v9+s19+$0x480 ss:$0x1] =	vst.idx.msk $0xffff, v20  }
0x306: {  	v19 =	vshll.u32 v19, v11;
	v35 =	vld.idx.msk [tilespmem:v8+s29+$0x200 ss:$0x1], $0xffff;
	v33 =	vshrl.u32 v49, v15;
	v34 =	vshll.u32 v51, v14  }
0x307: {  	v59 =	vshll.u32 v28, v11;
	v38 =	vld.idx.msk [tilespmem:v8+s29+$0x280 ss:$0x1], $0xffff;
	v36 =	vand.u32 $0xFFFF, v33;
	v37 =	vand.u32 $0xFFFF0000, v34  }
0x308: {  	v29 =	vld.idx.msk [tilespmem:v8+s26+$0x3C0 ss:$0x1], $0xffff;
	v39 =	vshrl.u32 v54, v15;
	v24 =	vshll.u32 v56, v14;
	v54 =	vshrl.u32 v40, v13  }
0x309: {  	v33 =	vld.idx.msk [tilespmem:v8+s29+$0x20 ss:$0x1], $0xffff;
	v20 =	vor.u32 v36, v37;
	v41 =	vand.u32 $0xFFFF, v39;
	v42 =	vand.u32 $0xFFFF0000, v24  }
0x30a: {  	v45 =	vshrl.u32 v60, v15;
	v23 =	vshll.u32 v63, v14;
	v24 =	vshll.u32 v43, v16;
	v36 =	vld.idx.msk [tilespmem:v8+s29+$0xA0 ss:$0x1], $0xffff  }
0x30b: {  	v61 =	vand.u32 $0xFFFF, v22;
	v39 =	vld.idx.msk [tilespmem:v8+s29+$0x30 ss:$0x1], $0xffff;
	[tilespmem:v9+s19+$0x350 ss:$0x1] =	vst.idx.msk $0xffff, v20;
	v20 =	vor.u32 v41, v42;
	v47 =	vand.u32 $0xFFFF, v45  }
0x30c: {  	v48 =	vand.u32 $0xFFFF0000, v23;
	v50 =	vshrl.u32 v35, v15;
	v22 =	vshll.u32 v38, v14;
	v42 =	vld.idx.msk [tilespmem:v8+s29+$0xB0 ss:$0x1], $0xffff  }
0x30d: {  	v44 =	vld.idx.msk [tilespmem:v8+s26+$0x350 ss:$0x1], $0xffff;
	[tilespmem:v9+s19+$0x360 ss:$0x1] =	vst.idx.msk $0xffff, v20;
	v20 =	vor.u32 v47, v48;
	v52 =	vand.u32 $0xFFFF, v50;
	v53 =	vand.u32 $0xFFFF0000, v22  }
0x30e: {  	v55 =	vand.u32 $0xFFFF, v54;
	v56 =	vand.u32 $0xFFFF0000, v24;
	v46 =	vld.idx.msk [tilespmem:v8+s26+$0x3D0 ss:$0x1], $0xffff;
	[tilespmem:v9+s19+$0x370 ss:$0x1] =	vst.idx.msk $0xffff, v20;
	v20 =	vor.u32 v52, v53  }
0x30f: {  	v62 =	vand.u32 $0xFFFF0000, v59;
	v49 =	vld.idx.msk [tilespmem:v8+s26+$0x360 ss:$0x1], $0xffff;
	[tilespmem:v9+s19+$0x500 ss:$0x1] =	vst.idx.msk $0xffff, v20;
	v20 =	vor.u32 v55, v56  }
0x310: {  	v19 =	vand.u32 $0xFFFF0000, v19;
	v32 =	vor.u32 v61, v62;
	v51 =	vld.idx.msk [tilespmem:v8+s26+$0x3E0 ss:$0x1], $0xffff;
	[tilespmem:v9+s19+$0x410 ss:$0x1] =	vst.idx.msk $0xffff, v20  }
0x311: {  	v57 =	vand.u32 $0xFFFF, v17;
	v58 =	vshrl.u32 v26, v10;
	v59 =	vshll.u32 v29, v11;
	v60 =	vld.idx.msk [tilespmem:v8+s29+$0x110 ss:$0x1], $0xffff  }
0x312: {  	[tilespmem:v9+s19+$0x3A0 ss:$0x1] =	vst.idx.msk $0xffff, v32;
	v19 =	vor.u32 v57, v19;
	v61 =	vand.u32 $0xFFFF, v58;
	v62 =	vand.u32 $0xFFFF0000, v59;
	v63 =	vld.idx.msk [tilespmem:v8+s29+$0x190 ss:$0x1], $0xffff  }
0x313: {  	[tilespmem:v9+s19+$0x3B0 ss:$0x1] =	vst.idx.msk $0xffff, v19;
	v19 =	vor.u32 v61, v62;
	v47 =	vld.idx.msk [tilespmem:v8+s29+$0xC0 ss:$0x1], $0xffff  }
0x314: {  	v52 =	vld.idx.msk [tilespmem:v8+s29+$0xD0 ss:$0x1], $0xffff;
	v48 =	vshrl.u32 v33, v13;
	v32 =	vshrl.u32 v44, v10;
	v28 =	vshll.u32 v46, v11  }
0x315: {  	[tilespmem:v9+s19+$0x3C0 ss:$0x1] =	vst.idx.msk $0xffff, v19;
	v22 =	vld.idx.msk [tilespmem:v8+s26+$0x370 ss:$0x1], $0xffff;
	v34 =	vand.u32 $0xFFFF, v32;
	v35 =	vand.u32 $0xFFFF0000, v28;
	v37 =	vshrl.u32 v49, v10  }
0x316: {  	v27 =	vld.idx.msk [tilespmem:v8+s26+$0x3F0 ss:$0x1], $0xffff;
	v38 =	vshll.u32 v51, v11;
	v19 =	vor.u32 v34, v35;
	v40 =	vand.u32 $0xFFFF, v37  }
0x317: {  	v24 =	vld.idx.msk [tilespmem:v8+s29+$0x300 ss:$0x1], $0xffff;
	v41 =	vand.u32 $0xFFFF0000, v38;
	v43 =	vshrl.u32 v60, v12;
	v21 =	vshll.u32 v63, v18  }
0x318: {  	v44 =	vld.idx.msk [tilespmem:v8+s29+$0x40 ss:$0x1], $0xffff;
	[tilespmem:v9+s19+$0x3D0 ss:$0x1] =	vst.idx.msk $0xffff, v19;
	v19 =	vor.u32 v40, v41;
	v45 =	vand.u32 $0xFFFF, v43;
	v46 =	vand.u32 $0xFFFF0000, v21  }
0x319: {  	v17 =	vld.idx.msk [tilespmem:v8+s29+$0x380 ss:$0x1], $0xffff;
	v28 =	vshll.u32 v36, v16;
	[tilespmem:v9+s19+$0x3E0 ss:$0x1] =	vst.idx.msk $0xffff, v19;
	v19 =	vor.u32 v45, v46  }
0x31a: {  	v50 =	vand.u32 $0xFFFF, v48;
	v49 =	vld.idx.msk [tilespmem:v8+s29+$0x50 ss:$0x1], $0xffff;
	v51 =	vand.u32 $0xFFFF0000, v28;
	[tilespmem:v9+s19+$0x490 ss:$0x1] =	vst.idx.msk $0xffff, v19  }
0x31b: {  	v54 =	vshrl.u32 v39, v13;
	v23 =	vshll.u32 v42, v16;
	v19 =	vor.u32 v50, v51;
	v53 =	vld.idx.msk [tilespmem:v8+s29+$0x210 ss:$0x1], $0xffff  }
0x31c: {  	v56 =	vand.u32 $0xFFFF, v54;
	v57 =	vand.u32 $0xFFFF0000, v23;
	v55 =	vld.idx.msk [tilespmem:v8+s29+$0x290 ss:$0x1], $0xffff;
	[tilespmem:v9+s19+$0x420 ss:$0x1] =	vst.idx.msk $0xffff, v19  }
0x31d: {  	v59 =	vshrl.u32 v44, v13;
	v21 =	vshll.u32 v47, v16;
	v19 =	vor.u32 v56, v57;
	v58 =	vld.idx.msk [tilespmem:v8+s29+$0x120 ss:$0x1], $0xffff  }
0x31e: {  	v61 =	vand.u32 $0xFFFF, v59;
	v62 =	vand.u32 $0xFFFF0000, v21;
	v60 =	vld.idx.msk [tilespmem:v8+s29+$0x1A0 ss:$0x1], $0xffff;
	[tilespmem:v9+s19+$0x430 ss:$0x1] =	vst.idx.msk $0xffff, v19  }
0x31f: {  	v28 =	vshll.u32 v52, v16;
	v33 =	vshrl.u32 v49, v13;
	v19 =	vor.u32 v61, v62;
	v63 =	vld.idx.msk [tilespmem:v8+s29+$0x130 ss:$0x1], $0xffff  }
0x320: {  	v36 =	vand.u32 $0xFFFF0000, v28;
	v35 =	vand.u32 $0xFFFF, v33;
	v34 =	vld.idx.msk [tilespmem:v8+s29+$0x1B0 ss:$0x1], $0xffff;
	[tilespmem:v9+s19+$0x440 ss:$0x1] =	vst.idx.msk $0xffff, v19  }
0x321: {  	v19 =	vor.u32 v35, v36;
	v38 =	vld.idx.msk [tilespmem:v8+s29+$0x140 ss:$0x1], $0xffff;
	v37 =	vshrl.u32 v53, v15;
	v25 =	vshll.u32 v55, v14  }
0x322: {  	v40 =	vld.idx.msk [tilespmem:v8+s29+$0x1C0 ss:$0x1], $0xffff;
	[tilespmem:v9+s19+$0x450 ss:$0x1] =	vst.idx.msk $0xffff, v19;
	v39 =	vand.u32 $0xFFFF, v37;
	v25 =	vand.u32 $0xFFFF0000, v25  }
0x323: {  	v44 =	vld.idx.msk [tilespmem:v8+s29+$0x150 ss:$0x1], $0xffff;
	v42 =	vshrl.u32 v58, v12;
	v43 =	vshll.u32 v60, v18;
	v41 =	vor.u32 v39, v25  }
0x324: {  	v47 =	vld.idx.msk [tilespmem:v8+s29+$0x1D0 ss:$0x1], $0xffff;
	v45 =	vand.u32 $0xFFFF, v42;
	v46 =	vand.u32 $0xFFFF0000, v43;
	v48 =	vshrl.u32 v63, v12  }
0x325: {  	v49 =	vshll.u32 v34, v18;
	[tilespmem:v9+s19+$0x510 ss:$0x1] =	vst.idx.msk $0xffff, v41;
	v19 =	vor.u32 v45, v46;
	v41 =	vld.idx.msk [tilespmem:v8+s29+$0x60 ss:$0x1], $0xffff  }
0x326: {  	v50 =	vand.u32 $0xFFFF, v48;
	v51 =	vand.u32 $0xFFFF0000, v49;
	v26 =	vld.idx.msk [tilespmem:v8+s29+$0x310 ss:$0x1], $0xffff;
	[tilespmem:v9+s19+$0x4A0 ss:$0x1] =	vst.idx.msk $0xffff, v19  }
0x327: {  	v53 =	vshrl.u32 v38, v12;
	v28 =	vshll.u32 v40, v18;
	v19 =	vor.u32 v50, v51;
	v52 =	vld.idx.msk [tilespmem:v8+s29+$0x220 ss:$0x1], $0xffff  }
0x328: {  	v55 =	vand.u32 $0xFFFF, v53;
	v56 =	vand.u32 $0xFFFF0000, v28;
	v54 =	vld.idx.msk [tilespmem:v8+s29+$0x2A0 ss:$0x1], $0xffff;
	[tilespmem:v9+s19+$0x4B0 ss:$0x1] =	vst.idx.msk $0xffff, v19  }
0x329: {  	v58 =	vshrl.u32 v44, v12;
	v23 =	vshll.u32 v47, v18;
	v19 =	vor.u32 v55, v56;
	v57 =	vld.idx.msk [tilespmem:v8+s29+$0x230 ss:$0x1], $0xffff  }
0x32a: {  	v60 =	vand.u32 $0xFFFF, v58;
	v61 =	vand.u32 $0xFFFF0000, v23;
	v59 =	vld.idx.msk [tilespmem:v8+s29+$0x2B0 ss:$0x1], $0xffff;
	[tilespmem:v9+s19+$0x4C0 ss:$0x1] =	vst.idx.msk $0xffff, v19  }
0x32b: {  	v22 =	vshrl.u32 v22, v10;
	v62 =	vshll.u32 v27, v11;
	v19 =	vor.u32 v60, v61;
	v63 =	vld.idx.msk [tilespmem:v8+s29+$0x240 ss:$0x1], $0xffff  }
0x32c: {  	v31 =	vand.u32 $0xFFFF, v22;
	v32 =	vand.u32 $0xFFFF0000, v62;
	v33 =	vld.idx.msk [tilespmem:v8+s29+$0x2C0 ss:$0x1], $0xffff;
	[tilespmem:v9+s19+$0x4D0 ss:$0x1] =	vst.idx.msk $0xffff, v19  }
0x32d: {  	v34 =	vor.u32 v31, v32;
	v37 =	vld.idx.msk [tilespmem:v8+s29+$0x250 ss:$0x1], $0xffff;
	v35 =	vshrl.u32 v52, v15;
	v36 =	vshll.u32 v54, v14  }
0x32e: {  	v17 =	vshll.u32 v17, v11;
	[tilespmem:v9+s19+$0x3F0 ss:$0x1] =	vst.idx.msk $0xffff, v34;
	v39 =	vld.idx.msk [tilespmem:v8+s29+$0x2D0 ss:$0x1], $0xffff;
	v20 =	vand.u32 $0xFFFF, v35;
	v21 =	vand.u32 $0xFFFF0000, v36  }
0x32f: {  	v29 =	vld.idx.msk [tilespmem:v8+s29+$0x390 ss:$0x1], $0xffff;
	v40 =	vshrl.u32 v57, v15;
	v25 =	vshll.u32 v59, v14;
	v20 =	vor.u32 v20, v21  }
0x330: {  	v17 =	vand.u32 $0xFFFF0000, v17;
	v44 =	vld.idx.msk [tilespmem:v8+s29+$0xE0 ss:$0x1], $0xffff;
	v42 =	vand.u32 $0xFFFF, v40;
	v43 =	vand.u32 $0xFFFF0000, v25;
	[tilespmem:v9+s19+$0x520 ss:$0x1] =	vst.idx.msk $0xffff, v20  }
0x331: {  	v46 =	vshrl.u32 v63, v15;
	v23 =	vshll.u32 v33, v14;
	v20 =	vor.u32 v42, v43;
	v45 =	vld.idx.msk [tilespmem:v8+s29+$0x320 ss:$0x1], $0xffff  }
0x332: {  	v38 =	vshrl.u32 v24, v10;
	v48 =	vand.u32 $0xFFFF, v46;
	v49 =	vand.u32 $0xFFFF0000, v23;
	v47 =	vld.idx.msk [tilespmem:v8+s29+$0x3A0 ss:$0x1], $0xffff;
	[tilespmem:v9+s19+$0x530 ss:$0x1] =	vst.idx.msk $0xffff, v20  }
0x333: {  	v51 =	vshrl.u32 v37, v15;
	v52 =	vshll.u32 v39, v14;
	v20 =	vor.u32 v48, v49;
	v50 =	vld.idx.msk [tilespmem:v8+s29+$0x330 ss:$0x1], $0xffff  }
0x334: {  	v19 =	vand.u32 $0xFFFF, v38;
	v54 =	vand.u32 $0xFFFF, v51;
	v55 =	vand.u32 $0xFFFF0000, v52;
	v53 =	vld.idx.msk [tilespmem:v8+s29+$0x3B0 ss:$0x1], $0xffff;
	[tilespmem:v9+s19+$0x540 ss:$0x1] =	vst.idx.msk $0xffff, v20  }
0x335: {  	v57 =	vshrl.u32 v41, v13;
	v25 =	vshll.u32 v44, v16;
	v20 =	vor.u32 v54, v55;
	v56 =	vld.idx.msk [tilespmem:v8+s29+$0x340 ss:$0x1], $0xffff  }
0x336: {  	v17 =	vor.u32 v19, v17;
	v59 =	vand.u32 $0xFFFF, v57;
	v60 =	vand.u32 $0xFFFF0000, v25;
	v58 =	vld.idx.msk [tilespmem:v8+s29+$0x3C0 ss:$0x1], $0xffff;
	[tilespmem:v9+s19+$0x550 ss:$0x1] =	vst.idx.msk $0xffff, v20  }
0x337: {  	v61 =	vshrl.u32 v26, v10;
	v62 =	vshll.u32 v29, v11;
	v20 =	vor.u32 v59, v60;
	v63 =	vld.idx.msk [tilespmem:v8+s29+$0x350 ss:$0x1], $0xffff  }
0x338: {  	v32 =	vand.u32 $0xFFFF, v61;
	v33 =	vand.u32 $0xFFFF0000, v62;
	v35 =	vld.idx.msk [tilespmem:v8+s29+$0x3D0 ss:$0x1], $0xffff;
	[tilespmem:v9+s19+$0x460 ss:$0x1] =	vst.idx.msk $0xffff, v20;
	v34 =	vshrl.u32 v45, v10  }
0x339: {  	v36 =	vor.u32 v32, v33;
	v39 =	vld.idx.msk [tilespmem:v8+s29+$0x160 ss:$0x1], $0xffff;
	v38 =	vshll.u32 v47, v11;
	v37 =	vand.u32 $0xFFFF, v34  }
0x33a: {  	v40 =	vld.idx.msk [tilespmem:v8+s29+$0x1E0 ss:$0x1], $0xffff;
	v25 =	vand.u32 $0xFFFF0000, v38;
	v23 =	vshrl.u32 v50, v10;
	v24 =	vshll.u32 v53, v11  }
0x33b: {  	[tilespmem:v9+s19+$0x580 ss:$0x1] =	vst.idx.msk $0xffff, v17;
	v41 =	vor.u32 v37, v25;
	v42 =	vand.u32 $0xFFFF, v23;
	v43 =	vand.u32 $0xFFFF0000, v24  }
0x33c: {  	v22 =	vshrl.u32 v56, v10;
	v19 =	vshll.u32 v58, v11;
	v21 =	vor.u32 v42, v43  }
0x33d: {  	[tilespmem:v9+s19+$0x590 ss:$0x1] =	vst.idx.msk $0xffff, v36;
	v44 =	vand.u32 $0xFFFF, v22;
	v19 =	vand.u32 $0xFFFF0000, v19;
	v45 =	vshrl.u32 v63, v10  }
0x33e: {  	[tilespmem:v9+s19+$0x5A0 ss:$0x1] =	vst.idx.msk $0xffff, v41;
	v48 =	vshll.u32 v35, v11;
	v46 =	vor.u32 v44, v19;
	v47 =	vand.u32 $0xFFFF, v45  }
0x33f: {  	[tilespmem:v9+s19+$0x5B0 ss:$0x1] =	vst.idx.msk $0xffff, v21;
	v20 =	vand.u32 $0xFFFF0000, v48;
	v49 =	vshrl.u32 v39, v12;
	v50 =	vshll.u32 v40, v18  }
0x340: {  	[tilespmem:v9+s19+$0x5C0 ss:$0x1] =	vst.idx.msk $0xffff, v46;
	v51 =	vor.u32 v47, v20;
	v52 =	vand.u32 $0xFFFF, v49;
	v53 =	vand.u32 $0xFFFF0000, v50  }
0x341: {  	[tilespmem:v9+s19+$0x5D0 ss:$0x1] =	vst.idx.msk $0xffff, v51;
	v54 =	vor.u32 v52, v53  }
0x342: {  	[tilespmem:v9+s19+$0x4E0 ss:$0x1] =	vst.idx.msk $0xffff, v54  }
0x343: {  	v17 =	vld.idx.msk [tilespmem:v8+s29+$0x70 ss:$0x1], $0xffff  }
0x344: {  	v55 =	vld.idx.msk [tilespmem:v8+s29+$0xF0 ss:$0x1], $0xffff;
	_ =	sdelay $0x4  }
0x345: {  	v17 =	vshrl.u32 v17, v13;
	v19 =	vshll.u32 v55, v16  }
0x346: {  	v17 =	vand.u32 $0xFFFF, v17;
	v19 =	vand.u32 $0xFFFF0000, v19  }
0x347: {  	v17 =	vor.u32 v17, v19  }
0x348: {  	[tilespmem:v9+s19+$0x470 ss:$0x1] =	vst.idx.msk $0xffff, v17  }
0x349: {  	v17 =	vld.idx.msk [tilespmem:v8+s29+$0x170 ss:$0x1], $0xffff  }
0x34a: {  	v56 =	vld.idx.msk [tilespmem:v8+s29+$0x1F0 ss:$0x1], $0xffff;
	_ =	sdelay $0x1  }
0x34b: {  	s31 =	sor.u32 $0xC00, s24;
	v57 =	vld.idx.msk [tilespmem:v8+s29+$0x260 ss:$0x1], $0xffff  }
0x34c: {  	v60 =	vld.idx.msk [tilespmem:v8+s31+$0x0 ss:$0x1], $0xffff  }
0x34d: {  	v61 =	vld.idx.msk [tilespmem:v8+s31+$0x80 ss:$0x1], $0xffff  }
0x34e: {  	v62 =	vld.idx.msk [tilespmem:v8+s31+$0x10 ss:$0x1], $0xffff;
	v17 =	vshrl.u32 v17, v12;
	v19 =	vshll.u32 v56, v18  }
0x34f: {  	v63 =	vld.idx.msk [tilespmem:v8+s31+$0x90 ss:$0x1], $0xffff;
	v17 =	vand.u32 $0xFFFF, v17;
	v19 =	vand.u32 $0xFFFF0000, v19  }
0x350: {  	v28 =	vld.idx.msk [tilespmem:v8+s31+$0x20 ss:$0x1], $0xffff;
	v17 =	vor.u32 v17, v19  }
0x351: {  	v49 =	vld.idx.msk [tilespmem:v8+s31+$0x40 ss:$0x1], $0xffff;
	[tilespmem:v9+s19+$0x4F0 ss:$0x1] =	vst.idx.msk $0xffff, v17  }
0x352: {  	v17 =	vld.idx.msk [tilespmem:v8+s29+$0x270 ss:$0x1], $0xffff  }
0x353: {  	v59 =	vld.idx.msk [tilespmem:v8+s29+$0x2F0 ss:$0x1], $0xffff;
	_ =	sdelay $0x2  }
0x354: {  	v58 =	vld.idx.msk [tilespmem:v8+s29+$0x2E0 ss:$0x1], $0xffff;
	v20 =	vshrl.u32 v57, v15;
	v31 =	vshrl.u32 v60, v13;
	v32 =	vshll.u32 v61, v16  }
0x355: {  	v30 =	vld.idx.msk [tilespmem:v8+s31+$0xA0 ss:$0x1], $0xffff;
	v35 =	vshrl.u32 v62, v13;
	v36 =	vshll.u32 v63, v16;
	v40 =	vshrl.u32 v28, v13  }
0x356: {  	v47 =	vld.idx.msk [tilespmem:v8+s31+$0x30 ss:$0x1], $0xffff;
	v62 =	vshrl.u32 v49, v13;
	v17 =	vshrl.u32 v17, v15;
	v27 =	vshll.u32 v59, v14  }
0x357: {  	v48 =	vld.idx.msk [tilespmem:v8+s31+$0xB0 ss:$0x1], $0xffff;
	v20 =	vand.u32 $0xFFFF, v20;
	v17 =	vand.u32 $0xFFFF, v17;
	v29 =	vand.u32 $0xFFFF0000, v27  }
0x358: {  	v50 =	vld.idx.msk [tilespmem:v8+s31+$0xC0 ss:$0x1], $0xffff;
	v33 =	vand.u32 $0xFFFF, v31;
	v34 =	vand.u32 $0xFFFF0000, v32;
	v17 =	vor.u32 v17, v29  }
0x359: {  	s21 =	sshrl.u32 s31, $0x1;
	v37 =	vand.u32 $0xFFFF, v35;
	v19 =	vshll.u32 v58, v14;
	[tilespmem:v9+s19+$0x570 ss:$0x1] =	vst.idx.msk $0xffff, v17;
	v17 =	vor.u32 v33, v34  }
0x35a: {  	v38 =	vand.u32 $0xFFFF0000, v36;
	v32 =	vand.u32 $0xFFFF, v62;
	v62 =	vld.idx.msk [tilespmem:v8+s31+$0xD0 ss:$0x1], $0xffff;
	v19 =	vand.u32 $0xFFFF0000, v19;
	[tilespmem:v9+s21+$0x0 ss:$0x1] =	vst.idx.msk $0xffff, v17  }
0x35b: {  	v19 =	vor.u32 v20, v19;
	v20 =	vshll.u32 v30, v16;
	v17 =	vor.u32 v37, v38;
	v39 =	vld.idx.msk [tilespmem:v8+s31+$0x100 ss:$0x1], $0xffff  }
0x35c: {  	v42 =	vand.u32 $0xFFFF, v40;
	v43 =	vand.u32 $0xFFFF0000, v20;
	v41 =	vld.idx.msk [tilespmem:v8+s31+$0x180 ss:$0x1], $0xffff;
	[tilespmem:v9+s19+$0x610 ss:$0x1] =	vst.idx.msk $0xffff, v17  }
0x35d: {  	v17 =	vor.u32 v42, v43;
	v44 =	vld.idx.msk [tilespmem:v8+s31+$0x110 ss:$0x1], $0xffff  }
0x35e: {  	v45 =	vld.idx.msk [tilespmem:v8+s31+$0x190 ss:$0x1], $0xffff;
	[tilespmem:v9+s19+$0x620 ss:$0x1] =	vst.idx.msk $0xffff, v17  }
0x35f: {  	v17 =	vld.idx.msk [tilespmem:v8+s31+$0x120 ss:$0x1], $0xffff  }
0x360: {  	[tilespmem:v9+s19+$0x560 ss:$0x1] =	vst.idx.msk $0xffff, v19;
	v46 =	vld.idx.msk [tilespmem:v8+s31+$0x1A0 ss:$0x1], $0xffff  }
0x361: {  	v23 =	vld.idx.msk [tilespmem:v8+s29+$0x360 ss:$0x1], $0xffff;
	v22 =	vshrl.u32 v39, v12;
	v21 =	vshll.u32 v41, v18  }
0x362: {  	v25 =	vld.idx.msk [tilespmem:v8+s29+$0x3E0 ss:$0x1], $0xffff;
	v22 =	vand.u32 $0xFFFF, v22;
	v21 =	vand.u32 $0xFFFF0000, v21  }
0x363: {  	v24 =	vld.idx.msk [tilespmem:v8+s29+$0x370 ss:$0x1], $0xffff;
	v20 =	vshrl.u32 v44, v12;
	v19 =	vshll.u32 v45, v18;
	v21 =	vor.u32 v22, v21  }
0x364: {  	v37 =	vld.idx.msk [tilespmem:v8+s31+$0xE0 ss:$0x1], $0xffff;
	v20 =	vand.u32 $0xFFFF, v20;
	v19 =	vand.u32 $0xFFFF0000, v19;
	[tilespmem:v9+s19+$0x680 ss:$0x1] =	vst.idx.msk $0xffff, v21  }
0x365: {  	v17 =	vshrl.u32 v17, v12;
	v52 =	vshll.u32 v46, v18;
	v19 =	vor.u32 v20, v19;
	v51 =	vld.idx.msk [tilespmem:v8+s31+$0x200 ss:$0x1], $0xffff  }
0x366: {  	v17 =	vand.u32 $0xFFFF, v17;
	v54 =	vand.u32 $0xFFFF0000, v52;
	v53 =	vld.idx.msk [tilespmem:v8+s31+$0x280 ss:$0x1], $0xffff;
	[tilespmem:v9+s19+$0x690 ss:$0x1] =	vst.idx.msk $0xffff, v19  }
0x367: {  	v57 =	vshll.u32 v48, v16;
	v56 =	vshrl.u32 v47, v13;
	v17 =	vor.u32 v17, v54;
	v55 =	vld.idx.msk [tilespmem:v8+s31+$0x210 ss:$0x1], $0xffff  }
0x368: {  	v60 =	vand.u32 $0xFFFF0000, v57;
	v59 =	vand.u32 $0xFFFF, v56;
	v58 =	vld.idx.msk [tilespmem:v8+s31+$0x290 ss:$0x1], $0xffff;
	[tilespmem:v9+s19+$0x6A0 ss:$0x1] =	vst.idx.msk $0xffff, v17  }
0x369: {  	v21 =	vshll.u32 v50, v16;
	v17 =	vor.u32 v59, v60;
	v61 =	vld.idx.msk [tilespmem:v8+s31+$0x220 ss:$0x1], $0xffff  }
0x36a: {  	v33 =	vand.u32 $0xFFFF0000, v21;
	v63 =	vld.idx.msk [tilespmem:v8+s31+$0x2A0 ss:$0x1], $0xffff;
	[tilespmem:v9+s19+$0x630 ss:$0x1] =	vst.idx.msk $0xffff, v17  }
0x36b: {  	v17 =	vor.u32 v32, v33;
	v35 =	vld.idx.msk [tilespmem:v8+s31+$0x130 ss:$0x1], $0xffff  }
0x36c: {  	v40 =	vld.idx.msk [tilespmem:v8+s31+$0x1B0 ss:$0x1], $0xffff;
	[tilespmem:v9+s19+$0x640 ss:$0x1] =	vst.idx.msk $0xffff, v17  }
0x36d: {  	v44 =	vld.idx.msk [tilespmem:v8+s31+$0x140 ss:$0x1], $0xffff;
	v34 =	vshrl.u32 v51, v15;
	v26 =	vshll.u32 v53, v14  }
0x36e: {  	v47 =	vld.idx.msk [tilespmem:v8+s31+$0x1C0 ss:$0x1], $0xffff;
	v38 =	vand.u32 $0xFFFF, v34;
	v39 =	vand.u32 $0xFFFF0000, v26;
	v42 =	vshrl.u32 v55, v15  }
0x36f: {  	v43 =	vshll.u32 v58, v14;
	v41 =	vor.u32 v38, v39;
	v45 =	vand.u32 $0xFFFF, v42;
	v38 =	vld.idx.msk [tilespmem:v8+s29+$0x3F0 ss:$0x1], $0xffff  }
0x370: {  	v46 =	vand.u32 $0xFFFF0000, v43;
	v48 =	vshrl.u32 v61, v15;
	v22 =	vshll.u32 v63, v14;
	v61 =	vld.idx.msk [tilespmem:v8+s31+$0x50 ss:$0x1], $0xffff  }
0x371: {  	v63 =	vld.idx.msk [tilespmem:v8+s31+$0x60 ss:$0x1], $0xffff;
	[tilespmem:v9+s19+$0x700 ss:$0x1] =	vst.idx.msk $0xffff, v41;
	v17 =	vor.u32 v45, v46;
	v49 =	vand.u32 $0xFFFF, v48  }
0x372: {  	v50 =	vand.u32 $0xFFFF0000, v22;
	v51 =	vshrl.u32 v35, v12;
	v52 =	vshll.u32 v40, v18;
	v41 =	vld.idx.msk [tilespmem:v8+s31+$0x70 ss:$0x1], $0xffff  }
0x373: {  	v26 =	vld.idx.msk [tilespmem:v8+s31+$0x300 ss:$0x1], $0xffff;
	[tilespmem:v9+s19+$0x710 ss:$0x1] =	vst.idx.msk $0xffff, v17;
	v17 =	vor.u32 v49, v50;
	v53 =	vand.u32 $0xFFFF, v51  }
0x374: {  	v36 =	vld.idx.msk [tilespmem:v8+s31+$0x380 ss:$0x1], $0xffff;
	v54 =	vand.u32 $0xFFFF0000, v52;
	v55 =	vshrl.u32 v44, v12;
	v20 =	vshll.u32 v47, v18  }
0x375: {  	v44 =	vld.idx.msk [tilespmem:v8+s31+$0xF0 ss:$0x1], $0xffff;
	[tilespmem:v9+s19+$0x720 ss:$0x1] =	vst.idx.msk $0xffff, v17;
	v17 =	vor.u32 v53, v54;
	v56 =	vand.u32 $0xFFFF, v55;
	v57 =	vand.u32 $0xFFFF0000, v20  }
0x376: {  	s22 =	sor.u32 $0x3, s18;
	v30 =	vld.idx.msk [tilespmem:v8+s31+$0x310 ss:$0x1], $0xffff;
	[tilespmem:v9+s19+$0x6B0 ss:$0x1] =	vst.idx.msk $0xffff, v17;
	v17 =	vor.u32 v56, v57  }
0x377: {  	s24 =	sshll.u32 s22, $0x3;
	v34 =	vld.idx.msk [tilespmem:v8+s31+$0x390 ss:$0x1], $0xffff;
	[tilespmem:v9+s19+$0x6C0 ss:$0x1] =	vst.idx.msk $0xffff, v17  }
0x378: {  	s20 =	sand.u32 $0x3FFFFFF8, s24;
	v17 =	vld.idx.msk [tilespmem:v8+s31+$0x240 ss:$0x1], $0xffff  }
0x379: {  	s20 =	sadd.s32 s20, s17;
	v60 =	vld.idx.msk [tilespmem:v8+s31+$0x2C0 ss:$0x1], $0xffff  }
0x37a: {  	v54 =	vld.msk [tilespmem:s20+$0x0 ss:$0x1], $0xff  }
0x37b: {  	v43 =	vshll.u32 v62, v16;
	v27 =	vld.idx.msk [tilespmem:v8+s31+$0x320 ss:$0x1], $0xffff  }
0x37c: {  	s25 =	sshll.u32 s22, $0xC;
	v58 =	vld.idx.msk [tilespmem:v8+s31+$0x230 ss:$0x1], $0xffff;
	v42 =	vshrl.u32 v61, v13;
	v47 =	vshrl.u32 v63, v13;
	v13 =	vshrl.u32 v41, v13  }
0x37d: {  	s26 =	sand.u32 $0x3FFFF000, s25;
	v48 =	vshll.u32 v37, v16;
	v28 =	vld.idx.msk [tilespmem:v8+s31+$0x3A0 ss:$0x1], $0xffff;
	v16 =	vshll.u32 v44, v16;
	v13 =	vand.u32 $0xFFFF, v13  }
0x37e: {  	v57 =	vld.idx.msk [tilespmem:v8+s26+$0x0 ss:$0x1], $0xffff;
	v16 =	vand.u32 $0xFFFF0000, v16;
	v17 =	vshrl.u32 v17, v15;
	v39 =	vshll.u32 v60, v14  }
0x37f: {  	v59 =	vld.idx.msk [tilespmem:v8+s31+$0x2B0 ss:$0x1], $0xffff;
	v13 =	vor.u32 v13, v16;
	v17 =	vand.u32 $0xFFFF, v17;
	v40 =	vand.u32 $0xFFFF0000, v39  }
0x380: {  	v46 =	vand.u32 $0xFFFF0000, v43;
	v45 =	vand.u32 $0xFFFF, v42;
	v44 =	vld.idx.msk [tilespmem:v8+s26+$0x10 ss:$0x1], $0xffff;
	[tilespmem:v9+s19+$0x670 ss:$0x1] =	vst.idx.msk $0xffff, v13;
	v17 =	vor.u32 v17, v40  }
0x381: {  	v20 =	vshrl.u32 v58, v15;
	v58 =	vld.idx.msk [tilespmem:v8+s26+$0x80 ss:$0x1], $0xffff;
	[tilespmem:v9+s19+$0x740 ss:$0x1] =	vst.idx.msk $0xffff, v17;
	v17 =	vor.u32 v45, v46  }
0x382: {  	v50 =	vand.u32 $0xFFFF0000, v48;
	v49 =	vand.u32 $0xFFFF, v47;
	v56 =	vld.idx.msk [tilespmem:v8+s31+$0x1F0 ss:$0x1], $0xffff;
	[tilespmem:v9+s19+$0x650 ss:$0x1] =	vst.idx.msk $0xffff, v17  }
0x383: {  	v17 =	vor.u32 v49, v50;
	v51 =	vld.idx.msk [tilespmem:v8+s31+$0x150 ss:$0x1], $0xffff  }
0x384: {  	v19 =	vshll.u32 v59, v14;
	v52 =	vld.idx.msk [tilespmem:v8+s31+$0x1D0 ss:$0x1], $0xffff;
	[tilespmem:v9+s19+$0x660 ss:$0x1] =	vst.idx.msk $0xffff, v17  }
0x385: {  	v20 =	vand.u32 $0xFFFF, v20;
	v19 =	vand.u32 $0xFFFF0000, v19;
	v17 =	vld.idx.msk [tilespmem:v8+s31+$0x160 ss:$0x1], $0xffff  }
0x386: {  	v19 =	vor.u32 v20, v19;
	v53 =	vld.idx.msk [tilespmem:v8+s31+$0x1E0 ss:$0x1], $0xffff  }
0x387: {  	v55 =	vld.idx.msk [tilespmem:v8+s31+$0x170 ss:$0x1], $0xffff;
	[tilespmem:v9+s19+$0x730 ss:$0x1] =	vst.idx.msk $0xffff, v19  }
0x388: {  	v21 =	vld.idx.msk [tilespmem:v8+s31+$0x330 ss:$0x1], $0xffff  }
0x389: {  	v22 =	vld.idx.msk [tilespmem:v8+s31+$0x3B0 ss:$0x1], $0xffff;
	v32 =	vshll.u32 v56, v18;
	v31 =	vshrl.u32 v51, v12  }
0x38a: {  	v46 =	vld.idx.msk [tilespmem:v8+s26+$0x90 ss:$0x1], $0xffff;
	v32 =	vand.u32 $0xFFFF0000, v32;
	v19 =	vshll.u32 v52, v18;
	v31 =	vand.u32 $0xFFFF, v31  }
0x38b: {  	s28 =	sor.u32 $0x400, s25;
	v20 =	vld.idx.msk [tilespmem:v8+s31+$0x340 ss:$0x1], $0xffff;
	v19 =	vand.u32 $0xFFFF0000, v19;
	v17 =	vshrl.u32 v17, v12;
	v29 =	vshll.u32 v53, v18  }
0x38c: {  	v12 =	vshrl.u32 v55, v12;
	v53 =	vld.idx.msk [tilespmem:v8+s28+$0x0 ss:$0x1], $0xffff;
	v19 =	vor.u32 v31, v19;
	v17 =	vand.u32 $0xFFFF, v17  }
0x38d: {  	v29 =	vand.u32 $0xFFFF0000, v29;
	v12 =	vand.u32 $0xFFFF, v12;
	[tilespmem:v9+s19+$0x6D0 ss:$0x1] =	vst.idx.msk $0xffff, v19;
	v19 =	vshll.u32 v54, $0x4;
	v54 =	vld.idx.msk [tilespmem:v8+s28+$0x80 ss:$0x1], $0xffff  }
0x38e: {  	v17 =	vor.u32 v17, v29;
	v12 =	vor.u32 v12, v32;
	v59 =	vld.idx.msk [tilespmem:v8+s31+$0x250 ss:$0x1], $0xffff  }
0x38f: {  	v60 =	vperm.xlane v19, v2;
	v61 =	vld.idx.msk [tilespmem:v8+s31+$0x2D0 ss:$0x1], $0xffff;
	[tilespmem:v9+s19+$0x6E0 ss:$0x1] =	vst.idx.msk $0xffff, v17;
	v17 =	vperm.xlane v19, v1  }
0x390: {  	[tilespmem:v9+s19+$0x6F0 ss:$0x1] =	vst.idx.msk $0xffff, v12;
	v62 =	vld.idx.msk [tilespmem:v8+s31+$0x260 ss:$0x1], $0xffff  }
0x391: {  	v63 =	vld.idx.msk [tilespmem:v8+s31+$0x2E0 ss:$0x1], $0xffff;
	v18 =	vsub.s32 $0x10, v60;
	v33 =	vshrl.u32 v57, v17;
	v60 =	vshrl.u32 v53, v17  }
0x392: {  	v48 =	vld.idx.msk [tilespmem:v8+s31+$0x270 ss:$0x1], $0xffff;
	v35 =	vshll.u32 v58, v18;
	v42 =	vand.u32 $0xFFFF, v33;
	v32 =	vshll.u32 v46, v18  }
0x393: {  	v56 =	vld.idx.msk [tilespmem:v8+s31+$0x2F0 ss:$0x1], $0xffff;
	v37 =	vand.u32 $0xFFFF, v60;
	v43 =	vand.u32 $0xFFFF0000, v35;
	v35 =	vshrl.u32 v44, v17  }
0x394: {  	v31 =	vld.idx.msk [tilespmem:v8+s31+$0x3C0 ss:$0x1], $0xffff;
	v32 =	vand.u32 $0xFFFF0000, v32;
	v45 =	vor.u32 v42, v43;
	v13 =	vshrl.u32 v59, v15  }
0x395: {  	s18 =	sshrl.u32 s25, $0x1;
	v60 =	vld.idx.msk [tilespmem:v8+s26+$0x30 ss:$0x1], $0xffff;
	v47 =	vshll.u32 v61, v14;
	v42 =	vperm.xlane v19, v4;
	v35 =	vand.u32 $0xFFFF, v35  }
0x396: {  	v61 =	vshll.u32 v54, v18;
	[tilespmem:v9+s18+$0x0 ss:$0x1] =	vst.idx.msk $0xffff, v45;
	v16 =	vshrl.u32 v62, v15;
	v62 =	vld.idx.msk [tilespmem:v8+s26+$0x20 ss:$0x1], $0xffff  }
0x397: {  	v49 =	vand.u32 $0xFFFF, v13;
	v50 =	vand.u32 $0xFFFF0000, v47;
	v55 =	vshll.u32 v63, v14;
	v51 =	vld.idx.msk [tilespmem:v8+s26+$0x100 ss:$0x1], $0xffff  }
0x398: {  	v32 =	vor.u32 v35, v32;
	v15 =	vshrl.u32 v48, v15;
	v14 =	vshll.u32 v56, v14;
	v52 =	vld.idx.msk [tilespmem:v8+s26+$0x180 ss:$0x1], $0xffff  }
0x399: {  	v40 =	vand.u32 $0xFFFF0000, v61;
	v63 =	vld.idx.msk [tilespmem:v8+s26+$0xA0 ss:$0x1], $0xffff;
	v12 =	vor.u32 v49, v50;
	v43 =	vand.u32 $0xFFFF, v16;
	[tilespmem:v9+s18+$0x10 ss:$0x1] =	vst.idx.msk $0xffff, v32  }
0x39a: {  	v44 =	vand.u32 $0xFFFF0000, v55;
	v16 =	vsub.s32 $0x10, v42;
	v45 =	vor.u32 v37, v40;
	v58 =	vld.idx.msk [tilespmem:v8+s26+$0x110 ss:$0x1], $0xffff  }
0x39b: {  	s24 =	sshrl.u32 s28, $0x1;
	v15 =	vand.u32 $0xFFFF, v15;
	v14 =	vand.u32 $0xFFFF0000, v14;
	[tilespmem:v9+s19+$0x750 ss:$0x1] =	vst.idx.msk $0xffff, v12;
	v12 =	vperm.xlane v19, v3;
	v59 =	vld.idx.msk [tilespmem:v8+s26+$0x190 ss:$0x1], $0xffff  }
0x39c: {  	[tilespmem:v9+s24+$0x0 ss:$0x1] =	vst.idx.msk $0xffff, v45;
	v46 =	vor.u32 v43, v44;
	v14 =	vor.u32 v15, v14;
	v45 =	vld.idx.msk [tilespmem:v8+s26+$0x40 ss:$0x1], $0xffff  }
0x39d: {  	v33 =	vld.idx.msk [tilespmem:v8+s31+$0x350 ss:$0x1], $0xffff;
	[tilespmem:v9+s19+$0x760 ss:$0x1] =	vst.idx.msk $0xffff, v46;
	v39 =	vshrl.u32 v51, v12;
	v13 =	vshll.u32 v52, v16  }
0x39e: {  	v35 =	vld.idx.msk [tilespmem:v8+s31+$0x3D0 ss:$0x1], $0xffff;
	[tilespmem:v9+s19+$0x770 ss:$0x1] =	vst.idx.msk $0xffff, v14;
	v57 =	vand.u32 $0xFFFF, v39;
	v13 =	vand.u32 $0xFFFF0000, v13  }
0x39f: {  	v37 =	vld.idx.msk [tilespmem:v8+s31+$0x360 ss:$0x1], $0xffff;
	v41 =	vshll.u32 v63, v18;
	v52 =	vshrl.u32 v62, v17;
	v13 =	vor.u32 v57, v13  }
0x3a0: {  	v23 =	vshrl.u32 v23, v10;
	v29 =	vld.idx.msk [tilespmem:v8+s31+$0x370 ss:$0x1], $0xffff;
	v41 =	vand.u32 $0xFFFF0000, v41;
	v53 =	vand.u32 $0xFFFF, v52;
	[tilespmem:v9+s18+$0x80 ss:$0x1] =	vst.idx.msk $0xffff, v13  }
0x3a1: {  	v49 =	vshrl.u32 v58, v12;
	v42 =	vshll.u32 v59, v16;
	v41 =	vor.u32 v53, v41;
	v47 =	vld.idx.msk [tilespmem:v8+s26+$0x200 ss:$0x1], $0xffff  }
0x3a2: {  	v25 =	vshll.u32 v25, v11;
	v51 =	vand.u32 $0xFFFF, v49;
	v42 =	vand.u32 $0xFFFF0000, v42;
	[tilespmem:v9+s18+$0x20 ss:$0x1] =	vst.idx.msk $0xffff, v41;
	v48 =	vld.idx.msk [tilespmem:v8+s26+$0x280 ss:$0x1], $0xffff  }
0x3a3: {  	v23 =	vand.u32 $0xFFFF, v23;
	v25 =	vand.u32 $0xFFFF0000, v25;
	v42 =	vor.u32 v51, v42;
	v56 =	vld.idx.msk [tilespmem:v8+s26+$0x120 ss:$0x1], $0xffff  }
0x3a4: {  	v25 =	vor.u32 v23, v25;
	[tilespmem:v9+s18+$0x90 ss:$0x1] =	vst.idx.msk $0xffff, v42;
	v57 =	vld.idx.msk [tilespmem:v8+s26+$0x1A0 ss:$0x1], $0xffff  }
0x3a5: {  	v24 =	vshrl.u32 v24, v10;
	v38 =	vshll.u32 v38, v11;
	v50 =	vperm.xlane v19, v5;
	v54 =	vld.idx.msk [tilespmem:v8+s26+$0x210 ss:$0x1], $0xffff  }
0x3a6: {  	v38 =	vand.u32 $0xFFFF0000, v38;
	v26 =	vshrl.u32 v26, v10;
	v13 =	vperm.xlane v19, v0;
	v55 =	vld.idx.msk [tilespmem:v8+s26+$0x290 ss:$0x1], $0xffff  }
0x3a7: {  	[tilespmem:v9+s19+$0x5E0 ss:$0x1] =	vst.idx.msk $0xffff, v25;
	v36 =	vshll.u32 v36, v11;
	v14 =	vsub.s32 $0x10, v50;
	v32 =	vld.idx.msk [tilespmem:v8+s31+$0x3F0 ss:$0x1], $0xffff;
	v58 =	vand.u32 $0xFFFF, v24  }
0x3a8: {  	v63 =	vld.idx.msk [tilespmem:v8+s26+$0xB0 ss:$0x1], $0xffff;
	v25 =	vor.u32 v58, v38;
	v40 =	vshrl.u32 v47, v13;
	v15 =	vshll.u32 v48, v14  }
0x3a9: {  	v39 =	vld.idx.msk [tilespmem:v8+s31+$0x3E0 ss:$0x1], $0xffff;
	v42 =	vshrl.u32 v60, v17;
	v40 =	vand.u32 $0xFFFF, v40;
	v15 =	vand.u32 $0xFFFF0000, v15  }
0x3aa: {  	v52 =	vld.idx.msk [tilespmem:v8+s26+$0x50 ss:$0x1], $0xffff;
	v44 =	vshrl.u32 v56, v12;
	v59 =	vshrl.u32 v54, v13;
	v15 =	vor.u32 v40, v15  }
0x3ab: {  	v47 =	vld.idx.msk [tilespmem:v8+s26+$0xC0 ss:$0x1], $0xffff;
	v41 =	vshll.u32 v55, v14;
	[tilespmem:v9+s18+$0x100 ss:$0x1] =	vst.idx.msk $0xffff, v15;
	v15 =	vshll.u32 v57, v16  }
0x3ac: {  	v53 =	vld.idx.msk [tilespmem:v8+s26+$0xD0 ss:$0x1], $0xffff;
	[tilespmem:v9+s19+$0x5F0 ss:$0x1] =	vst.idx.msk $0xffff, v25;
	v46 =	vand.u32 $0xFFFF, v44;
	v61 =	vand.u32 $0xFFFF, v59;
	v15 =	vand.u32 $0xFFFF0000, v15  }
0x3ad: {  	v62 =	vand.u32 $0xFFFF0000, v41;
	v40 =	vshrl.u32 v45, v17;
	v45 =	vld.idx.msk [tilespmem:v8+s26+$0xE0 ss:$0x1], $0xffff;
	v15 =	vor.u32 v46, v15  }
0x3ae: {  	v41 =	vshll.u32 v63, v18;
	v25 =	vor.u32 v61, v62;
	v62 =	vld.idx.msk [tilespmem:v8+s26+$0x60 ss:$0x1], $0xffff;
	[tilespmem:v9+s18+$0xA0 ss:$0x1] =	vst.idx.msk $0xffff, v15  }
0x3af: {  	v36 =	vand.u32 $0xFFFF0000, v36;
	v42 =	vand.u32 $0xFFFF, v42;
	v41 =	vand.u32 $0xFFFF0000, v41;
	v50 =	vld.idx.msk [tilespmem:v8+s26+$0x220 ss:$0x1], $0xffff  }
0x3b0: {  	v60 =	vshrl.u32 v52, v17;
	v41 =	vor.u32 v42, v41;
	v38 =	vshll.u32 v47, v18;
	v51 =	vld.idx.msk [tilespmem:v8+s26+$0x2A0 ss:$0x1], $0xffff  }
0x3b1: {  	v48 =	vand.u32 $0xFFFF, v26;
	v40 =	vand.u32 $0xFFFF, v40;
	v23 =	vld.idx.msk [tilespmem:v8+s26+$0x300 ss:$0x1], $0xffff;
	[tilespmem:v9+s18+$0x30 ss:$0x1] =	vst.idx.msk $0xffff, v41;
	v38 =	vand.u32 $0xFFFF0000, v38  }
0x3b2: {  	v49 =	vor.u32 v48, v36;
	v63 =	vand.u32 $0xFFFF, v60;
	v54 =	vld.idx.msk [tilespmem:v8+s26+$0x130 ss:$0x1], $0xffff;
	v38 =	vor.u32 v40, v38  }
0x3b3: {  	v61 =	vshll.u32 v53, v18;
	v55 =	vld.idx.msk [tilespmem:v8+s26+$0x1B0 ss:$0x1], $0xffff;
	v42 =	vshll.u32 v45, v18;
	[tilespmem:v9+s18+$0x40 ss:$0x1] =	vst.idx.msk $0xffff, v38  }
0x3b4: {  	[tilespmem:v9+s19+$0x780 ss:$0x1] =	vst.idx.msk $0xffff, v49;
	v36 =	vand.u32 $0xFFFF0000, v61;
	v41 =	vshrl.u32 v62, v17;
	v42 =	vand.u32 $0xFFFF0000, v42;
	v57 =	vld.idx.msk [tilespmem:v8+s26+$0x140 ss:$0x1], $0xffff  }
0x3b5: {  	v59 =	vld.idx.msk [tilespmem:v8+s26+$0x1C0 ss:$0x1], $0xffff;
	v41 =	vand.u32 $0xFFFF, v41;
	v56 =	vshrl.u32 v50, v13;
	v15 =	vshll.u32 v51, v14  }
0x3b6: {  	v24 =	vld.idx.msk [tilespmem:v8+s26+$0x380 ss:$0x1], $0xffff;
	[tilespmem:v9+s18+$0x110 ss:$0x1] =	vst.idx.msk $0xffff, v25;
	v41 =	vor.u32 v41, v42;
	v58 =	vand.u32 $0xFFFF, v56;
	v15 =	vand.u32 $0xFFFF0000, v15  }
0x3b7: {  	v25 =	vld.idx.msk [tilespmem:v8+s26+$0x310 ss:$0x1], $0xffff;
	v46 =	vshrl.u32 v54, v12;
	[tilespmem:v9+s18+$0x60 ss:$0x1] =	vst.idx.msk $0xffff, v41;
	v15 =	vor.u32 v58, v15  }
0x3b8: {  	v26 =	vld.idx.msk [tilespmem:v8+s26+$0x390 ss:$0x1], $0xffff;
	v38 =	vshll.u32 v55, v16;
	[tilespmem:v9+s18+$0x120 ss:$0x1] =	vst.idx.msk $0xffff, v15;
	v15 =	vor.u32 v63, v36  }
0x3b9: {  	v47 =	vand.u32 $0xFFFF, v46;
	v48 =	vand.u32 $0xFFFF0000, v38;
	v63 =	vld.idx.msk [tilespmem:v8+s26+$0x1E0 ss:$0x1], $0xffff;
	[tilespmem:v9+s18+$0x50 ss:$0x1] =	vst.idx.msk $0xffff, v15  }
0x3ba: {  	v49 =	vshrl.u32 v57, v12;
	v50 =	vshll.u32 v59, v16;
	v15 =	vor.u32 v47, v48;
	v51 =	vld.idx.msk [tilespmem:v8+s26+$0x150 ss:$0x1], $0xffff  }
0x3bb: {  	v52 =	vand.u32 $0xFFFF, v49;
	v53 =	vand.u32 $0xFFFF0000, v50;
	[tilespmem:v9+s18+$0xB0 ss:$0x1] =	vst.idx.msk $0xffff, v15;
	v54 =	vld.idx.msk [tilespmem:v8+s26+$0x1D0 ss:$0x1], $0xffff  }
0x3bc: {  	v15 =	vor.u32 v52, v53;
	v55 =	vld.idx.msk [tilespmem:v8+s26+$0x230 ss:$0x1], $0xffff  }
0x3bd: {  	v30 =	vshrl.u32 v30, v10;
	v34 =	vshll.u32 v34, v11;
	[tilespmem:v9+s18+$0xC0 ss:$0x1] =	vst.idx.msk $0xffff, v15;
	v56 =	vld.idx.msk [tilespmem:v8+s26+$0x2B0 ss:$0x1], $0xffff  }
0x3be: {  	v30 =	vand.u32 $0xFFFF, v30;
	v34 =	vand.u32 $0xFFFF0000, v34;
	v57 =	vld.idx.msk [tilespmem:v8+s26+$0x240 ss:$0x1], $0xffff  }
0x3bf: {  	v27 =	vshrl.u32 v27, v10;
	v28 =	vshll.u32 v28, v11;
	v30 =	vor.u32 v30, v34;
	v58 =	vld.idx.msk [tilespmem:v8+s26+$0x2C0 ss:$0x1], $0xffff  }
0x3c0: {  	v27 =	vand.u32 $0xFFFF, v27;
	v28 =	vand.u32 $0xFFFF0000, v28;
	[tilespmem:v9+s19+$0x790 ss:$0x1] =	vst.idx.msk $0xffff, v30;
	v60 =	vld.idx.msk [tilespmem:v8+s26+$0x160 ss:$0x1], $0xffff  }
0x3c1: {  	v27 =	vor.u32 v27, v28;
	v50 =	vld.idx.msk [tilespmem:v8+s26+$0xF0 ss:$0x1], $0xffff;
	v59 =	vshrl.u32 v51, v12;
	v38 =	vshll.u32 v54, v16  }
0x3c2: {  	[tilespmem:v9+s19+$0x7A0 ss:$0x1] =	vst.idx.msk $0xffff, v27;
	v34 =	vld.idx.msk [tilespmem:v8+s26+$0x320 ss:$0x1], $0xffff;
	v61 =	vand.u32 $0xFFFF, v59;
	v62 =	vand.u32 $0xFFFF0000, v38;
	v30 =	vshrl.u32 v55, v13  }
0x3c3: {  	v36 =	vld.idx.msk [tilespmem:v8+s26+$0x3A0 ss:$0x1], $0xffff;
	v15 =	vshll.u32 v56, v14;
	v27 =	vor.u32 v61, v62;
	v49 =	vand.u32 $0xFFFF, v30  }
0x3c4: {  	v48 =	vld.idx.msk [tilespmem:v8+s26+$0x70 ss:$0x1], $0xffff;
	v51 =	vshrl.u32 v57, v13;
	v52 =	vshll.u32 v58, v14;
	v58 =	vshll.u32 v63, v16  }
0x3c5: {  	v15 =	vand.u32 $0xFFFF0000, v15;
	v57 =	vshrl.u32 v60, v12;
	[tilespmem:v9+s18+$0xD0 ss:$0x1] =	vst.idx.msk $0xffff, v27;
	v60 =	vand.u32 $0xFFFF0000, v58;
	v58 =	vld.idx.msk [tilespmem:v8+s28+$0x20 ss:$0x1], $0xffff  }
0x3c6: {  	v15 =	vor.u32 v49, v15;
	v53 =	vld.idx.msk [tilespmem:v8+s26+$0x250 ss:$0x1], $0xffff  }
0x3c7: {  	[tilespmem:v9+s18+$0x130 ss:$0x1] =	vst.idx.msk $0xffff, v15;
	v56 =	vld.idx.msk [tilespmem:v8+s26+$0x2D0 ss:$0x1], $0xffff  }
0x3c8: {  	v54 =	vand.u32 $0xFFFF, v51;
	v55 =	vand.u32 $0xFFFF0000, v52;
	v38 =	vld.idx.msk [tilespmem:v8+s26+$0x330 ss:$0x1], $0xffff  }
0x3c9: {  	v59 =	vand.u32 $0xFFFF, v57;
	v15 =	vor.u32 v54, v55;
	v40 =	vld.idx.msk [tilespmem:v8+s26+$0x3B0 ss:$0x1], $0xffff  }
0x3ca: {  	[tilespmem:v9+s18+$0x140 ss:$0x1] =	vst.idx.msk $0xffff, v15;
	v15 =	vor.u32 v59, v60;
	v60 =	vld.idx.msk [tilespmem:v8+s28+$0xA0 ss:$0x1], $0xffff  }
0x3cb: {  	v61 =	vshrl.u32 v48, v17;
	v27 =	vshll.u32 v50, v18;
	v28 =	vld.idx.msk [tilespmem:v8+s26+$0x340 ss:$0x1], $0xffff  }
0x3cc: {  	v62 =	vand.u32 $0xFFFF, v61;
	v27 =	vand.u32 $0xFFFF0000, v27;
	[tilespmem:v9+s18+$0xE0 ss:$0x1] =	vst.idx.msk $0xffff, v15;
	v30 =	vld.idx.msk [tilespmem:v8+s26+$0x3C0 ss:$0x1], $0xffff  }
0x3cd: {  	v20 =	vshrl.u32 v20, v10;
	v15 =	vor.u32 v62, v27;
	v63 =	vld.idx.msk [tilespmem:v8+s26+$0x260 ss:$0x1], $0xffff  }
0x3ce: {  	v31 =	vshll.u32 v31, v11;
	v33 =	vshrl.u32 v33, v10;
	[tilespmem:v9+s18+$0x70 ss:$0x1] =	vst.idx.msk $0xffff, v15;
	v45 =	vld.idx.msk [tilespmem:v8+s26+$0x2E0 ss:$0x1], $0xffff  }
0x3cf: {  	v31 =	vand.u32 $0xFFFF0000, v31;
	v35 =	vshll.u32 v35, v11;
	v33 =	vand.u32 $0xFFFF, v33;
	v49 =	vld.idx.msk [tilespmem:v8+s26+$0x170 ss:$0x1], $0xffff  }
0x3d0: {  	v35 =	vand.u32 $0xFFFF0000, v35;
	v46 =	vshrl.u32 v21, v10;
	v47 =	vshll.u32 v22, v11;
	v50 =	vld.idx.msk [tilespmem:v8+s26+$0x1F0 ss:$0x1], $0xffff  }
0x3d1: {  	v21 =	vand.u32 $0xFFFF0000, v47;
	v15 =	vand.u32 $0xFFFF, v46;
	v41 =	vshrl.u32 v53, v13;
	v53 =	vld.idx.msk [tilespmem:v8+s28+$0x10 ss:$0x1], $0xffff  }
0x3d2: {  	v51 =	vand.u32 $0xFFFF, v20;
	v21 =	vor.u32 v15, v21;
	v42 =	vshll.u32 v56, v14;
	v56 =	vld.idx.msk [tilespmem:v8+s28+$0x90 ss:$0x1], $0xffff  }
0x3d3: {  	[tilespmem:v9+s19+$0x7B0 ss:$0x1] =	vst.idx.msk $0xffff, v21;
	v21 =	vor.u32 v51, v31;
	v51 =	vld.idx.msk [tilespmem:v8+s28+$0x30 ss:$0x1], $0xffff;
	v41 =	vand.u32 $0xFFFF, v41;
	v42 =	vand.u32 $0xFFFF0000, v42  }
0x3d4: {  	v48 =	vor.u32 v41, v42;
	v27 =	vshrl.u32 v63, v13;
	v52 =	vshll.u32 v45, v14;
	v63 =	vld.idx.msk [tilespmem:v8+s28+$0x100 ss:$0x1], $0xffff  }
0x3d5: {  	v41 =	vshrl.u32 v58, v17;
	[tilespmem:v9+s18+$0x150 ss:$0x1] =	vst.idx.msk $0xffff, v48;
	v45 =	vld.idx.msk [tilespmem:v8+s28+$0x180 ss:$0x1], $0xffff;
	v54 =	vand.u32 $0xFFFF, v27;
	v55 =	vand.u32 $0xFFFF0000, v52  }
0x3d6: {  	v15 =	vld.idx.msk [tilespmem:v8+s26+$0x350 ss:$0x1], $0xffff;
	v57 =	vshrl.u32 v49, v12;
	v22 =	vshll.u32 v50, v16;
	v27 =	vshll.u32 v60, v18  }
0x3d7: {  	[tilespmem:v9+s19+$0x7C0 ss:$0x1] =	vst.idx.msk $0xffff, v21;
	v20 =	vld.idx.msk [tilespmem:v8+s26+$0x3D0 ss:$0x1], $0xffff;
	v21 =	vor.u32 v54, v55;
	v59 =	vand.u32 $0xFFFF, v57;
	v22 =	vand.u32 $0xFFFF0000, v22  }
0x3d8: {  	v42 =	vshrl.u32 v53, v17;
	v53 =	vld.idx.msk [tilespmem:v8+s28+$0xB0 ss:$0x1], $0xffff;
	[tilespmem:v9+s18+$0x160 ss:$0x1] =	vst.idx.msk $0xffff, v21;
	v22 =	vor.u32 v59, v22  }
0x3d9: {  	v41 =	vand.u32 $0xFFFF, v41;
	v31 =	vshll.u32 v56, v18;
	v27 =	vand.u32 $0xFFFF0000, v27;
	v21 =	vld.idx.msk [tilespmem:v8+s26+$0x360 ss:$0x1], $0xffff;
	[tilespmem:v9+s18+$0xF0 ss:$0x1] =	vst.idx.msk $0xffff, v22  }
0x3da: {  	v42 =	vand.u32 $0xFFFF, v42;
	v31 =	vand.u32 $0xFFFF0000, v31;
	v27 =	vor.u32 v41, v27;
	v61 =	vld.idx.msk [tilespmem:v8+s26+$0x270 ss:$0x1], $0xffff  }
0x3db: {  	v37 =	vshrl.u32 v37, v10;
	v31 =	vor.u32 v42, v31;
	[tilespmem:v9+s18+$0x220 ss:$0x1] =	vst.idx.msk $0xffff, v27;
	v62 =	vld.idx.msk [tilespmem:v8+s26+$0x2F0 ss:$0x1], $0xffff  }
0x3dc: {  	v33 =	vor.u32 v33, v35;
	v37 =	vand.u32 $0xFFFF, v37;
	[tilespmem:v9+s18+$0x210 ss:$0x1] =	vst.idx.msk $0xffff, v31;
	v48 =	vld.idx.msk [tilespmem:v8+s28+$0x120 ss:$0x1], $0xffff  }
0x3dd: {  	v39 =	vshll.u32 v39, v11;
	v50 =	vshrl.u32 v63, v12;
	v31 =	vshll.u32 v45, v16;
	v46 =	vld.idx.msk [tilespmem:v8+s28+$0x110 ss:$0x1], $0xffff  }
0x3de: {  	[tilespmem:v9+s19+$0x7D0 ss:$0x1] =	vst.idx.msk $0xffff, v33;
	v39 =	vand.u32 $0xFFFF0000, v39;
	v47 =	vld.idx.msk [tilespmem:v8+s28+$0x190 ss:$0x1], $0xffff;
	v52 =	vand.u32 $0xFFFF, v50;
	v31 =	vand.u32 $0xFFFF0000, v31  }
0x3df: {  	v10 =	vshrl.u32 v29, v10;
	v11 =	vshll.u32 v32, v11;
	v49 =	vld.idx.msk [tilespmem:v8+s28+$0x1A0 ss:$0x1], $0xffff;
	v31 =	vor.u32 v52, v31  }
0x3e0: {  	v37 =	vor.u32 v37, v39;
	v10 =	vand.u32 $0xFFFF, v10;
	v11 =	vand.u32 $0xFFFF0000, v11;
	v22 =	vld.idx.msk [tilespmem:v8+s26+$0x3E0 ss:$0x1], $0xffff;
	[tilespmem:v9+s18+$0x280 ss:$0x1] =	vst.idx.msk $0xffff, v31  }
0x3e1: {  	v10 =	vor.u32 v10, v11;
	v55 =	vld.idx.msk [tilespmem:v8+s28+$0x200 ss:$0x1], $0xffff;
	v35 =	vshrl.u32 v61, v13;
	v33 =	vshll.u32 v62, v14  }
0x3e2: {  	[tilespmem:v9+s19+$0x7E0 ss:$0x1] =	vst.idx.msk $0xffff, v37;
	v56 =	vld.idx.msk [tilespmem:v8+s28+$0x280 ss:$0x1], $0xffff;
	v39 =	vshrl.u32 v48, v12;
	v35 =	vand.u32 $0xFFFF, v35;
	v33 =	vand.u32 $0xFFFF0000, v33  }
0x3e3: {  	v48 =	vld.idx.msk [tilespmem:v8+s28+$0x40 ss:$0x1], $0xffff;
	v41 =	vshrl.u32 v46, v12;
	v27 =	vshll.u32 v47, v16;
	v33 =	vor.u32 v35, v33  }
0x3e4: {  	v37 =	vshll.u32 v49, v16;
	v49 =	vld.idx.msk [tilespmem:v8+s28+$0xC0 ss:$0x1], $0xffff;
	v54 =	vand.u32 $0xFFFF, v41;
	v27 =	vand.u32 $0xFFFF0000, v27;
	[tilespmem:v9+s18+$0x170 ss:$0x1] =	vst.idx.msk $0xffff, v33  }
0x3e5: {  	[tilespmem:v9+s19+$0x7F0 ss:$0x1] =	vst.idx.msk $0xffff, v10;
	v27 =	vor.u32 v54, v27;
	v33 =	vld.idx.msk [tilespmem:v8+s26+$0x370 ss:$0x1], $0xffff  }
0x3e6: {  	v39 =	vand.u32 $0xFFFF, v39;
	v37 =	vand.u32 $0xFFFF0000, v37;
	v35 =	vld.idx.msk [tilespmem:v8+s26+$0x3F0 ss:$0x1], $0xffff;
	[tilespmem:v9+s18+$0x290 ss:$0x1] =	vst.idx.msk $0xffff, v27  }
0x3e7: {  	v58 =	vshrl.u32 v51, v17;
	v59 =	vshll.u32 v53, v18;
	v37 =	vor.u32 v39, v37;
	v57 =	vld.idx.msk [tilespmem:v8+s28+$0x210 ss:$0x1], $0xffff  }
0x3e8: {  	v42 =	vand.u32 $0xFFFF0000, v59;
	v41 =	vand.u32 $0xFFFF, v58;
	[tilespmem:v9+s18+$0x2A0 ss:$0x1] =	vst.idx.msk $0xffff, v37;
	v60 =	vld.idx.msk [tilespmem:v8+s28+$0x290 ss:$0x1], $0xffff  }
0x3e9: {  	v62 =	vor.u32 v41, v42;
	v61 =	vld.idx.msk [tilespmem:v8+s28+$0x220 ss:$0x1], $0xffff;
	v11 =	vshrl.u32 v55, v13;
	v27 =	vshll.u32 v56, v14  }
0x3ea: {  	v63 =	vld.idx.msk [tilespmem:v8+s28+$0x2A0 ss:$0x1], $0xffff;
	[tilespmem:v9+s18+$0x230 ss:$0x1] =	vst.idx.msk $0xffff, v62;
	v10 =	vand.u32 $0xFFFF, v11;
	v11 =	vand.u32 $0xFFFF0000, v27  }
0x3eb: {  	v45 =	vld.idx.msk [tilespmem:v8+s28+$0x130 ss:$0x1], $0xffff;
	v39 =	vshrl.u32 v48, v17;
	v55 =	vshll.u32 v49, v18;
	v10 =	vor.u32 v10, v11  }
0x3ec: {  	v46 =	vld.idx.msk [tilespmem:v8+s28+$0x1B0 ss:$0x1], $0xffff;
	v39 =	vand.u32 $0xFFFF, v39;
	v41 =	vand.u32 $0xFFFF0000, v55;
	[tilespmem:v9+s18+$0x300 ss:$0x1] =	vst.idx.msk $0xffff, v10  }
0x3ed: {  	v48 =	vld.idx.msk [tilespmem:v8+s28+$0xD0 ss:$0x1], $0xffff;
	v39 =	vor.u32 v39, v41;
	v11 =	vshrl.u32 v57, v13;
	v47 =	vshll.u32 v60, v14  }
0x3ee: {  	v53 =	vperm.xlane v19, v7;
	v55 =	vld.idx.msk [tilespmem:v8+s28+$0x70 ss:$0x1], $0xffff;
	[tilespmem:v9+s18+$0x240 ss:$0x1] =	vst.idx.msk $0xffff, v39;
	v10 =	vand.u32 $0xFFFF, v11;
	v11 =	vand.u32 $0xFFFF0000, v47  }
0x3ef: {  	v29 =	vshrl.u32 v61, v13;
	v50 =	vshll.u32 v63, v14;
	v63 =	vld.idx.msk [tilespmem:v8+s28+$0x1C0 ss:$0x1], $0xffff;
	v11 =	vor.u32 v10, v11  }
0x3f0: {  	v32 =	vld.idx.msk [tilespmem:v8+s28+$0x300 ss:$0x1], $0xffff;
	v51 =	vand.u32 $0xFFFF0000, v50;
	v10 =	vperm.xlane v19, v6;
	[tilespmem:v9+s18+$0x310 ss:$0x1] =	vst.idx.msk $0xffff, v11;
	v11 =	vand.u32 $0xFFFF, v29  }
0x3f1: {  	v52 =	vshrl.u32 v45, v12;
	v27 =	vshll.u32 v46, v16;
	v50 =	vld.idx.msk [tilespmem:v8+s28+$0x60 ss:$0x1], $0xffff;
	v11 =	vor.u32 v11, v51  }
0x3f2: {  	v60 =	vld.idx.msk [tilespmem:v8+s28+$0x140 ss:$0x1], $0xffff;
	v54 =	vand.u32 $0xFFFF0000, v27;
	v23 =	vshrl.u32 v23, v10;
	[tilespmem:v9+s18+$0x320 ss:$0x1] =	vst.idx.msk $0xffff, v11;
	v11 =	vand.u32 $0xFFFF, v52  }
0x3f3: {  	v45 =	vld.idx.msk [tilespmem:v8+s28+$0x50 ss:$0x1], $0xffff;
	v58 =	vshrl.u32 v25, v10;
	v43 =	vshrl.u32 v34, v10;
	v27 =	vor.u32 v11, v54  }
0x3f4: {  	v37 =	vld.idx.msk [tilespmem:v8+s28+$0x380 ss:$0x1], $0xffff;
	v25 =	vshll.u32 v63, v16;
	v34 =	vshll.u32 v48, v18;
	[tilespmem:v9+s18+$0x2B0 ss:$0x1] =	vst.idx.msk $0xffff, v27  }
0x3f5: {  	v23 =	vand.u32 $0xFFFF, v23;
	v61 =	vand.u32 $0xFFFF, v58;
	v46 =	vand.u32 $0xFFFF, v43;
	v56 =	vld.idx.msk [tilespmem:v8+s28+$0x230 ss:$0x1], $0xffff  }
0x3f6: {  	v34 =	vand.u32 $0xFFFF0000, v34;
	v41 =	vshrl.u32 v50, v17;
	v11 =	vsub.s32 $0x10, v53;
	v57 =	vld.idx.msk [tilespmem:v8+s28+$0x2B0 ss:$0x1], $0xffff  }
0x3f7: {  	v31 =	vld.idx.msk [tilespmem:v8+s28+$0x310 ss:$0x1], $0xffff;
	v54 =	vshrl.u32 v60, v12;
	v24 =	vshll.u32 v24, v11;
	v59 =	vshll.u32 v26, v11  }
0x3f8: {  	v29 =	vld.idx.msk [tilespmem:v8+s28+$0x390 ss:$0x1], $0xffff;
	v44 =	vshll.u32 v36, v11;
	v36 =	vshrl.u32 v45, v17;
	v24 =	vand.u32 $0xFFFF0000, v24  }
0x3f9: {  	v53 =	vld.idx.msk [tilespmem:v8+s28+$0xE0 ss:$0x1], $0xffff;
	v62 =	vand.u32 $0xFFFF0000, v59;
	v36 =	vand.u32 $0xFFFF, v36;
	v23 =	vor.u32 v23, v24  }
0x3fa: {  	v58 =	vld.idx.msk [tilespmem:v8+s28+$0xF0 ss:$0x1], $0xffff;
	v34 =	vor.u32 v36, v34;
	[tilespmem:v9+s18+$0x180 ss:$0x1] =	vst.idx.msk $0xffff, v23;
	v23 =	vor.u32 v61, v62  }
0x3fb: {  	v47 =	vand.u32 $0xFFFF0000, v44;
	[tilespmem:v9+s18+$0x250 ss:$0x1] =	vst.idx.msk $0xffff, v34;
	v49 =	vshrl.u32 v56, v13;
	v39 =	vshll.u32 v57, v14  }
0x3fc: {  	[tilespmem:v9+s18+$0x190 ss:$0x1] =	vst.idx.msk $0xffff, v23;
	v23 =	vor.u32 v46, v47;
	v61 =	vld.idx.msk [tilespmem:v8+s28+$0x150 ss:$0x1], $0xffff;
	v51 =	vand.u32 $0xFFFF, v49;
	v52 =	vand.u32 $0xFFFF0000, v39  }
0x3fd: {  	s29 =	sor.u32 $0x800, s25;
	v62 =	vld.idx.msk [tilespmem:v8+s28+$0x1D0 ss:$0x1], $0xffff;
	[tilespmem:v9+s18+$0x1A0 ss:$0x1] =	vst.idx.msk $0xffff, v23;
	v56 =	vand.u32 $0xFFFF, v54;
	v57 =	vand.u32 $0xFFFF0000, v25;
	v23 =	vor.u32 v51, v52  }
0x3fe: {  	v54 =	vld.idx.msk [tilespmem:v8+s29+$0x80 ss:$0x1], $0xffff;
	v39 =	vshll.u32 v53, v18;
	[tilespmem:v9+s18+$0x330 ss:$0x1] =	vst.idx.msk $0xffff, v23;
	v23 =	vor.u32 v56, v57  }
0x3ff: {  	v41 =	vand.u32 $0xFFFF, v41;
	v39 =	vand.u32 $0xFFFF0000, v39;
	v51 =	vld.idx.msk [tilespmem:v8+s29+$0x0 ss:$0x1], $0xffff;
	[tilespmem:v9+s18+$0x2C0 ss:$0x1] =	vst.idx.msk $0xffff, v23  }
0x400: {  	v38 =	vshrl.u32 v38, v10;
	v39 =	vor.u32 v41, v39;
	v59 =	vld.idx.msk [tilespmem:v8+s28+$0x240 ss:$0x1], $0xffff  }
0x401: {  	v38 =	vand.u32 $0xFFFF, v38;
	v40 =	vshll.u32 v40, v11;
	[tilespmem:v9+s18+$0x260 ss:$0x1] =	vst.idx.msk $0xffff, v39;
	v60 =	vld.idx.msk [tilespmem:v8+s28+$0x2C0 ss:$0x1], $0xffff  }
0x402: {  	v26 =	vshrl.u32 v55, v17;
	v40 =	vand.u32 $0xFFFF0000, v40;
	v25 =	vshll.u32 v58, v18;
	v63 =	vld.idx.msk [tilespmem:v8+s28+$0x160 ss:$0x1], $0xffff  }
0x403: {  	v26 =	vand.u32 $0xFFFF, v26;
	v46 =	vor.u32 v38, v40;
	v25 =	vand.u32 $0xFFFF0000, v25;
	v45 =	vld.idx.msk [tilespmem:v8+s28+$0x1E0 ss:$0x1], $0xffff  }
0x404: {  	v19 =	vld.idx.msk [tilespmem:v8+s28+$0x320 ss:$0x1], $0xffff;
	v25 =	vor.u32 v26, v25;
	v50 =	vshrl.u32 v61, v12;
	v39 =	vshll.u32 v62, v16  }
0x405: {  	[tilespmem:v9+s18+$0x270 ss:$0x1] =	vst.idx.msk $0xffff, v25;
	v53 =	vand.u32 $0xFFFF0000, v39;
	v39 =	vshll.u32 v54, v18;
	v40 =	vshrl.u32 v51, v17  }
0x406: {  	v47 =	vld.idx.msk [tilespmem:v8+s28+$0x170 ss:$0x1], $0xffff;
	v52 =	vand.u32 $0xFFFF, v50;
	v39 =	vand.u32 $0xFFFF0000, v39;
	v40 =	vand.u32 $0xFFFF, v40  }
0x407: {  	s30 =	sshrl.u32 s29, $0x1;
	v49 =	vld.idx.msk [tilespmem:v8+s28+$0x1F0 ss:$0x1], $0xffff;
	v39 =	vor.u32 v40, v39;
	v36 =	vshrl.u32 v59, v13;
	v34 =	vshll.u32 v60, v14  }
0x408: {  	v54 =	vld.idx.msk [tilespmem:v8+s29+$0x10 ss:$0x1], $0xffff;
	v55 =	vshrl.u32 v63, v12;
	v42 =	vshll.u32 v45, v16;
	[tilespmem:v9+s30+$0x0 ss:$0x1] =	vst.idx.msk $0xffff, v39  }
0x409: {  	v48 =	vand.u32 $0xFFFF, v36;
	v34 =	vand.u32 $0xFFFF0000, v34;
	v56 =	vand.u32 $0xFFFF, v55;
	v51 =	vld.idx.msk [tilespmem:v8+s29+$0x180 ss:$0x1], $0xffff  }
0x40a: {  	v57 =	vand.u32 $0xFFFF0000, v42;
	v25 =	vor.u32 v48, v34;
	v34 =	vor.u32 v52, v53;
	v48 =	vld.idx.msk [tilespmem:v8+s29+$0x100 ss:$0x1], $0xffff  }
0x40b: {  	[tilespmem:v9+s18+$0x2D0 ss:$0x1] =	vst.idx.msk $0xffff, v34;
	v34 =	vor.u32 v56, v57;
	v57 =	vld.idx.msk [tilespmem:v8+s29+$0x90 ss:$0x1], $0xffff  }
0x40c: {  	v38 =	vshrl.u32 v47, v12;
	v36 =	vshll.u32 v49, v16;
	v58 =	vld.idx.msk [tilespmem:v8+s28+$0x250 ss:$0x1], $0xffff  }
0x40d: {  	v38 =	vand.u32 $0xFFFF, v38;
	v36 =	vand.u32 $0xFFFF0000, v36;
	[tilespmem:v9+s18+$0x2E0 ss:$0x1] =	vst.idx.msk $0xffff, v34;
	v59 =	vld.idx.msk [tilespmem:v8+s28+$0x2D0 ss:$0x1], $0xffff  }
0x40e: {  	v36 =	vor.u32 v38, v36;
	v60 =	vld.idx.msk [tilespmem:v8+s28+$0x260 ss:$0x1], $0xffff  }
0x40f: {  	[tilespmem:v9+s18+$0x2F0 ss:$0x1] =	vst.idx.msk $0xffff, v36;
	v61 =	vld.idx.msk [tilespmem:v8+s28+$0x2E0 ss:$0x1], $0xffff  }
0x410: {  	v28 =	vshrl.u32 v28, v10;
	v30 =	vshll.u32 v30, v11;
	v62 =	vld.idx.msk [tilespmem:v8+s28+$0x270 ss:$0x1], $0xffff  }
0x411: {  	v28 =	vand.u32 $0xFFFF, v28;
	v30 =	vand.u32 $0xFFFF0000, v30;
	v63 =	vld.idx.msk [tilespmem:v8+s28+$0x2F0 ss:$0x1], $0xffff  }
0x412: {  	v27 =	vld.idx.msk [tilespmem:v8+s28+$0x3A0 ss:$0x1], $0xffff;
	v28 =	vor.u32 v28, v30;
	[tilespmem:v9+s18+$0x1B0 ss:$0x1] =	vst.idx.msk $0xffff, v46;
	v45 =	vshrl.u32 v54, v17  }
0x413: {  	v24 =	vld.idx.msk [tilespmem:v8+s28+$0x330 ss:$0x1], $0xffff;
	v40 =	vand.u32 $0xFFFF, v45;
	v47 =	vshrl.u32 v58, v13;
	v34 =	vshll.u32 v59, v14  }
0x414: {  	v23 =	vld.idx.msk [tilespmem:v8+s28+$0x3B0 ss:$0x1], $0xffff;
	[tilespmem:v9+s18+$0x340 ss:$0x1] =	vst.idx.msk $0xffff, v25;
	v46 =	vshll.u32 v57, v18;
	v49 =	vand.u32 $0xFFFF, v47;
	v50 =	vand.u32 $0xFFFF0000, v34  }
0x415: {  	v45 =	vld.idx.msk [tilespmem:v8+s29+$0xB0 ss:$0x1], $0xffff;
	v52 =	vshrl.u32 v60, v13;
	v53 =	vshll.u32 v61, v14;
	v58 =	vshrl.u32 v62, v13  }
0x416: {  	v25 =	vld.idx.msk [tilespmem:v8+s28+$0x340 ss:$0x1], $0xffff;
	v59 =	vshll.u32 v63, v14;
	v62 =	vshrl.u32 v48, v12;
	v63 =	vshll.u32 v51, v16  }
0x417: {  	[tilespmem:v9+s18+$0x1C0 ss:$0x1] =	vst.idx.msk $0xffff, v28;
	v26 =	vld.idx.msk [tilespmem:v8+s28+$0x3C0 ss:$0x1], $0xffff;
	v28 =	vor.u32 v49, v50;
	v55 =	vand.u32 $0xFFFF, v52;
	v56 =	vand.u32 $0xFFFF0000, v53  }
0x418: {  	v57 =	vld.idx.msk [tilespmem:v8+s29+$0x20 ss:$0x1], $0xffff;
	v60 =	vand.u32 $0xFFFF, v58;
	v61 =	vand.u32 $0xFFFF0000, v59;
	v41 =	vand.u32 $0xFFFF, v62  }
0x419: {  	v50 =	vshll.u32 v22, v11;
	v62 =	vld.idx.msk [tilespmem:v8+s29+$0x30 ss:$0x1], $0xffff;
	[tilespmem:v9+s18+$0x350 ss:$0x1] =	vst.idx.msk $0xffff, v28;
	v28 =	vor.u32 v55, v56  }
0x41a: {  	v42 =	vand.u32 $0xFFFF0000, v63;
	v53 =	vand.u32 $0xFFFF0000, v50;
	v50 =	vld.idx.msk [tilespmem:v8+s29+$0xC0 ss:$0x1], $0xffff;
	[tilespmem:v9+s18+$0x360 ss:$0x1] =	vst.idx.msk $0xffff, v28;
	v28 =	vor.u32 v60, v61  }
0x41b: {  	v38 =	vld.idx.msk [tilespmem:v8+s28+$0x350 ss:$0x1], $0xffff;
	[tilespmem:v9+s18+$0x370 ss:$0x1] =	vst.idx.msk $0xffff, v28;
	v28 =	vor.u32 v41, v42  }
0x41c: {  	v60 =	vld.idx.msk [tilespmem:v8+s29+$0xA0 ss:$0x1], $0xffff;
	v41 =	vand.u32 $0xFFFF0000, v46;
	[tilespmem:v9+s18+$0x480 ss:$0x1] =	vst.idx.msk $0xffff, v28  }
0x41d: {  	v15 =	vshrl.u32 v15, v10;
	v20 =	vshll.u32 v20, v11;
	v40 =	vor.u32 v40, v41;
	v47 =	vld.idx.msk [tilespmem:v8+s29+$0x200 ss:$0x1], $0xffff  }
0x41e: {  	v15 =	vand.u32 $0xFFFF, v15;
	v20 =	vand.u32 $0xFFFF0000, v20;
	[tilespmem:v9+s18+$0x410 ss:$0x1] =	vst.idx.msk $0xffff, v40;
	v48 =	vld.idx.msk [tilespmem:v8+s29+$0x280 ss:$0x1], $0xffff  }
0x41f: {  	v15 =	vor.u32 v15, v20;
	v49 =	vshrl.u32 v21, v10;
	v51 =	vld.idx.msk [tilespmem:v8+s29+$0x110 ss:$0x1], $0xffff  }
0x420: {  	[tilespmem:v9+s18+$0x1D0 ss:$0x1] =	vst.idx.msk $0xffff, v15;
	v52 =	vand.u32 $0xFFFF, v49;
	v54 =	vld.idx.msk [tilespmem:v8+s29+$0x190 ss:$0x1], $0xffff  }
0x421: {  	v55 =	vshrl.u32 v33, v10;
	v56 =	vshll.u32 v35, v11;
	v34 =	vld.idx.msk [tilespmem:v8+s28+$0x3D0 ss:$0x1], $0xffff;
	v15 =	vor.u32 v52, v53  }
0x422: {  	v58 =	vand.u32 $0xFFFF, v55;
	v59 =	vand.u32 $0xFFFF0000, v56;
	v36 =	vld.idx.msk [tilespmem:v8+s28+$0x360 ss:$0x1], $0xffff;
	[tilespmem:v9+s18+$0x1E0 ss:$0x1] =	vst.idx.msk $0xffff, v15  }
0x423: {  	v39 =	vld.idx.msk [tilespmem:v8+s28+$0x3E0 ss:$0x1], $0xffff;
	v15 =	vor.u32 v58, v59;
	v61 =	vshrl.u32 v47, v13;
	v40 =	vshll.u32 v48, v14  }
0x424: {  	v30 =	vld.idx.msk [tilespmem:v8+s28+$0x370 ss:$0x1], $0xffff;
	v33 =	vshll.u32 v60, v18;
	v63 =	vand.u32 $0xFFFF, v61;
	v44 =	vand.u32 $0xFFFF0000, v40  }
0x425: {  	v28 =	vld.idx.msk [tilespmem:v8+s28+$0x3F0 ss:$0x1], $0xffff;
	v46 =	vshrl.u32 v51, v12;
	v21 =	vshll.u32 v54, v16;
	v51 =	vshrl.u32 v57, v17  }
0x426: {  	[tilespmem:v9+s18+$0x1F0 ss:$0x1] =	vst.idx.msk $0xffff, v15;
	v47 =	vld.idx.msk [tilespmem:v8+s29+$0x40 ss:$0x1], $0xffff;
	v15 =	vor.u32 v63, v44;
	v48 =	vand.u32 $0xFFFF, v46;
	v49 =	vand.u32 $0xFFFF0000, v21  }
0x427: {  	v40 =	vshll.u32 v45, v18;
	v45 =	vld.idx.msk [tilespmem:v8+s29+$0x50 ss:$0x1], $0xffff;
	[tilespmem:v9+s18+$0x500 ss:$0x1] =	vst.idx.msk $0xffff, v15;
	v15 =	vor.u32 v48, v49  }
0x428: {  	v33 =	vand.u32 $0xFFFF0000, v33;
	v20 =	vand.u32 $0xFFFF, v51;
	v49 =	vld.idx.msk [tilespmem:v8+s29+$0xD0 ss:$0x1], $0xffff;
	[tilespmem:v9+s18+$0x490 ss:$0x1] =	vst.idx.msk $0xffff, v15  }
0x429: {  	v53 =	vshrl.u32 v62, v17;
	v20 =	vor.u32 v20, v33;
	v52 =	vld.idx.msk [tilespmem:v8+s29+$0x210 ss:$0x1], $0xffff  }
0x42a: {  	v35 =	vand.u32 $0xFFFF, v53;
	v40 =	vand.u32 $0xFFFF0000, v40;
	[tilespmem:v9+s18+$0x420 ss:$0x1] =	vst.idx.msk $0xffff, v20;
	v54 =	vld.idx.msk [tilespmem:v8+s29+$0x290 ss:$0x1], $0xffff  }
0x42b: {  	v32 =	vshrl.u32 v32, v10;
	v37 =	vshll.u32 v37, v11;
	v35 =	vor.u32 v35, v40;
	v55 =	vld.idx.msk [tilespmem:v8+s29+$0x120 ss:$0x1], $0xffff  }
0x42c: {  	v32 =	vand.u32 $0xFFFF, v32;
	v37 =	vand.u32 $0xFFFF0000, v37;
	v29 =	vshll.u32 v29, v11;
	[tilespmem:v9+s18+$0x430 ss:$0x1] =	vst.idx.msk $0xffff, v35;
	v57 =	vld.idx.msk [tilespmem:v8+s29+$0x1A0 ss:$0x1], $0xffff  }
0x42d: {  	v32 =	vor.u32 v32, v37;
	v29 =	vand.u32 $0xFFFF0000, v29;
	v58 =	vld.idx.msk [tilespmem:v8+s29+$0x130 ss:$0x1], $0xffff  }
0x42e: {  	v19 =	vshrl.u32 v19, v10;
	v56 =	vshll.u32 v50, v18;
	v21 =	vld.idx.msk [tilespmem:v8+s29+$0x300 ss:$0x1], $0xffff;
	v22 =	vshrl.u32 v47, v17  }
0x42f: {  	[tilespmem:v9+s18+$0x380 ss:$0x1] =	vst.idx.msk $0xffff, v32;
	v41 =	vand.u32 $0xFFFF0000, v56;
	v15 =	vld.idx.msk [tilespmem:v8+s29+$0x380 ss:$0x1], $0xffff;
	v22 =	vand.u32 $0xFFFF, v22;
	v40 =	vshrl.u32 v45, v17  }
0x430: {  	v59 =	vld.idx.msk [tilespmem:v8+s29+$0x1B0 ss:$0x1], $0xffff;
	v22 =	vor.u32 v22, v41;
	v40 =	vand.u32 $0xFFFF, v40;
	v32 =	vshll.u32 v49, v18  }
0x431: {  	[tilespmem:v9+s18+$0x440 ss:$0x1] =	vst.idx.msk $0xffff, v22;
	v32 =	vand.u32 $0xFFFF0000, v32;
	v33 =	vshrl.u32 v52, v13;
	v20 =	vshll.u32 v54, v14  }
0x432: {  	v45 =	vld.idx.msk [tilespmem:v8+s29+$0x60 ss:$0x1], $0xffff;
	v63 =	vshrl.u32 v55, v12;
	v35 =	vshll.u32 v57, v16;
	v50 =	vshrl.u32 v58, v12  }
0x433: {  	v60 =	vld.idx.msk [tilespmem:v8+s29+$0x140 ss:$0x1], $0xffff;
	v32 =	vor.u32 v40, v32;
	v61 =	vand.u32 $0xFFFF, v33;
	v20 =	vand.u32 $0xFFFF0000, v20  }
0x434: {  	v62 =	vld.idx.msk [tilespmem:v8+s29+$0x1C0 ss:$0x1], $0xffff;
	v47 =	vand.u32 $0xFFFF, v63;
	v48 =	vand.u32 $0xFFFF0000, v35;
	[tilespmem:v9+s18+$0x450 ss:$0x1] =	vst.idx.msk $0xffff, v32;
	v20 =	vor.u32 v61, v20  }
0x435: {  	v51 =	vshll.u32 v59, v16;
	v61 =	vld.idx.msk [tilespmem:v8+s29+$0x150 ss:$0x1], $0xffff;
	[tilespmem:v9+s18+$0x510 ss:$0x1] =	vst.idx.msk $0xffff, v20;
	v20 =	vor.u32 v47, v48  }
0x436: {  	v27 =	vshll.u32 v27, v11;
	v52 =	vand.u32 $0xFFFF, v50;
	v53 =	vand.u32 $0xFFFF0000, v51;
	v63 =	vld.idx.msk [tilespmem:v8+s29+$0x1D0 ss:$0x1], $0xffff;
	[tilespmem:v9+s18+$0x4A0 ss:$0x1] =	vst.idx.msk $0xffff, v20  }
0x437: {  	v19 =	vand.u32 $0xFFFF, v19;
	v27 =	vand.u32 $0xFFFF0000, v27;
	v20 =	vor.u32 v52, v53;
	v54 =	vld.idx.msk [tilespmem:v8+s29+$0x220 ss:$0x1], $0xffff  }
0x438: {  	v24 =	vshrl.u32 v24, v10;
	v25 =	vshrl.u32 v25, v10;
	[tilespmem:v9+s18+$0x4B0 ss:$0x1] =	vst.idx.msk $0xffff, v20;
	v55 =	vld.idx.msk [tilespmem:v8+s29+$0x2A0 ss:$0x1], $0xffff  }
0x439: {  	v46 =	vshrl.u32 v31, v10;
	v37 =	vshrl.u32 v60, v12;
	v33 =	vshll.u32 v62, v16;
	v56 =	vld.idx.msk [tilespmem:v8+s29+$0x230 ss:$0x1], $0xffff  }
0x43a: {  	v42 =	vand.u32 $0xFFFF, v46;
	v37 =	vand.u32 $0xFFFF, v37;
	v33 =	vand.u32 $0xFFFF0000, v33;
	v57 =	vld.idx.msk [tilespmem:v8+s29+$0x2B0 ss:$0x1], $0xffff  }
0x43b: {  	v26 =	vshll.u32 v26, v11;
	v29 =	vor.u32 v42, v29;
	v48 =	vld.idx.msk [tilespmem:v8+s29+$0xE0 ss:$0x1], $0xffff;
	v33 =	vor.u32 v37, v33  }
0x43c: {  	v42 =	vor.u32 v19, v27;
	v31 =	vld.idx.msk [tilespmem:v8+s29+$0x310 ss:$0x1], $0xffff;
	[tilespmem:v9+s18+$0x4C0 ss:$0x1] =	vst.idx.msk $0xffff, v33;
	v53 =	vshrl.u32 v61, v12  }
0x43d: {  	v22 =	vld.idx.msk [tilespmem:v8+s29+$0x390 ss:$0x1], $0xffff;
	v32 =	vshll.u32 v63, v16;
	v60 =	vshrl.u32 v54, v13;
	v20 =	vshll.u32 v55, v14  }
0x43e: {  	v58 =	vld.idx.msk [tilespmem:v8+s29+$0x240 ss:$0x1], $0xffff;
	v54 =	vshll.u32 v23, v11;
	v55 =	vand.u32 $0xFFFF, v53;
	v62 =	vand.u32 $0xFFFF, v60  }
0x43f: {  	s20 =	sor.u32 $0xC00, s25;
	v59 =	vld.idx.msk [tilespmem:v8+s29+$0x2C0 ss:$0x1], $0xffff;
	v20 =	vand.u32 $0xFFFF0000, v20;
	v43 =	vshrl.u32 v56, v13;
	v44 =	vshll.u32 v57, v14  }
0x440: {  	v56 =	vand.u32 $0xFFFF0000, v32;
	v35 =	vand.u32 $0xFFFF0000, v54;
	v54 =	vld.idx.msk [tilespmem:v8+s20+$0x80 ss:$0x1], $0xffff;
	v19 =	vor.u32 v62, v20  }
0x441: {  	v46 =	vand.u32 $0xFFFF, v43;
	v47 =	vand.u32 $0xFFFF0000, v44;
	v20 =	vor.u32 v55, v56;
	v56 =	vld.idx.msk [tilespmem:v8+s20+$0x10 ss:$0x1], $0xffff  }
0x442: {  	v25 =	vand.u32 $0xFFFF, v25;
	v26 =	vand.u32 $0xFFFF0000, v26;
	[tilespmem:v9+s18+$0x520 ss:$0x1] =	vst.idx.msk $0xffff, v19;
	v19 =	vor.u32 v46, v47;
	v47 =	vld.idx.msk [tilespmem:v8+s29+$0x70 ss:$0x1], $0xffff  }
0x443: {  	v25 =	vor.u32 v25, v26;
	v49 =	vshrl.u32 v58, v13;
	v58 =	vshll.u32 v48, v18;
	v48 =	vld.idx.msk [tilespmem:v8+s29+$0xF0 ss:$0x1], $0xffff  }
0x444: {  	v34 =	vshll.u32 v34, v11;
	v36 =	vshrl.u32 v36, v10;
	[tilespmem:v9+s18+$0x390 ss:$0x1] =	vst.idx.msk $0xffff, v29;
	v29 =	vld.idx.msk [tilespmem:v8+s29+$0x320 ss:$0x1], $0xffff  }
0x445: {  	v39 =	vshll.u32 v39, v11;
	v34 =	vand.u32 $0xFFFF0000, v34;
	[tilespmem:v9+s18+$0x4D0 ss:$0x1] =	vst.idx.msk $0xffff, v20;
	v27 =	vld.idx.msk [tilespmem:v8+s29+$0x3A0 ss:$0x1], $0xffff  }
0x446: {  	v30 =	vshrl.u32 v30, v10;
	v28 =	vshll.u32 v28, v11;
	v40 =	vshll.u32 v59, v14;
	v59 =	vld.idx.msk [tilespmem:v8+s29+$0x250 ss:$0x1], $0xffff  }
0x447: {  	v30 =	vand.u32 $0xFFFF, v30;
	v21 =	vshrl.u32 v21, v10;
	v50 =	vand.u32 $0xFFFF, v24;
	[tilespmem:v9+s18+$0x530 ss:$0x1] =	vst.idx.msk $0xffff, v19;
	v61 =	vld.idx.msk [tilespmem:v8+s29+$0x2D0 ss:$0x1], $0xffff  }
0x448: {  	v57 =	vshrl.u32 v45, v17;
	v51 =	vand.u32 $0xFFFF, v49;
	v52 =	vand.u32 $0xFFFF0000, v40;
	v24 =	vld.idx.msk [tilespmem:v8+s29+$0x330 ss:$0x1], $0xffff  }
0x449: {  	[tilespmem:v9+s18+$0x3C0 ss:$0x1] =	vst.idx.msk $0xffff, v25;
	v32 =	vand.u32 $0xFFFF, v57;
	v33 =	vand.u32 $0xFFFF0000, v58;
	v19 =	vor.u32 v51, v52;
	v23 =	vld.idx.msk [tilespmem:v8+s29+$0x3B0 ss:$0x1], $0xffff  }
0x44a: {  	v15 =	vshll.u32 v15, v11;
	v32 =	vor.u32 v32, v33;
	v51 =	vld.idx.msk [tilespmem:v8+s20+$0x0 ss:$0x1], $0xffff;
	[tilespmem:v9+s18+$0x540 ss:$0x1] =	vst.idx.msk $0xffff, v19  }
0x44b: {  	v28 =	vand.u32 $0xFFFF0000, v28;
	v21 =	vand.u32 $0xFFFF, v21;
	v15 =	vand.u32 $0xFFFF0000, v15;
	[tilespmem:v9+s18+$0x460 ss:$0x1] =	vst.idx.msk $0xffff, v32;
	v19 =	vld.idx.msk [tilespmem:v8+s29+$0x340 ss:$0x1], $0xffff  }
0x44c: {  	v28 =	vor.u32 v30, v28;
	v15 =	vor.u32 v21, v15;
	v22 =	vshll.u32 v22, v11;
	v63 =	vld.idx.msk [tilespmem:v8+s29+$0x160 ss:$0x1], $0xffff  }
0x44d: {  	[tilespmem:v9+s18+$0x3F0 ss:$0x1] =	vst.idx.msk $0xffff, v28;
	v22 =	vand.u32 $0xFFFF0000, v22;
	v60 =	vshrl.u32 v38, v10;
	v45 =	vand.u32 $0xFFFF, v36;
	v44 =	vld.idx.msk [tilespmem:v8+s29+$0x1E0 ss:$0x1], $0xffff  }
0x44e: {  	v35 =	vor.u32 v50, v35;
	v20 =	vld.idx.msk [tilespmem:v8+s29+$0x3C0 ss:$0x1], $0xffff;
	v49 =	vshrl.u32 v59, v13;
	v50 =	vshll.u32 v61, v14  }
0x44f: {  	[tilespmem:v9+s18+$0x3A0 ss:$0x1] =	vst.idx.msk $0xffff, v42;
	v38 =	vshrl.u32 v56, v17;
	v56 =	vld.idx.msk [tilespmem:v8+s20+$0xA0 ss:$0x1], $0xffff;
	v52 =	vand.u32 $0xFFFF, v49;
	v53 =	vand.u32 $0xFFFF0000, v50  }
0x450: {  	v36 =	vshll.u32 v54, v18;
	v59 =	vld.idx.msk [tilespmem:v8+s20+$0x90 ss:$0x1], $0xffff;
	v37 =	vshrl.u32 v51, v17;
	v25 =	vor.u32 v52, v53  }
0x451: {  	v62 =	vand.u32 $0xFFFF, v60;
	v36 =	vand.u32 $0xFFFF0000, v36;
	v37 =	vand.u32 $0xFFFF, v37;
	v53 =	vld.idx.msk [tilespmem:v8+s20+$0x20 ss:$0x1], $0xffff;
	[tilespmem:v9+s18+$0x550 ss:$0x1] =	vst.idx.msk $0xffff, v25  }
0x452: {  	s31 =	sshrl.u32 s20, $0x1;
	v33 =	vshrl.u32 v63, v12;
	v55 =	vshll.u32 v44, v16;
	v36 =	vor.u32 v37, v36;
	v25 =	vld.idx.msk [tilespmem:v8+s29+$0x350 ss:$0x1], $0xffff  }
0x453: {  	v46 =	vand.u32 $0xFFFF0000, v39;
	v57 =	vand.u32 $0xFFFF, v33;
	v58 =	vand.u32 $0xFFFF0000, v55;
	v26 =	vld.idx.msk [tilespmem:v8+s29+$0x3D0 ss:$0x1], $0xffff;
	[tilespmem:v9+s31+$0x0 ss:$0x1] =	vst.idx.msk $0xffff, v36  }
0x454: {  	v32 =	vor.u32 v62, v34;
	v34 =	vor.u32 v45, v46;
	v33 =	vor.u32 v57, v58;
	v45 =	vld.idx.msk [tilespmem:v8+s20+$0x100 ss:$0x1], $0xffff  }
0x455: {  	v39 =	vshrl.u32 v47, v17;
	v60 =	vshll.u32 v48, v18;
	v46 =	vld.idx.msk [tilespmem:v8+s20+$0x180 ss:$0x1], $0xffff;
	[tilespmem:v9+s18+$0x4E0 ss:$0x1] =	vst.idx.msk $0xffff, v33  }
0x456: {  	[tilespmem:v9+s18+$0x3B0 ss:$0x1] =	vst.idx.msk $0xffff, v35;
	v61 =	vand.u32 $0xFFFF, v39;
	v62 =	vand.u32 $0xFFFF0000, v60;
	v35 =	vshll.u32 v59, v18;
	v63 =	vld.idx.msk [tilespmem:v8+s29+$0x260 ss:$0x1], $0xffff  }
0x457: {  	[tilespmem:v9+s18+$0x3D0 ss:$0x1] =	vst.idx.msk $0xffff, v32;
	v38 =	vand.u32 $0xFFFF, v38;
	v33 =	vor.u32 v61, v62;
	v35 =	vand.u32 $0xFFFF0000, v35;
	v41 =	vld.idx.msk [tilespmem:v8+s29+$0x2E0 ss:$0x1], $0xffff  }
0x458: {  	v47 =	vshrl.u32 v31, v10;
	[tilespmem:v9+s18+$0x470 ss:$0x1] =	vst.idx.msk $0xffff, v33;
	v44 =	vor.u32 v38, v35;
	v38 =	vld.idx.msk [tilespmem:v8+s20+$0x50 ss:$0x1], $0xffff  }
0x459: {  	v30 =	vand.u32 $0xFFFF, v47;
	v29 =	vshrl.u32 v29, v10;
	v27 =	vshll.u32 v27, v11;
	v42 =	vld.idx.msk [tilespmem:v8+s29+$0x170 ss:$0x1], $0xffff  }
0x45a: {  	v27 =	vand.u32 $0xFFFF0000, v27;
	v22 =	vor.u32 v30, v22;
	v43 =	vld.idx.msk [tilespmem:v8+s29+$0x1F0 ss:$0x1], $0xffff;
	[tilespmem:v9+s18+$0x610 ss:$0x1] =	vst.idx.msk $0xffff, v44  }
0x45b: {  	v24 =	vshrl.u32 v24, v10;
	v50 =	vld.idx.msk [tilespmem:v8+s20+$0x110 ss:$0x1], $0xffff;
	v35 =	vshrl.u32 v45, v12;
	v21 =	vshll.u32 v46, v16  }
0x45c: {  	[tilespmem:v9+s18+$0x3E0 ss:$0x1] =	vst.idx.msk $0xffff, v34;
	v23 =	vshll.u32 v23, v11;
	v51 =	vld.idx.msk [tilespmem:v8+s20+$0x190 ss:$0x1], $0xffff;
	v35 =	vand.u32 $0xFFFF, v35;
	v21 =	vand.u32 $0xFFFF0000, v21  }
0x45d: {  	v46 =	vld.idx.msk [tilespmem:v8+s20+$0x30 ss:$0x1], $0xffff;
	v48 =	vshrl.u32 v63, v13;
	v49 =	vshll.u32 v41, v14;
	v21 =	vor.u32 v35, v21  }
0x45e: {  	v23 =	vand.u32 $0xFFFF0000, v23;
	v31 =	vand.u32 $0xFFFF, v48;
	v32 =	vand.u32 $0xFFFF0000, v49;
	[tilespmem:v9+s18+$0x680 ss:$0x1] =	vst.idx.msk $0xffff, v21;
	v49 =	vld.idx.msk [tilespmem:v8+s20+$0xB0 ss:$0x1], $0xffff  }
0x45f: {  	v52 =	vshrl.u32 v42, v12;
	v36 =	vshll.u32 v43, v16;
	v31 =	vor.u32 v31, v32;
	v59 =	vld.idx.msk [tilespmem:v8+s20+$0x200 ss:$0x1], $0xffff  }
0x460: {  	v37 =	vshrl.u32 v53, v17;
	v54 =	vand.u32 $0xFFFF, v52;
	v55 =	vand.u32 $0xFFFF0000, v36;
	v60 =	vld.idx.msk [tilespmem:v8+s20+$0x280 ss:$0x1], $0xffff;
	[tilespmem:v9+s18+$0x560 ss:$0x1] =	vst.idx.msk $0xffff, v31  }
0x461: {  	v33 =	vshrl.u32 v50, v12;
	v34 =	vshll.u32 v51, v16;
	v31 =	vor.u32 v54, v55;
	v32 =	vld.idx.msk [tilespmem:v8+s29+$0x360 ss:$0x1], $0xffff  }
0x462: {  	v36 =	vshll.u32 v56, v18;
	v33 =	vand.u32 $0xFFFF, v33;
	v34 =	vand.u32 $0xFFFF0000, v34;
	[tilespmem:v9+s18+$0x4F0 ss:$0x1] =	vst.idx.msk $0xffff, v31;
	v31 =	vld.idx.msk [tilespmem:v8+s29+$0x3E0 ss:$0x1], $0xffff  }
0x463: {  	[tilespmem:v9+s18+$0x580 ss:$0x1] =	vst.idx.msk $0xffff, v15;
	v37 =	vand.u32 $0xFFFF, v37;
	v36 =	vand.u32 $0xFFFF0000, v36;
	v33 =	vor.u32 v33, v34;
	v57 =	vld.idx.msk [tilespmem:v8+s29+$0x270 ss:$0x1], $0xffff  }
0x464: {  	v19 =	vshrl.u32 v19, v10;
	v62 =	vor.u32 v37, v36;
	v58 =	vld.idx.msk [tilespmem:v8+s29+$0x2F0 ss:$0x1], $0xffff;
	[tilespmem:v9+s18+$0x690 ss:$0x1] =	vst.idx.msk $0xffff, v33  }
0x465: {  	v20 =	vshll.u32 v20, v11;
	v19 =	vand.u32 $0xFFFF, v19;
	v61 =	vand.u32 $0xFFFF, v29;
	[tilespmem:v9+s18+$0x620 ss:$0x1] =	vst.idx.msk $0xffff, v62;
	v63 =	vld.idx.msk [tilespmem:v8+s20+$0x210 ss:$0x1], $0xffff  }
0x466: {  	v20 =	vand.u32 $0xFFFF0000, v20;
	v27 =	vor.u32 v61, v27;
	v61 =	vshrl.u32 v25, v10;
	v41 =	vld.idx.msk [tilespmem:v8+s20+$0x120 ss:$0x1], $0xffff  }
0x467: {  	[tilespmem:v9+s18+$0x590 ss:$0x1] =	vst.idx.msk $0xffff, v22;
	v19 =	vor.u32 v19, v20;
	v22 =	vand.u32 $0xFFFF, v61;
	v42 =	vand.u32 $0xFFFF, v24;
	v44 =	vld.idx.msk [tilespmem:v8+s20+$0x1A0 ss:$0x1], $0xffff  }
0x468: {  	v23 =	vor.u32 v42, v23;
	v34 =	vshrl.u32 v46, v17;
	v39 =	vld.idx.msk [tilespmem:v8+s20+$0x290 ss:$0x1], $0xffff;
	v33 =	vshll.u32 v60, v14  }
0x469: {  	[tilespmem:v9+s18+$0x5C0 ss:$0x1] =	vst.idx.msk $0xffff, v19;
	v56 =	vand.u32 $0xFFFF, v34;
	v60 =	vld.idx.msk [tilespmem:v8+s20+$0xC0 ss:$0x1], $0xffff;
	v48 =	vand.u32 $0xFFFF0000, v33;
	v33 =	vshll.u32 v49, v18  }
0x46a: {  	v40 =	vshrl.u32 v57, v13;
	v21 =	vshll.u32 v58, v14;
	v57 =	vand.u32 $0xFFFF0000, v33;
	v58 =	vld.idx.msk [tilespmem:v8+s20+$0x40 ss:$0x1], $0xffff  }
0x46b: {  	v45 =	vshrl.u32 v59, v13;
	v54 =	vshrl.u32 v41, v12;
	v59 =	vor.u32 v56, v57;
	v41 =	vld.idx.msk [tilespmem:v8+s20+$0xD0 ss:$0x1], $0xffff  }
0x46c: {  	v43 =	vand.u32 $0xFFFF, v40;
	v21 =	vand.u32 $0xFFFF0000, v21;
	v29 =	vshll.u32 v44, v16;
	v44 =	vld.idx.msk [tilespmem:v8+s20+$0x60 ss:$0x1], $0xffff;
	[tilespmem:v9+s18+$0x630 ss:$0x1] =	vst.idx.msk $0xffff, v59  }
0x46d: {  	v47 =	vand.u32 $0xFFFF, v45;
	v51 =	vshrl.u32 v63, v13;
	v21 =	vor.u32 v43, v21;
	v63 =	vld.idx.msk [tilespmem:v8+s20+$0x130 ss:$0x1], $0xffff  }
0x46e: {  	v62 =	vshll.u32 v26, v11;
	[tilespmem:v9+s18+$0x570 ss:$0x1] =	vst.idx.msk $0xffff, v21;
	v21 =	vor.u32 v47, v48;
	v47 =	vld.idx.msk [tilespmem:v8+s20+$0xE0 ss:$0x1], $0xffff  }
0x46f: {  	v25 =	vand.u32 $0xFFFF0000, v62;
	v37 =	vshrl.u32 v32, v10;
	v28 =	vshll.u32 v39, v14;
	v49 =	vld.idx.msk [tilespmem:v8+s20+$0x1B0 ss:$0x1], $0xffff  }
0x470: {  	[tilespmem:v9+s18+$0x5A0 ss:$0x1] =	vst.idx.msk $0xffff, v27;
	v42 =	vshll.u32 v31, v11;
	v35 =	vand.u32 $0xFFFF, v51;
	v28 =	vand.u32 $0xFFFF0000, v28;
	v50 =	vld.idx.msk [tilespmem:v8+s29+$0x370 ss:$0x1], $0xffff  }
0x471: {  	v32 =	vshrl.u32 v38, v17;
	v53 =	vor.u32 v35, v28;
	[tilespmem:v9+s18+$0x700 ss:$0x1] =	vst.idx.msk $0xffff, v21;
	v52 =	vld.idx.msk [tilespmem:v8+s29+$0x3F0 ss:$0x1], $0xffff  }
0x472: {  	v45 =	vand.u32 $0xFFFF0000, v42;
	v39 =	vor.u32 v22, v25;
	v40 =	vand.u32 $0xFFFF, v37;
	[tilespmem:v9+s18+$0x710 ss:$0x1] =	vst.idx.msk $0xffff, v53;
	v53 =	vld.idx.msk [tilespmem:v8+s20+$0x70 ss:$0x1], $0xffff  }
0x473: {  	[tilespmem:v9+s18+$0x5B0 ss:$0x1] =	vst.idx.msk $0xffff, v23;
	v29 =	vand.u32 $0xFFFF0000, v29;
	v22 =	vor.u32 v40, v45;
	v28 =	vand.u32 $0xFFFF, v54;
	v36 =	vld.idx.msk [tilespmem:v8+s20+$0x300 ss:$0x1], $0xffff  }
0x474: {  	v55 =	vor.u32 v28, v29;
	v28 =	vshll.u32 v60, v18;
	v30 =	vld.idx.msk [tilespmem:v8+s20+$0x380 ss:$0x1], $0xffff;
	v43 =	vshrl.u32 v58, v17  }
0x475: {  	[tilespmem:v9+s18+$0x5D0 ss:$0x1] =	vst.idx.msk $0xffff, v39;
	v15 =	vld.idx.msk [tilespmem:v8+s20+$0x310 ss:$0x1], $0xffff;
	v28 =	vand.u32 $0xFFFF0000, v28;
	v46 =	vand.u32 $0xFFFF, v43;
	v25 =	vshll.u32 v41, v18  }
0x476: {  	[tilespmem:v9+s18+$0x6A0 ss:$0x1] =	vst.idx.msk $0xffff, v55;
	v54 =	vshrl.u32 v44, v17;
	v27 =	vor.u32 v46, v28;
	v25 =	vand.u32 $0xFFFF0000, v25  }
0x477: {  	v55 =	vld.idx.msk [tilespmem:v8+s20+$0xF0 ss:$0x1], $0xffff;
	v26 =	vand.u32 $0xFFFF, v54;
	v51 =	vshrl.u32 v63, v12;
	v31 =	vshll.u32 v47, v18  }
0x478: {  	v29 =	vld.idx.msk [tilespmem:v8+s20+$0x220 ss:$0x1], $0xffff;
	v24 =	vshll.u32 v49, v16;
	v48 =	vshrl.u32 v50, v10;
	v21 =	vshll.u32 v52, v11  }
0x479: {  	[tilespmem:v9+s18+$0x640 ss:$0x1] =	vst.idx.msk $0xffff, v27;
	v50 =	vld.idx.msk [tilespmem:v8+s20+$0x2A0 ss:$0x1], $0xffff;
	v52 =	vand.u32 $0xFFFF, v32;
	v31 =	vand.u32 $0xFFFF0000, v31;
	v19 =	vand.u32 $0xFFFF, v51  }
0x47a: {  	v27 =	vld.idx.msk [tilespmem:v8+s20+$0x140 ss:$0x1], $0xffff;
	v57 =	vand.u32 $0xFFFF0000, v24;
	v17 =	vshrl.u32 v53, v17;
	v25 =	vor.u32 v52, v25  }
0x47b: {  	v56 =	vld.idx.msk [tilespmem:v8+s20+$0x1C0 ss:$0x1], $0xffff;
	v23 =	vand.u32 $0xFFFF, v48;
	v21 =	vand.u32 $0xFFFF0000, v21;
	v19 =	vor.u32 v19, v57;
	[tilespmem:v9+s18+$0x650 ss:$0x1] =	vst.idx.msk $0xffff, v25  }
0x47c: {  	v58 =	vor.u32 v26, v31;
	v61 =	vshrl.u32 v36, v10;
	[tilespmem:v9+s18+$0x6B0 ss:$0x1] =	vst.idx.msk $0xffff, v19;
	v19 =	vld.idx.msk [tilespmem:v8+s20+$0x390 ss:$0x1], $0xffff  }
0x47d: {  	v18 =	vshll.u32 v55, v18;
	v17 =	vand.u32 $0xFFFF, v17;
	v49 =	vshll.u32 v30, v11;
	v59 =	vld.idx.msk [tilespmem:v8+s20+$0x150 ss:$0x1], $0xffff  }
0x47e: {  	v15 =	vshrl.u32 v15, v10;
	v21 =	vor.u32 v23, v21;
	[tilespmem:v9+s18+$0x660 ss:$0x1] =	vst.idx.msk $0xffff, v58;
	v60 =	vld.idx.msk [tilespmem:v8+s20+$0x1D0 ss:$0x1], $0xffff  }
0x47f: {  	[tilespmem:v9+s18+$0x5E0 ss:$0x1] =	vst.idx.msk $0xffff, v22;
	v18 =	vand.u32 $0xFFFF0000, v18;
	v23 =	vand.u32 $0xFFFF, v61;
	v24 =	vand.u32 $0xFFFF0000, v49;
	v63 =	vld.idx.msk [tilespmem:v8+s20+$0x160 ss:$0x1], $0xffff  }
0x480: {  	v33 =	vld.idx.msk [tilespmem:v8+s20+$0x1E0 ss:$0x1], $0xffff;
	v17 =	vor.u32 v17, v18;
	[tilespmem:v9+s18+$0x5F0 ss:$0x1] =	vst.idx.msk $0xffff, v21;
	v23 =	vor.u32 v23, v24  }
0x481: {  	v34 =	vld.idx.msk [tilespmem:v8+s20+$0x230 ss:$0x1], $0xffff;
	[tilespmem:v9+s18+$0x670 ss:$0x1] =	vst.idx.msk $0xffff, v17;
	v27 =	vshrl.u32 v27, v12;
	v25 =	vshll.u32 v56, v16  }
0x482: {  	v62 =	vshrl.u32 v29, v13;
	v36 =	vld.idx.msk [tilespmem:v8+s20+$0x2B0 ss:$0x1], $0xffff;
	[tilespmem:v9+s18+$0x780 ss:$0x1] =	vst.idx.msk $0xffff, v23;
	v35 =	vand.u32 $0xFFFF, v27;
	v25 =	vand.u32 $0xFFFF0000, v25  }
0x483: {  	v38 =	vld.idx.msk [tilespmem:v8+s20+$0x170 ss:$0x1], $0xffff;
	v22 =	vor.u32 v35, v25;
	v26 =	vshrl.u32 v59, v12;
	v20 =	vshll.u32 v60, v16  }
0x484: {  	v15 =	vand.u32 $0xFFFF, v15;
	v41 =	vld.idx.msk [tilespmem:v8+s20+$0x1F0 ss:$0x1], $0xffff;
	[tilespmem:v9+s18+$0x6C0 ss:$0x1] =	vst.idx.msk $0xffff, v22;
	v37 =	vand.u32 $0xFFFF, v26;
	v20 =	vand.u32 $0xFFFF0000, v20  }
0x485: {  	v39 =	vshrl.u32 v63, v12;
	v40 =	vshll.u32 v33, v16;
	v42 =	vld.idx.msk [tilespmem:v8+s20+$0x240 ss:$0x1], $0xffff;
	v17 =	vor.u32 v37, v20  }
0x486: {  	v45 =	vand.u32 $0xFFFF, v62;
	v43 =	vand.u32 $0xFFFF, v39;
	v44 =	vand.u32 $0xFFFF0000, v40;
	v47 =	vld.idx.msk [tilespmem:v8+s20+$0x2C0 ss:$0x1], $0xffff;
	[tilespmem:v9+s18+$0x6D0 ss:$0x1] =	vst.idx.msk $0xffff, v17  }
0x487: {  	v28 =	vshll.u32 v50, v14;
	v19 =	vshll.u32 v19, v11;
	v21 =	vor.u32 v43, v44;
	v48 =	vld.idx.msk [tilespmem:v8+s20+$0x250 ss:$0x1], $0xffff  }
0x488: {  	v46 =	vand.u32 $0xFFFF0000, v28;
	v18 =	vshrl.u32 v34, v13;
	v19 =	vand.u32 $0xFFFF0000, v19;
	[tilespmem:v9+s18+$0x6E0 ss:$0x1] =	vst.idx.msk $0xffff, v21;
	v50 =	vld.idx.msk [tilespmem:v8+s20+$0x2D0 ss:$0x1], $0xffff  }
0x489: {  	v12 =	vshrl.u32 v38, v12;
	v16 =	vshll.u32 v41, v16;
	v17 =	vor.u32 v45, v46;
	v51 =	vld.idx.msk [tilespmem:v8+s20+$0x260 ss:$0x1], $0xffff  }
0x48a: {  	v15 =	vor.u32 v15, v19;
	v12 =	vand.u32 $0xFFFF, v12;
	v16 =	vand.u32 $0xFFFF0000, v16;
	[tilespmem:v9+s18+$0x720 ss:$0x1] =	vst.idx.msk $0xffff, v17;
	v53 =	vld.idx.msk [tilespmem:v8+s20+$0x2E0 ss:$0x1], $0xffff  }
0x48b: {  	v25 =	vshll.u32 v36, v14;
	[tilespmem:v9+s18+$0x790 ss:$0x1] =	vst.idx.msk $0xffff, v15;
	v12 =	vor.u32 v12, v16;
	v54 =	vld.idx.msk [tilespmem:v8+s20+$0x320 ss:$0x1], $0xffff  }
0x48c: {  	v18 =	vand.u32 $0xFFFF, v18;
	v52 =	vand.u32 $0xFFFF0000, v25;
	v55 =	vld.idx.msk [tilespmem:v8+s20+$0x3A0 ss:$0x1], $0xffff;
	[tilespmem:v9+s18+$0x6F0 ss:$0x1] =	vst.idx.msk $0xffff, v12  }
0x48d: {  	v17 =	vor.u32 v18, v52;
	v20 =	vshrl.u32 v42, v13;
	v26 =	vshll.u32 v47, v14;
	v59 =	vld.idx.msk [tilespmem:v8+s20+$0x270 ss:$0x1], $0xffff  }
0x48e: {  	[tilespmem:v9+s18+$0x730 ss:$0x1] =	vst.idx.msk $0xffff, v17;
	v62 =	vld.idx.msk [tilespmem:v8+s20+$0x2F0 ss:$0x1], $0xffff;
	v56 =	vand.u32 $0xFFFF, v20;
	v57 =	vand.u32 $0xFFFF0000, v26  }
0x48f: {  	v63 =	vld.idx.msk [tilespmem:v8+s20+$0x330 ss:$0x1], $0xffff;
	v12 =	vor.u32 v56, v57;
	v58 =	vshrl.u32 v48, v13;
	v61 =	vshll.u32 v50, v14  }
0x490: {  	v31 =	vld.idx.msk [tilespmem:v8+s20+$0x3B0 ss:$0x1], $0xffff;
	[tilespmem:v9+s18+$0x740 ss:$0x1] =	vst.idx.msk $0xffff, v12;
	v60 =	vand.u32 $0xFFFF, v58;
	v20 =	vand.u32 $0xFFFF0000, v61  }
0x491: {  	v27 =	vshrl.u32 v51, v13;
	v25 =	vshll.u32 v53, v14;
	v34 =	vld.idx.msk [tilespmem:v8+s20+$0x340 ss:$0x1], $0xffff;
	v30 =	vor.u32 v60, v20  }
0x492: {  	v32 =	vand.u32 $0xFFFF, v27;
	v25 =	vand.u32 $0xFFFF0000, v25;
	v35 =	vld.idx.msk [tilespmem:v8+s20+$0x3C0 ss:$0x1], $0xffff;
	[tilespmem:v9+s18+$0x750 ss:$0x1] =	vst.idx.msk $0xffff, v30  }
0x493: {  	v33 =	vor.u32 v32, v25;
	v13 =	vshrl.u32 v59, v13;
	v14 =	vshll.u32 v62, v14;
	v36 =	vld.idx.msk [tilespmem:v8+s20+$0x350 ss:$0x1], $0xffff  }
0x494: {  	[tilespmem:v9+s18+$0x760 ss:$0x1] =	vst.idx.msk $0xffff, v33;
	v38 =	vand.u32 $0xFFFF, v13;
	v39 =	vand.u32 $0xFFFF0000, v14;
	v37 =	vld.idx.msk [tilespmem:v8+s20+$0x3D0 ss:$0x1], $0xffff  }
0x495: {  	v40 =	vshrl.u32 v54, v10;
	v16 =	vshll.u32 v55, v11;
	v41 =	vld.idx.msk [tilespmem:v8+s20+$0x360 ss:$0x1], $0xffff;
	v12 =	vor.u32 v38, v39  }
0x496: {  	v42 =	vand.u32 $0xFFFF, v40;
	v43 =	vand.u32 $0xFFFF0000, v16;
	v44 =	vshrl.u32 v63, v10;
	v45 =	vld.idx.msk [tilespmem:v8+s20+$0x3E0 ss:$0x1], $0xffff;
	[tilespmem:v9+s18+$0x770 ss:$0x1] =	vst.idx.msk $0xffff, v12  }
0x497: {  	v48 =	vshll.u32 v31, v11;
	v46 =	vor.u32 v42, v43;
	v47 =	vand.u32 $0xFFFF, v44;
	v49 =	vld.idx.msk [tilespmem:v8+s20+$0x370 ss:$0x1], $0xffff  }
0x498: {  	v14 =	vand.u32 $0xFFFF0000, v48;
	v50 =	vshrl.u32 v34, v10;
	v51 =	vshll.u32 v35, v11;
	v52 =	vld.idx.msk [tilespmem:v8+s20+$0x3F0 ss:$0x1], $0xffff  }
0x499: {  	v13 =	vor.u32 v47, v14;
	[tilespmem:v9+s18+$0x7A0 ss:$0x1] =	vst.idx.msk $0xffff, v46;
	v53 =	vand.u32 $0xFFFF, v50;
	v54 =	vand.u32 $0xFFFF0000, v51  }
0x49a: {  	v14 =	vor.u32 v53, v54;
	v55 =	vshrl.u32 v36, v10;
	v56 =	vshll.u32 v37, v11  }
0x49b: {  	p2 =	por p1, p1;
	[tilespmem:v9+s18+$0x7B0 ss:$0x1] =	vst.idx.msk $0xffff, v13;
	v59 =	vshrl.u32 v41, v10;
	v61 =	vshll.u32 v45, v11;
	v57 =	vand.u32 $0xFFFF, v55  }
.Ltmp6:
0x49c: {  	[tilespmem:v9+s18+$0x7C0 ss:$0x1] =	vst.idx.msk $0xffff, v14;
	v58 =	vand.u32 $0xFFFF0000, v56;
	v60 =	vand.u32 $0xFFFF, v59;
	v62 =	vand.u32 $0xFFFF0000, v61;
	(pc) =	sbr.rel @p2 .LBB2_8-.Ltmp6, $4  }
0x49d: {  	v12 =	vor.u32 v57, v58;
	v10 =	vshrl.u32 v49, v10;
	v11 =	vshll.u32 v52, v11  }
0x49e: {  	v63 =	vor.u32 v60, v62;
	[tilespmem:v9+s18+$0x7D0 ss:$0x1] =	vst.idx.msk $0xffff, v12;
	v10 =	vand.u32 $0xFFFF, v10;
	v11 =	vand.u32 $0xFFFF0000, v11  }
0x49f: {  	[tilespmem:v9+s18+$0x7E0 ss:$0x1] =	vst.idx.msk $0xffff, v63;
	v10 =	vor.u32 v10, v11  }
0x4a0: {  	p1 =	por $0x0, $0x0;
	[tilespmem:v9+s18+$0x7F0 ss:$0x1] =	vst.idx.msk $0xffff, v10;
	s18 =	simm.s32 $0x4  }
0x4a1: {  	s17 =	sshll.u32 s15, $0x5  }
0x4a2: {  	s31 =	sshll.u32 s15, $0x3;
	s17 =	sand.u32 $0xFFFFFF00, s17  }
0x4a3: {  	s15 =	sand.u32 $0x38, s31;
	s17 =	sadd.s32 s17, s8  }
0x4a4: {  	s15 =	sadd.s32 s15, s17  }
0x4a5: {  	s18 =	sadd.s32 $0x800, s16;
	s17 =	simm.s32 $0x100;
	s19 =	sadd.s32 $0x0, s15  }
.LBB2_10:
0x4a6: {  	[hbm:s19] =	stream.linear.scatter [tilespmem:s16], [sflag:$0x3], $0x800, $0x38;
	[tilespmem:$0x180C0] =	vst v63  }
0x4a7: {  	s19 =	smov.u32 s17;
	s16 =	smov.u32 s18;
	p1 =	sne.s32 s17, $0x700  }
.Ltmp7:
0x4a8: {  	s17 =	sadd.s32 $0x100, s17;
	(pc) =	sbr.rel @p1 .LBB2_10-.Ltmp7, $2  }
0x4a9: {  	_ =	sdelay $0x2  }
0x4aa: {  	s18 =	sadd.s32 $0x800, s18;
	s19 =	sadd.s32 s19, s15  }
.Ltmp8:
0x4ab: {  	(pc) =	sbr.rel .LBB2_12-.Ltmp8, $2  }
0x4ac: {  	_ =	sdelay $0x2  }
0x4ad: {  	[hbm:s19] =	stream.linear.scatter [tilespmem:s16], [sflag:$0x3], $0x800, $0x38;
	[tilespmem:$0x180C0] =	vst v63  }
.LBB2_13:
0x4ae: {  	_ =	sfence.sel $0x180000  }
0x4af: {  	s2 =	simm.s32 $0x1;
	[bflag:$0x0] =	sbarrier.arrive $0xFFFF  }
0x4b0: {  	s30 =	simm.s32 $0x2;
	[sflag:s2] =	ssyncpa.u1 $0x1  }
0x4b1: {  	s31 =	simm.s32 $0x3;
	[sflag:s30] =	ssyncpa.u1 $0x1  }
0x4b2: {  	[sflag:s31] =	ssyncpa.u1 $0x1  }
0x4b3: {  	p0 =	sne.s32 s0, $0x0;
	_ =	strace $0x90000047  }
0x4b4: {  	s0 =	sadd.s32 @!p0 $0x100000, s1;
	[bflag:$0x2] =	sbarrier.arrive $0xFFFF  }
0x4b5: {  	[sflag:s0] =	ssyncadd.tile.s32 @!p0 $0x1;
	_ =	shalt  }
.Lfunc_end2:
_tile_overlayer_lowered:
.L_overlay_start_2:
0x4b6: {  	(tag) =	ssettag $0x2  }
0x4b7: {  	s0 =	rddreg [dreg:$0x0];
	s2 =	stileid.u32  }
0x4b8: {  	s1 =	rddreg [dreg:$0x1];
	p0 =	sne.s32 s2, $0x0  }
0x4b9: {  	s3 =	rddreg [dreg:$0x2];
	[bflag:$0x3] =	sbarrier.arrive $0xFFFF;
	s2 =	simm.s32 @!p0 $0x1C01  }
0x4ba: {  	[timem:s3], [sflag:s2] =	dma.local @!p0 [hbm:s0], s1  }
0x4bb: {  	s0 =	simm.s32 @!p0 $0x1  }
0x4bc: {  	_ =	swait.ge @!p0 [sflag:s0], s1  }
0x4bd: {  	s1 =	ssub.s32 @!p0 $0x0, s1;
	[sflag:s0] =	ssyncset.done @!p0 $0x0  }
0x4be: {  	[sflag:s0] =	ssyncadd.s32 @!p0 s1  }
0x4bf: {  	[bflag:$0x3] =	sbarrier.arrive $0xFFFF  }
0x4c0: {  	_ =	shalt  }

// kernel: scatter_offload_async_start
scs
__scs_entry_jumppad:
0x0: {  	(pc) =	sbr.rel $0x88, $3  }
0x1: {  	(tag) =	ssettag $0x0;
	lr =	simm.s32 $0x1  }
0x2: {  	[smem:$0x3F93] =	sst lr;
	_ =	strace $0xD0000000  }
0x3: {  	_ = 	snop  }
0x4: {  	_ = 	snop  }
0x5: {  	_ = 	snop  }
0x6: {  	_ = 	snop  }
0x7: {  	_ = 	snop  }
__scs_overlays_trampoline_lowered:
0x8: {  	[smem:$0x3FA2] =	sst s0  }
0x9: {  	[smem:$0x3FA3] =	sst s1  }
0xa: {  	[smem:$0x3FA4] =	sst s2  }
0xb: {  	[smem:$0x3FA5] =	sst s3  }
0xc: {  	[smem:$0x3FA6] =	sst s4  }
0xd: {  	[smem:$0x3FA7] =	sst s5  }
0xe: {  	[smem:$0x3FA8] =	sst s6  }
0xf: {  	[smem:$0x3FA9] =	sst s7  }
0x10: {  	[smem:$0x3FAA] =	sst s8  }
0x11: {  	[smem:$0x3FAB] =	sst s9;
	s0 =	simm.s32 @!p0 $0x0  }
0x12: {  	s1 =	sld [smem:$0x3F91];
	s0 =	simm.s32 @p0 $0x1  }
0x13: {  	[smem:$0x3FAC] =	sst s0;
	s0 =	simm.s32 @!p1 $0x0  }
0x14: {  	s2 =	sld [smem:$0x3F90];
	s0 =	simm.s32 @p1 $0x1  }
0x15: {  	[smem:$0x3FAD] =	sst s0;
	s0 =	simm.s32 @!p2 $0x0  }
0x16: {  	s3 =	sld [smem:$0x3FDB];
	s0 =	simm.s32 @p2 $0x1  }
0x17: {  	s4 =	simm.s32 $0x1BF5;
	[smem:$0x3FAF] =	sst s0  }
0x18: {  	s0 =	sld [smem:$0x3F92];
	_ =	swait.ge [sflag:s4], $0x0  }
0x19: {  	s7 =	sld [smem:$0x3F93]  }
0x1a: {  	s8 =	sadd.s32 $0xFFFFE003, lr  }
0x1b: {  	s9 =	sadd.s32 $0xFFFFFEF7, lr;
	s5 =	simm.s32 $0xFFFFFFFF;
	p2 =	slt.u32 s8, $0xFFFFF086  }
0x1c: {  	p1 =	slt.u32 s9, $0xF7A;
	s5 =	simm.s32 @!p2 $0x0  }
0x1d: {  	s5 =	simm.s32 @p1 $0x1;
	p0 =	seq.s32 s7, s2  }
0x1e: {  	s7 =	smul.u32 @!p0 $0xF7A, s2;
	p2 =	seq.s32 @!p0 s5, $0x0  }
0x1f: {  	s9 =	smul.u32 $0xF7A, s1;
	s8 =	simm.s32 @!p0 $0x1BF5;
	p2 =	por !p2, p0  }
0x20: {  	[sflag:s8] =	ssyncset.s32 @!p0 $0xFFFFF086;
	s6 =	sadd.s32 @!p0 s3, s7;
	s7 =	simm.s32 @!p0 $0x108  }
0x21: {  	s3 =	sadd.s32 s3, s9;
	s6 =	sadd.s32 @!p0 $0x88, s6;
	s7 =	simm.s32 @p2 $0x1082  }
0x22: {  	[simem:s7], [sflag:s8] =	dma.local @!p0 [hbm:s6], $0xF7A  }
0x23: {  	s9 =	sor.u32 $0xD0000000, s2;
	s6 =	simm.s32 $0x108;
	_ =	swait.ge @!p0 [sflag:s8], $0x0  }
0x24: {  	s3 =	sadd.s32 $0x88, s3;
	s6 =	simm.s32 @!p1 $0x1082;
	[sflag:s4] =	ssyncset.s32 $0xFFFFF086  }
0x25: {  	[simem:s6], [sflag:s4] =	dma.local [hbm:s3], $0xF7A  }
0x26: {  	[smem:$0x3F93] =	sst s1;
	(tag) =	ssettag s2;
	_ =	strace s9  }
0x27: {  	s1 =	sld [smem:$0x3FA3]  }
0x28: {  	s2 =	sld [smem:$0x3FA4]  }
0x29: {  	s4 =	sld [smem:$0x3FA6]  }
0x2a: {  	p0 =	seq.s32 s5, $0x0;
	s5 =	sld [smem:$0x3FA7]  }
0x2b: {  	s6 =	sld [smem:$0x3FA8]  }
0x2c: {  	s7 =	sld [smem:$0x3FA9]  }
0x2d: {  	s3 =	simm.s32 $0x108;
	s8 =	sld [smem:$0x3FAA]  }
0x2e: {  	s3 =	simm.s32 @!p0 $0x1082;
	s9 =	sld [smem:$0x3FAB]  }
0x2f: {  	lr =	sadd.s32 s0, s3;
	s0 =	sld [smem:$0x3FA2]  }
0x30: {  	s3 =	sld [smem:$0x3FA5]  }
0x31: {  	[smem:$0x3FAE] =	sst s10  }
0x32: {  	s10 =	sld [smem:$0x3FAC];
	_ =	sdelay $0x3  }
0x33: {  	p0 =	seq.s32 s10, $0x1;
	s10 =	sld [smem:$0x3FAE];
	_ =	sdelay $0x3  }
0x34: {  	[smem:$0x3FAE] =	sst s10  }
0x35: {  	s10 =	sld [smem:$0x3FAD];
	_ =	sdelay $0x3  }
0x36: {  	p1 =	seq.s32 s10, $0x1;
	s10 =	sld [smem:$0x3FAE];
	_ =	sdelay $0x3  }
0x37: {  	[smem:$0x3FAE] =	sst s10  }
0x38: {  	s10 =	sld [smem:$0x3FAF]  }
0x39: {  	_ = 	snop;
	(pc) =	sbr.ind lr, $3  }
0x3a: {  	_ = 	snop  }
0x3b: {  	_ = 	snop  }
0x3c: {  	p2 =	seq.s32 s10, $0x1;
	s10 =	sld [smem:$0x3FAE]  }
0x3d: {  	_ =	shalt  }
0x3e: {  	_ =	shalt  }
0x3f: {  	_ =	shalt  }
0x40: {  	_ =	shalt  }
0x41: {  	_ =	shalt  }
0x42: {  	_ =	shalt  }
0x43: {  	_ =	shalt  }
0x44: {  	_ =	shalt  }
0x45: {  	_ =	shalt  }
0x46: {  	_ =	shalt  }
0x47: {  	_ =	shalt  }
0x48: {  	_ =	shalt  }
0x49: {  	_ =	shalt  }
0x4a: {  	_ =	shalt  }
0x4b: {  	_ =	shalt  }
0x4c: {  	_ =	shalt  }
0x4d: {  	_ =	shalt  }
0x4e: {  	_ =	shalt  }
0x4f: {  	_ =	shalt  }
0x50: {  	_ =	shalt  }
0x51: {  	_ =	shalt  }
0x52: {  	_ =	shalt  }
0x53: {  	_ =	shalt  }
0x54: {  	_ =	shalt  }
0x55: {  	_ =	shalt  }
0x56: {  	_ =	shalt  }
0x57: {  	_ =	shalt  }
0x58: {  	_ =	shalt  }
0x59: {  	_ =	shalt  }
0x5a: {  	_ =	shalt  }
0x5b: {  	_ =	shalt  }
0x5c: {  	_ =	shalt  }
0x5d: {  	_ =	shalt  }
0x5e: {  	_ =	shalt  }
0x5f: {  	_ =	shalt  }
0x60: {  	_ =	shalt  }
0x61: {  	_ =	shalt  }
0x62: {  	_ =	shalt  }
0x63: {  	_ =	shalt  }
0x64: {  	_ =	shalt  }
0x65: {  	_ =	shalt  }
0x66: {  	_ =	shalt  }
0x67: {  	_ =	shalt  }
0x68: {  	_ =	shalt  }
0x69: {  	_ =	shalt  }
0x6a: {  	_ =	shalt  }
0x6b: {  	_ =	shalt  }
0x6c: {  	_ =	shalt  }
0x6d: {  	_ =	shalt  }
0x6e: {  	_ =	shalt  }
0x6f: {  	_ =	shalt  }
0x70: {  	_ =	shalt  }
0x71: {  	_ =	shalt  }
0x72: {  	_ =	shalt  }
0x73: {  	_ =	shalt  }
0x74: {  	_ =	shalt  }
0x75: {  	_ =	shalt  }
0x76: {  	_ =	shalt  }
0x77: {  	_ =	shalt  }
0x78: {  	_ =	shalt  }
0x79: {  	_ =	shalt  }
0x7a: {  	_ =	shalt  }
0x7b: {  	_ =	shalt  }
0x7c: {  	_ =	shalt  }
0x7d: {  	_ =	shalt  }
0x7e: {  	_ =	shalt  }
0x7f: {  	_ =	shalt  }
0x80: {  	_ =	shalt  }
0x81: {  	_ =	shalt  }
0x82: {  	_ =	shalt  }
0x83: {  	_ =	shalt  }
0x84: {  	_ =	shalt  }
0x85: {  	_ =	shalt  }
0x86: {  	_ =	shalt  }
0x87: {  	_ =	shalt  }
.Lfunc_end0:
.L_simem_size_0:
called_computation_lowered:
.L_overlay_start_0:
0x88: {  	s2 =	sld [smem:$0x3FD9]  }
0x89: {  	s3 =	sld [smem:$0x3FFE];
	_ =	sdelay $0x1  }
0x8a: {  	s1 =	srdreg.scid  }
0x8b: {  	s0 =	sand.u32 $0x1, s1  }
0x8c: {  	s16 =	sshll.u32 s0, $0xA;
	s2 =	sadd.s32 s3, s2  }
0x8d: {  	s2 =	sadd.s32 s2, s16  }
0x8e: {  	[smem:$0x3FBA] =	sst s2  }
0x8f: {  	_ = 	snop  }
0x90: {  	s2 =	sld [smem:$0x3FD0];
	(tm) =	ssettm $0x1  }
0x91: {  	s17 =	sld [smem:$0x3FFB];
	_ =	sdelay $0x3  }
0x92: {  	_ =	strace s17  }
0x93: {  	s3 =	sld [smem:$0x3FFC];
	_ =	sdelay $0x3  }
0x94: {  	_ =	strace s3  }
0x95: {  	s3 =	sld [smem:$0x3FFD];
	_ =	sdelay $0x3  }
0x96: {  	_ =	strace s3  }
0x97: {  	_ =	strace $0x8FFFFFFF  }
0x98: {  	s18 =	sld [smem:$0x3FDB];
	_ =	sdelay $0x1  }
0x99: {  	s4 =	simm.s32 $_scs_section_size  }
0x9a: {  	s5 =	simm.s32 $_size__tile_overlayer_lowered;
	s6 =	simm.s32 $_tile_overlayer_lowered  }
0x9b: {  	s21 =	simm.s32 $0x1BFF;
	s20 =	sshll.u32 s6, $0x1;
	s3 =	sadd.s32 s4, s18  }
0x9c: {  	s7 =	simm.s32 $0x0;
	s19 =	sshll.u32 s5, $0x1;
	s5 =	sadd.s32 s20, s3  }
0x9d: {  	[timem:s7], [sflag:s21] =	dma.local [hbm:s5], s19  }
0x9e: {  	_ =	swait.ge [sflag:s21], s19  }
0x9f: {  	s4 =	ssub.s32 $0x0, s19;
	[sflag:s21] =	ssyncset.done $0x0  }
0xa0: {  	[sflag:s21] =	ssyncadd.s32 s4;
	_ =	sdelay $0x1  }
0xa1: {  	s22 =	simm.s32 $0x1B8B  }
0xa2: {  	_ =	swait.ge [sflag:s22], $0x1  }
0xa3: {  	[sflag:s22] =	ssyncset.done $0x0  }
0xa4: {  	s23 =	sld [smem:$0x3FFE];
	[sflag:s22] =	ssyncadd.s32 $0xFFFFFFFF  }
0xa5: {  	s25 =	simm.s32 $0x1B8E;
	s24 =	sld [smem:$0x0]  }
0xa6: {  	s26 =	simm.s32 $execute0_lowered;
	[smem:$0x3FD2] =	sst s25  }
0xa7: {  	s6 =	sshll.u32 s26, $0x1;
	_ =	strace $0x80000049;
	[dreg:$0x1] =	wrdreg $0xFFFFFFFF  }
0xa8: {  	s28 =	simm.s32 $_size_execute0_lowered;
	s3 =	sadd.s32 s3, s6;
	[dreg:$0x0] =	wrdreg $0x0  }
0xa9: {  	s6 =	sshll.u32 s28, $0x1;
	[dreg:$0x2] =	wrdreg s3  }
0xaa: {  	[dreg:$0x3] =	wrdreg s6  }
0xab: {  	[dreg:$0x4] =	wrdreg $0xC0  }
0xac: {  	_ =	task [dreg:s7], $0x5FFFF  }
0xad: {  	[dreg:$0x1] =	wrdreg $0xFFFFFFFF  }
0xae: {  	[dreg:$0x0] =	wrdreg $0x60  }
0xaf: {  	[dreg:$0x2] =	wrdreg s2  }
0xb0: {  	[dreg:$0x3] =	wrdreg s23  }
0xb1: {  	[dreg:$0x4] =	wrdreg s1  }
0xb2: {  	[dreg:$0x5] =	wrdreg s24  }
0xb3: {  	[dreg:$0x6] =	wrdreg $0x9  }
0xb4: {  	_ =	task.clear_ibuf [dreg:s7], $0x7FFFF;
	_ =	strace $0x90000049  }
0xb5: {  	s29 =	simm.s32 $0x9;
	_ =	strace $0x8000004B  }
0xb6: {  	_ =	swait.ge [sflag:s29], $0x1  }
0xb7: {  	[sflag:s29] =	ssyncadd.s32 $0xFFFFFFFF  }
0xb8: {  	_ =	strace $0x9000004B  }
0xb9: {  	_ =	sfence  }
0xba: {  	s30 =	sld [smem:$0x0];
	_ =	sdelay $0x2  }
0xbb: {  	s31 =	sshll.u32 s1, $0xD;
	s1 =	sshrl.u32 s1, $0x2  }
0xbc: {  	s3 =	sand.u32 $0x4000, s31;
	s1 =	sadd.s32 s1, s30  }
0xbd: {  	s0 =	sor.u32 s3, s0;
	s1 =	sshll.u32 s1, $0x11  }
0xbe: {  	s0 =	sor.u32 s1, s0  }
0xbf: {  	s0 =	sadd.s32 $0x8F2B, s0  }
0xc0: {  	[sflag:s0] =	ssyncadd.remote.s32 $0x1  }
0xc1: {  	_ =	sfence.sel $0xFFFF  }
0xc2: {  	[dreg:$0x0] =	wrdreg $0xFFFFFFFF;
	(pc) =	sbr.abs _section_cstart, $3  }
0xc3: {  	[dreg:$0x1] =	wrdreg $0xFFFFFFFF  }
0xc4: {  	_ =	task.clear_ibuf [dreg:s7], $0x2FFFF;
	_ =	strace $0x9FFFFFFF  }
0xc5: {  	(tm) =	ssettm $0x7FFFFFFF  }
tec
execute0_lowered:
.L_overlay_start_1:
0x0: {  	(tag) =	ssettag $0x1  }
0x1: {  	s1 =	rddreg [dreg:$0x0]  }
0x2: {  	s2 =	rddreg [dreg:$0x1];
	_ =	strace $0x8000004A;
	s0 =	simm.s32 $0x1  }
0x3: {  	v0 =	vimm.s32 $0x0;
	[sflag:s0] =	ssyncpa.u1 $0x0;
	s0 =	simm.s32 $0x408  }
0x4: {  	[tilespmem:s0+$0x70] =	vst v0  }
0x5: {  	[tilespmem:s0+$0x60] =	vst v0  }
0x6: {  	[tilespmem:s0+$0x50] =	vst v0  }
0x7: {  	[tilespmem:s0+$0x40] =	vst v0  }
0x8: {  	[tilespmem:s0+$0x30] =	vst v0  }
0x9: {  	[tilespmem:s0+$0x20] =	vst v0  }
0xa: {  	s7 =	sadd.s32 $0xE00, s2;
	s6 =	sadd.s32 $0x62C00, s2;
	s2 =	simm.s32 $0x40;
	[tilespmem:s0+$0x10] =	vst v0  }
.LBB2_1:
0xb: {  	s2 =	sadd.s32 $0x40, s2;
	[tilespmem:s0+$0x0] =	vst v0;
	s0 =	sadd.s32 $0x80, s0  }
0xc: {  	p0 =	slt.u32 s2, $0x4100;
	[tilespmem:s0+$0x70] =	vst v0  }
0xd: {  	[tilespmem:s0+$0x60] =	vst v0  }
.Ltmp0:
0xe: {  	[tilespmem:s0+$0x50] =	vst v0;
	(pc) =	sbr.rel @p0 .LBB2_1-.Ltmp0, $4  }
0xf: {  	[tilespmem:s0+$0x40] =	vst v0  }
0x10: {  	[tilespmem:s0+$0x30] =	vst v0  }
0x11: {  	[tilespmem:s0+$0x20] =	vst v0  }
0x12: {  	[tilespmem:s0+$0x10] =	vst v0  }
0x13: {  	s2 =	srdreg.scid  }
0x14: {  	s2 =	sshll.u32 s2, $0x4  }
0x15: {  	s5 =	stileid.u32;
	s2 =	sand.u32 $0x10, s2  }
0x16: {  	s2 =	sor.u32 s5, s2  }
0x17: {  	s31 =	simm.s32 $0x2;
	s10 =	simm.s32 $0x9;
	s3 =	smul.u32 $0x186, s2  }
0x18: {  	p1 =	por $0x0, $0x0;
	s13 =	simm.s32 $0x1;
	s4 =	smin.u32 s2, $0x14  }
0x19: {  	p0 =	slt.u32 s2, $0x14;
	s2 =	simm.s32 $0x61C0;
	s3 =	sadd.s32 s4, s3  }
0x1a: {  	s23 =	simm.s32 $0xA;
	s2 =	simm.s32 @!p0 $0x6180;
	s14 =	sshll.u32 s3, $0x6  }
0x1b: {  	s15 =	simm.s32 $0x80;
	s16 =	simm.s32 $0x40;
	s2 =	sadd.s32 s2, s14  }
.Ltmp1:
0x1c: {  	s18 =	simm.s32 $0x0;
	s8 =	smin.u32 s2, $0xC3500;
	(pc) =	sbr.rel .LBB2_3-.Ltmp1, $4  }
0x1d: {  	[tilespmem:s0+$0x0] =	vst v0;
	v0 =	vimm.s32 $0xFFFFFFFF;
	[dreg:$0x5] =	wrdreg s7;
	[sflag:s31] =	ssyncpa.u1 $0x0;
	s0 =	ssub.s32 s8, s14  }
0x1e: {  	s12 =	sshll.u32 s5, $0xA;
	[tilespmem:$0x10808] =	vst v0;
	[sflag:s10] =	ssyncpa.u1 $0x0;
	p0 =	sgt.s32 s0, $0x0  }
0x1f: {  	s17 =	smov.u32 s14;
	[dreg:$0x6] =	wrdreg s14;
	s0 =	simm.s32 @!p0 $0x0  }
0x20: {  	v1 =	vimm.f32 $-Inf;
	v0 =	vlaneseq.u32;
	p0 =	por $0x1, $0x1;
	s11 =	sshrl.u32 s0, $0x6;
	s0 =	simm.s32 $0x0  }
.LBB2_45:
0x21: {  	s7 =	rddreg [dreg:$0x5]  }
0x22: {  	s0 =	sshrl.u32 s26, $0x2;
	s14 =	rddreg [dreg:$0x6];
	s23 =	simm.s32 $0xA  }
.LBB2_47:
0x23: {  	_ =	swait.ge [sflag:s23], s0;
	v2 =	vmov s3;
	vm0 =	veq.s32 v0, $0x0  }
0x24: {  	s31 =	ssub.s32 $0x0, s0;
	vm14 =	veq.s32 v0, $0x2;
	[sflag:s23] =	ssyncset.done $0x0;
	v2 =	vsel vm0, s21, v2  }
0x25: {  	vm15 =	veq.s32 v0, $0x3;
	[sflag:s23] =	ssyncadd.s32 s31;
	v2 =	vsel vm14, s24, v2  }
0x26: {  	[sflag:s23] =	ssyncpa.u1 $0x1;
	v2 =	vsel vm15, s29, v2  }
0x27: {  	[tilespmem:$0x10808] =	vst v2  }
.LBB2_48:
0x28: {  	s0 =	sadd.s32 $0x40, s17  }
0x29: {  	s2 =	smov.u32 s14;
	p2 =	slt.s32 s0, s8  }
0x2a: {  	s2 =	smov.u32 @p2 s0;
	p2 =	sne.s32 s18, s11  }
.Ltmp2:
0x2b: {  	_ = 	snop;
	(pc) =	sbr.rel @!p2 .LBB2_49-.Ltmp2, $3  }
0x2c: {  	_ =	sdelay $0x1  }
0x2d: {  	s3 =	sadd.s32 $0x1, s18;
	p0 =	por !p0, !p0;
	p1 =	por !p1, !p1  }
0x2e: {  	s0 =	smov.u32 s17;
	s18 =	smov.u32 s3;
	s17 =	smov.u32 s2  }
.LBB2_3:
0x2f: {  	p2 =	sge.u32 s18, s11  }
0x30: {  	p3 =	sgt.s32 @!p2 s17, $0xC34C0  }
0x31: {  	s2 =	smov.u32 s17;
	s3 =	sshra.s32 @!p2 s17, $0x1F;
	p3 =	por !p3, p2  }
0x32: {  	s3 =	sand.u32 @!p2 s3, s17;
	s2 =	simm.s32 @p3 $0xC34C0  }
0x33: {  	s2 =	ssub.s32 @!p2 s2, s3  }
0x34: {  	s4 =	sxor.u32 @!p2 $0xFFFFFFFF, s18;
	s2 =	sadd.s32 @!p2 $0xFFF3CB40, s2  }
0x35: {  	s5 =	sand.u32 @!p2 $0x7, s17;
	s3 =	sshll.u32 @!p2 s2, $0x2;
	p3 =	sgt.s32 @!p2 s2, $0x3F  }
0x36: {  	s2 =	ssub.s32 @!p2 $0x100, s3;
	s3 =	sand.u32 @!p2 $0x1, s4;
	p3 =	por !p3, p2  }
0x37: {  	s4 =	sshrl.u32 @!p2 s17, $0x3;
	s2 =	sshrl.u32 @!p2 s2, $0x2;
	s3 =	sshll.u32 @!p2 s3, $0x6  }
0x38: {  	s4 =	sadd.s32 @!p2 s7, s4;
	s2 =	simm.s32 @!p3 $0x0;
	s3 =	sadd.s32 @!p2 $0x14848, s3  }
0x39: {  	[tilespmem:s3], [sflag:$0x9] =	stream.linear.gather @!p2 [hbm4b:s4+s5], s2, $0x38;
	[tilespmem:$0x1C8C8] =	vst v63  }
0x3a: {  	s2 =	ssub.s32 @!p2 $0xC3500, s17  }
0x3b: {  	p3 =	slt.s32 @!p2 s2, $0x1  }
0x3c: {  	p3 =	por p2, p3  }
.Ltmp3:
0x3d: {  	_ = 	snop;
	(pc) =	sbr.rel @p3 .LBB2_7-.Ltmp3, $1  }
0x3e: {  	_ =	sdelay $0x3  }
0x3f: {  	p3 =	sgt.s32 @!p2 s2, $0x0  }
0x40: {  	p3 =	por !p3, p2  }
0x41: {  	s2 =	simm.s32 @p3 $0x0  }
0x42: {  	s4 =	smin.u32 @!p2 s2, $0x40  }
0x43: {  	s3 =	simm.s32 $0x1;
	p2 =	sgt.u32 s4, $0x2  }
.Ltmp4:
0x44: {  	s9 =	sshll.u32 s17, $0x7;
	s5 =	sshll.u32 s17, $0x9;
	(pc) =	sbr.rel @!p2 .LBB2_6-.Ltmp4, $4  }
0x45: {  	s3 =	simm.s32 @!p0 $0x0;
	s20 =	sand.u32 $0xFFFFF000, s5;
	s21 =	sand.u32 $0x300, s9  }
0x46: {  	s19 =	simm.s32 $0x2;
	s3 =	sshll.u32 s3, $0xE;
	s31 =	sor.u32 s21, s20  }
0x47: {  	s9 =	sadd.s32 $0x100, s9;
	s3 =	sadd.s32 $0x148C8, s3;
	s20 =	sshrl.u32 s31, $0x4  }
0x48: {  	s2 =	sadd.s32 $0x400, s5;
	s20 =	sadd.s32 s6, s20;
	s5 =	sadd.s32 $0x200, s3  }
.LBB2_5:
0x49: {  	[tilespmem:s3], [sflag:$0x9] =	stream.strided.gather [hbm:s20], $0x200, s16, s15, $0x38;
	[tilespmem:$0x1C8C8] =	vst v63  }
0x4a: {  	s19 =	sadd.s32 $0x2, s19  }
0x4b: {  	p2 =	slt.u32 s19, s4  }
.Ltmp5:
0x4c: {  	s3 =	smov.u32 s5;
	(pc) =	sbr.rel @p2 .LBB2_5-.Ltmp5, $4  }
0x4d: {  	s20 =	sand.u32 $0xFFFFF000, s2;
	s21 =	sand.u32 $0x300, s9  }
0x4e: {  	s20 =	sor.u32 s21, s20  }
0x4f: {  	s2 =	sadd.s32 $0x400, s2;
	s20 =	sshrl.u32 s20, $0x4  }
0x50: {  	s5 =	sadd.s32 $0x200, s5;
	s9 =	sadd.s32 $0x100, s9;
	s20 =	sadd.s32 s6, s20  }
.LBB2_6:
0x51: {  	[tilespmem:s3], [sflag:$0x9] =	stream.strided.gather [hbm:s20], $0x200, s16, s15, $0x38;
	[tilespmem:$0x1C8C8] =	vst v63  }
.LBB2_7:
0x52: {  	p2 =	seq.s32 s18, $0x0  }
.Ltmp6:
0x53: {  	_ = 	snop;
	(pc) =	sbr.rel @p2 .LBB2_48-.Ltmp6, $1  }
0x54: {  	_ =	sdelay $0x3  }
0x55: {  	p2 =	sgt.s32 s0, $0xC34C0  }
0x56: {  	s2 =	smov.u32 s0;
	s3 =	sshra.s32 s0, $0x1F;
	s4 =	ssub.s32 $0xC3500, s0  }
0x57: {  	s2 =	simm.s32 @!p2 $0xC34C0;
	s3 =	sand.u32 s3, s0;
	p2 =	sgt.s32 s4, $0x0  }
0x58: {  	s2 =	ssub.s32 s2, s3;
	s4 =	simm.s32 @!p2 $0x0  }
0x59: {  	s2 =	sadd.s32 $0xFFF3CB40, s2;
	s30 =	smin.u32 s4, $0x40  }
0x5a: {  	s5 =	sshll.u32 s2, $0x2;
	s3 =	sshll.u32 s30, $0x8  }
0x5b: {  	p2 =	sgt.s32 s2, $0x3F;
	s31 =	ssub.s32 $0x100, s5;
	_ =	swait.ge [sflag:s10], s3  }
0x5c: {  	s3 =	ssub.s32 $0x0, s3;
	[sflag:s10] =	ssyncset.done $0x0;
	s2 =	sshrl.u32 s31, $0x2  }
0x5d: {  	[sflag:s10] =	ssyncadd.s32 s3;
	s2 =	simm.s32 @p2 $0x0  }
0x5e: {  	_ =	swait.ge [sflag:s10], s2  }
0x5f: {  	s2 =	ssub.s32 $0x0, s2;
	[sflag:s10] =	ssyncset.done $0x0  }
0x60: {  	[sflag:s10] =	ssyncadd.s32 s2  }
0x61: {  	v2 =	vld [tilespmem:$0x10808];
	_ =	sdelay $0x4  }
0x62: {  	(v2sf) =	vpush v2, $0x0  }
0x63: {  	(v2sf) =	vpush v2, $0x1  }
0x64: {  	(v2sf) =	vpush v2, $0x2  }
0x65: {  	(v2sf) =	vpush v2, $0x3;
	_ =	sdelay $0x3  }
0x66: {  	s2 =	sadd.s32 $0x40, s0  }
0x67: {  	p2 =	slt.s32 s8, s2  }
0x68: {  	s2 =	smov.u32 @p2 s8  }
0x69: {  	s19 =	ssub.s32 s2, s0  }
0x6a: {  	p2 =	slt.s32 s4, s19  }
0x6b: {  	s19 =	smov.u32 @p2 s4  }
0x6c: {  	p2 =	slt.s32 s19, $0x1  }
.Ltmp7:
0x6d: {  	_ = 	snop;
	(pc) =	sbr.rel @p2 .LBB2_12-.Ltmp7, $4  }
0x6e: {  	s0 =	simm.s32 $0x1;
	s21 =	spop (v2sf)  }
0x6f: {  	s0 =	simm.s32 @!p1 $0x0;
	s3 =	spop (v2sf)  }
0x70: {  	s0 =	sshll.u32 s0, $0x6;
	s24 =	spop (v2sf)  }
0x71: {  	s0 =	sadd.s32 $0x14848, s0;
	s29 =	spop (v2sf)  }
0x72: {  	s2 =	smin.u32 s19, $0x10  }
0x73: {  	v2 =	vmov s2  }
0x74: {  	vm1 =	vgt.u32 v2, v0;
	_ =	sdelay $0x1  }
0x75: {  	p3 =	sgt.s32 s19, $0x10  }
.Ltmp8:
0x76: {  	_ = 	snop;
	(pc) =	sbr.rel @!p3 .LBB2_11-.Ltmp8, $3  }
0x77: {  	_ =	sdelay $0x1  }
0x78: {  	v2 =	vld.msk [tilespmem:s0+$0x0 ss:$0x1], vm1  }
0x79: {  	s20 =	simm.s32 $0x10;
	s22 =	sadd.s32 $0xFFFFFFF0, s19;
	s4 =	smov.u32 s0;
	vm0 =	vmmov vm1  }
.LBB2_10:
0x7a: {  	s2 =	smin.u32 s22, $0x10;
	s20 =	sadd.s32 $0x10, s20  }
0x7b: {  	v3 =	vmov s2;
	p3 =	slt.s32 s20, s19  }
0x7c: {  	vm1 =	vgt.u32 v3, v0  }
0x7d: {  	v3 =	vshll.u32 v2, $0x7  }
0x7e: {  	v4 =	vand.u32 $0x1, v2;
	v2 =	vshll.u32 v2, $0x9;
	v3 =	vand.u32 $0x300, v3  }
0x7f: {  	v2 =	vand.u32 $0xFFFFF000, v2;
	v3 =	vor.u32 v4, v3  }
.Ltmp9:
0x80: {  	v2 =	vor.u32 v2, v3;
	(pc) =	sbr.rel @p3 .LBB2_10-.Ltmp9, $3  }
0x81: {  	[tilespmem:s4+$0x0] =	vst.msk vm0, v2;
	s4 =	sadd.s32 $0x10, s4;
	vm0 =	vmmov vm1  }
0x82: {  	v2 =	vld.msk [tilespmem:s4+$0x0 ss:$0x1], vm1;
	_ =	sdelay $0x1  }
0x83: {  	s22 =	sadd.s32 $0xFFFFFFF0, s22  }
.LBB2_11:
0x84: {  	_ =	sdelay $0x2  }
0x85: {  	v3 =	vshll.u32 v2, $0x7  }
0x86: {  	v4 =	vand.u32 $0x1, v2;
	v2 =	vshll.u32 v2, $0x9;
	v3 =	vand.u32 $0x300, v3  }
0x87: {  	v2 =	vand.u32 $0xFFFFF000, v2;
	v3 =	vor.u32 v4, v3  }
0x88: {  	v2 =	vor.u32 v2, v3  }
0x89: {  	[tilespmem:s4+$0x0] =	vst.msk vm0, v2  }
.LBB2_12:
0x8a: {  	p3 =	sne.s32 s3, $0xFFFFFFFF  }
.Ltmp10:
0x8b: {  	_ = 	snop;
	(pc) =	sbr.rel @p3 .LBB2_16-.Ltmp10, $4  }
0x8c: {  	_ = 	snop  }
0x8d: {  	s2 =	sand.u32 $0x1, s18  }
0x8e: {  	s5 =	sshll.u32 s2, $0xE  }
0x8f: {  	s4 =	sshll.u32 s2, $0x6;
	s22 =	sadd.s32 $0x148C8, s5  }
0x90: {  	v3 =	vmov s22;
	_ =	sdelay $0x3  }
0x91: {  	v2 =	vld.msk [tilespmem:s4+$0x14848], $0x1;
	s3 =	simm.s32 $0x0;
	p3 =	por $0x1, $0x1  }
.LBB2_14:
0x92: {  	v4 =	vld.idx.msk [tilespmem:v3+s3+$0x0 ss:$0x1], $0xffff  }
0x93: {  	v5 =	vld.idx.msk [tilespmem:v3+s3+$0x10 ss:$0x1], $0xffff  }
0x94: {  	v6 =	vld.idx.msk [tilespmem:v3+s3+$0x20 ss:$0x1], $0xffff  }
0x95: {  	v7 =	vld.idx.msk [tilespmem:v3+s3+$0x30 ss:$0x1], $0xffff  }
0x96: {  	v8 =	vld.idx.msk [tilespmem:v3+s3+$0x40 ss:$0x1], $0xffff  }
0x97: {  	v9 =	vld.idx.msk [tilespmem:v3+s3+$0x50 ss:$0x1], $0xffff;
	v4 =	vunpack.i.l.bf16.f32 v4  }
0x98: {  	[tilespmem:s3+$0x408] =	vst v4;
	v4 =	vunpack.i.l.bf16.f32 v5;
	v5 =	vld.idx.msk [tilespmem:v3+s3+$0x60 ss:$0x1], $0xffff  }
0x99: {  	v56 =	vld.idx.msk [tilespmem:v3+s3+$0x70 ss:$0x1], $0xffff;
	[tilespmem:s3+$0x418] =	vst v4;
	v4 =	vunpack.i.l.bf16.f32 v6  }
0x9a: {  	v57 =	vld.idx.msk [tilespmem:v3+s3+$0x80 ss:$0x1], $0xffff;
	[tilespmem:s3+$0x428] =	vst v4;
	v4 =	vunpack.i.l.bf16.f32 v7  }
0x9b: {  	v58 =	vld.idx.msk [tilespmem:v3+s3+$0x90 ss:$0x1], $0xffff;
	[tilespmem:s3+$0x438] =	vst v4;
	v4 =	vunpack.i.l.bf16.f32 v8  }
0x9c: {  	v59 =	vld.idx.msk [tilespmem:v3+s3+$0xA0 ss:$0x1], $0xffff;
	[tilespmem:s3+$0x448] =	vst v4;
	v4 =	vunpack.i.l.bf16.f32 v9  }
0x9d: {  	[tilespmem:s3+$0x458] =	vst v4;
	v4 =	vunpack.i.l.bf16.f32 v5;
	v5 =	vld.idx.msk [tilespmem:v3+s3+$0xB0 ss:$0x1], $0xffff  }
0x9e: {  	v60 =	vld.idx.msk [tilespmem:v3+s3+$0xC0 ss:$0x1], $0xffff;
	[tilespmem:s3+$0x468] =	vst v4;
	v4 =	vunpack.i.l.bf16.f32 v56  }
0x9f: {  	v61 =	vld.idx.msk [tilespmem:v3+s3+$0xD0 ss:$0x1], $0xffff;
	[tilespmem:s3+$0x478] =	vst v4;
	v4 =	vunpack.i.l.bf16.f32 v57  }
0xa0: {  	v62 =	vld.idx.msk [tilespmem:v3+s3+$0xE0 ss:$0x1], $0xffff;
	[tilespmem:s3+$0x488] =	vst v4;
	v4 =	vunpack.i.l.bf16.f32 v58  }
0xa1: {  	v63 =	vld.idx.msk [tilespmem:v3+s3+$0xF0 ss:$0x1], $0xffff;
	[tilespmem:s3+$0x498] =	vst v4;
	v4 =	vunpack.i.l.bf16.f32 v59  }
0xa2: {  	p4 =	por p3, p3;
	[tilespmem:s3+$0x4A8] =	vst v4;
	v4 =	vunpack.i.l.bf16.f32 v5  }
.Ltmp11:
0xa3: {  	[tilespmem:s3+$0x4B8] =	vst v4;
	v4 =	vunpack.i.l.bf16.f32 v60;
	(pc) =	sbr.rel @p4 .LBB2_14-.Ltmp11, $4  }
0xa4: {  	[tilespmem:s3+$0x4C8] =	vst v4;
	v4 =	vunpack.i.l.bf16.f32 v61  }
0xa5: {  	[tilespmem:s3+$0x4D8] =	vst v4;
	v4 =	vunpack.i.l.bf16.f32 v62  }
0xa6: {  	[tilespmem:s3+$0x4E8] =	vst v4;
	v4 =	vunpack.i.l.bf16.f32 v63  }
0xa7: {  	p3 =	por $0x0, $0x0;
	[tilespmem:s3+$0x4F8] =	vst v4;
	s3 =	simm.s32 $0x100  }
0xa8: {  	(v2sf) =	vpush v2, $0x0;
	_ =	sdelay $0xe  }
0xa9: {  	s21 =	spop (v2sf)  }
0xaa: {  	s24 =	simm.s32 $0x0;
	s29 =	simm.s32 $0x1;
	s3 =	smov.u32 s21  }
.LBB2_16:
.Ltmp12:
0xab: {  	(pc) =	sbr.rel @p2 .LBB2_46-.Ltmp12, $2  }
0xac: {  	_ =	sdelay $0x2  }
0xad: {  	[sflag:s23] =	ssyncpa.u1 $0x0  }
0xae: {  	v2 =	vld.msk [tilespmem:s0+$0x0], $0x1;
	_ =	sdelay $0x4  }
0xaf: {  	(v2sf) =	vpush v2, $0x0;
	_ =	sdelay $0xe  }
0xb0: {  	s25 =	spop (v2sf)  }
0xb1: {  	s2 =	sxor.u32 s21, s25  }
0xb2: {  	p2 =	slt.u32 s2, $0x2  }
0xb3: {  	p3 =	sgt.s32 @!p2 s21, $0x0  }
0xb4: {  	s2 =	smov.u32 s21;
	p3 =	por !p3, p2  }
0xb5: {  	s23 =	simm.s32 $0x0;
	s20 =	sadd.s32 $0xFFFFFFFF, s19;
	s2 =	simm.s32 @p3 $0x0  }
0xb6: {  	s4 =	sadd.s32 $0x14848, s4;
	s0 =	sadd.s32 $0x1, s0;
	s2 =	smin.u32 @!p2 s2, $0x61A301  }
0xb7: {  	s9 =	simm.s32 @!p2 $0x8608;
	s5 =	sshrl.u32 @!p2 s2, $0x1;
	s2 =	sshrl.u32 @!p2 s2, $0x4  }
0xb8: {  	p3 =	sne.s32 s20, $0x0;
	s2 =	sadd.s32 @!p2 s1, s2;
	s28 =	sand.u32 @!p2 $0x7, s5  }
0xb9: {  	[tilespmem:s9], [sflag:$0x2] =	stream.linear.gather @!p2 [hbm4b:s2+s28], $0x80, $0x38;
	[tilespmem:$0x1C8C8] =	vst v63  }
.Ltmp13:
0xba: {  	s26 =	simm.s32 @!p2 $0x1;
	s30 =	simm.s32 @!p2 $0x8788;
	(pc) =	sbr.rel @!p3 .LBB2_19-.Ltmp13, $4  }
0xbb: {  	s26 =	smov.u32 @p2 s23;
	s5 =	simm.s32 @!p2 $0x8688;
	s9 =	sadd.s32 @!p2 $0x40, s2  }
0xbc: {  	[tilespmem:s5], [sflag:$0x2] =	stream.linear.gather @!p2 [hbm4b:s9+s28], $0x80, $0x38;
	[tilespmem:$0x1C8C8] =	vst v63  }
0xbd: {  	s5 =	simm.s32 @!p2 $0x8708;
	s9 =	sadd.s32 @!p2 $0x80, s2;
	s2 =	sadd.s32 @!p2 $0xC0, s2  }
0xbe: {  	[tilespmem:s5], [sflag:$0x2] =	stream.linear.gather @!p2 [hbm4b:s9+s28], $0x80, $0x38;
	[tilespmem:$0x1C8C8] =	vst v63  }
.LBB2_18:
0xbf: {  	s5 =	smov.u32 s26  }
0xc0: {  	[tilespmem:s30], [sflag:$0x2] =	stream.linear.gather @!p2 [hbm4b:s2+s28], $0x80, $0x38;
	[tilespmem:$0x1C8C8] =	vst v63  }
0xc1: {  	s20 =	sadd.s32 $0xFFFFFFFF, s20;
	s2 =	smov.u32 s25;
	v2 =	vld.msk [tilespmem:s0+$0x0], $0x1  }
0xc2: {  	p3 =	sne.s32 s20, $0x0;
	_ =	sdelay $0x3  }
0xc3: {  	(v2sf) =	vpush v2, $0x0;
	_ =	sdelay $0xe  }
0xc4: {  	s25 =	spop (v2sf)  }
0xc5: {  	s9 =	sxor.u32 s2, s25  }
0xc6: {  	p2 =	slt.u32 s9, $0x2  }
0xc7: {  	p4 =	sgt.s32 @!p2 s2, $0x0;
	s9 =	sshll.u32 @!p2 s26, $0xB;
	s26 =	sadd.s32 @!p2 $0x1, s26  }
0xc8: {  	p4 =	por !p4, p2;
	s9 =	sshra.s32 @!p2 s9, $0x2;
	s26 =	smov.u32 @p2 s5  }
0xc9: {  	s2 =	simm.s32 @p4 $0x0;
	s5 =	sadd.s32 @!p2 $0x8608, s9;
	s31 =	sadd.s32 @!p2 $0x8688, s9  }
0xca: {  	s7 =	sadd.s32 @!p2 $0x8708, s9;
	s30 =	sadd.s32 @!p2 $0x8788, s9;
	s2 =	smin.u32 @!p2 s2, $0x61A301  }
0xcb: {  	s9 =	sshrl.u32 @!p2 s2, $0x1;
	s2 =	sshrl.u32 @!p2 s2, $0x4  }
0xcc: {  	s2 =	sadd.s32 @!p2 s1, s2;
	s28 =	sand.u32 @!p2 $0x7, s9  }
0xcd: {  	[tilespmem:s5], [sflag:$0x2] =	stream.linear.gather @!p2 [hbm4b:s2+s28], $0x80, $0x38;
	[tilespmem:$0x1C8C8] =	vst v63  }
.Ltmp14:
0xce: {  	s5 =	sadd.s32 @!p2 $0x40, s2;
	s9 =	sadd.s32 @!p2 $0x80, s2;
	(pc) =	sbr.rel @p3 .LBB2_18-.Ltmp14, $4  }
0xcf: {  	[tilespmem:s31], [sflag:$0x2] =	stream.linear.gather @!p2 [hbm4b:s5+s28], $0x80, $0x38;
	[tilespmem:$0x1C8C8] =	vst v63  }
0xd0: {  	s2 =	sadd.s32 @!p2 $0xC0, s2  }
0xd1: {  	[tilespmem:s7], [sflag:$0x2] =	stream.linear.gather @!p2 [hbm4b:s9+s28], $0x80, $0x38;
	[tilespmem:$0x1C8C8] =	vst v63  }
0xd2: {  	s0 =	sadd.s32 $0x1, s0  }
.LBB2_19:
0xd3: {  	[tilespmem:s30], [sflag:$0x2] =	stream.linear.gather @!p2 [hbm4b:s2+s28], $0x80, $0x38;
	[tilespmem:$0x1C8C8] =	vst v63  }
.Ltmp15:
0xd4: {  	s0 =	sshll.u32 s26, $0x9;
	(pc) =	sbr.rel .LBB2_20-.Ltmp15, $4  }
0xd5: {  	s31 =	simm.s32 $0x2;
	s0 =	sand.u32 $0x3FFFFE00, s0  }
0xd6: {  	_ =	swait.ge [sflag:s31], s0  }
0xd7: {  	s25 =	sand.u32 $0xFFFFFFFE, s3;
	s0 =	ssub.s32 $0x0, s0;
	[sflag:s31] =	ssyncset.done $0x0  }
0xd8: {  	v2 =	vmov s4;
	s26 =	simm.s32 $0x0;
	s28 =	simm.s32 $0x0;
	[sflag:s31] =	ssyncadd.s32 s0  }
.LBB2_44:
0xd9: {  	s28 =	sadd.s32 $0x1, s28  }
0xda: {  	p2 =	sne.s32 s28, s19  }
.Ltmp16:
0xdb: {  	_ = 	snop;
	(pc) =	sbr.rel @!p2 .LBB2_45-.Ltmp16, $1  }
0xdc: {  	_ =	sdelay $0x3  }
.LBB2_20:
0xdd: {  	_ =	sdelay $0x3  }
0xde: {  	v3 =	vld.idx.msk [tilespmem:v2+s28+$0x0 ss:$0x1], $0x1;
	_ =	sdelay $0x4  }
0xdf: {  	(v2sf) =	vpush v3, $0x0;
	_ =	sdelay $0xe  }
0xe0: {  	s20 =	smov.u32 s21;
	s21 =	spop (v2sf)  }
0xe1: {  	p2 =	sne.s32 s20, s21  }
.Ltmp17:
0xe2: {  	_ = 	snop;
	(pc) =	sbr.rel @p2 .LBB2_23-.Ltmp17, $3  }
0xe3: {  	_ =	sdelay $0x1  }
0xe4: {  	s0 =	sshll.u32 s28, $0x8  }
0xe5: {  	s31 =	sand.u32 $0x1, s28;
	s0 =	sand.u32 $0x7FFFFE00, s0  }
0xe6: {  	s2 =	sshll.u32 s24, $0xB  }
0xe7: {  	s4 =	sadd.s32 s0, s22;
	s2 =	sshra.s32 s2, $0x2  }
0xe8: {  	v3 =	vmov s4;
	s2 =	sadd.s32 $0x408, s2  }
0xe9: {  	v4 =	vmov s2;
	_ =	sdelay $0x2  }
0xea: {  	s0 =	simm.s32 $0x0;
	p3 =	por $0x1, $0x1;
	p2 =	seq.s32 s31, $0x0  }
.LBB2_22:
0xeb: {  	v5 =	vld.idx.msk [tilespmem:v3+s0+$0x0 ss:$0x1], $0xffff  }
0xec: {  	v6 =	vld.idx.msk [tilespmem:v4+s0+$0x0 ss:$0x1], $0xffff;
	s2 =	sor.u32 $0x10, s0  }
0xed: {  	v7 =	vld.idx.msk [tilespmem:v3+s2+$0x0 ss:$0x1], $0xffff  }
0xee: {  	s5 =	sor.u32 $0x20, s0;
	v8 =	vld.idx.msk [tilespmem:v4+s2+$0x0 ss:$0x1], $0xffff  }
0xef: {  	v9 =	vld.idx.msk [tilespmem:v3+s5+$0x0 ss:$0x1], $0xffff  }
0xf0: {  	s7 =	sor.u32 $0x30, s0;
	v10 =	vld.idx.msk [tilespmem:v4+s5+$0x0 ss:$0x1], $0xffff  }
0xf1: {  	v11 =	vld.idx.msk [tilespmem:v3+s7+$0x0 ss:$0x1], $0xffff  }
0xf2: {  	s9 =	sor.u32 $0x40, s0;
	v12 =	vld.idx.msk [tilespmem:v4+s7+$0x0 ss:$0x1], $0xffff  }
0xf3: {  	v13 =	vld.idx.msk [tilespmem:v3+s9+$0x0 ss:$0x1], $0xffff  }
0xf4: {  	s31 =	sor.u32 $0x50, s0;
	v14 =	vld.idx.msk [tilespmem:v4+s9+$0x0 ss:$0x1], $0xffff  }
0xf5: {  	v15 =	vld.idx.msk [tilespmem:v3+s31+$0x0 ss:$0x1], $0xffff  }
0xf6: {  	s14 =	sor.u32 $0x60, s0;
	v16 =	vld.idx.msk [tilespmem:v4+s31+$0x0 ss:$0x1], $0xffff  }
0xf7: {  	v17 =	vld.idx.msk [tilespmem:v3+s14+$0x0 ss:$0x1], $0xffff  }
0xf8: {  	s20 =	sor.u32 $0x70, s0;
	v18 =	vld.idx.msk [tilespmem:v4+s14+$0x0 ss:$0x1], $0xffff  }
0xf9: {  	v20 =	vld.idx.msk [tilespmem:v3+s20+$0x0 ss:$0x1], $0xffff;
	v19 =	vunpack.i.u.bf16.f32 v5;
	v5 =	vunpack.i.l.bf16.f32 v5  }
0xfa: {  	s4 =	sor.u32 $0x80, s0;
	v21 =	vld.idx.msk [tilespmem:v4+s20+$0x0 ss:$0x1], $0xffff;
	v5 =	vpsel p2, v5, v19;
	v29 =	vunpack.i.u.bf16.f32 v7  }
0xfb: {  	v22 =	vld.idx.msk [tilespmem:v3+s4+$0x0 ss:$0x1], $0xffff;
	v7 =	vunpack.i.l.bf16.f32 v7;
	v30 =	vunpack.i.u.bf16.f32 v9;
	v9 =	vunpack.i.l.bf16.f32 v9  }
0xfc: {  	s30 =	sor.u32 $0x90, s0;
	v23 =	vld.idx.msk [tilespmem:v4+s4+$0x0 ss:$0x1], $0xffff;
	v31 =	vunpack.i.u.bf16.f32 v11;
	v11 =	vunpack.i.l.bf16.f32 v11;
	v7 =	vpsel p2, v7, v29  }
0xfd: {  	v34 =	vld.idx.msk [tilespmem:v3+s30+$0x0 ss:$0x1], $0xffff;
	v35 =	vunpack.i.u.bf16.f32 v13;
	v36 =	vunpack.i.l.bf16.f32 v13;
	v7 =	vmax.f32 v7, v8  }
0xfe: {  	v37 =	vld.idx.msk [tilespmem:v4+s30+$0x0 ss:$0x1], $0xffff;
	v39 =	vunpack.i.u.bf16.f32 v15;
	v40 =	vunpack.i.l.bf16.f32 v15;
	v33 =	vpsel p2, v11, v31;
	[tilespmem:v4+s2+$0x0 ss:$0x1] =	vst.idx.msk $0xffff, v7;
	s2 =	sor.u32 $0xA0, s0  }
0xff: {  	v44 =	vunpack.i.u.bf16.f32 v17;
	v45 =	vunpack.i.l.bf16.f32 v17;
	v7 =	vmax.f32 v33, v12;
	v41 =	vld.idx.msk [tilespmem:v3+s2+$0x0 ss:$0x1], $0xffff  }
0x100: {  	v47 =	vunpack.i.u.bf16.f32 v20;
	v48 =	vunpack.i.l.bf16.f32 v20;
	v38 =	vpsel p2, v36, v35;
	[tilespmem:v4+s7+$0x0 ss:$0x1] =	vst.idx.msk $0xffff, v7;
	v43 =	vld.idx.msk [tilespmem:v4+s2+$0x0 ss:$0x1], $0xffff;
	s7 =	sor.u32 $0xB0, s0  }
0x101: {  	v9 =	vpsel p2, v9, v30;
	v42 =	vpsel p2, v40, v39;
	v7 =	vmax.f32 v38, v14;
	v46 =	vld.idx.msk [tilespmem:v3+s7+$0x0 ss:$0x1], $0xffff  }
0x102: {  	v5 =	vmax.f32 v5, v6;
	[tilespmem:v4+s9+$0x0 ss:$0x1] =	vst.idx.msk $0xffff, v7;
	v7 =	vmax.f32 v42, v16;
	v49 =	vld.idx.msk [tilespmem:v4+s7+$0x0 ss:$0x1], $0xffff;
	s9 =	sor.u32 $0xC0, s0  }
0x103: {  	v32 =	vmax.f32 v9, v10;
	[tilespmem:v4+s31+$0x0 ss:$0x1] =	vst.idx.msk $0xffff, v7;
	v7 =	vpsel p2, v45, v44;
	v50 =	vld.idx.msk [tilespmem:v3+s9+$0x0 ss:$0x1], $0xffff  }
0x104: {  	[tilespmem:v4+s0+$0x0 ss:$0x1] =	vst.idx.msk $0xffff, v5;
	v52 =	vld.idx.msk [tilespmem:v4+s9+$0x0 ss:$0x1], $0xffff;
	s31 =	sor.u32 $0xF0, s0;
	v6 =	vmax.f32 v7, v18;
	v7 =	vpsel p2, v48, v47  }
0x105: {  	v51 =	vunpack.i.l.bf16.f32 v22;
	v58 =	vld.idx.msk [tilespmem:v3+s31+$0x0 ss:$0x1], $0xffff;
	[tilespmem:v4+s14+$0x0 ss:$0x1] =	vst.idx.msk $0xffff, v6;
	v6 =	vmax.f32 v7, v21;
	v7 =	vunpack.i.u.bf16.f32 v22;
	s14 =	sor.u32 $0xD0, s0  }
0x106: {  	v10 =	vunpack.i.l.bf16.f32 v34;
	[tilespmem:v4+s5+$0x0 ss:$0x1] =	vst.idx.msk $0xffff, v32;
	v5 =	vpsel p2, v51, v7;
	v7 =	vunpack.i.u.bf16.f32 v34;
	v53 =	vld.idx.msk [tilespmem:v3+s14+$0x0 ss:$0x1], $0xffff  }
0x107: {  	[tilespmem:v4+s20+$0x0 ss:$0x1] =	vst.idx.msk $0xffff, v6;
	v54 =	vunpack.i.l.bf16.f32 v41;
	v55 =	vld.idx.msk [tilespmem:v4+s14+$0x0 ss:$0x1], $0xffff;
	s20 =	sor.u32 $0xE0, s0;
	v6 =	vpsel p2, v10, v7;
	v7 =	vunpack.i.u.bf16.f32 v41  }
0x108: {  	v5 =	vmax.f32 v5, v23;
	v56 =	vld.idx.msk [tilespmem:v3+s20+$0x0 ss:$0x1], $0xffff;
	v57 =	vunpack.i.l.bf16.f32 v46;
	v7 =	vpsel p2, v54, v7  }
0x109: {  	v6 =	vmax.f32 v6, v37;
	[tilespmem:v4+s4+$0x0 ss:$0x1] =	vst.idx.msk $0xffff, v5;
	v5 =	vmax.f32 v7, v43;
	v7 =	vunpack.i.u.bf16.f32 v46  }
0x10a: {  	v59 =	vld.idx.msk [tilespmem:v4+s20+$0x0 ss:$0x1], $0xffff;
	v8 =	vunpack.i.l.bf16.f32 v50;
	[tilespmem:v4+s30+$0x0 ss:$0x1] =	vst.idx.msk $0xffff, v6;
	v6 =	vpsel p2, v57, v7;
	v7 =	vunpack.i.u.bf16.f32 v50  }
0x10b: {  	v61 =	vld.idx.msk [tilespmem:v4+s31+$0x0 ss:$0x1], $0xffff;
	[tilespmem:v4+s2+$0x0 ss:$0x1] =	vst.idx.msk $0xffff, v5;
	v5 =	vpsel p2, v8, v7;
	v7 =	vunpack.i.u.bf16.f32 v53;
	v60 =	vunpack.i.l.bf16.f32 v53  }
0x10c: {  	p4 =	por p3, p3;
	v6 =	vmax.f32 v6, v49;
	v5 =	vmax.f32 v5, v52;
	v7 =	vpsel p2, v60, v7  }
.Ltmp18:
0x10d: {  	[tilespmem:v4+s7+$0x0 ss:$0x1] =	vst.idx.msk $0xffff, v6;
	v62 =	vunpack.i.l.bf16.f32 v56;
	v6 =	vmax.f32 v7, v55;
	v7 =	vunpack.i.u.bf16.f32 v56;
	(pc) =	sbr.rel @p4 .LBB2_22-.Ltmp18, $4  }
0x10e: {  	v63 =	vunpack.i.l.bf16.f32 v58;
	[tilespmem:v4+s9+$0x0 ss:$0x1] =	vst.idx.msk $0xffff, v5;
	v5 =	vpsel p2, v62, v7;
	v7 =	vunpack.i.u.bf16.f32 v58  }
0x10f: {  	[tilespmem:v4+s14+$0x0 ss:$0x1] =	vst.idx.msk $0xffff, v6;
	v5 =	vmax.f32 v5, v59;
	v6 =	vpsel p2, v63, v7  }
0x110: {  	[tilespmem:v4+s20+$0x0 ss:$0x1] =	vst.idx.msk $0xffff, v5;
	v5 =	vmax.f32 v6, v61  }
0x111: {  	p3 =	por $0x0, $0x0;
	s0 =	simm.s32 $0x100;
	[tilespmem:v4+s31+$0x0 ss:$0x1] =	vst.idx.msk $0xffff, v5  }
.Ltmp19:
0x112: {  	_ = 	snop;
	(pc) =	sbr.rel .LBB2_44-.Ltmp19, $1  }
0x113: {  	_ =	sdelay $0x3  }
.LBB2_23:
0x114: {  	s4 =	sand.u32 $0xFFFFFFFE, s20;
	s2 =	sand.u32 $0xFFFFFFFE, s21  }
0x115: {  	p2 =	sne.s32 s4, s2  }
.Ltmp20:
0x116: {  	_ = 	snop;
	(pc) =	sbr.rel @p2 .LBB2_27-.Ltmp20, $3  }
0x117: {  	_ =	sdelay $0x1  }
0x118: {  	s2 =	sadd.s32 $0x1, s24  }
0x119: {  	s30 =	sand.u32 $0x3F, s2  }
0x11a: {  	s4 =	sadd.s32 s0, s22  }
0x11b: {  	s24 =	sand.u32 $0x3F, s2;
	v3 =	vmov s4  }
0x11c: {  	s2 =	sshll.u32 s24, $0x9  }
0x11d: {  	s2 =	sadd.s32 $0x408, s2  }
0x11e: {  	s0 =	simm.s32 $0x0;
	p3 =	por $0x1, $0x1;
	p2 =	seq.s32 s31, $0x0;
	v4 =	vmov s2  }
.LBB2_25:
0x11f: {  	s2 =	sor.u32 $0x10, s0  }
0x120: {  	s4 =	sor.u32 $0x20, s0;
	v5 =	vld.idx.msk [tilespmem:v3+s2+$0x0 ss:$0x1], $0xffff  }
0x121: {  	s5 =	sor.u32 $0x30, s0;
	v6 =	vld.idx.msk [tilespmem:v3+s4+$0x0 ss:$0x1], $0xffff  }
0x122: {  	s7 =	sor.u32 $0x40, s0;
	v7 =	vld.idx.msk [tilespmem:v3+s5+$0x0 ss:$0x1], $0xffff  }
0x123: {  	s9 =	sor.u32 $0x50, s0;
	v8 =	vld.idx.msk [tilespmem:v3+s7+$0x0 ss:$0x1], $0xffff  }
0x124: {  	s14 =	sor.u32 $0x60, s0;
	v9 =	vld.idx.msk [tilespmem:v3+s9+$0x0 ss:$0x1], $0xffff  }
0x125: {  	s20 =	sor.u32 $0x70, s0;
	v11 =	vld.idx.msk [tilespmem:v3+s14+$0x0 ss:$0x1], $0xffff;
	v10 =	vunpack.i.u.bf16.f32 v5;
	v5 =	vunpack.i.l.bf16.f32 v5  }
0x126: {  	v12 =	vld.idx.msk [tilespmem:v3+s20+$0x0 ss:$0x1], $0xffff;
	v51 =	vunpack.i.u.bf16.f32 v6;
	v6 =	vunpack.i.l.bf16.f32 v6;
	v5 =	vpsel p2, v5, v10  }
0x127: {  	v52 =	vunpack.i.u.bf16.f32 v7;
	v7 =	vunpack.i.l.bf16.f32 v7;
	v6 =	vpsel p2, v6, v51;
	[tilespmem:v4+s2+$0x0 ss:$0x1] =	vst.idx.msk $0xffff, v5;
	v5 =	vld.idx.msk [tilespmem:v3+s0+$0x0 ss:$0x1], $0xffff;
	s2 =	sor.u32 $0x80, s0  }
0x128: {  	[tilespmem:v4+s4+$0x0 ss:$0x1] =	vst.idx.msk $0xffff, v6;
	v6 =	vpsel p2, v7, v52;
	v7 =	vunpack.i.u.bf16.f32 v8;
	v8 =	vunpack.i.l.bf16.f32 v8;
	s4 =	sor.u32 $0x90, s0;
	v53 =	vld.idx.msk [tilespmem:v3+s2+$0x0 ss:$0x1], $0xffff  }
0x129: {  	v54 =	vunpack.i.l.bf16.f32 v9;
	[tilespmem:v4+s5+$0x0 ss:$0x1] =	vst.idx.msk $0xffff, v6;
	v6 =	vpsel p2, v8, v7;
	v7 =	vunpack.i.u.bf16.f32 v9;
	v55 =	vld.idx.msk [tilespmem:v3+s4+$0x0 ss:$0x1], $0xffff;
	s5 =	sor.u32 $0xA0, s0  }
0x12a: {  	v56 =	vunpack.i.l.bf16.f32 v11;
	[tilespmem:v4+s7+$0x0 ss:$0x1] =	vst.idx.msk $0xffff, v6;
	v6 =	vpsel p2, v54, v7;
	v7 =	vunpack.i.u.bf16.f32 v11;
	v57 =	vld.idx.msk [tilespmem:v3+s5+$0x0 ss:$0x1], $0xffff;
	s7 =	sor.u32 $0xB0, s0  }
0x12b: {  	v58 =	vunpack.i.l.bf16.f32 v12;
	[tilespmem:v4+s9+$0x0 ss:$0x1] =	vst.idx.msk $0xffff, v6;
	v6 =	vpsel p2, v56, v7;
	v7 =	vunpack.i.u.bf16.f32 v12;
	v59 =	vld.idx.msk [tilespmem:v3+s7+$0x0 ss:$0x1], $0xffff;
	s9 =	sor.u32 $0xC0, s0  }
0x12c: {  	[tilespmem:v4+s14+$0x0 ss:$0x1] =	vst.idx.msk $0xffff, v6;
	v7 =	vpsel p2, v58, v7;
	v60 =	vld.idx.msk [tilespmem:v3+s9+$0x0 ss:$0x1], $0xffff;
	s14 =	sor.u32 $0xD0, s0;
	v6 =	vunpack.i.u.bf16.f32 v5;
	v5 =	vunpack.i.l.bf16.f32 v5  }
0x12d: {  	s30 =	sor.u32 $0xE0, s0;
	[tilespmem:v4+s20+$0x0 ss:$0x1] =	vst.idx.msk $0xffff, v7;
	v61 =	vld.idx.msk [tilespmem:v3+s14+$0x0 ss:$0x1], $0xffff;
	v5 =	vpsel p2, v5, v6;
	v6 =	vunpack.i.u.bf16.f32 v53;
	v7 =	vunpack.i.l.bf16.f32 v53  }
0x12e: {  	s31 =	sor.u32 $0xF0, s0;
	v62 =	vld.idx.msk [tilespmem:v3+s30+$0x0 ss:$0x1], $0xffff;
	[tilespmem:v4+s0+$0x0 ss:$0x1] =	vst.idx.msk $0xffff, v5;
	v5 =	vpsel p2, v7, v6;
	v6 =	vunpack.i.u.bf16.f32 v55;
	v7 =	vunpack.i.l.bf16.f32 v55  }
0x12f: {  	v63 =	vld.idx.msk [tilespmem:v3+s31+$0x0 ss:$0x1], $0xffff;
	[tilespmem:v4+s2+$0x0 ss:$0x1] =	vst.idx.msk $0xffff, v5;
	v5 =	vpsel p2, v7, v6;
	v6 =	vunpack.i.u.bf16.f32 v57;
	v7 =	vunpack.i.l.bf16.f32 v57  }
0x130: {  	[tilespmem:v4+s4+$0x0 ss:$0x1] =	vst.idx.msk $0xffff, v5;
	v5 =	vpsel p2, v7, v6;
	v6 =	vunpack.i.u.bf16.f32 v59;
	v7 =	vunpack.i.l.bf16.f32 v59  }
0x131: {  	p4 =	por p3, p3;
	[tilespmem:v4+s5+$0x0 ss:$0x1] =	vst.idx.msk $0xffff, v5;
	v5 =	vpsel p2, v7, v6;
	v6 =	vunpack.i.u.bf16.f32 v60;
	v7 =	vunpack.i.l.bf16.f32 v60  }
.Ltmp21:
0x132: {  	[tilespmem:v4+s7+$0x0 ss:$0x1] =	vst.idx.msk $0xffff, v5;
	v5 =	vpsel p2, v7, v6;
	v6 =	vunpack.i.u.bf16.f32 v61;
	v7 =	vunpack.i.l.bf16.f32 v61;
	(pc) =	sbr.rel @p4 .LBB2_25-.Ltmp21, $4  }
0x133: {  	[tilespmem:v4+s9+$0x0 ss:$0x1] =	vst.idx.msk $0xffff, v5;
	v5 =	vpsel p2, v7, v6;
	v6 =	vunpack.i.u.bf16.f32 v62;
	v7 =	vunpack.i.l.bf16.f32 v62  }
0x134: {  	[tilespmem:v4+s14+$0x0 ss:$0x1] =	vst.idx.msk $0xffff, v5;
	v5 =	vpsel p2, v7, v6;
	v6 =	vunpack.i.u.bf16.f32 v63;
	v7 =	vunpack.i.l.bf16.f32 v63  }
0x135: {  	[tilespmem:v4+s30+$0x0 ss:$0x1] =	vst.idx.msk $0xffff, v5;
	v5 =	vpsel p2, v7, v6  }
0x136: {  	p3 =	por $0x0, $0x0;
	s0 =	simm.s32 $0x100;
	[tilespmem:v4+s31+$0x0 ss:$0x1] =	vst.idx.msk $0xffff, v5  }
.Ltmp22:
0x137: {  	(pc) =	sbr.rel .LBB2_44-.Ltmp22, $2  }
0x138: {  	_ =	sdelay $0x2  }
0x139: {  	s29 =	sadd.s32 $0x1, s29  }
.LBB2_27:
0x13a: {  	p2 =	sne.s32 s29, $0x2  }
.Ltmp23:
0x13b: {  	_ = 	snop;
	(pc) =	sbr.rel @p2 .LBB2_30-.Ltmp23, $1  }
0x13c: {  	_ =	sdelay $0x3  }
0x13d: {  	s2 =	sshll.u32 s24, $0x9  }
0x13e: {  	s5 =	sadd.s32 $0x7E00, s2  }
0x13f: {  	s7 =	sadd.s32 $0x408, s2;
	s5 =	sand.u32 $0x7E00, s5  }
0x140: {  	v3 =	vld [tilespmem:s7+$0x0];
	s2 =	sadd.s32 $0x408, s5  }
0x141: {  	v4 =	vld [tilespmem:s2+$0x0];
	_ =	sdelay $0x4  }
0x142: {  	v3 =	vpack.i.f32.bf16 v3, v4  }
0x143: {  	s9 =	sadd.s32 $0x10, s7;
	s5 =	simm.s32 $0x0;
	[tilespmem:s7+$0x0] =	vst v3  }
.LBB2_29:
0x144: {  	v3 =	vld [tilespmem:s9+$0x0];
	s2 =	sadd.s32 $0x10, s2  }
0x145: {  	s5 =	sadd.s32 $0x10, s5;
	v4 =	vld [tilespmem:s2+$0x0]  }
0x146: {  	p2 =	slt.u32 s5, $0x1F0  }
.Ltmp24:
0x147: {  	(pc) =	sbr.rel @p2 .LBB2_29-.Ltmp24, $3  }
0x148: {  	_ =	sdelay $0x1  }
0x149: {  	v3 =	vpack.i.f32.bf16 v3, v4  }
0x14a: {  	[tilespmem:s9+$0x0] =	vst v3;
	s9 =	sadd.s32 $0x10, s9  }
.Ltmp25:
0x14b: {  	_ = 	snop;
	(pc) =	sbr.rel .LBB2_37-.Ltmp25, $1  }
0x14c: {  	_ =	sdelay $0x3  }
.LBB2_30:
0x14d: {  	s2 =	sand.u32 $0x1, s20  }
0x14e: {  	p2 =	seq.s32 s2, $0x1  }
.Ltmp26:
0x14f: {  	_ = 	snop;
	(pc) =	sbr.rel @p2 .LBB2_34-.Ltmp26, $4  }
0x150: {  	_ = 	snop  }
0x151: {  	s5 =	sshll.u32 s24, $0xB  }
0x152: {  	s14 =	sshra.s32 s5, $0x2  }
0x153: {  	s2 =	simm.s32 $0xFFFFFFF0;
	s29 =	sadd.s32 $0x408, s14  }
0x154: {  	v3 =	vld [tilespmem:s29+$0x0];
	_ =	sdelay $0x4  }
0x155: {  	s2 =	sadd.s32 $0x10, s2;
	v3 =	vpack.i.f32.bf16 v1, v3  }
.LBB2_32:
0x156: {  	s2 =	sadd.s32 $0x10, s2;
	[tilespmem:s29+$0x0] =	vst v3;
	s29 =	sadd.s32 $0x10, s29  }
0x157: {  	v3 =	vld [tilespmem:s29+$0x0];
	p2 =	slt.u32 s2, $0x1F0  }
.Ltmp27:
0x158: {  	(pc) =	sbr.rel @p2 .LBB2_32-.Ltmp27, $2  }
0x159: {  	_ =	sdelay $0x2  }
0x15a: {  	v3 =	vpack.i.f32.bf16 v1, v3  }
.Ltmp28:
0x15b: {  	(pc) =	sbr.rel .LBB2_37-.Ltmp28, $2  }
0x15c: {  	_ =	sdelay $0x2  }
0x15d: {  	[tilespmem:s29+$0x0] =	vst v3  }
.LBB2_34:
0x15e: {  	v3 =	vld [tilespmem:s29+$0x0];
	_ =	sdelay $0x4  }
0x15f: {  	s2 =	sadd.s32 $0x10, s2;
	v3 =	vpack.i.f32.bf16 v3, v1  }
.LBB2_35:
0x160: {  	s2 =	sadd.s32 $0x10, s2;
	[tilespmem:s29+$0x0] =	vst v3;
	s29 =	sadd.s32 $0x10, s29  }
0x161: {  	v3 =	vld [tilespmem:s29+$0x0];
	p2 =	slt.u32 s2, $0x1F0  }
.Ltmp29:
0x162: {  	(pc) =	sbr.rel @p2 .LBB2_35-.Ltmp29, $2  }
0x163: {  	_ =	sdelay $0x2  }
0x164: {  	v3 =	vpack.i.f32.bf16 v3, v1  }
0x165: {  	[tilespmem:s29+$0x0] =	vst v3  }
.LBB2_37:
0x166: {  	p2 =	seq.s32 s4, s25  }
.Ltmp30:
0x167: {  	_ = 	snop;
	(pc) =	sbr.rel @!p2 .LBB2_38-.Ltmp30, $1  }
0x168: {  	_ =	sdelay $0x3  }
0x169: {  	s2 =	sshll.u32 s24, $0xB  }
0x16a: {  	s2 =	sshra.s32 s2, $0x2  }
.Ltmp31:
0x16b: {  	s2 =	sadd.s32 $0x408, s2;
	(pc) =	sbr.rel .LBB2_41-.Ltmp31, $4  }
0x16c: {  	[spmem:s12] =	stream.linear.scatter [tilespmem:s2], [sflag:$0x1], $0x200, $0x38;
	[tilespmem:$0x1C8C8] =	vst v63  }
0x16d: {  	_ =	swait.ge [sflag:s13], $0x200  }
0x16e: {  	[sflag:s13] =	ssyncset.done $0x0  }
0x16f: {  	[sflag:s13] =	ssyncadd.s32 $0xFFFFFE00  }
.LBB2_38:
0x170: {  	s2 =	sshll.u32 s23, $0xB  }
0x171: {  	s5 =	sshll.u32 s24, $0xB;
	s2 =	sshra.s32 s2, $0x2  }
0x172: {  	s24 =	sshra.s32 s5, $0x2;
	s9 =	sadd.s32 $0x8608, s2  }
0x173: {  	s5 =	sadd.s32 $0x408, s24;
	v3 =	vld [tilespmem:s9+$0x0]  }
0x174: {  	v4 =	vld [tilespmem:s5+$0x0];
	_ =	sdelay $0x3  }
0x175: {  	v5 =	vunpack.i.u.bf16.f32 v3  }
0x176: {  	v3 =	vunpack.i.l.bf16.f32 v3;
	v6 =	vunpack.i.u.bf16.f32 v4;
	v4 =	vunpack.i.l.bf16.f32 v4  }
0x177: {  	v5 =	vmax.f32 v5, v6;
	v3 =	vmax.f32 v3, v4  }
0x178: {  	v3 =	vpack.i.f32.bf16 v5, v3  }
0x179: {  	s2 =	simm.s32 $0x0;
	s9 =	sadd.s32 $0x10, s9;
	s29 =	smov.u32 s5;
	[tilespmem:s5+$0x0] =	vst v3  }
.LBB2_39:
0x17a: {  	v3 =	vld [tilespmem:s9+$0x0];
	s29 =	sadd.s32 $0x10, s29  }
0x17b: {  	s2 =	sadd.s32 $0x10, s2;
	v4 =	vld [tilespmem:s29+$0x0]  }
0x17c: {  	p2 =	slt.u32 s2, $0x1F0;
	_ =	sdelay $0x2  }
.Ltmp32:
0x17d: {  	v5 =	vunpack.i.u.bf16.f32 v3;
	(pc) =	sbr.rel @p2 .LBB2_39-.Ltmp32, $4  }
0x17e: {  	v3 =	vunpack.i.l.bf16.f32 v3;
	v6 =	vunpack.i.u.bf16.f32 v4;
	v4 =	vunpack.i.l.bf16.f32 v4  }
0x17f: {  	v5 =	vmax.f32 v5, v6;
	v3 =	vmax.f32 v3, v4  }
0x180: {  	v3 =	vpack.i.f32.bf16 v5, v3  }
0x181: {  	s9 =	sadd.s32 $0x10, s9;
	[tilespmem:s29+$0x0] =	vst v3  }
0x182: {  	p2 =	slt.s32 s20, $0x0;
	p3 =	sgt.s32 s4, $0x61A301  }
0x183: {  	p2 =	por p2, p3  }
0x184: {  	s2 =	sshrl.u32 @!p2 s20, $0x1;
	s4 =	sshrl.u32 @!p2 s20, $0x4  }
0x185: {  	s4 =	sadd.s32 @!p2 s1, s4;
	s2 =	sand.u32 @!p2 $0x7, s2  }
0x186: {  	[hbm4b:s4+s2] =	stream.linear.scatter @!p2 [tilespmem:s5], [sflag:$0xA], $0x80, $0x38;
	[tilespmem:$0x1C8C8] =	vst v63  }
0x187: {  	s5 =	sadd.s32 @!p2 $0x488, s24;
	s7 =	sadd.s32 @!p2 $0x40, s4  }
0x188: {  	[hbm4b:s7+s2] =	stream.linear.scatter @!p2 [tilespmem:s5], [sflag:$0xA], $0x80, $0x38;
	[tilespmem:$0x1C8C8] =	vst v63  }
0x189: {  	s5 =	sadd.s32 @!p2 $0x508, s24;
	s7 =	sadd.s32 @!p2 $0x80, s4  }
0x18a: {  	[hbm4b:s7+s2] =	stream.linear.scatter @!p2 [tilespmem:s5], [sflag:$0xA], $0x80, $0x38;
	[tilespmem:$0x1C8C8] =	vst v63  }
0x18b: {  	s5 =	simm.s32 $0x0  }
0x18c: {  	s4 =	sadd.s32 @!p2 $0xC0, s4;
	s7 =	sadd.s32 @!p2 $0x588, s24;
	s5 =	simm.s32 @!p2 $0x800  }
0x18d: {  	[hbm4b:s4+s2] =	stream.linear.scatter @!p2 [tilespmem:s7], [sflag:$0xA], $0x80, $0x38;
	[tilespmem:$0x1C8C8] =	vst v63  }
0x18e: {  	s26 =	sadd.s32 s26, s5  }
.LBB2_41:
0x18f: {  	s4 =	sadd.s32 s0, s22  }
0x190: {  	v3 =	vmov s4  }
0x191: {  	s2 =	sshll.u32 s30, $0x9  }
0x192: {  	s2 =	sadd.s32 $0x408, s2  }
0x193: {  	s0 =	simm.s32 $0x0;
	p3 =	por $0x1, $0x1;
	p2 =	seq.s32 s31, $0x0;
	v4 =	vmov s2  }
.LBB2_42:
0x194: {  	s2 =	sor.u32 $0x10, s0  }
0x195: {  	s4 =	sor.u32 $0x20, s0;
	v5 =	vld.idx.msk [tilespmem:v3+s2+$0x0 ss:$0x1], $0xffff  }
0x196: {  	s5 =	sor.u32 $0x30, s0;
	v6 =	vld.idx.msk [tilespmem:v3+s4+$0x0 ss:$0x1], $0xffff  }
0x197: {  	s7 =	sor.u32 $0x40, s0;
	v7 =	vld.idx.msk [tilespmem:v3+s5+$0x0 ss:$0x1], $0xffff  }
0x198: {  	s9 =	sor.u32 $0x50, s0;
	v8 =	vld.idx.msk [tilespmem:v3+s7+$0x0 ss:$0x1], $0xffff  }
0x199: {  	s14 =	sor.u32 $0x60, s0;
	v9 =	vld.idx.msk [tilespmem:v3+s9+$0x0 ss:$0x1], $0xffff  }
0x19a: {  	s20 =	sor.u32 $0x70, s0;
	v11 =	vld.idx.msk [tilespmem:v3+s14+$0x0 ss:$0x1], $0xffff;
	v10 =	vunpack.i.u.bf16.f32 v5;
	v5 =	vunpack.i.l.bf16.f32 v5  }
0x19b: {  	v12 =	vld.idx.msk [tilespmem:v3+s20+$0x0 ss:$0x1], $0xffff;
	v51 =	vunpack.i.u.bf16.f32 v6;
	v6 =	vunpack.i.l.bf16.f32 v6;
	v5 =	vpsel p2, v5, v10  }
0x19c: {  	v52 =	vunpack.i.u.bf16.f32 v7;
	v7 =	vunpack.i.l.bf16.f32 v7;
	v6 =	vpsel p2, v6, v51;
	[tilespmem:v4+s2+$0x0 ss:$0x1] =	vst.idx.msk $0xffff, v5;
	v5 =	vld.idx.msk [tilespmem:v3+s0+$0x0 ss:$0x1], $0xffff;
	s2 =	sor.u32 $0x80, s0  }
0x19d: {  	[tilespmem:v4+s4+$0x0 ss:$0x1] =	vst.idx.msk $0xffff, v6;
	v6 =	vpsel p2, v7, v52;
	v7 =	vunpack.i.u.bf16.f32 v8;
	v8 =	vunpack.i.l.bf16.f32 v8;
	s4 =	sor.u32 $0x90, s0;
	v53 =	vld.idx.msk [tilespmem:v3+s2+$0x0 ss:$0x1], $0xffff  }
0x19e: {  	v54 =	vunpack.i.l.bf16.f32 v9;
	[tilespmem:v4+s5+$0x0 ss:$0x1] =	vst.idx.msk $0xffff, v6;
	v6 =	vpsel p2, v8, v7;
	v7 =	vunpack.i.u.bf16.f32 v9;
	v55 =	vld.idx.msk [tilespmem:v3+s4+$0x0 ss:$0x1], $0xffff;
	s5 =	sor.u32 $0xA0, s0  }
0x19f: {  	v56 =	vunpack.i.l.bf16.f32 v11;
	[tilespmem:v4+s7+$0x0 ss:$0x1] =	vst.idx.msk $0xffff, v6;
	v6 =	vpsel p2, v54, v7;
	v7 =	vunpack.i.u.bf16.f32 v11;
	v57 =	vld.idx.msk [tilespmem:v3+s5+$0x0 ss:$0x1], $0xffff;
	s7 =	sor.u32 $0xB0, s0  }
0x1a0: {  	v58 =	vunpack.i.l.bf16.f32 v12;
	[tilespmem:v4+s9+$0x0 ss:$0x1] =	vst.idx.msk $0xffff, v6;
	v6 =	vpsel p2, v56, v7;
	v7 =	vunpack.i.u.bf16.f32 v12;
	v59 =	vld.idx.msk [tilespmem:v3+s7+$0x0 ss:$0x1], $0xffff;
	s9 =	sor.u32 $0xC0, s0  }
0x1a1: {  	s24 =	sor.u32 $0xD0, s0;
	[tilespmem:v4+s14+$0x0 ss:$0x1] =	vst.idx.msk $0xffff, v6;
	v7 =	vpsel p2, v58, v7;
	v60 =	vld.idx.msk [tilespmem:v3+s9+$0x0 ss:$0x1], $0xffff;
	v6 =	vunpack.i.u.bf16.f32 v5;
	v5 =	vunpack.i.l.bf16.f32 v5  }
0x1a2: {  	s29 =	sor.u32 $0xE0, s0;
	v61 =	vld.idx.msk [tilespmem:v3+s24+$0x0 ss:$0x1], $0xffff;
	[tilespmem:v4+s20+$0x0 ss:$0x1] =	vst.idx.msk $0xffff, v7;
	v5 =	vpsel p2, v5, v6;
	v6 =	vunpack.i.u.bf16.f32 v53;
	v7 =	vunpack.i.l.bf16.f32 v53  }
0x1a3: {  	s31 =	sor.u32 $0xF0, s0;
	v62 =	vld.idx.msk [tilespmem:v3+s29+$0x0 ss:$0x1], $0xffff;
	[tilespmem:v4+s0+$0x0 ss:$0x1] =	vst.idx.msk $0xffff, v5;
	v5 =	vpsel p2, v7, v6;
	v6 =	vunpack.i.u.bf16.f32 v55;
	v7 =	vunpack.i.l.bf16.f32 v55  }
0x1a4: {  	v63 =	vld.idx.msk [tilespmem:v3+s31+$0x0 ss:$0x1], $0xffff;
	[tilespmem:v4+s2+$0x0 ss:$0x1] =	vst.idx.msk $0xffff, v5;
	v5 =	vpsel p2, v7, v6;
	v6 =	vunpack.i.u.bf16.f32 v57;
	v7 =	vunpack.i.l.bf16.f32 v57  }
0x1a5: {  	[tilespmem:v4+s4+$0x0 ss:$0x1] =	vst.idx.msk $0xffff, v5;
	v5 =	vpsel p2, v7, v6;
	v6 =	vunpack.i.u.bf16.f32 v59;
	v7 =	vunpack.i.l.bf16.f32 v59  }
0x1a6: {  	p4 =	por p3, p3;
	[tilespmem:v4+s5+$0x0 ss:$0x1] =	vst.idx.msk $0xffff, v5;
	v5 =	vpsel p2, v7, v6;
	v6 =	vunpack.i.u.bf16.f32 v60;
	v7 =	vunpack.i.l.bf16.f32 v60  }
.Ltmp33:
0x1a7: {  	[tilespmem:v4+s7+$0x0 ss:$0x1] =	vst.idx.msk $0xffff, v5;
	v5 =	vpsel p2, v7, v6;
	v6 =	vunpack.i.u.bf16.f32 v61;
	v7 =	vunpack.i.l.bf16.f32 v61;
	(pc) =	sbr.rel @p4 .LBB2_42-.Ltmp33, $4  }
0x1a8: {  	[tilespmem:v4+s9+$0x0 ss:$0x1] =	vst.idx.msk $0xffff, v5;
	v5 =	vpsel p2, v7, v6;
	v6 =	vunpack.i.u.bf16.f32 v62;
	v7 =	vunpack.i.l.bf16.f32 v62  }
0x1a9: {  	[tilespmem:v4+s24+$0x0 ss:$0x1] =	vst.idx.msk $0xffff, v5;
	v5 =	vpsel p2, v7, v6;
	v6 =	vunpack.i.u.bf16.f32 v63;
	v7 =	vunpack.i.l.bf16.f32 v63  }
0x1aa: {  	[tilespmem:v4+s29+$0x0 ss:$0x1] =	vst.idx.msk $0xffff, v5;
	v5 =	vpsel p2, v7, v6  }
0x1ab: {  	p3 =	por $0x0, $0x0;
	s0 =	simm.s32 $0x100;
	[tilespmem:v4+s31+$0x0 ss:$0x1] =	vst.idx.msk $0xffff, v5  }
.Ltmp34:
0x1ac: {  	(pc) =	sbr.rel .LBB2_44-.Ltmp34, $2  }
0x1ad: {  	_ =	sdelay $0x2  }
0x1ae: {  	s23 =	sadd.s32 $0x1, s23;
	s29 =	simm.s32 $0x1;
	s24 =	smov.u32 s30  }
.LBB2_46:
.Ltmp35:
0x1af: {  	(pc) =	sbr.rel .LBB2_47-.Ltmp35, $4  }
0x1b0: {  	_ = 	snop  }
0x1b1: {  	s0 =	simm.s32 $0x2  }
0x1b2: {  	_ =	swait.ge [sflag:s0], $0x0  }
0x1b3: {  	[sflag:s0] =	ssyncset.done $0x0;
	s0 =	simm.s32 $0x0  }
.LBB2_49:
0x1b4: {  	_ =	sfence.sel $0x180000  }
0x1b5: {  	s0 =	simm.s32 $0x9;
	[bflag:$0x0] =	sbarrier.arrive $0xFFFF  }
0x1b6: {  	s3 =	simm.s32 $0x2;
	[sflag:s0] =	ssyncpa.u1 $0x1  }
0x1b7: {  	[sflag:s3] =	ssyncpa.u1 $0x1  }
0x1b8: {  	v0 =	vld [tilespmem:$0x10808];
	_ =	sdelay $0x4  }
0x1b9: {  	(v2sf) =	vpush v0, $0x0  }
0x1ba: {  	(v2sf) =	vpush v0, $0x1;
	_ =	sdelay $0x2  }
0x1bb: {  	(v2sf) =	vpush v0, $0x2;
	_ =	sdelay $0xa  }
0x1bc: {  	s5 =	spop (v2sf)  }
0x1bd: {  	s30 =	spop (v2sf)  }
0x1be: {  	s0 =	sxor.u32 s30, s5  }
0x1bf: {  	p0 =	sgt.u32 s0, $0x1;
	s0 =	smov.u32 s5  }
0x1c0: {  	s4 =	spop (v2sf);
	s0 =	simm.s32 @!p0 $0xFFFFFFFF  }
0x1c1: {  	v2 =	vimm.s32 $0x1;
	v3 =	vlaneseq.u32;
	p1 =	seq.s32 s4, $0xFFFFFFFF;
	v1 =	vmov s0  }
.Ltmp36:
0x1c2: {  	v2 =	vperm.xlane v0, v2;
	v1 =	vperm.xlane v1, v3;
	(pc) =	sbr.rel @p1 .LBB2_62-.Ltmp36, $4  }
0x1c3: {  	vm0 =	vcmask $0x3F04;
	s18 =	stileid.u32  }
0x1c4: {  	s2 =	sshll.u32 s18, $0x1;
	v1 =	vsel vm0, v1, v2  }
0x1c5: {  	s6 =	simm.s32 $0x10808;
	s31 =	sor.u32 $0x4000, s2;
	s0 =	simm.s32 $0x1;
	[tilespmem:$0x10808] =	vst v1  }
0x1c6: {  	[spmem:s31] =	stream.linear.scatter [tilespmem:s6], [sflag:$0x1], $0x2, $0x38;
	[tilespmem:$0x1C8C8] =	vst v63  }
0x1c7: {  	(v2sf) =	vpush v0, $0x3;
	_ =	sdelay $0xe  }
0x1c8: {  	s3 =	simm.s32 $0x1;
	s6 =	spop (v2sf)  }
0x1c9: {  	s3 =	simm.s32 @!p0 $0x0;
	p0 =	sne.s32 s6, $0x2  }
.Ltmp37:
0x1ca: {  	_ = 	snop;
	(pc) =	sbr.rel @p0 .LBB2_54-.Ltmp37, $2  }
0x1cb: {  	_ =	sdelay $0x2  }
0x1cc: {  	s3 =	sor.u32 s3, s2  }
0x1cd: {  	s2 =	sshll.u32 s4, $0x9  }
0x1ce: {  	s5 =	sadd.s32 $0x7E00, s2  }
0x1cf: {  	s6 =	sadd.s32 $0x408, s2;
	s5 =	sand.u32 $0x7E00, s5  }
0x1d0: {  	v0 =	vld [tilespmem:s6+$0x0];
	s2 =	sadd.s32 $0x408, s5  }
0x1d1: {  	v1 =	vld [tilespmem:s2+$0x0];
	_ =	sdelay $0x4  }
0x1d2: {  	v0 =	vpack.i.f32.bf16 v0, v1  }
0x1d3: {  	s5 =	simm.s32 $0x0;
	[tilespmem:s6+$0x0] =	vst v0;
	s6 =	sadd.s32 $0x10, s6  }
.LBB2_52:
0x1d4: {  	v0 =	vld [tilespmem:s6+$0x0];
	s2 =	sadd.s32 $0x10, s2  }
0x1d5: {  	s5 =	sadd.s32 $0x10, s5;
	v1 =	vld [tilespmem:s2+$0x0]  }
0x1d6: {  	p0 =	slt.u32 s5, $0x1F0  }
.Ltmp38:
0x1d7: {  	(pc) =	sbr.rel @p0 .LBB2_52-.Ltmp38, $3  }
0x1d8: {  	_ =	sdelay $0x1  }
0x1d9: {  	v0 =	vpack.i.f32.bf16 v0, v1  }
0x1da: {  	[tilespmem:s6+$0x0] =	vst v0;
	s6 =	sadd.s32 $0x10, s6  }
.Ltmp39:
0x1db: {  	(pc) =	sbr.rel .LBB2_61-.Ltmp39, $2  }
0x1dc: {  	_ =	sdelay $0x2  }
0x1dd: {  	s4 =	sshll.u32 s4, $0xB  }
.LBB2_54:
0x1de: {  	s2 =	sand.u32 $0x1, s5  }
0x1df: {  	p0 =	seq.s32 s2, $0x1  }
.Ltmp40:
0x1e0: {  	_ = 	snop;
	(pc) =	sbr.rel @p0 .LBB2_58-.Ltmp40, $4  }
0x1e1: {  	_ = 	snop  }
0x1e2: {  	s4 =	sshll.u32 s4, $0xB  }
0x1e3: {  	s31 =	sshra.s32 s4, $0x2  }
0x1e4: {  	v0 =	vimm.f32 $-Inf;
	s5 =	sadd.s32 $0x408, s31  }
0x1e5: {  	v1 =	vld [tilespmem:s5+$0x0];
	_ =	sdelay $0x4  }
0x1e6: {  	s2 =	simm.s32 $0x0;
	v1 =	vpack.i.f32.bf16 v0, v1  }
.LBB2_56:
0x1e7: {  	s2 =	sadd.s32 $0x10, s2;
	[tilespmem:s5+$0x0] =	vst v1;
	s5 =	sadd.s32 $0x10, s5  }
0x1e8: {  	v1 =	vld [tilespmem:s5+$0x0];
	p0 =	slt.u32 s2, $0x1F0  }
.Ltmp41:
0x1e9: {  	(pc) =	sbr.rel @p0 .LBB2_56-.Ltmp41, $2  }
0x1ea: {  	_ =	sdelay $0x2  }
0x1eb: {  	v1 =	vpack.i.f32.bf16 v0, v1  }
.Ltmp42:
0x1ec: {  	(pc) =	sbr.rel .LBB2_61-.Ltmp42, $2  }
0x1ed: {  	_ =	sdelay $0x2  }
0x1ee: {  	[tilespmem:s5+$0x0] =	vst v1  }
.LBB2_58:
0x1ef: {  	v1 =	vld [tilespmem:s5+$0x0];
	_ =	sdelay $0x4  }
0x1f0: {  	s2 =	simm.s32 $0x0;
	v1 =	vpack.i.f32.bf16 v1, v0  }
.LBB2_59:
0x1f1: {  	s2 =	sadd.s32 $0x10, s2;
	[tilespmem:s5+$0x0] =	vst v1;
	s5 =	sadd.s32 $0x10, s5  }
0x1f2: {  	v1 =	vld [tilespmem:s5+$0x0];
	p0 =	slt.u32 s2, $0x1F0  }
.Ltmp43:
0x1f3: {  	(pc) =	sbr.rel @p0 .LBB2_59-.Ltmp43, $2  }
0x1f4: {  	_ =	sdelay $0x2  }
0x1f5: {  	v1 =	vpack.i.f32.bf16 v1, v0  }
0x1f6: {  	[tilespmem:s5+$0x0] =	vst v1  }
.LBB2_61:
0x1f7: {  	s2 =	sshra.s32 s4, $0x2  }
0x1f8: {  	s3 =	sshll.u32 s3, $0x9;
	s2 =	sadd.s32 $0x408, s2  }
0x1f9: {  	[spmem:s3] =	stream.linear.scatter [tilespmem:s2], [sflag:$0x1], $0x200, $0x38;
	[tilespmem:$0x1C8C8] =	vst v63  }
0x1fa: {  	s3 =	simm.s32 $0x202  }
.LBB2_62:
0x1fb: {  	_ =	swait.ge [sflag:s0], s3  }
0x1fc: {  	s2 =	ssub.s32 $0x0, s3;
	[sflag:s0] =	ssyncset.done $0x0  }
0x1fd: {  	[sflag:s0] =	ssyncadd.s32 s2  }
0x1fe: {  	p0 =	sne.s32 s18, $0x0;
	_ =	sfence.stream.spmem  }
.Ltmp44:
0x1ff: {  	s28 =	simm.s32 $0x3;
	[bflag:$0x0] =	sbarrier.arrive $0xFFFF;
	(pc) =	sbr.rel @p0 .LBB2_86-.Ltmp44, $4  }
0x200: {  	s29 =	simm.s32 $0x4;
	[sflag:s28] =	ssyncpa.u1 $0x1  }
0x201: {  	[sflag:s29] =	ssyncpa.u1 $0x1  }
0x202: {  	s30 =	simm.s32 $0x3C;
	s31 =	rddreg [dreg:$0x2]  }
0x203: {  	[sflag:s30] =	ssyncpa.u1 $0x1;
	s5 =	sand.u32 $0x1, s31  }
0x204: {  	_ =	sfence.stream.spmem;
	s0 =	simm.s32 $0x5  }
0x205: {  	s2 =	simm.s32 $0x4000;
	s3 =	simm.s32 $0x10818;
	[sflag:s0] =	ssyncpa.u1 $0x0  }
0x206: {  	[tilespmem:s3], [sflag:$0x5] =	stream.linear.gather [spmem:s2], $0x20, $0x38;
	[tilespmem:$0x1C8C8] =	vst v63  }
0x207: {  	s26 =	simm.s32 $0x0;
	s28 =	simm.s32 $0x10838  }
0x208: {  	[tilespmem:s28], [sflag:$0x5] =	stream.linear.gather [spmem:s26], $0x4000, $0x38;
	[tilespmem:$0x1C8C8] =	vst v63  }
0x209: {  	_ =	swait.ge [sflag:s0], $0x4020  }
0x20a: {  	[sflag:s0] =	ssyncset.done $0x0  }
0x20b: {  	s29 =	simm.s32 $0x0;
	[sflag:s0] =	ssyncadd.s32 $0xFFFFBFE0  }
0x20c: {  	v0 =	vld.msk [tilespmem:s29+$0x10818], $0x1;
	_ =	sdelay $0x1  }
0x20d: {  	s30 =	simm.s32 $0x1  }
0x20e: {  	v1 =	vld.msk [tilespmem:s30+$0x10818], $0x1;
	_ =	sdelay $0x1  }
0x20f: {  	(v2sf) =	vpush v0, $0x0;
	_ =	sdelay $0x2  }
0x210: {  	(v2sf) =	vpush v1, $0x0;
	_ =	sdelay $0x2  }
0x211: {  	s31 =	simm.s32 $0x2  }
0x212: {  	v0 =	vld.msk [tilespmem:s31+$0x10818], $0x1;
	_ =	sdelay $0x2  }
0x213: {  	s3 =	simm.s32 $0xFFFFFFFF;
	s2 =	simm.s32 $0xFFFFFFFF;
	s0 =	simm.s32 $0xC  }
.LBB2_64:
0x214: {  	s4 =	smov.u32 s2;
	s6 =	smov.u32 s3  }
0x215: {  	s2 =	sshra.s32 s0, $0x2;
	p1 =	sne.s32 s0, $0x7C;
	s0 =	sadd.s32 $0x4, s0;
	(v2sf) =	vpush v0, $0x0  }
0x216: {  	v0 =	vld.msk [tilespmem:s2+$0x10818], $0x1  }
.Ltmp45:
0x217: {  	(pc) =	sbr.rel @p1 .LBB2_64-.Ltmp45, $4  }
0x218: {  	s2 =	spop (v2sf)  }
0x219: {  	p2 =	sne.s32 s3, $0xFFFFFFFF;
	s3 =	smov.u32 s2  }
0x21a: {  	p3 =	seq.s32 s2, $0xFFFFFFFF;
	s3 =	smov.u32 @p2 s6  }
0x21b: {  	s2 =	smov.u32 @p3 s4;
	s3 =	smov.u32 @p3 s6  }
0x21c: {  	(v2sf) =	vpush v0, $0x0;
	_ =	sdelay $0x8  }
0x21d: {  	s0 =	spop (v2sf);
	p1 =	sne.s32 s3, $0xFFFFFFFF  }
0x21e: {  	s9 =	simm.s32 $0x6;
	s10 =	simm.s32 $0x10838;
	s4 =	smov.u32 s0  }
0x21f: {  	s11 =	simm.s32 $0x10688;
	p2 =	seq.s32 s0, $0xFFFFFFFF;
	s4 =	smov.u32 @p1 s3  }
0x220: {  	s12 =	simm.s32 $0x10708;
	s4 =	smov.u32 @p2 s3;
	s3 =	spop (v2sf)  }
0x221: {  	s13 =	simm.s32 $0x10788;
	p1 =	sne.s32 s4, $0xFFFFFFFF;
	s6 =	smov.u32 s3  }
0x222: {  	s14 =	simm.s32 $0x0;
	s6 =	smov.u32 @p1 s4;
	p1 =	seq.s32 s3, $0xFFFFFFFF  }
.Ltmp46:
0x223: {  	s6 =	smov.u32 @p1 s4;
	s4 =	spop (v2sf);
	(pc) =	sbr.rel .LBB2_66-.Ltmp46, $4  }
0x224: {  	s0 =	smov.u32 @p2 s2;
	p2 =	sne.s32 s6, $0xFFFFFFFF;
	s2 =	smov.u32 s4  }
0x225: {  	s3 =	smov.u32 @p1 s0;
	p1 =	seq.s32 s4, $0xFFFFFFFF;
	s2 =	smov.u32 @p2 s6  }
0x226: {  	[sflag:s9] =	ssyncpa.u1 $0x0;
	s4 =	smov.u32 @p1 s3;
	s2 =	smov.u32 @p1 s6  }
0x227: {  	s8 =	sand.u32 $0xFFFFFFFE, s4;
	s6 =	simm.s32 $0x0;
	s7 =	sand.u32 $0xFFFFFFFE, s2  }
.LBB2_80:
0x228: {  	s14 =	sadd.s32 $0x1, s14  }
0x229: {  	p1 =	sne.s32 s14, $0x20  }
.Ltmp47:
0x22a: {  	_ = 	snop;
	(pc) =	sbr.rel @!p1 .LBB2_81-.Ltmp47, $2  }
0x22b: {  	_ =	sdelay $0x2  }
0x22c: {  	s10 =	sadd.s32 $0x200, s10  }
.LBB2_66:
0x22d: {  	v0 =	vld.msk [tilespmem:s14+$0x10818], $0x1;
	_ =	sdelay $0x4  }
0x22e: {  	(v2sf) =	vpush v0, $0x0;
	_ =	sdelay $0xe  }
0x22f: {  	s0 =	spop (v2sf)  }
0x230: {  	p1 =	seq.s32 s0, $0xFFFFFFFF  }
.Ltmp48:
0x231: {  	_ = 	snop;
	(pc) =	sbr.rel @p1 .LBB2_80-.Ltmp48, $1  }
0x232: {  	_ =	sdelay $0x3  }
0x233: {  	p1 =	slt.s32 s6, $0x1  }
.Ltmp49:
0x234: {  	_ = 	snop;
	(pc) =	sbr.rel @p1 .LBB2_73-.Ltmp49, $2  }
0x235: {  	_ =	sdelay $0x2  }
0x236: {  	s3 =	sand.u32 $0xFFFFFFFE, s0  }
0x237: {  	s4 =	simm.s32 $0x10818;
	p1 =	por $0x0, $0x0  }
0x238: {  	v1 =	vld.msk @!p1 [tilespmem:s4+$0x0], $0x1;
	_ =	sdelay $0x4  }
0x239: {  	(v2sf) =	vpush @!p1 v1, $0x0;
	_ =	sdelay $0xe  }
0x23a: {  	p3 =	sne.s32 s6, $0x1;
	s2 =	spop @!p1 (v2sf)  }
.Ltmp50:
0x23b: {  	s2 =	sand.u32 @!p1 $0xFFFFFFFE, s2;
	(pc) =	sbr.rel @!p3 .LBB2_70-.Ltmp50, $4  }
0x23c: {  	p2 =	seq.s32 @!p1 s3, s2  }
0x23d: {  	s15 =	simm.s32 $0x0;
	p2 =	por !p2, p1  }
0x23e: {  	s2 =	simm.s32 $0xFFFFFFFF;
	s15 =	simm.s32 @p2 $0xFFFFFFFF  }
0x23f: {  	s16 =	simm.s32 $0x1;
	s15 =	smov.u32 @p1 s2  }
.LBB2_69:
0x240: {  	s2 =	smov.u32 s15;
	p1 =	sne.s32 s15, $0xFFFFFFFF  }
0x241: {  	s4 =	sadd.s32 $0x1, s4;
	s15 =	smov.u32 s16;
	s16 =	sadd.s32 $0x1, s16  }
0x242: {  	p2 =	sne.s32 s6, s16;
	v1 =	vld.msk @!p1 [tilespmem:s4+$0x0], $0x1;
	_ =	sdelay $0x4  }
0x243: {  	(v2sf) =	vpush @!p1 v1, $0x0;
	_ =	sdelay $0xe  }
0x244: {  	s17 =	spop @!p1 (v2sf)  }
.Ltmp51:
0x245: {  	s17 =	sand.u32 @!p1 $0xFFFFFFFE, s17;
	(pc) =	sbr.rel @p2 .LBB2_69-.Ltmp51, $4  }
0x246: {  	p3 =	seq.s32 @!p1 s3, s17  }
0x247: {  	p3 =	por !p3, p1  }
0x248: {  	s15 =	simm.s32 @p3 $0xFFFFFFFF  }
0x249: {  	s15 =	smov.u32 @p1 s2  }
.LBB2_70:
0x24a: {  	p1 =	seq.s32 s15, $0xFFFFFFFF  }
.Ltmp52:
0x24b: {  	_ = 	snop;
	(pc) =	sbr.rel @p1 .LBB2_73-.Ltmp52, $1  }
0x24c: {  	_ =	sdelay $0x3  }
0x24d: {  	s0 =	sshll.u32 s15, $0xB  }
0x24e: {  	s0 =	sshra.s32 s0, $0x2  }
0x24f: {  	v0 =	vld [tilespmem:s10+$0x0];
	s0 =	sadd.s32 $0x10838, s0  }
0x250: {  	v1 =	vld [tilespmem:s0+$0x0];
	_ =	sdelay $0x3  }
0x251: {  	v2 =	vunpack.i.u.bf16.f32 v0  }
0x252: {  	v0 =	vunpack.i.l.bf16.f32 v0;
	v3 =	vunpack.i.u.bf16.f32 v1;
	v1 =	vunpack.i.l.bf16.f32 v1  }
0x253: {  	v2 =	vmax.f32 v2, v3;
	v0 =	vmax.f32 v0, v1  }
0x254: {  	v0 =	vpack.i.f32.bf16 v2, v0  }
0x255: {  	s2 =	simm.s32 $0x0;
	s3 =	sadd.s32 $0x10, s10;
	[tilespmem:s0+$0x0] =	vst v0  }
.LBB2_72:
0x256: {  	v0 =	vld [tilespmem:s3+$0x0];
	s0 =	sadd.s32 $0x10, s0  }
0x257: {  	s2 =	sadd.s32 $0x10, s2;
	v1 =	vld [tilespmem:s0+$0x0]  }
0x258: {  	p1 =	slt.u32 s2, $0x1F0;
	_ =	sdelay $0x2  }
.Ltmp53:
0x259: {  	v2 =	vunpack.i.u.bf16.f32 v0;
	(pc) =	sbr.rel @p1 .LBB2_72-.Ltmp53, $4  }
0x25a: {  	v0 =	vunpack.i.l.bf16.f32 v0;
	v3 =	vunpack.i.u.bf16.f32 v1;
	v1 =	vunpack.i.l.bf16.f32 v1  }
0x25b: {  	v2 =	vmax.f32 v2, v3;
	v0 =	vmax.f32 v0, v1  }
0x25c: {  	v0 =	vpack.i.f32.bf16 v2, v0  }
0x25d: {  	s3 =	sadd.s32 $0x10, s3;
	[tilespmem:s0+$0x0] =	vst v0  }
.Ltmp54:
0x25e: {  	_ = 	snop;
	(pc) =	sbr.rel .LBB2_80-.Ltmp54, $1  }
0x25f: {  	_ =	sdelay $0x3  }
.LBB2_73:
0x260: {  	p1 =	sgt.u32 s0, $0x61A301  }
0x261: {  	p2 =	seq.s32 @!p1 s3, s7  }
0x262: {  	p1 =	por p1, p2  }
0x263: {  	p2 =	seq.s32 @!p1 s3, s8  }
0x264: {  	p1 =	por p1, p2  }
.Ltmp55:
0x265: {  	_ = 	snop;
	(pc) =	sbr.rel @p1 .LBB2_77-.Ltmp55, $1  }
0x266: {  	_ =	sdelay $0x3  }
0x267: {  	s2 =	sshrl.u32 s0, $0x1;
	s30 =	sshrl.u32 s0, $0x4  }
0x268: {  	s3 =	simm.s32 $0x10608;
	s0 =	sadd.s32 s1, s30;
	s2 =	sand.u32 $0x7, s2  }
0x269: {  	[tilespmem:s3], [sflag:$0x6] =	stream.linear.gather [hbm4b:s0+s2], $0x80, $0x38;
	[tilespmem:$0x1C8C8] =	vst v63  }
0x26a: {  	s4 =	sadd.s32 $0x40, s0  }
0x26b: {  	[tilespmem:s11], [sflag:$0x6] =	stream.linear.gather [hbm4b:s4+s2], $0x80, $0x38;
	[tilespmem:$0x1C8C8] =	vst v63  }
0x26c: {  	s31 =	sadd.s32 $0x80, s0  }
0x26d: {  	[tilespmem:s12], [sflag:$0x6] =	stream.linear.gather [hbm4b:s31+s2], $0x80, $0x38;
	[tilespmem:$0x1C8C8] =	vst v63  }
0x26e: {  	s0 =	sadd.s32 $0xC0, s0  }
0x26f: {  	[tilespmem:s13], [sflag:$0x6] =	stream.linear.gather [hbm4b:s0+s2], $0x80, $0x38;
	[tilespmem:$0x1C8C8] =	vst v63  }
0x270: {  	_ =	swait.ge [sflag:s9], $0x200  }
0x271: {  	[sflag:s9] =	ssyncset.done $0x0  }
0x272: {  	[sflag:s9] =	ssyncadd.s32 $0xFFFFFE00  }
0x273: {  	v1 =	vld [tilespmem:s3+$0x0]  }
0x274: {  	v2 =	vld [tilespmem:s10+$0x0];
	_ =	sdelay $0x3  }
0x275: {  	v3 =	vunpack.i.u.bf16.f32 v1  }
0x276: {  	v1 =	vunpack.i.l.bf16.f32 v1;
	v4 =	vunpack.i.u.bf16.f32 v2;
	v2 =	vunpack.i.l.bf16.f32 v2  }
0x277: {  	v3 =	vmax.f32 v3, v4;
	v1 =	vmax.f32 v1, v2  }
0x278: {  	s0 =	simm.s32 $0x0;
	s2 =	smov.u32 s10;
	s3 =	simm.s32 $0x10618;
	v1 =	vpack.i.f32.bf16 v3, v1  }
.LBB2_75:
0x279: {  	v2 =	vld [tilespmem:s3+$0x0];
	[tilespmem:s2+$0x0] =	vst v1;
	s2 =	sadd.s32 $0x10, s2  }
0x27a: {  	s0 =	sadd.s32 $0x10, s0;
	v1 =	vld [tilespmem:s2+$0x0]  }
0x27b: {  	p1 =	slt.u32 s0, $0x1F0;
	_ =	sdelay $0x1  }
.Ltmp56:
0x27c: {  	(pc) =	sbr.rel @p1 .LBB2_75-.Ltmp56, $4  }
0x27d: {  	v3 =	vunpack.i.u.bf16.f32 v2  }
0x27e: {  	v2 =	vunpack.i.l.bf16.f32 v2;
	v4 =	vunpack.i.u.bf16.f32 v1;
	v1 =	vunpack.i.l.bf16.f32 v1  }
0x27f: {  	v3 =	vmax.f32 v3, v4;
	v1 =	vmax.f32 v2, v1  }
0x280: {  	s3 =	sadd.s32 $0x10, s3;
	v1 =	vpack.i.f32.bf16 v3, v1  }
0x281: {  	[tilespmem:s2+$0x0] =	vst v1  }
.LBB2_77:
0x282: {  	s0 =	sshll.u32 s6, $0xB  }
0x283: {  	[tilespmem:s6+$0x10818] =	vst.msk $0x1, v0;
	s0 =	sshra.s32 s0, $0x2  }
0x284: {  	s2 =	simm.s32 $0x0;
	s3 =	smov.u32 s10;
	v0 =	vld [tilespmem:s10+$0x0];
	s0 =	sadd.s32 $0x10838, s0  }
.LBB2_78:
0x285: {  	s2 =	sadd.s32 $0x10, s2  }
0x286: {  	p1 =	slt.u32 s2, $0x1F0  }
.Ltmp57:
0x287: {  	_ = 	snop;
	(pc) =	sbr.rel @p1 .LBB2_78-.Ltmp57, $3  }
0x288: {  	_ =	sdelay $0x1  }
0x289: {  	s3 =	sadd.s32 $0x10, s3;
	[tilespmem:s0+$0x0] =	vst v0;
	s0 =	sadd.s32 $0x10, s0  }
0x28a: {  	v0 =	vld [tilespmem:s3+$0x0]  }
.Ltmp58:
0x28b: {  	_ = 	snop;
	(pc) =	sbr.rel .LBB2_80-.Ltmp58, $2  }
0x28c: {  	_ =	sdelay $0x2  }
0x28d: {  	s6 =	sadd.s32 $0x1, s6;
	[tilespmem:s0+$0x0] =	vst v0  }
.LBB2_81:
0x28e: {  	s0 =	simm.s32 $0x6;
	p1 =	seq.s32 s6, $0x0  }
0x28f: {  	[sflag:s0] =	ssyncpa.u1 $0x1;
	v0 =	vimm.s32 @p1 $0xFFFFFFFF  }
0x290: {  	s0 =	sadd.s32 $0xFFFFFFFF, s6;
	[tilespmem:$0x14838] =	vst @p1 v0  }
0x291: {  	v0 =	vld.msk @!p1 [tilespmem:s0+$0x10818], $0x1;
	_ =	sdelay $0x1  }
0x292: {  	v1 =	vld.msk @!p1 [tilespmem:$0x10818], $0x1;
	_ =	sdelay $0x2  }
0x293: {  	p2 =	seq.s32 @!p1 s0, $0x0;
	v0 =	vbroadcast @!p1 v0, $0x0  }
0x294: {  	vm0 =	vmmov @!p1 $0x1;
	p2 =	por !p2, p1  }
0x295: {  	v1 =	vnsel @!p1 vm0, $0xFFFFFFFF, v1;
	vm0 =	vcmask @!p1 $0x308;
	v0 =	vpsel !p2, $0xFFFFFFFF, v0  }
0x296: {  	p2 =	sne.s32 @!p1 s7, s8;
	v0 =	vsel @!p1 vm0, v1, v0  }
0x297: {  	s2 =	simm.s32 @!p1 $0x10838;
	s3 =	simm.s32 @!p1 $0x0;
	p3 =	por !p2, p1;
	[tilespmem:$0x14838] =	vst @!p1 v0  }
0x298: {  	[spmem:s3] =	stream.linear.scatter @!p1 [tilespmem:s2], [sflag:$0x1], $0x200, $0x38;
	[tilespmem:$0x1C8C8] =	vst v63  }
0x299: {  	s2 =	sshll.u32 @!p3 s0, $0xB  }
0x29a: {  	s2 =	sshra.s32 @!p3 s2, $0x2  }
0x29b: {  	s3 =	simm.s32 @!p3 $0x200;
	s2 =	sadd.s32 @!p3 $0x10838, s2  }
0x29c: {  	[spmem:s3] =	stream.linear.scatter @!p3 [tilespmem:s2], [sflag:$0x1], $0x200, $0x38;
	[tilespmem:$0x1C8C8] =	vst v63  }
0x29d: {  	s2 =	simm.s32 @!p3 $0x1  }
0x29e: {  	_ =	swait.ge @!p3 [sflag:s2], $0x400  }
0x29f: {  	p1 =	por p2, p1;
	[sflag:s2] =	ssyncset.done @!p3 $0x0  }
0x2a0: {  	[sflag:s2] =	ssyncadd.s32 @!p3 $0xFFFFFC00;
	s2 =	simm.s32 @!p1 $0x1  }
0x2a1: {  	_ =	swait.ge @!p1 [sflag:s2], $0x200  }
0x2a2: {  	s29 =	simm.s32 $0x14838;
	[sflag:s2] =	ssyncset.done @!p1 $0x0  }
0x2a3: {  	s30 =	simm.s32 $0x4000;
	s31 =	simm.s32 $0x1;
	[sflag:s2] =	ssyncadd.s32 @!p1 $0xFFFFFE00  }
0x2a4: {  	[spmem:s30] =	stream.linear.scatter [tilespmem:s29], [sflag:$0x1], $0x10, $0x38;
	[tilespmem:$0x1C8C8] =	vst v63  }
0x2a5: {  	_ =	swait.ge [sflag:s31], $0x10  }
0x2a6: {  	[sflag:s31] =	ssyncset.done $0x0  }
0x2a7: {  	p1 =	seq.s32 s5, $0x0;
	s10 =	rddreg [dreg:$0x2];
	[sflag:s31] =	ssyncadd.s32 $0xFFFFFFF0  }
0x2a8: {  	s3 =	sshll.u32 @p1 s10, $0xE;
	s9 =	rddreg [dreg:$0x3]  }
0x2a9: {  	s2 =	sadd.s32 @p1 $0x15C3C, s3;
	s3 =	sshll.u32 @p1 s9, $0x11  }
0x2aa: {  	_ =	sfence.stream.spmem;
	s2 =	sor.u32 @p1 s3, s2  }
0x2ab: {  	[sflag:s2] =	ssyncadd.remote.s32 @p1 $0x1;
	s2 =	simm.s32 @p1 $0x4  }
0x2ac: {  	s4 =	simm.s32 @!p1 $0x3C;
	s3 =	sand.u32 $0xFFFFFFFE, s10;
	_ =	swait.ge @p1 [sflag:s2], $0x82  }
0x2ad: {  	s7 =	simm.s32 @!p1 $0x0;
	s3 =	sadd.s32 @!p1 $0x4, s3;
	[sflag:s2] =	ssyncset.done @p1 $0x0  }
0x2ae: {  	s8 =	simm.s32 @!p1 $0x400;
	[sflag:s2] =	ssyncadd.s32 @p1 $0xFFFFFF7E;
	s2 =	sshll.u32 @!p1 s3, $0x1A  }
0x2af: {  	s3 =	sshll.u32 @!p1 s3, $0xD;
	s2 =	sor.u32 @!p1 s2, s9;
	_ =	swait.eq @!p1 [sflag:s4], $0x1  }
0x2b0: {  	s3 =	sor.u32 @!p1 $0x1C04, s3;
	s4 =	simm.s32 @!p1 $0x1C03;
	s2 =	sor.u32 @!p1 $0x80004000, s2  }
0x2b1: {  	[spmem:s8], [sflag:s3] =	dma.general @!p1 [spmem:s7], [sflag:s4], length:$0x80, [dreg:$0x0], stride_count:$0x0, ici_dest:s2, dma_misc:DstOpCode:WRITE  }
0x2b2: {  	p2 =	slt.s32 s0, $0x2;
	s7 =	simm.s32 @!p1 $0x800;
	s8 =	simm.s32 @!p1 $0x802  }
0x2b3: {  	[spmem:s8], [sflag:s3] =	dma.general @!p1 [spmem:s7], [sflag:s4], length:$0x2, [dreg:$0x0], stride_count:$0x0, ici_dest:s2, dma_misc:DstOpCode:WRITE  }
.Ltmp59:
0x2b4: {  	s2 =	simm.s32 @!p1 $0x3;
	(pc) =	sbr.rel @p2 .LBB2_85-.Ltmp59, $4  }
0x2b5: {  	s3 =	sshll.u32 @!p1 s10, $0xE;
	_ =	swait.ge @!p1 [sflag:s2], $0x82  }
0x2b6: {  	s4 =	sshll.u32 @!p1 s9, $0x11;
	s3 =	sadd.s32 @!p1 $0x11C3C, s3;
	[sflag:s2] =	ssyncset.done @!p1 $0x0  }
0x2b7: {  	[sflag:s2] =	ssyncadd.s32 @!p1 $0xFFFFFF7E;
	s2 =	sor.u32 @!p1 s4, s3  }
0x2b8: {  	s0 =	simm.s32 $0x0;
	[sflag:s2] =	ssyncadd.remote.s32 @!p1 $0xFFFFFFFF  }
0x2b9: {  	s0 =	simm.s32 $0x10819  }
0x2ba: {  	v0 =	vld.msk [tilespmem:s0+$0x0], $0x1;
	_ =	sdelay $0x4  }
0x2bb: {  	(v2sf) =	vpush v0, $0x0;
	_ =	sdelay $0xe  }
0x2bc: {  	s0 =	spop (v2sf)  }
0x2bd: {  	s2 =	sadd.s32 $0xFFFFFFFE, s6;
	s3 =	simm.s32 $0x0;
	p1 =	sgt.u32 s0, $0x61A301  }
0x2be: {  	s6 =	simm.s32 $0x10A38;
	s4 =	sshrl.u32 @!p1 s0, $0x1;
	s0 =	sshrl.u32 @!p1 s0, $0x4  }
0x2bf: {  	s8 =	sadd.s32 @!p1 s1, s0;
	s7 =	sand.u32 @!p1 $0x7, s4;
	s0 =	sadd.s32 $0xFFFFFFFF, s2  }
0x2c0: {  	[hbm4b:s8+s7] =	stream.linear.scatter @!p1 [tilespmem:s6], [sflag:$0x5], $0x80, $0x38;
	[tilespmem:$0x1C8C8] =	vst v63  }
0x2c1: {  	s3 =	simm.s32 @!p1 $0x800;
	s2 =	simm.s32 @!p1 $0x10AB8;
	p2 =	sne.s32 s0, $0x0  }
.Ltmp60:
0x2c2: {  	s3 =	sadd.s32 $0x0, s3;
	s4 =	sadd.s32 @!p1 $0x40, s8;
	(pc) =	sbr.rel @!p2 .LBB2_84-.Ltmp60, $4  }
0x2c3: {  	[hbm4b:s4+s7] =	stream.linear.scatter @!p1 [tilespmem:s2], [sflag:$0x5], $0x80, $0x38;
	[tilespmem:$0x1C8C8] =	vst v63  }
0x2c4: {  	s6 =	simm.s32 $0x10C38;
	s2 =	simm.s32 @!p1 $0x10B38;
	s4 =	sadd.s32 @!p1 $0x80, s8  }
0x2c5: {  	[hbm4b:s4+s7] =	stream.linear.scatter @!p1 [tilespmem:s2], [sflag:$0x5], $0x80, $0x38;
	[tilespmem:$0x1C8C8] =	vst v63  }
0x2c6: {  	s2 =	sadd.s32 @!p1 $0xC0, s8;
	s8 =	simm.s32 @!p1 $0x10BB8;
	s4 =	simm.s32 $0x1081A  }
.LBB2_83:
0x2c7: {  	[hbm4b:s2+s7] =	stream.linear.scatter @!p1 [tilespmem:s8], [sflag:$0x5], $0x80, $0x38;
	[tilespmem:$0x1C8C8] =	vst v63  }
0x2c8: {  	s0 =	sadd.s32 $0xFFFFFFFF, s0;
	v0 =	vld.msk [tilespmem:s4+$0x0], $0x1  }
0x2c9: {  	p2 =	sne.s32 s0, $0x0;
	_ =	sdelay $0x3  }
0x2ca: {  	(v2sf) =	vpush v0, $0x0;
	_ =	sdelay $0xe  }
0x2cb: {  	s2 =	spop (v2sf)  }
0x2cc: {  	s8 =	simm.s32 $0x0;
	p1 =	sgt.u32 s2, $0x61A301  }
0x2cd: {  	s8 =	simm.s32 @!p1 $0x800;
	s7 =	sshrl.u32 @!p1 s2, $0x1;
	s2 =	sshrl.u32 @!p1 s2, $0x4  }
0x2ce: {  	s2 =	sadd.s32 @!p1 s1, s2;
	s7 =	sand.u32 @!p1 $0x7, s7;
	s3 =	sadd.s32 s3, s8  }
0x2cf: {  	[hbm4b:s2+s7] =	stream.linear.scatter @!p1 [tilespmem:s6], [sflag:$0x5], $0x80, $0x38;
	[tilespmem:$0x1C8C8] =	vst v63  }
.Ltmp61:
0x2d0: {  	s8 =	sadd.s32 @!p1 $0x80, s6;
	s9 =	sadd.s32 @!p1 $0x40, s2;
	(pc) =	sbr.rel @p2 .LBB2_83-.Ltmp61, $4  }
0x2d1: {  	[hbm4b:s9+s7] =	stream.linear.scatter @!p1 [tilespmem:s8], [sflag:$0x5], $0x80, $0x38;
	[tilespmem:$0x1C8C8] =	vst v63  }
0x2d2: {  	s8 =	sadd.s32 @!p1 $0x100, s6;
	s9 =	sadd.s32 @!p1 $0x80, s2;
	s2 =	sadd.s32 @!p1 $0xC0, s2  }
0x2d3: {  	[hbm4b:s9+s7] =	stream.linear.scatter @!p1 [tilespmem:s8], [sflag:$0x5], $0x80, $0x38;
	[tilespmem:$0x1C8C8] =	vst v63  }
0x2d4: {  	s4 =	sadd.s32 $0x1, s4;
	s8 =	sadd.s32 @!p1 $0x180, s6;
	s6 =	sadd.s32 $0x200, s6  }
.LBB2_84:
0x2d5: {  	[hbm4b:s2+s7] =	stream.linear.scatter @!p1 [tilespmem:s8], [sflag:$0x5], $0x80, $0x38;
	[tilespmem:$0x1C8C8] =	vst v63  }
0x2d6: {  	s0 =	sshrl.u32 s3, $0x2  }
.LBB2_85:
0x2d7: {  	s2 =	simm.s32 $0x5  }
0x2d8: {  	_ =	swait.ge [sflag:s2], s0  }
0x2d9: {  	s31 =	ssub.s32 $0x0, s0;
	[sflag:s2] =	ssyncset.done $0x0  }
0x2da: {  	[sflag:s2] =	ssyncadd.s32 s31  }
0x2db: {  	[sflag:s2] =	ssyncpa.u1 $0x1  }
.LBB2_86:
0x2dc: {  	s0 =	sor.u32 s5, s18  }
0x2dd: {  	p1 =	sne.s32 s0, $0x0  }
.Ltmp62:
0x2de: {  	_ = 	snop;
	(pc) =	sbr.rel @p1 .LBB2_108-.Ltmp62, $3  }
0x2df: {  	_ =	sdelay $0x1  }
0x2e0: {  	[bflag:$0x0] =	sbarrier.arrive $0xFFFF  }
0x2e1: {  	_ =	sfence  }
0x2e2: {  	s0 =	simm.s32 $0x7  }
0x2e3: {  	s2 =	simm.s32 $0x4000;
	s3 =	simm.s32 $0x10818;
	[sflag:s0] =	ssyncpa.u1 $0x0  }
0x2e4: {  	[tilespmem:s3], [sflag:$0x7] =	stream.linear.gather [spmem:s2], $0x20, $0x38;
	[tilespmem:$0x1C8C8] =	vst v63  }
0x2e5: {  	s2 =	simm.s32 $0x0;
	s3 =	simm.s32 $0x10838  }
0x2e6: {  	[tilespmem:s3], [sflag:$0x7] =	stream.linear.gather [spmem:s2], $0x4000, $0x38;
	[tilespmem:$0x1C8C8] =	vst v63  }
.Ltmp63:
0x2e7: {  	_ = 	snop;
	(pc) =	sbr.rel .LBB2_88-.Ltmp63, $4  }
0x2e8: {  	_ =	swait.ge [sflag:s0], $0x4020  }
0x2e9: {  	s4 =	simm.s32 $0x8;
	[sflag:s0] =	ssyncset.done $0x0  }
0x2ea: {  	s5 =	simm.s32 $0x10688;
	s6 =	simm.s32 $0x10708;
	[sflag:s0] =	ssyncadd.s32 $0xFFFFBFE0  }
0x2eb: {  	s7 =	simm.s32 $0x10788;
	s8 =	simm.s32 $0x0;
	[sflag:s4] =	ssyncpa.u1 $0x0  }
.LBB2_102:
0x2ec: {  	s8 =	sadd.s32 $0x1, s8  }
0x2ed: {  	p1 =	sne.s32 s8, $0x20  }
.Ltmp64:
0x2ee: {  	_ = 	snop;
	(pc) =	sbr.rel @!p1 .LBB2_103-.Ltmp64, $2  }
0x2ef: {  	_ =	sdelay $0x2  }
0x2f0: {  	s3 =	sadd.s32 $0x200, s3  }
.LBB2_88:
0x2f1: {  	v0 =	vld.msk [tilespmem:s8+$0x10818], $0x1;
	_ =	sdelay $0x4  }
0x2f2: {  	(v2sf) =	vpush v0, $0x0;
	_ =	sdelay $0xe  }
0x2f3: {  	s0 =	spop (v2sf)  }
0x2f4: {  	p1 =	seq.s32 s0, $0xFFFFFFFF  }
.Ltmp65:
0x2f5: {  	_ = 	snop;
	(pc) =	sbr.rel @p1 .LBB2_102-.Ltmp65, $1  }
0x2f6: {  	_ =	sdelay $0x3  }
0x2f7: {  	p1 =	slt.s32 s2, $0x1  }
.Ltmp66:
0x2f8: {  	_ = 	snop;
	(pc) =	sbr.rel @p1 .LBB2_95-.Ltmp66, $1  }
0x2f9: {  	_ =	sdelay $0x3  }
0x2fa: {  	s9 =	simm.s32 $0x10818;
	p1 =	por $0x0, $0x0  }
0x2fb: {  	v1 =	vld.msk @!p1 [tilespmem:s9+$0x0], $0x1;
	_ =	sdelay $0x4  }
0x2fc: {  	(v2sf) =	vpush @!p1 v1, $0x0;
	_ =	sdelay $0xe  }
0x2fd: {  	p3 =	sne.s32 s2, $0x1;
	s10 =	spop @!p1 (v2sf)  }
.Ltmp67:
0x2fe: {  	s10 =	sxor.u32 @!p1 s0, s10;
	(pc) =	sbr.rel @!p3 .LBB2_92-.Ltmp67, $4  }
0x2ff: {  	p2 =	slt.u32 @!p1 s10, $0x2  }
0x300: {  	s10 =	simm.s32 $0x0;
	p2 =	por !p2, p1  }
0x301: {  	s12 =	simm.s32 $0xFFFFFFFF;
	s10 =	simm.s32 @p2 $0xFFFFFFFF  }
0x302: {  	s11 =	simm.s32 $0x1;
	s10 =	smov.u32 @p1 s12  }
.LBB2_91:
0x303: {  	s12 =	smov.u32 s10;
	p1 =	sne.s32 s10, $0xFFFFFFFF  }
0x304: {  	s9 =	sadd.s32 $0x1, s9;
	s10 =	smov.u32 s11;
	s11 =	sadd.s32 $0x1, s11  }
0x305: {  	p2 =	sne.s32 s2, s11;
	v1 =	vld.msk @!p1 [tilespmem:s9+$0x0], $0x1;
	_ =	sdelay $0x4  }
0x306: {  	(v2sf) =	vpush @!p1 v1, $0x0;
	_ =	sdelay $0xe  }
0x307: {  	s13 =	spop @!p1 (v2sf)  }
.Ltmp68:
0x308: {  	s13 =	sxor.u32 @!p1 s0, s13;
	(pc) =	sbr.rel @p2 .LBB2_91-.Ltmp68, $4  }
0x309: {  	p3 =	slt.u32 @!p1 s13, $0x2  }
0x30a: {  	p3 =	por !p3, p1  }
0x30b: {  	s10 =	simm.s32 @p3 $0xFFFFFFFF  }
0x30c: {  	s10 =	smov.u32 @p1 s12  }
.LBB2_92:
0x30d: {  	p1 =	seq.s32 s10, $0xFFFFFFFF  }
.Ltmp69:
0x30e: {  	_ = 	snop;
	(pc) =	sbr.rel @p1 .LBB2_95-.Ltmp69, $1  }
0x30f: {  	_ =	sdelay $0x3  }
0x310: {  	s0 =	sshll.u32 s10, $0xB  }
0x311: {  	s0 =	sshra.s32 s0, $0x2  }
0x312: {  	v0 =	vld [tilespmem:s3+$0x0];
	s0 =	sadd.s32 $0x10838, s0  }
0x313: {  	v1 =	vld [tilespmem:s0+$0x0];
	_ =	sdelay $0x3  }
0x314: {  	v2 =	vunpack.i.u.bf16.f32 v0  }
0x315: {  	v0 =	vunpack.i.l.bf16.f32 v0;
	v3 =	vunpack.i.u.bf16.f32 v1;
	v1 =	vunpack.i.l.bf16.f32 v1  }
0x316: {  	v2 =	vmax.f32 v2, v3;
	v0 =	vmax.f32 v0, v1  }
0x317: {  	v0 =	vpack.i.f32.bf16 v2, v0  }
0x318: {  	s9 =	simm.s32 $0x0;
	s10 =	sadd.s32 $0x10, s3;
	[tilespmem:s0+$0x0] =	vst v0  }
.LBB2_94:
0x319: {  	v0 =	vld [tilespmem:s10+$0x0];
	s0 =	sadd.s32 $0x10, s0  }
0x31a: {  	s9 =	sadd.s32 $0x10, s9;
	v1 =	vld [tilespmem:s0+$0x0]  }
0x31b: {  	p1 =	slt.u32 s9, $0x1F0;
	_ =	sdelay $0x2  }
.Ltmp70:
0x31c: {  	v2 =	vunpack.i.u.bf16.f32 v0;
	(pc) =	sbr.rel @p1 .LBB2_94-.Ltmp70, $4  }
0x31d: {  	v0 =	vunpack.i.l.bf16.f32 v0;
	v3 =	vunpack.i.u.bf16.f32 v1;
	v1 =	vunpack.i.l.bf16.f32 v1  }
0x31e: {  	v2 =	vmax.f32 v2, v3;
	v0 =	vmax.f32 v0, v1  }
0x31f: {  	v0 =	vpack.i.f32.bf16 v2, v0  }
0x320: {  	s10 =	sadd.s32 $0x10, s10;
	[tilespmem:s0+$0x0] =	vst v0  }
.Ltmp71:
0x321: {  	_ = 	snop;
	(pc) =	sbr.rel .LBB2_102-.Ltmp71, $1  }
0x322: {  	_ =	sdelay $0x3  }
.LBB2_95:
0x323: {  	p1 =	sgt.u32 s0, $0x61A301  }
.Ltmp72:
0x324: {  	_ = 	snop;
	(pc) =	sbr.rel @p1 .LBB2_99-.Ltmp72, $1  }
0x325: {  	_ =	sdelay $0x3  }
0x326: {  	s9 =	sshrl.u32 s0, $0x1;
	s30 =	sshrl.u32 s0, $0x4  }
0x327: {  	s10 =	simm.s32 $0x10608;
	s0 =	sadd.s32 s1, s30;
	s9 =	sand.u32 $0x7, s9  }
0x328: {  	[tilespmem:s10], [sflag:$0x8] =	stream.linear.gather [hbm4b:s0+s9], $0x80, $0x38;
	[tilespmem:$0x1C8C8] =	vst v63  }
0x329: {  	s11 =	sadd.s32 $0x40, s0  }
0x32a: {  	[tilespmem:s5], [sflag:$0x8] =	stream.linear.gather [hbm4b:s11+s9], $0x80, $0x38;
	[tilespmem:$0x1C8C8] =	vst v63  }
0x32b: {  	s31 =	sadd.s32 $0x80, s0  }
0x32c: {  	[tilespmem:s6], [sflag:$0x8] =	stream.linear.gather [hbm4b:s31+s9], $0x80, $0x38;
	[tilespmem:$0x1C8C8] =	vst v63  }
0x32d: {  	s0 =	sadd.s32 $0xC0, s0  }
0x32e: {  	[tilespmem:s7], [sflag:$0x8] =	stream.linear.gather [hbm4b:s0+s9], $0x80, $0x38;
	[tilespmem:$0x1C8C8] =	vst v63  }
0x32f: {  	_ =	swait.ge [sflag:s4], $0x200  }
0x330: {  	[sflag:s4] =	ssyncset.done $0x0  }
0x331: {  	[sflag:s4] =	ssyncadd.s32 $0xFFFFFE00  }
0x332: {  	v1 =	vld [tilespmem:s10+$0x0]  }
0x333: {  	v2 =	vld [tilespmem:s3+$0x0];
	_ =	sdelay $0x3  }
0x334: {  	v3 =	vunpack.i.u.bf16.f32 v1  }
0x335: {  	v1 =	vunpack.i.l.bf16.f32 v1;
	v4 =	vunpack.i.u.bf16.f32 v2;
	v2 =	vunpack.i.l.bf16.f32 v2  }
0x336: {  	v3 =	vmax.f32 v3, v4;
	v1 =	vmax.f32 v1, v2  }
0x337: {  	s0 =	simm.s32 $0x0;
	s9 =	smov.u32 s3;
	s10 =	simm.s32 $0x10618;
	v1 =	vpack.i.f32.bf16 v3, v1  }
.LBB2_97:
0x338: {  	v2 =	vld [tilespmem:s10+$0x0];
	[tilespmem:s9+$0x0] =	vst v1;
	s9 =	sadd.s32 $0x10, s9  }
0x339: {  	s0 =	sadd.s32 $0x10, s0;
	v1 =	vld [tilespmem:s9+$0x0]  }
0x33a: {  	p1 =	slt.u32 s0, $0x1F0;
	_ =	sdelay $0x1  }
.Ltmp73:
0x33b: {  	(pc) =	sbr.rel @p1 .LBB2_97-.Ltmp73, $4  }
0x33c: {  	v3 =	vunpack.i.u.bf16.f32 v2  }
0x33d: {  	v2 =	vunpack.i.l.bf16.f32 v2;
	v4 =	vunpack.i.u.bf16.f32 v1;
	v1 =	vunpack.i.l.bf16.f32 v1  }
0x33e: {  	v3 =	vmax.f32 v3, v4;
	v1 =	vmax.f32 v2, v1  }
0x33f: {  	s10 =	sadd.s32 $0x10, s10;
	v1 =	vpack.i.f32.bf16 v3, v1  }
0x340: {  	[tilespmem:s9+$0x0] =	vst v1  }
.LBB2_99:
0x341: {  	s0 =	sshll.u32 s2, $0xB  }
0x342: {  	[tilespmem:s2+$0x10818] =	vst.msk $0x1, v0;
	s0 =	sshra.s32 s0, $0x2  }
0x343: {  	s9 =	simm.s32 $0x0;
	s10 =	smov.u32 s3;
	v0 =	vld [tilespmem:s3+$0x0];
	s0 =	sadd.s32 $0x10838, s0  }
.LBB2_100:
0x344: {  	s9 =	sadd.s32 $0x10, s9  }
0x345: {  	p1 =	slt.u32 s9, $0x1F0  }
.Ltmp74:
0x346: {  	_ = 	snop;
	(pc) =	sbr.rel @p1 .LBB2_100-.Ltmp74, $3  }
0x347: {  	_ =	sdelay $0x1  }
0x348: {  	s10 =	sadd.s32 $0x10, s10;
	[tilespmem:s0+$0x0] =	vst v0;
	s0 =	sadd.s32 $0x10, s0  }
0x349: {  	v0 =	vld [tilespmem:s10+$0x0]  }
.Ltmp75:
0x34a: {  	_ = 	snop;
	(pc) =	sbr.rel .LBB2_102-.Ltmp75, $2  }
0x34b: {  	_ =	sdelay $0x2  }
0x34c: {  	s2 =	sadd.s32 $0x1, s2;
	[tilespmem:s0+$0x0] =	vst v0  }
.LBB2_103:
0x34d: {  	p1 =	slt.s32 s2, $0x1  }
.Ltmp76:
0x34e: {  	_ = 	snop;
	(pc) =	sbr.rel @p1 .LBB2_107-.Ltmp76, $3  }
0x34f: {  	_ =	sdelay $0x1  }
0x350: {  	s0 =	simm.s32 $0x8  }
0x351: {  	s3 =	simm.s32 $0x0;
	[sflag:s0] =	ssyncpa.u1 $0x1  }
0x352: {  	s0 =	simm.s32 $0x10818  }
0x353: {  	v0 =	vld.msk [tilespmem:s0+$0x0], $0x1;
	_ =	sdelay $0x4  }
0x354: {  	(v2sf) =	vpush v0, $0x0;
	_ =	sdelay $0xe  }
0x355: {  	s0 =	spop (v2sf)  }
0x356: {  	p1 =	sgt.u32 s0, $0x61A301  }
0x357: {  	s6 =	simm.s32 $0x10838;
	s4 =	sshrl.u32 @!p1 s0, $0x1;
	s0 =	sshrl.u32 @!p1 s0, $0x4  }
0x358: {  	s7 =	sadd.s32 @!p1 s1, s0;
	s5 =	sand.u32 @!p1 $0x7, s4;
	s0 =	sadd.s32 $0xFFFFFFFF, s2  }
0x359: {  	[hbm4b:s7+s5] =	stream.linear.scatter @!p1 [tilespmem:s6], [sflag:$0x7], $0x80, $0x38;
	[tilespmem:$0x1C8C8] =	vst v63  }
0x35a: {  	s3 =	simm.s32 @!p1 $0x800;
	s2 =	simm.s32 @!p1 $0x108B8;
	p2 =	sne.s32 s0, $0x0  }
.Ltmp77:
0x35b: {  	s4 =	sadd.s32 @!p1 $0x40, s7;
	s6 =	sadd.s32 @!p1 $0xC0, s7;
	(pc) =	sbr.rel @!p2 .LBB2_106-.Ltmp77, $4  }
0x35c: {  	[hbm4b:s4+s5] =	stream.linear.scatter @!p1 [tilespmem:s2], [sflag:$0x7], $0x80, $0x38;
	[tilespmem:$0x1C8C8] =	vst v63  }
0x35d: {  	s2 =	simm.s32 @!p1 $0x10938;
	s4 =	sadd.s32 @!p1 $0x80, s7;
	s7 =	simm.s32 @!p1 $0x109B8  }
0x35e: {  	[hbm4b:s4+s5] =	stream.linear.scatter @!p1 [tilespmem:s2], [sflag:$0x7], $0x80, $0x38;
	[tilespmem:$0x1C8C8] =	vst v63  }
0x35f: {  	s2 =	sadd.s32 $0x0, s3;
	s3 =	simm.s32 $0x10819;
	s4 =	simm.s32 $0x10A38  }
.LBB2_105:
0x360: {  	[hbm4b:s6+s5] =	stream.linear.scatter @!p1 [tilespmem:s7], [sflag:$0x7], $0x80, $0x38;
	[tilespmem:$0x1C8C8] =	vst v63  }
0x361: {  	s0 =	sadd.s32 $0xFFFFFFFF, s0;
	v0 =	vld.msk [tilespmem:s3+$0x0], $0x1  }
0x362: {  	p2 =	sne.s32 s0, $0x0;
	_ =	sdelay $0x3  }
0x363: {  	(v2sf) =	vpush v0, $0x0;
	_ =	sdelay $0xe  }
0x364: {  	s5 =	spop (v2sf)  }
0x365: {  	s6 =	simm.s32 $0x0;
	p1 =	sgt.u32 s5, $0x61A301  }
0x366: {  	s6 =	simm.s32 @!p1 $0x800;
	s7 =	sshrl.u32 @!p1 s5, $0x1;
	s5 =	sshrl.u32 @!p1 s5, $0x4  }
0x367: {  	s8 =	sadd.s32 @!p1 s1, s5;
	s5 =	sand.u32 @!p1 $0x7, s7;
	s2 =	sadd.s32 s2, s6  }
0x368: {  	[hbm4b:s8+s5] =	stream.linear.scatter @!p1 [tilespmem:s4], [sflag:$0x7], $0x80, $0x38;
	[tilespmem:$0x1C8C8] =	vst v63  }
.Ltmp78:
0x369: {  	s6 =	sadd.s32 @!p1 $0x80, s4;
	s7 =	sadd.s32 @!p1 $0x40, s8;
	(pc) =	sbr.rel @p2 .LBB2_105-.Ltmp78, $4  }
0x36a: {  	[hbm4b:s7+s5] =	stream.linear.scatter @!p1 [tilespmem:s6], [sflag:$0x7], $0x80, $0x38;
	[tilespmem:$0x1C8C8] =	vst v63  }
0x36b: {  	s9 =	sadd.s32 @!p1 $0x80, s8;
	s7 =	sadd.s32 @!p1 $0x100, s4;
	s6 =	sadd.s32 @!p1 $0xC0, s8  }
0x36c: {  	[hbm4b:s9+s5] =	stream.linear.scatter @!p1 [tilespmem:s7], [sflag:$0x7], $0x80, $0x38;
	[tilespmem:$0x1C8C8] =	vst v63  }
0x36d: {  	s3 =	sadd.s32 $0x1, s3;
	s7 =	sadd.s32 @!p1 $0x180, s4;
	s4 =	sadd.s32 $0x200, s4  }
.LBB2_106:
0x36e: {  	[hbm4b:s6+s5] =	stream.linear.scatter @!p1 [tilespmem:s7], [sflag:$0x7], $0x80, $0x38;
	[tilespmem:$0x1C8C8] =	vst v63  }
0x36f: {  	s3 =	sshrl.u32 s2, $0x2  }
.LBB2_107:
0x370: {  	s0 =	simm.s32 $0x7  }
0x371: {  	_ =	swait.ge [sflag:s0], s3  }
0x372: {  	s1 =	ssub.s32 $0x0, s3;
	[sflag:s0] =	ssyncset.done $0x0  }
0x373: {  	[sflag:s0] =	ssyncadd.s32 s1  }
0x374: {  	[sflag:s0] =	ssyncpa.u1 $0x1  }
.LBB2_108:
0x375: {  	_ =	sfence;
	s0 =	simm.s32 $0x1  }
0x376: {  	[sflag:s0] =	ssyncpa.u1 $0x1  }
0x377: {  	_ =	strace $0x9000004A  }
0x378: {  	[bflag:$0x2] =	sbarrier.arrive $0xFFFF  }
0x379: {  	s0 =	rddreg [dreg:$0x4]  }
0x37a: {  	s0 =	sadd.s32 @!p0 $0x100000, s0  }
0x37b: {  	[sflag:s0] =	ssyncadd.tile.s32 @!p0 $0x1;
	_ =	shalt  }
.Lfunc_end2:
_tile_overlayer_lowered:
.L_overlay_start_2:
0x37c: {  	(tag) =	ssettag $0x2  }
0x37d: {  	s0 =	rddreg [dreg:$0x0];
	s2 =	stileid.u32  }
0x37e: {  	s1 =	rddreg [dreg:$0x1];
	p0 =	sne.s32 s2, $0x0  }
0x37f: {  	s3 =	rddreg [dreg:$0x2];
	[bflag:$0x3] =	sbarrier.arrive $0xFFFF;
	s2 =	simm.s32 @!p0 $0x1C01  }
0x380: {  	[timem:s3], [sflag:s2] =	dma.local @!p0 [hbm:s0], s1  }
0x381: {  	s0 =	simm.s32 @!p0 $0x1  }
0x382: {  	_ =	swait.ge @!p0 [sflag:s0], s1  }
0x383: {  	s1 =	ssub.s32 @!p0 $0x0, s1;
	[sflag:s0] =	ssyncset.done @!p0 $0x0  }
0x384: {  	[sflag:s0] =	ssyncadd.s32 @!p0 s1  }
0x385: {  	[bflag:$0x3] =	sbarrier.arrive $0xFFFF  }
0x386: {  	_ =	shalt  }

</sc_bundles>
